<compile_context>
chip_gen: v7x
topology: tpu7x:2x2x1
jax: 0.10.2.dev20260603
libtpu: 0.0.44.dev20260713+nightly
codegen_flags: <defaults>
</compile_context>

<pallas_src>
import jax
import jax.numpy as jnp
from jax import lax
from jax.experimental import pallas as pl
from jax.experimental.pallas import tpu as pltpu
from jax.experimental.pallas import tpu_sc as plsc

_N = 10000
_DH = 128
_NC = 2
_NS = 16
_NW = _NC * _NS
_CHUNK = 48
_CHUNKS = 216
_KBUF = 6
_GROUPS = _CHUNKS // _KBUF
_PW = _CHUNK * _CHUNKS
_E_PAD = _PW * _NW
_N_ACC = 10112
_RPS = _N_ACC // _NS
_BM = 2000


def _make_seg_sum(d, with_cnt):
  mesh = plsc.VectorSubcoreMesh(core_axis_name="c", subcore_axis_name="s")
  out_type = (jax.ShapeDtypeStruct((_NC, _N_ACC, d), jnp.float32),)
  if with_cnt:
    out_type += (jax.ShapeDtypeStruct((_NC * _N_ACC,), jnp.float32),)
  scratch = (
      [pltpu.VMEM((_PW,), jnp.int32)]
      + [pltpu.VMEM((_CHUNK,), jnp.int32) for _ in range(_KBUF)]
      + [pltpu.VMEM((_CHUNK, d), jnp.float32) for _ in range(_KBUF)]
      + [
          pltpu.VMEM((_CHUNK,), jnp.float32),
          pltpu.VMEM((_RPS,), jnp.float32),
          pltpu.VMEM_SHARED((_N_ACC, d), jnp.float32),
          pltpu.VMEM_SHARED((_N_ACC,), jnp.float32),
      ]
      + [pltpu.SemaphoreType.DMA for _ in range(4 * _KBUF)]
  )

  def body(p_hbm, src_hbm, dst_hbm, z2_hbm, z1_hbm, *refs):
    if with_cnt:
      part_out, cnt_out = refs[0], refs[1]
      rest = refs[2:]
    else:
      part_out = refs[0]
      cnt_out = None
      rest = refs[1:]
    src_all = rest[0]
    dst_v = rest[1:1 + _KBUF]
    rows_v = rest[1 + _KBUF:1 + 2 * _KBUF]
    ones_v, stage_v, acc, cnta = rest[1 + 2 * _KBUF:1 + 2 * _KBUF + 4]
    sems = rest[1 + 2 * _KBUF + 4:]
    sem_g = sems[:_KBUF]
    sem_i = sems[_KBUF:2 * _KBUF]
    sem_s = sems[2 * _KBUF:3 * _KBUF]
    sem_o = sems[3 * _KBUF:4 * _KBUF]
    c = lax.axis_index("c")
    s = lax.axis_index("s")
    w = s * _NC + c
    wb = w * _PW
    pltpu.sync_copy(src_hbm.at[pl.ds(wb, _PW)], src_all)
    def issue_fetch(cidx, i):
      pltpu.async_copy(dst_hbm.at[pl.ds(wb + cidx * _CHUNK, _CHUNK)],
                       dst_v[i], sem_i[i])
      pltpu.async_copy(p_hbm.at[src_all.at[pl.ds(cidx * _CHUNK, _CHUNK)]],
                       rows_v[i], sem_g[i])

    def wait_fetch(cidx, i):
      pltpu.make_async_copy(dst_hbm.at[pl.ds(wb + cidx * _CHUNK, _CHUNK)],
                            dst_v[i], sem_i[i]).wait()
      pltpu.make_async_copy(
          p_hbm.at[src_all.at[pl.ds(cidx * _CHUNK, _CHUNK)]],
          rows_v[i], sem_g[i]).wait()

    def issue_scatter(i):
      pltpu.async_copy(rows_v[i], acc.at[dst_v[i]], sem_s[i], add=True)
      if with_cnt:
        pltpu.async_copy(ones_v, cnta.at[dst_v[i]], sem_o[i], add=True)

    def wait_scatter(i):
      pltpu.make_async_copy(rows_v[i], acc.at[dst_v[i]], sem_s[i]).wait()
      if with_cnt:
        pltpu.make_async_copy(ones_v, cnta.at[dst_v[i]], sem_o[i]).wait()

    for i in range(_KBUF):
      issue_fetch(i, i)
    pltpu.sync_copy(z2_hbm.at[pl.ds(s * _RPS, _RPS)],
                    acc.at[pl.ds(s * _RPS, _RPS)])
    if with_cnt:
      pltpu.sync_copy(z1_hbm.at[pl.ds(s * _RPS, _RPS)], stage_v)
      pltpu.sync_copy(stage_v, cnta.at[pl.ds(s * _RPS, _RPS)])
      for i in range(_CHUNK // 16):
        ones_v[pl.ds(i * 16, 16)] = jnp.full((16,), 1.0, jnp.float32)
    plsc.subcore_barrier()

    def grp(g, carry):
      j = g * _KBUF
      for i in range(_KBUF):
        wait_fetch(j + i, i)
        issue_scatter(i)

      @pl.when(g < _GROUPS - 1)
      def _prefetch():
        for i in range(_KBUF):
          wait_scatter(i)
          issue_fetch(j + _KBUF + i, i)

      return carry

    lax.fori_loop(0, _GROUPS, grp, 0)
    for i in range(_KBUF):
      wait_scatter(i)
    plsc.subcore_barrier()
    pltpu.sync_copy(acc.at[pl.ds(s * _RPS, _RPS)],
                    part_out.at[c, pl.ds(s * _RPS, _RPS)])
    if with_cnt:
      pltpu.sync_copy(cnta.at[pl.ds(s * _RPS, _RPS)], stage_v)
      pltpu.sync_copy(stage_v,
                      cnt_out.at[pl.ds(c * _N_ACC + s * _RPS, _RPS)])

  return pl.kernel(body, out_type=out_type, scratch_types=scratch, mesh=mesh)


_C3 = 32
_CH3 = _PW // _C3
_K3 = 4
_RPS2 = 2 * _N_ACC // _NS


def _make_seg_sum2():
  mesh = plsc.VectorSubcoreMesh(core_axis_name="c", subcore_axis_name="s")
  out_type = jax.ShapeDtypeStruct((_NC * 2 * _N_ACC,), jnp.float32)
  scratch = (
      [
          pltpu.VMEM((2 * _N,), jnp.float32),
          pltpu.VMEM((_PW,), jnp.int32),
          pltpu.VMEM((_PW,), jnp.int32),
          pltpu.VMEM((_RPS2,), jnp.float32),
      ]
      + [pltpu.VMEM((2 * _C3,), jnp.float32) for _ in range(_K3)]
      + [pltpu.VMEM((2 * _C3,), jnp.int32) for _ in range(_K3)]
      + [pltpu.VMEM_SHARED((2 * _N_ACC,), jnp.float32)]
      + [pltpu.SemaphoreType.DMA for _ in range(_K3 + 3)]
  )

  def body(p_hbm, src_hbm, dst_hbm, out_ref, *refs):
    p_loc, src_all, dst_all, stage_v = refs[:4]
    vals_v = refs[4:4 + _K3]
    eidx_v = refs[4 + _K3:4 + 2 * _K3]
    acc = refs[4 + 2 * _K3]
    sem_s = refs[4 + 2 * _K3 + 1:4 + 3 * _K3 + 1]
    sem_in = refs[4 + 3 * _K3 + 1:]
    c = lax.axis_index("c")
    s = lax.axis_index("s")
    w = s * _NC + c
    wb = w * _PW
    pltpu.async_copy(p_hbm, p_loc, sem_in[0])
    pltpu.async_copy(src_hbm.at[pl.ds(wb, _PW)], src_all, sem_in[1])
    pltpu.async_copy(dst_hbm.at[pl.ds(wb, _PW)], dst_all, sem_in[2])
    for i in range(_RPS2 // 16):
      stage_v[pl.ds(i * 16, 16)] = jnp.zeros((16,), jnp.float32)
    pltpu.sync_copy(stage_v, acc.at[pl.ds(s * _RPS2, _RPS2)])
    pltpu.make_async_copy(p_hbm, p_loc, sem_in[0]).wait()
    pltpu.make_async_copy(src_hbm.at[pl.ds(wb, _PW)], src_all,
                          sem_in[1]).wait()
    pltpu.make_async_copy(dst_hbm.at[pl.ds(wb, _PW)], dst_all,
                          sem_in[2]).wait()
    plsc.subcore_barrier()

    iot = lax.iota(jnp.int32, 16)
    half = lax.shift_right_logical(iot, 1)
    par = lax.bitwise_and(iot, 1)

    def fill(cidx, b):
      for k in range(_C3 // 8):
        off = cidx * _C3 + k * 8
        pos = off + half
        s16 = plsc.load_gather(src_all, [pos])
        vals = plsc.load_gather(p_loc, [s16 * 2 + par])
        vals_v[b][pl.ds(k * 16, 16)] = vals
        d16 = plsc.load_gather(dst_all, [pos])
        eidx_v[b][pl.ds(k * 16, 16)] = d16 * 2 + par

    def grp(g, carry):
      for i in range(_K3):
        j = g * _K3 + i

        @pl.when(g > 0)
        def _wait():
          pltpu.make_async_copy(vals_v[i], acc.at[eidx_v[i]],
                                sem_s[i]).wait()

        fill(j, i)
        pltpu.async_copy(vals_v[i], acc.at[eidx_v[i]], sem_s[i], add=True)
      return carry

    lax.fori_loop(0, _CH3 // _K3, grp, 0)
    for i in range(_K3):
      pltpu.make_async_copy(vals_v[i], acc.at[eidx_v[i]], sem_s[i]).wait()
    plsc.subcore_barrier()
    pltpu.sync_copy(acc.at[pl.ds(s * _RPS2, _RPS2)], stage_v)
    pltpu.sync_copy(stage_v,
                    out_ref.at[pl.ds(c * 2 * _N_ACC + s * _RPS2, _RPS2)])

  return pl.kernel(
      body, out_type=out_type, scratch_types=scratch, mesh=mesh,
      compiler_params=pltpu.CompilerParams(needs_layout_passes=False))


def _mm_body(x_ref, w_ref, o_ref):
  o_ref[...] = jnp.dot(x_ref[...], w_ref[...],
                       preferred_element_type=jnp.float32)


def _matmul(x, W):
  n, k = x.shape
  m = W.shape[1]
  return pl.pallas_call(
      _mm_body,
      grid=(n // _BM,),
      in_specs=[pl.BlockSpec((_BM, k), lambda i: (i, 0)),
                pl.BlockSpec((k, m), lambda i: (0, 0))],
      out_specs=pl.BlockSpec((_BM, m), lambda i: (i, 0)),
      out_shape=jax.ShapeDtypeStruct((n, m), jnp.float32),
  )(x, W)


def _stage_body(h_ref, parts_ref, cnt_ref, wr_ref, b_ref, g_ref, be_ref,
                wn_ref, h_out, p_out):
  cnt = cnt_ref[:, 0:1] + cnt_ref[:, 1:2]
  inv = 1.0 / jnp.maximum(cnt, 1.0)
  m = (parts_ref[0] + parts_ref[1]) * inv
  z = m + jnp.dot(h_ref[...], wr_ref[...],
                  preferred_element_type=jnp.float32) + b_ref[...]
  mu = jnp.mean(z, axis=-1, keepdims=True)
  var = jnp.mean((z - mu) ** 2, axis=-1, keepdims=True)
  y = (z - mu) * lax.rsqrt(var + 1e-5) * g_ref[...] + be_ref[...]
  h = jnp.maximum(y, 0.0)
  h_out[...] = h
  p_out[...] = jnp.dot(h, wn_ref[...], preferred_element_type=jnp.float32)


def _stage(h, parts, cntT, Wr, b, g, be, Wn):
  dn = Wn.shape[1]
  return pl.pallas_call(
      _stage_body,
      grid=(_N // _BM,),
      in_specs=[
          pl.BlockSpec((_BM, _DH), lambda i: (i, 0)),
          pl.BlockSpec((_NC, _BM, _DH), lambda i: (0, i, 0)),
          pl.BlockSpec((_BM, _NC), lambda i: (i, 0)),
          pl.BlockSpec((_DH, _DH), lambda i: (0, 0)),
          pl.BlockSpec((1, _DH), lambda i: (0, 0)),
          pl.BlockSpec((1, _DH), lambda i: (0, 0)),
          pl.BlockSpec((1, _DH), lambda i: (0, 0)),
          pl.BlockSpec((_DH, dn), lambda i: (0, 0)),
      ],
      out_specs=[pl.BlockSpec((_BM, _DH), lambda i: (i, 0)),
                 pl.BlockSpec((_BM, dn), lambda i: (i, 0))],
      out_shape=[jax.ShapeDtypeStruct((_N, _DH), jnp.float32),
                 jax.ShapeDtypeStruct((_N, dn), jnp.float32)],
  )(h, parts, cntT, Wr, b, g, be, Wn)


def _final_body(h_ref, parts_ref, cnt_ref, wr_ref, b_ref, o_ref):
  cnt = cnt_ref[:, 0:1] + cnt_ref[:, 1:2]
  inv = 1.0 / jnp.maximum(cnt, 1.0)
  m = (parts_ref[0] + parts_ref[1]) * inv
  o_ref[...] = m + jnp.dot(h_ref[...], wr_ref[...],
                           preferred_element_type=jnp.float32) + b_ref[...]


def _final(h, parts, cntT, Wr, b):
  dn = Wr.shape[1]
  return pl.pallas_call(
      _final_body,
      grid=(_N // _BM,),
      in_specs=[
          pl.BlockSpec((_BM, _DH), lambda i: (i, 0)),
          pl.BlockSpec((_NC, _BM, dn), lambda i: (0, i, 0)),
          pl.BlockSpec((_BM, _NC), lambda i: (i, 0)),
          pl.BlockSpec((_DH, dn), lambda i: (0, 0)),
          pl.BlockSpec((1, dn), lambda i: (0, 0)),
      ],
      out_specs=pl.BlockSpec((_BM, dn), lambda i: (i, 0)),
      out_shape=jax.ShapeDtypeStruct((_N, dn), jnp.float32),
  )(h, parts, cntT, Wr, b)


def kernel(x, edge_index, Wl1, Wr1, b1, g1, be1, Wl2, Wr2, b2, g2, be2,
           Wl3, Wr3, b3):
  src = edge_index[0]
  dst = edge_index[1]
  pad = _E_PAD - src.shape[0]
  ar = jnp.arange(pad, dtype=jnp.int32)
  src_p = jnp.concatenate([src, ar % _N])
  dst_p = jnp.concatenate([dst, _N + (ar % 16)])
  z2 = jnp.zeros((_N_ACC, _DH), jnp.float32)
  z1 = jnp.zeros((_N_ACC,), jnp.float32)

  seg_cnt = _make_seg_sum(_DH, True)
  seg128 = _make_seg_sum(_DH, False)

  b1r, g1r, be1r = b1.reshape(1, -1), g1.reshape(1, -1), be1.reshape(1, -1)
  b2r, g2r, be2r = b2.reshape(1, -1), g2.reshape(1, -1), be2.reshape(1, -1)
  b3r = b3.reshape(1, -1)

  p1 = _matmul(x, Wl1)
  parts1, cnt = seg_cnt(p1, src_p, dst_p, z2, z1)
  cntT = jnp.transpose(cnt.reshape(_NC, _N_ACC))
  h1, p2 = _stage(x, parts1, cntT, Wr1, b1r, g1r, be1r, Wl2)
  (parts2,) = seg128(p2, src_p, dst_p, z2, z1)
  h2, p3 = _stage(h1, parts2, cntT, Wr2, b2r, g2r, be2r, Wl3)
  seg2 = _make_seg_sum2()
  parts3 = seg2(p3.reshape(2 * _N), src_p, dst_p).reshape(_NC, _N_ACC, 2)
  return _final(h2, parts3, cntT, Wr3, b3r)

# --- scband reference (transcript-rebuilt; emitter-appended) ---
"""Pipeline reference for scband-graph-sage-4672924418191 (READ-ONLY COPY).

The authoritative reference and input builder live on the scoring server;
editing this copy changes nothing except your own understanding.
"""

import jax, jax.numpy as jnp
import numpy as np

N = 10000
E = 320000
D_IN = 128
D_H = 128
D_OUT = 2


def setup_inputs(seed: int = 0) -> dict:
    key = jax.random.key(seed)
    ks = jax.random.split(key, 16)
    x = jax.random.normal(ks[0], (N, D_IN), dtype=jnp.float32)
    edge_index = jax.random.randint(ks[1], (2, E), 0, N, dtype=jnp.int32)
    s = 0.05
    return {
        'x': x,
        'edge_index': edge_index,
        'Wl1': jax.random.normal(ks[2], (D_IN, D_H), dtype=jnp.float32) * s,
        'Wr1': jax.random.normal(ks[3], (D_IN, D_H), dtype=jnp.float32) * s,
        'b1': jnp.zeros((D_H,), dtype=jnp.float32),
        'g1': jnp.ones((D_H,), dtype=jnp.float32),
        'be1': jnp.zeros((D_H,), dtype=jnp.float32),
        'Wl2': jax.random.normal(ks[4], (D_H, D_H), dtype=jnp.float32) * s,
        'Wr2': jax.random.normal(ks[5], (D_H, D_H), dtype=jnp.float32) * s,
        'b2': jnp.zeros((D_H,), dtype=jnp.float32),
        'g2': jnp.ones((D_H,), dtype=jnp.float32),
        'be2': jnp.zeros((D_H,), dtype=jnp.float32),
        'Wl3': jax.random.normal(ks[6], (D_H, D_OUT), dtype=jnp.float32) * s,
        'Wr3': jax.random.normal(ks[7], (D_H, D_OUT), dtype=jnp.float32) * s,
        'b3': jnp.zeros((D_OUT,), dtype=jnp.float32),
    }


def _sage_conv(x, src, dst, Wl, Wr, b):
    # PyG SAGEConv with mean aggregation:
    # out = lin_l(mean_{j in N(i)} x_j) + lin_r(x_i)
    msgs = x[src]
    agg = jax.ops.segment_sum(msgs, dst, num_segments=N)
    cnt = jax.ops.segment_sum(jnp.ones((src.shape[0],), dtype=jnp.float32), dst, num_segments=N)
    mean = agg / jnp.maximum(cnt, 1.0)[:, None]
    return mean @ Wl + x @ Wr + b


def _layer_norm(h, g, be):
    mu = jnp.mean(h, axis=-1, keepdims=True)
    var = jnp.mean((h - mu) ** 2, axis=-1, keepdims=True)
    return (h - mu) / jnp.sqrt(var + 1e-5) * g + be


def reference(x, edge_index, Wl1, Wr1, b1, g1, be1, Wl2, Wr2, b2, g2, be2, Wl3, Wr3, b3):
    src = edge_index[0]
    dst = edge_index[1]
    h = _sage_conv(x, src, dst, Wl1, Wr1, b1)
    h = _layer_norm(h, g1, be1)
    h = jax.nn.relu(h)
    # dropout is identity in eval mode
    h = _sage_conv(h, src, dst, Wl2, Wr2, b2)
    h = _layer_norm(h, g2, be2)
    h = jax.nn.relu(h)
    h = _sage_conv(h, src, dst, Wl3, Wr3, b3)
    return h

if __name__ == "__main__":
    import jax
    _d = setup_inputs()
    print(jax.jit(kernel)(*tuple(_d.values())))

</pallas_src>

<mosaic_0001>
#map = affine_map<(d0, d1) -> (0, 0)>
#map1 = affine_map<(d0, d1) -> (0)>
#map2 = affine_map<(d0, d1) -> (0, 0, 0)>
module attributes {stable_mosaic.version = 14 : i64} {
  func.func @body(%arg0: i32, %arg1: i32, %arg2: memref<10000x128xf32, #tpu.memory_space<hbm>>, %arg3: memref<331776xi32, #tpu.memory_space<hbm>>, %arg4: memref<331776xi32, #tpu.memory_space<hbm>>, %arg5: memref<10112x128xf32, #tpu.memory_space<hbm>>, %arg6: memref<10112xf32, #tpu.memory_space<hbm>>, %arg7: memref<2x10112x128xf32, #tpu.memory_space<hbm>>, %arg8: memref<20224xf32, #tpu.memory_space<hbm>>, %arg9: memref<10368xi32, #tpu.memory_space<vmem>>, %arg10: memref<48xi32, #tpu.memory_space<vmem>>, %arg11: memref<48xi32, #tpu.memory_space<vmem>>, %arg12: memref<48xi32, #tpu.memory_space<vmem>>, %arg13: memref<48xi32, #tpu.memory_space<vmem>>, %arg14: memref<48xi32, #tpu.memory_space<vmem>>, %arg15: memref<48xi32, #tpu.memory_space<vmem>>, %arg16: memref<48x128xf32, #tpu.memory_space<vmem>>, %arg17: memref<48x128xf32, #tpu.memory_space<vmem>>, %arg18: memref<48x128xf32, #tpu.memory_space<vmem>>, %arg19: memref<48x128xf32, #tpu.memory_space<vmem>>, %arg20: memref<48x128xf32, #tpu.memory_space<vmem>>, %arg21: memref<48x128xf32, #tpu.memory_space<vmem>>, %arg22: memref<48xf32, #tpu.memory_space<vmem>>, %arg23: memref<632xf32, #tpu.memory_space<vmem>>, %arg24: memref<10112x128xf32, #tpu.memory_space<vmem_shared>>, %arg25: memref<10112xf32, #tpu.memory_space<vmem_shared>>, %arg26: memref<!tpu.dma_semaphore, #tpu.memory_space<semaphore_mem>>, %arg27: memref<!tpu.dma_semaphore, #tpu.memory_space<semaphore_mem>>, %arg28: memref<!tpu.dma_semaphore, #tpu.memory_space<semaphore_mem>>, %arg29: memref<!tpu.dma_semaphore, #tpu.memory_space<semaphore_mem>>, %arg30: memref<!tpu.dma_semaphore, #tpu.memory_space<semaphore_mem>>, %arg31: memref<!tpu.dma_semaphore, #tpu.memory_space<semaphore_mem>>, %arg32: memref<!tpu.dma_semaphore, #tpu.memory_space<semaphore_mem>>, %arg33: memref<!tpu.dma_semaphore, #tpu.memory_space<semaphore_mem>>, %arg34: memref<!tpu.dma_semaphore, #tpu.memory_space<semaphore_mem>>, %arg35: memref<!tpu.dma_semaphore, #tpu.memory_space<semaphore_mem>>, %arg36: memref<!tpu.dma_semaphore, #tpu.memory_space<semaphore_mem>>, %arg37: memref<!tpu.dma_semaphore, #tpu.memory_space<semaphore_mem>>, %arg38: memref<!tpu.dma_semaphore, #tpu.memory_space<semaphore_mem>>, %arg39: memref<!tpu.dma_semaphore, #tpu.memory_space<semaphore_mem>>, %arg40: memref<!tpu.dma_semaphore, #tpu.memory_space<semaphore_mem>>, %arg41: memref<!tpu.dma_semaphore, #tpu.memory_space<semaphore_mem>>, %arg42: memref<!tpu.dma_semaphore, #tpu.memory_space<semaphore_mem>>, %arg43: memref<!tpu.dma_semaphore, #tpu.memory_space<semaphore_mem>>, %arg44: memref<!tpu.dma_semaphore, #tpu.memory_space<semaphore_mem>>, %arg45: memref<!tpu.dma_semaphore, #tpu.memory_space<semaphore_mem>>, %arg46: memref<!tpu.dma_semaphore, #tpu.memory_space<semaphore_mem>>, %arg47: memref<!tpu.dma_semaphore, #tpu.memory_space<semaphore_mem>>, %arg48: memref<!tpu.dma_semaphore, #tpu.memory_space<semaphore_mem>>, %arg49: memref<!tpu.dma_semaphore, #tpu.memory_space<semaphore_mem>>) attributes {dimension_semantics = [#tpu.dimension_semantics<core_parallel>, #tpu.dimension_semantics<subcore_parallel>], iteration_bounds = array<i64: 2, 16>, scalar_prefetch = 0 : i64, scratch_operands = 41 : i64, tpu.core_type = #tpu.core_type<sc_vector_subcore>, window_params = [{transform_indices = #map}, {transform_indices = #map1}, {transform_indices = #map1}, {transform_indices = #map}, {transform_indices = #map1}, {transform_indices = #map2}, {transform_indices = #map1}]} {
    %mul3A = arith.constant 2 : i32
    %mul3A_0 = arith.muli %arg1, %mul3A : i32
    %add3A = arith.addi %mul3A_0, %arg0 : i32
    %mul3A_1 = arith.constant 10368 : i32
    %mul3A_2 = arith.muli %add3A, %mul3A_1 : i32
    "tpu.region"() ({
      %run_scoped3A = tpu.sem_alloc : memref<!tpu.dma_semaphore, #tpu.memory_space<semaphore_mem>>
      %dma_start3A_126 = tpu.memref_slice %arg3[%mul3A_2] : memref<331776xi32, #tpu.memory_space<hbm>> -> memref<10368xi32, #tpu.memory_space<hbm>>
      %dma_start3A_127 = tpu.memref_slice %arg3[%mul3A_2] : memref<331776xi32, #tpu.memory_space<hbm>> -> memref<10368xi32, #tpu.memory_space<hbm>>
      tpu.enqueue_dma source(%dma_start3A_127 : memref<10368xi32, #tpu.memory_space<hbm>>) target(%arg9 : memref<10368xi32, #tpu.memory_space<vmem>>) target_semaphore(%run_scoped3A : memref<!tpu.dma_semaphore, #tpu.memory_space<semaphore_mem>>)
      %dma_wait3A_128 = tpu.memref_slice %arg3[%mul3A_2] : memref<331776xi32, #tpu.memory_space<hbm>> -> memref<10368xi32, #tpu.memory_space<hbm>>
      %dma_wait3A_129 = tpu.memref_slice %arg3[%mul3A_2] : memref<331776xi32, #tpu.memory_space<hbm>> -> memref<10368xi32, #tpu.memory_space<hbm>>
      tpu.wait_dma2 semaphore(%run_scoped3A : memref<!tpu.dma_semaphore, #tpu.memory_space<semaphore_mem>>) src(%dma_wait3A_129 : memref<10368xi32, #tpu.memory_space<hbm>>) dst(%arg9 : memref<10368xi32, #tpu.memory_space<vmem>>)
      tpu.yield
    }) : () -> ()
    %add3A_3 = arith.constant 0 : i32
    %add3A_4 = arith.addi %mul3A_2, %add3A_3 : i32
    %dma_start3A = tpu.memref_slice %arg4[%add3A_4] : memref<331776xi32, #tpu.memory_space<hbm>> -> memref<48xi32, #tpu.memory_space<hbm>>
    %dma_start3A_5 = tpu.memref_slice %arg4[%add3A_4] : memref<331776xi32, #tpu.memory_space<hbm>> -> memref<48xi32, #tpu.memory_space<hbm>>
    tpu.enqueue_dma source(%dma_start3A_5 : memref<48xi32, #tpu.memory_space<hbm>>) target(%arg10 : memref<48xi32, #tpu.memory_space<vmem>>) target_semaphore(%arg32 : memref<!tpu.dma_semaphore, #tpu.memory_space<semaphore_mem>>)
    %dma_start3A_6 = arith.constant 0 : i32
    %dma_start3A_7 = tpu.memref_slice %arg9[%dma_start3A_6] : memref<10368xi32, #tpu.memory_space<vmem>> -> memref<48xi32, #tpu.memory_space<vmem>>
    %dma_start3A_8 = arith.constant 0 : i32
    %dma_start3A_9 = arith.constant 0 : i32
    %dma_start3A_10 = tpu.memref_slice %arg2[%dma_start3A_8, %dma_start3A_9] : memref<10000x128xf32, #tpu.memory_space<hbm>> -> memref<10000x128xf32, #tpu.memory_space<hbm>>
    tpu.enqueue_indirect_dma source(%dma_start3A_10 : memref<10000x128xf32, #tpu.memory_space<hbm>>) target(%arg16 : memref<48x128xf32, #tpu.memory_space<vmem>>) offsets(%dma_start3A_7 : memref<48xi32, #tpu.memory_space<vmem>>) semaphore(%arg26 : memref<!tpu.dma_semaphore, #tpu.memory_space<semaphore_mem>>)
    %add3A_11 = arith.constant 48 : i32
    %add3A_12 = arith.addi %mul3A_2, %add3A_11 : i32
    %dma_start3A_13 = tpu.memref_slice %arg4[%add3A_12] : memref<331776xi32, #tpu.memory_space<hbm>> -> memref<48xi32, #tpu.memory_space<hbm>>
    %dma_start3A_14 = tpu.memref_slice %arg4[%add3A_12] : memref<331776xi32, #tpu.memory_space<hbm>> -> memref<48xi32, #tpu.memory_space<hbm>>
    tpu.enqueue_dma source(%dma_start3A_14 : memref<48xi32, #tpu.memory_space<hbm>>) target(%arg11 : memref<48xi32, #tpu.memory_space<vmem>>) target_semaphore(%arg33 : memref<!tpu.dma_semaphore, #tpu.memory_space<semaphore_mem>>)
    %dma_start3A_15 = arith.constant 48 : i32
    %dma_start3A_16 = tpu.memref_slice %arg9[%dma_start3A_15] : memref<10368xi32, #tpu.memory_space<vmem>> -> memref<48xi32, #tpu.memory_space<vmem>>
    %dma_start3A_17 = arith.constant 0 : i32
    %dma_start3A_18 = arith.constant 0 : i32
    %dma_start3A_19 = tpu.memref_slice %arg2[%dma_start3A_17, %dma_start3A_18] : memref<10000x128xf32, #tpu.memory_space<hbm>> -> memref<10000x128xf32, #tpu.memory_space<hbm>>
    tpu.enqueue_indirect_dma source(%dma_start3A_19 : memref<10000x128xf32, #tpu.memory_space<hbm>>) target(%arg17 : memref<48x128xf32, #tpu.memory_space<vmem>>) offsets(%dma_start3A_16 : memref<48xi32, #tpu.memory_space<vmem>>) semaphore(%arg27 : memref<!tpu.dma_semaphore, #tpu.memory_space<semaphore_mem>>)
    %add3A_20 = arith.constant 96 : i32
    %add3A_21 = arith.addi %mul3A_2, %add3A_20 : i32
    %dma_start3A_22 = tpu.memref_slice %arg4[%add3A_21] : memref<331776xi32, #tpu.memory_space<hbm>> -> memref<48xi32, #tpu.memory_space<hbm>>
    %dma_start3A_23 = tpu.memref_slice %arg4[%add3A_21] : memref<331776xi32, #tpu.memory_space<hbm>> -> memref<48xi32, #tpu.memory_space<hbm>>
    tpu.enqueue_dma source(%dma_start3A_23 : memref<48xi32, #tpu.memory_space<hbm>>) target(%arg12 : memref<48xi32, #tpu.memory_space<vmem>>) target_semaphore(%arg34 : memref<!tpu.dma_semaphore, #tpu.memory_space<semaphore_mem>>)
    %dma_start3A_24 = arith.constant 96 : i32
    %dma_start3A_25 = tpu.memref_slice %arg9[%dma_start3A_24] : memref<10368xi32, #tpu.memory_space<vmem>> -> memref<48xi32, #tpu.memory_space<vmem>>
    %dma_start3A_26 = arith.constant 0 : i32
    %dma_start3A_27 = arith.constant 0 : i32
    %dma_start3A_28 = tpu.memref_slice %arg2[%dma_start3A_26, %dma_start3A_27] : memref<10000x128xf32, #tpu.memory_space<hbm>> -> memref<10000x128xf32, #tpu.memory_space<hbm>>
    tpu.enqueue_indirect_dma source(%dma_start3A_28 : memref<10000x128xf32, #tpu.memory_space<hbm>>) target(%arg18 : memref<48x128xf32, #tpu.memory_space<vmem>>) offsets(%dma_start3A_25 : memref<48xi32, #tpu.memory_space<vmem>>) semaphore(%arg28 : memref<!tpu.dma_semaphore, #tpu.memory_space<semaphore_mem>>)
    %add3A_29 = arith.constant 144 : i32
    %add3A_30 = arith.addi %mul3A_2, %add3A_29 : i32
    %dma_start3A_31 = tpu.memref_slice %arg4[%add3A_30] : memref<331776xi32, #tpu.memory_space<hbm>> -> memref<48xi32, #tpu.memory_space<hbm>>
    %dma_start3A_32 = tpu.memref_slice %arg4[%add3A_30] : memref<331776xi32, #tpu.memory_space<hbm>> -> memref<48xi32, #tpu.memory_space<hbm>>
    tpu.enqueue_dma source(%dma_start3A_32 : memref<48xi32, #tpu.memory_space<hbm>>) target(%arg13 : memref<48xi32, #tpu.memory_space<vmem>>) target_semaphore(%arg35 : memref<!tpu.dma_semaphore, #tpu.memory_space<semaphore_mem>>)
    %dma_start3A_33 = arith.constant 144 : i32
    %dma_start3A_34 = tpu.memref_slice %arg9[%dma_start3A_33] : memref<10368xi32, #tpu.memory_space<vmem>> -> memref<48xi32, #tpu.memory_space<vmem>>
    %dma_start3A_35 = arith.constant 0 : i32
    %dma_start3A_36 = arith.constant 0 : i32
    %dma_start3A_37 = tpu.memref_slice %arg2[%dma_start3A_35, %dma_start3A_36] : memref<10000x128xf32, #tpu.memory_space<hbm>> -> memref<10000x128xf32, #tpu.memory_space<hbm>>
    tpu.enqueue_indirect_dma source(%dma_start3A_37 : memref<10000x128xf32, #tpu.memory_space<hbm>>) target(%arg19 : memref<48x128xf32, #tpu.memory_space<vmem>>) offsets(%dma_start3A_34 : memref<48xi32, #tpu.memory_space<vmem>>) semaphore(%arg29 : memref<!tpu.dma_semaphore, #tpu.memory_space<semaphore_mem>>)
    %add3A_38 = arith.constant 192 : i32
    %add3A_39 = arith.addi %mul3A_2, %add3A_38 : i32
    %dma_start3A_40 = tpu.memref_slice %arg4[%add3A_39] : memref<331776xi32, #tpu.memory_space<hbm>> -> memref<48xi32, #tpu.memory_space<hbm>>
    %dma_start3A_41 = tpu.memref_slice %arg4[%add3A_39] : memref<331776xi32, #tpu.memory_space<hbm>> -> memref<48xi32, #tpu.memory_space<hbm>>
    tpu.enqueue_dma source(%dma_start3A_41 : memref<48xi32, #tpu.memory_space<hbm>>) target(%arg14 : memref<48xi32, #tpu.memory_space<vmem>>) target_semaphore(%arg36 : memref<!tpu.dma_semaphore, #tpu.memory_space<semaphore_mem>>)
    %dma_start3A_42 = arith.constant 192 : i32
    %dma_start3A_43 = tpu.memref_slice %arg9[%dma_start3A_42] : memref<10368xi32, #tpu.memory_space<vmem>> -> memref<48xi32, #tpu.memory_space<vmem>>
    %dma_start3A_44 = arith.constant 0 : i32
    %dma_start3A_45 = arith.constant 0 : i32
    %dma_start3A_46 = tpu.memref_slice %arg2[%dma_start3A_44, %dma_start3A_45] : memref<10000x128xf32, #tpu.memory_space<hbm>> -> memref<10000x128xf32, #tpu.memory_space<hbm>>
    tpu.enqueue_indirect_dma source(%dma_start3A_46 : memref<10000x128xf32, #tpu.memory_space<hbm>>) target(%arg20 : memref<48x128xf32, #tpu.memory_space<vmem>>) offsets(%dma_start3A_43 : memref<48xi32, #tpu.memory_space<vmem>>) semaphore(%arg30 : memref<!tpu.dma_semaphore, #tpu.memory_space<semaphore_mem>>)
    %add3A_47 = arith.constant 240 : i32
    %add3A_48 = arith.addi %mul3A_2, %add3A_47 : i32
    %dma_start3A_49 = tpu.memref_slice %arg4[%add3A_48] : memref<331776xi32, #tpu.memory_space<hbm>> -> memref<48xi32, #tpu.memory_space<hbm>>
    %dma_start3A_50 = tpu.memref_slice %arg4[%add3A_48] : memref<331776xi32, #tpu.memory_space<hbm>> -> memref<48xi32, #tpu.memory_space<hbm>>
    tpu.enqueue_dma source(%dma_start3A_50 : memref<48xi32, #tpu.memory_space<hbm>>) target(%arg15 : memref<48xi32, #tpu.memory_space<vmem>>) target_semaphore(%arg37 : memref<!tpu.dma_semaphore, #tpu.memory_space<semaphore_mem>>)
    %dma_start3A_51 = arith.constant 240 : i32
    %dma_start3A_52 = tpu.memref_slice %arg9[%dma_start3A_51] : memref<10368xi32, #tpu.memory_space<vmem>> -> memref<48xi32, #tpu.memory_space<vmem>>
    %dma_start3A_53 = arith.constant 0 : i32
    %dma_start3A_54 = arith.constant 0 : i32
    %dma_start3A_55 = tpu.memref_slice %arg2[%dma_start3A_53, %dma_start3A_54] : memref<10000x128xf32, #tpu.memory_space<hbm>> -> memref<10000x128xf32, #tpu.memory_space<hbm>>
    tpu.enqueue_indirect_dma source(%dma_start3A_55 : memref<10000x128xf32, #tpu.memory_space<hbm>>) target(%arg21 : memref<48x128xf32, #tpu.memory_space<vmem>>) offsets(%dma_start3A_52 : memref<48xi32, #tpu.memory_space<vmem>>) semaphore(%arg31 : memref<!tpu.dma_semaphore, #tpu.memory_space<semaphore_mem>>)
    %mul3A_56 = arith.constant 632 : i32
    %mul3A_57 = arith.muli %arg1, %mul3A_56 : i32
    %mul3A_58 = arith.constant 632 : i32
    %mul3A_59 = arith.muli %arg1, %mul3A_58 : i32
    "tpu.region"() ({
      %run_scoped3A = tpu.sem_alloc : memref<!tpu.dma_semaphore, #tpu.memory_space<semaphore_mem>>
      %dma_start3A_126 = arith.constant 0 : i32
      %dma_start3A_127 = tpu.memref_slice %arg24[%mul3A_59, %dma_start3A_126] : memref<10112x128xf32, #tpu.memory_space<vmem_shared>> -> memref<632x128xf32, #tpu.memory_space<vmem_shared>>
      %dma_start3A_128 = arith.constant 0 : i32
      %dma_start3A_129 = tpu.memref_slice %arg5[%mul3A_57, %dma_start3A_128] : memref<10112x128xf32, #tpu.memory_space<hbm>> -> memref<632x128xf32, #tpu.memory_space<hbm>>
      tpu.enqueue_dma source(%dma_start3A_129 : memref<632x128xf32, #tpu.memory_space<hbm>>) target(%dma_start3A_127 : memref<632x128xf32, #tpu.memory_space<vmem_shared>>) target_semaphore(%run_scoped3A : memref<!tpu.dma_semaphore, #tpu.memory_space<semaphore_mem>>)
      %dma_wait3A_130 = arith.constant 0 : i32
      %dma_wait3A_131 = tpu.memref_slice %arg24[%mul3A_59, %dma_wait3A_130] : memref<10112x128xf32, #tpu.memory_space<vmem_shared>> -> memref<632x128xf32, #tpu.memory_space<vmem_shared>>
      %dma_wait3A_132 = arith.constant 0 : i32
      %dma_wait3A_133 = tpu.memref_slice %arg5[%mul3A_57, %dma_wait3A_132] : memref<10112x128xf32, #tpu.memory_space<hbm>> -> memref<632x128xf32, #tpu.memory_space<hbm>>
      tpu.wait_dma2 semaphore(%run_scoped3A : memref<!tpu.dma_semaphore, #tpu.memory_space<semaphore_mem>>) src(%dma_wait3A_133 : memref<632x128xf32, #tpu.memory_space<hbm>>) dst(%dma_wait3A_131 : memref<632x128xf32, #tpu.memory_space<vmem_shared>>)
      tpu.yield
    }) : () -> ()
    %mul3A_60 = arith.constant 632 : i32
    %mul3A_61 = arith.muli %arg1, %mul3A_60 : i32
    "tpu.region"() ({
      %run_scoped3A = tpu.sem_alloc : memref<!tpu.dma_semaphore, #tpu.memory_space<semaphore_mem>>
      %dma_start3A_126 = tpu.memref_slice %arg6[%mul3A_61] : memref<10112xf32, #tpu.memory_space<hbm>> -> memref<632xf32, #tpu.memory_space<hbm>>
      %dma_start3A_127 = tpu.memref_slice %arg6[%mul3A_61] : memref<10112xf32, #tpu.memory_space<hbm>> -> memref<632xf32, #tpu.memory_space<hbm>>
      tpu.enqueue_dma source(%dma_start3A_127 : memref<632xf32, #tpu.memory_space<hbm>>) target(%arg23 : memref<632xf32, #tpu.memory_space<vmem>>) target_semaphore(%run_scoped3A : memref<!tpu.dma_semaphore, #tpu.memory_space<semaphore_mem>>)
      %dma_wait3A_128 = tpu.memref_slice %arg6[%mul3A_61] : memref<10112xf32, #tpu.memory_space<hbm>> -> memref<632xf32, #tpu.memory_space<hbm>>
      %dma_wait3A_129 = tpu.memref_slice %arg6[%mul3A_61] : memref<10112xf32, #tpu.memory_space<hbm>> -> memref<632xf32, #tpu.memory_space<hbm>>
      tpu.wait_dma2 semaphore(%run_scoped3A : memref<!tpu.dma_semaphore, #tpu.memory_space<semaphore_mem>>) src(%dma_wait3A_129 : memref<632xf32, #tpu.memory_space<hbm>>) dst(%arg23 : memref<632xf32, #tpu.memory_space<vmem>>)
      tpu.yield
    }) : () -> ()
    %mul3A_62 = arith.constant 632 : i32
    %mul3A_63 = arith.muli %arg1, %mul3A_62 : i32
    "tpu.region"() ({
      %run_scoped3A = tpu.sem_alloc : memref<!tpu.dma_semaphore, #tpu.memory_space<semaphore_mem>>
      %dma_start3A_126 = tpu.memref_slice %arg25[%mul3A_63] : memref<10112xf32, #tpu.memory_space<vmem_shared>> -> memref<632xf32, #tpu.memory_space<vmem_shared>>
      %dma_start3A_127 = tpu.memref_slice %arg25[%mul3A_63] : memref<10112xf32, #tpu.memory_space<vmem_shared>> -> memref<632xf32, #tpu.memory_space<vmem_shared>>
      tpu.enqueue_dma source(%arg23 : memref<632xf32, #tpu.memory_space<vmem>>) target(%dma_start3A_127 : memref<632xf32, #tpu.memory_space<vmem_shared>>) target_semaphore(%run_scoped3A : memref<!tpu.dma_semaphore, #tpu.memory_space<semaphore_mem>>)
      %dma_wait3A_128 = tpu.memref_slice %arg25[%mul3A_63] : memref<10112xf32, #tpu.memory_space<vmem_shared>> -> memref<632xf32, #tpu.memory_space<vmem_shared>>
      %dma_wait3A_129 = tpu.memref_slice %arg25[%mul3A_63] : memref<10112xf32, #tpu.memory_space<vmem_shared>> -> memref<632xf32, #tpu.memory_space<vmem_shared>>
      tpu.wait_dma2 semaphore(%run_scoped3A : memref<!tpu.dma_semaphore, #tpu.memory_space<semaphore_mem>>) src(%arg23 : memref<632xf32, #tpu.memory_space<vmem>>) dst(%dma_wait3A_129 : memref<632xf32, #tpu.memory_space<vmem_shared>>)
      tpu.yield
    }) : () -> ()
    %broadcast_in_dim3A = arith.constant 1.000000e+00 : f32
    %broadcast_in_dim3A_64 = vector.broadcast %broadcast_in_dim3A : f32 to vector<16xf32>
    %swap3A = arith.constant 0 : index
    %swap3A_65 = tpu.vector_load %arg22[%swap3A] {strides = array<i32>} : memref<48xf32, #tpu.memory_space<vmem>>, vector<16xf32>,
    %swap3A_66 = vector.shape_cast %swap3A_65 : vector<16xf32> to vector<16xf32>
    %swap3A_67 = vector.shape_cast %broadcast_in_dim3A_64 : vector<16xf32> to vector<16xf32>
    tpu.vector_store %arg22[%swap3A], %swap3A_67 {strides = array<i32>} : memref<48xf32, #tpu.memory_space<vmem>>, vector<16xf32>,
    %broadcast_in_dim3A_68 = arith.constant 1.000000e+00 : f32
    %broadcast_in_dim3A_69 = vector.broadcast %broadcast_in_dim3A_68 : f32 to vector<16xf32>
    %swap3A_70 = arith.constant 16 : index
    %swap3A_71 = tpu.vector_load %arg22[%swap3A_70] {strides = array<i32>} : memref<48xf32, #tpu.memory_space<vmem>>, vector<16xf32>,
    %swap3A_72 = vector.shape_cast %swap3A_71 : vector<16xf32> to vector<16xf32>
    %swap3A_73 = vector.shape_cast %broadcast_in_dim3A_69 : vector<16xf32> to vector<16xf32>
    tpu.vector_store %arg22[%swap3A_70], %swap3A_73 {strides = array<i32>} : memref<48xf32, #tpu.memory_space<vmem>>, vector<16xf32>,
    %broadcast_in_dim3A_74 = arith.constant 1.000000e+00 : f32
    %broadcast_in_dim3A_75 = vector.broadcast %broadcast_in_dim3A_74 : f32 to vector<16xf32>
    %swap3A_76 = arith.constant 32 : index
    %swap3A_77 = tpu.vector_load %arg22[%swap3A_76] {strides = array<i32>} : memref<48xf32, #tpu.memory_space<vmem>>, vector<16xf32>,
    %swap3A_78 = vector.shape_cast %swap3A_77 : vector<16xf32> to vector<16xf32>
    %swap3A_79 = vector.shape_cast %broadcast_in_dim3A_75 : vector<16xf32> to vector<16xf32>
    tpu.vector_store %arg22[%swap3A_76], %swap3A_79 {strides = array<i32>} : memref<48xf32, #tpu.memory_space<vmem>>, vector<16xf32>,
    %barrier3A = arith.constant 0 : index
    tpu.barrier barrier_id(%barrier3A)
    %scan3A = arith.constant 0 : i32
    %scan3A_80 = arith.constant 0 : i32
    %scan3A_81 = arith.constant 36 : i32
    %scan3A_82 = arith.addi %scan3A_80, %scan3A_81 : i32
    %scan3A_83 = arith.constant 1 : i32
    scf.for %scan3A_126 = %scan3A_80 to %scan3A_82 step %scan3A_83  : i32 {
      %mul3A_127 = arith.constant 6 : i32
      %mul3A_128 = arith.muli %scan3A_126, %mul3A_127 : i32
      %add3A_129 = arith.constant 0 : i32
      %add3A_130 = arith.addi %mul3A_128, %add3A_129 : i32
      %mul3A_131 = arith.constant 48 : i32
      %mul3A_132 = arith.muli %add3A_130, %mul3A_131 : i32
      %add3A_133 = arith.addi %mul3A_2, %mul3A_132 : i32
      %dma_wait3A_134 = tpu.memref_slice %arg4[%add3A_133] : memref<331776xi32, #tpu.memory_space<hbm>> -> memref<48xi32, #tpu.memory_space<hbm>>
      %dma_wait3A_135 = tpu.memref_slice %arg4[%add3A_133] : memref<331776xi32, #tpu.memory_space<hbm>> -> memref<48xi32, #tpu.memory_space<hbm>>
      tpu.wait_dma2 semaphore(%arg32 : memref<!tpu.dma_semaphore, #tpu.memory_space<semaphore_mem>>) src(%dma_wait3A_135 : memref<48xi32, #tpu.memory_space<hbm>>) dst(%arg10 : memref<48xi32, #tpu.memory_space<vmem>>)
      %mul3A_136 = arith.constant 48 : i32
      %mul3A_137 = arith.muli %add3A_130, %mul3A_136 : i32
      %dma_wait3A_138 = tpu.memref_slice %arg9[%mul3A_137] : memref<10368xi32, #tpu.memory_space<vmem>> -> memref<48xi32, #tpu.memory_space<vmem>>
      %dma_wait3A_139 = arith.constant 0 : i32
      %dma_wait3A_140 = arith.constant 0 : i32
      %dma_wait3A_141 = tpu.memref_slice %arg2[%dma_wait3A_139, %dma_wait3A_140] : memref<10000x128xf32, #tpu.memory_space<hbm>> -> memref<10000x128xf32, #tpu.memory_space<hbm>>
      tpu.wait_indirect_dma semaphore(%arg26 : memref<!tpu.dma_semaphore, #tpu.memory_space<semaphore_mem>>) src(%dma_wait3A_141 : memref<10000x128xf32, #tpu.memory_space<hbm>>) dst(%arg16 : memref<48x128xf32, #tpu.memory_space<vmem>>)
      %dma_start3A_142 = arith.constant 0 : i32
      %dma_start3A_143 = arith.constant 0 : i32
      %dma_start3A_144 = tpu.memref_slice %arg24[%dma_start3A_142, %dma_start3A_143] : memref<10112x128xf32, #tpu.memory_space<vmem_shared>> -> memref<10112x128xf32, #tpu.memory_space<vmem_shared>>
      tpu.enqueue_indirect_dma source(%arg16 : memref<48x128xf32, #tpu.memory_space<vmem>>) target(%dma_start3A_144 : memref<10112x128xf32, #tpu.memory_space<vmem_shared>>) offsets(%arg10 : memref<48xi32, #tpu.memory_space<vmem>>) semaphore(%arg38 : memref<!tpu.dma_semaphore, #tpu.memory_space<semaphore_mem>>) {add = true}
      %dma_start3A_145 = arith.constant 0 : i32
      %dma_start3A_146 = tpu.memref_slice %arg25[%dma_start3A_145] : memref<10112xf32, #tpu.memory_space<vmem_shared>> -> memref<10112xf32, #tpu.memory_space<vmem_shared>>
      tpu.enqueue_indirect_dma source(%arg22 : memref<48xf32, #tpu.memory_space<vmem>>) target(%dma_start3A_146 : memref<10112xf32, #tpu.memory_space<vmem_shared>>) offsets(%arg10 : memref<48xi32, #tpu.memory_space<vmem>>) semaphore(%arg44 : memref<!tpu.dma_semaphore, #tpu.memory_space<semaphore_mem>>) {add = true}
      %add3A_147 = arith.constant 1 : i32
      %add3A_148 = arith.addi %mul3A_128, %add3A_147 : i32
      %mul3A_149 = arith.constant 48 : i32
      %mul3A_150 = arith.muli %add3A_148, %mul3A_149 : i32
      %add3A_151 = arith.addi %mul3A_2, %mul3A_150 : i32
      %dma_wait3A_152 = tpu.memref_slice %arg4[%add3A_151] : memref<331776xi32, #tpu.memory_space<hbm>> -> memref<48xi32, #tpu.memory_space<hbm>>
      %dma_wait3A_153 = tpu.memref_slice %arg4[%add3A_151] : memref<331776xi32, #tpu.memory_space<hbm>> -> memref<48xi32, #tpu.memory_space<hbm>>
      tpu.wait_dma2 semaphore(%arg33 : memref<!tpu.dma_semaphore, #tpu.memory_space<semaphore_mem>>) src(%dma_wait3A_153 : memref<48xi32, #tpu.memory_space<hbm>>) dst(%arg11 : memref<48xi32, #tpu.memory_space<vmem>>)
      %mul3A_154 = arith.constant 48 : i32
      %mul3A_155 = arith.muli %add3A_148, %mul3A_154 : i32
      %dma_wait3A_156 = tpu.memref_slice %arg9[%mul3A_155] : memref<10368xi32, #tpu.memory_space<vmem>> -> memref<48xi32, #tpu.memory_space<vmem>>
      %dma_wait3A_157 = arith.constant 0 : i32
      %dma_wait3A_158 = arith.constant 0 : i32
      %dma_wait3A_159 = tpu.memref_slice %arg2[%dma_wait3A_157, %dma_wait3A_158] : memref<10000x128xf32, #tpu.memory_space<hbm>> -> memref<10000x128xf32, #tpu.memory_space<hbm>>
      tpu.wait_indirect_dma semaphore(%arg27 : memref<!tpu.dma_semaphore, #tpu.memory_space<semaphore_mem>>) src(%dma_wait3A_159 : memref<10000x128xf32, #tpu.memory_space<hbm>>) dst(%arg17 : memref<48x128xf32, #tpu.memory_space<vmem>>)
      %dma_start3A_160 = arith.constant 0 : i32
      %dma_start3A_161 = arith.constant 0 : i32
      %dma_start3A_162 = tpu.memref_slice %arg24[%dma_start3A_160, %dma_start3A_161] : memref<10112x128xf32, #tpu.memory_space<vmem_shared>> -> memref<10112x128xf32, #tpu.memory_space<vmem_shared>>
      tpu.enqueue_indirect_dma source(%arg17 : memref<48x128xf32, #tpu.memory_space<vmem>>) target(%dma_start3A_162 : memref<10112x128xf32, #tpu.memory_space<vmem_shared>>) offsets(%arg11 : memref<48xi32, #tpu.memory_space<vmem>>) semaphore(%arg39 : memref<!tpu.dma_semaphore, #tpu.memory_space<semaphore_mem>>) {add = true}
      %dma_start3A_163 = arith.constant 0 : i32
      %dma_start3A_164 = tpu.memref_slice %arg25[%dma_start3A_163] : memref<10112xf32, #tpu.memory_space<vmem_shared>> -> memref<10112xf32, #tpu.memory_space<vmem_shared>>
      tpu.enqueue_indirect_dma source(%arg22 : memref<48xf32, #tpu.memory_space<vmem>>) target(%dma_start3A_164 : memref<10112xf32, #tpu.memory_space<vmem_shared>>) offsets(%arg11 : memref<48xi32, #tpu.memory_space<vmem>>) semaphore(%arg45 : memref<!tpu.dma_semaphore, #tpu.memory_space<semaphore_mem>>) {add = true}
      %add3A_165 = arith.constant 2 : i32
      %add3A_166 = arith.addi %mul3A_128, %add3A_165 : i32
      %mul3A_167 = arith.constant 48 : i32
      %mul3A_168 = arith.muli %add3A_166, %mul3A_167 : i32
      %add3A_169 = arith.addi %mul3A_2, %mul3A_168 : i32
      %dma_wait3A_170 = tpu.memref_slice %arg4[%add3A_169] : memref<331776xi32, #tpu.memory_space<hbm>> -> memref<48xi32, #tpu.memory_space<hbm>>
      %dma_wait3A_171 = tpu.memref_slice %arg4[%add3A_169] : memref<331776xi32, #tpu.memory_space<hbm>> -> memref<48xi32, #tpu.memory_space<hbm>>
      tpu.wait_dma2 semaphore(%arg34 : memref<!tpu.dma_semaphore, #tpu.memory_space<semaphore_mem>>) src(%dma_wait3A_171 : memref<48xi32, #tpu.memory_space<hbm>>) dst(%arg12 : memref<48xi32, #tpu.memory_space<vmem>>)
      %mul3A_172 = arith.constant 48 : i32
      %mul3A_173 = arith.muli %add3A_166, %mul3A_172 : i32
      %dma_wait3A_174 = tpu.memref_slice %arg9[%mul3A_173] : memref<10368xi32, #tpu.memory_space<vmem>> -> memref<48xi32, #tpu.memory_space<vmem>>
      %dma_wait3A_175 = arith.constant 0 : i32
      %dma_wait3A_176 = arith.constant 0 : i32
      %dma_wait3A_177 = tpu.memref_slice %arg2[%dma_wait3A_175, %dma_wait3A_176] : memref<10000x128xf32, #tpu.memory_space<hbm>> -> memref<10000x128xf32, #tpu.memory_space<hbm>>
      tpu.wait_indirect_dma semaphore(%arg28 : memref<!tpu.dma_semaphore, #tpu.memory_space<semaphore_mem>>) src(%dma_wait3A_177 : memref<10000x128xf32, #tpu.memory_space<hbm>>) dst(%arg18 : memref<48x128xf32, #tpu.memory_space<vmem>>)
      %dma_start3A_178 = arith.constant 0 : i32
      %dma_start3A_179 = arith.constant 0 : i32
      %dma_start3A_180 = tpu.memref_slice %arg24[%dma_start3A_178, %dma_start3A_179] : memref<10112x128xf32, #tpu.memory_space<vmem_shared>> -> memref<10112x128xf32, #tpu.memory_space<vmem_shared>>
      tpu.enqueue_indirect_dma source(%arg18 : memref<48x128xf32, #tpu.memory_space<vmem>>) target(%dma_start3A_180 : memref<10112x128xf32, #tpu.memory_space<vmem_shared>>) offsets(%arg12 : memref<48xi32, #tpu.memory_space<vmem>>) semaphore(%arg40 : memref<!tpu.dma_semaphore, #tpu.memory_space<semaphore_mem>>) {add = true}
      %dma_start3A_181 = arith.constant 0 : i32
      %dma_start3A_182 = tpu.memref_slice %arg25[%dma_start3A_181] : memref<10112xf32, #tpu.memory_space<vmem_shared>> -> memref<10112xf32, #tpu.memory_space<vmem_shared>>
      tpu.enqueue_indirect_dma source(%arg22 : memref<48xf32, #tpu.memory_space<vmem>>) target(%dma_start3A_182 : memref<10112xf32, #tpu.memory_space<vmem_shared>>) offsets(%arg12 : memref<48xi32, #tpu.memory_space<vmem>>) semaphore(%arg46 : memref<!tpu.dma_semaphore, #tpu.memory_space<semaphore_mem>>) {add = true}
      %add3A_183 = arith.constant 3 : i32
      %add3A_184 = arith.addi %mul3A_128, %add3A_183 : i32
      %mul3A_185 = arith.constant 48 : i32
      %mul3A_186 = arith.muli %add3A_184, %mul3A_185 : i32
      %add3A_187 = arith.addi %mul3A_2, %mul3A_186 : i32
      %dma_wait3A_188 = tpu.memref_slice %arg4[%add3A_187] : memref<331776xi32, #tpu.memory_space<hbm>> -> memref<48xi32, #tpu.memory_space<hbm>>
      %dma_wait3A_189 = tpu.memref_slice %arg4[%add3A_187] : memref<331776xi32, #tpu.memory_space<hbm>> -> memref<48xi32, #tpu.memory_space<hbm>>
      tpu.wait_dma2 semaphore(%arg35 : memref<!tpu.dma_semaphore, #tpu.memory_space<semaphore_mem>>) src(%dma_wait3A_189 : memref<48xi32, #tpu.memory_space<hbm>>) dst(%arg13 : memref<48xi32, #tpu.memory_space<vmem>>)
      %mul3A_190 = arith.constant 48 : i32
      %mul3A_191 = arith.muli %add3A_184, %mul3A_190 : i32
      %dma_wait3A_192 = tpu.memref_slice %arg9[%mul3A_191] : memref<10368xi32, #tpu.memory_space<vmem>> -> memref<48xi32, #tpu.memory_space<vmem>>
      %dma_wait3A_193 = arith.constant 0 : i32
      %dma_wait3A_194 = arith.constant 0 : i32
      %dma_wait3A_195 = tpu.memref_slice %arg2[%dma_wait3A_193, %dma_wait3A_194] : memref<10000x128xf32, #tpu.memory_space<hbm>> -> memref<10000x128xf32, #tpu.memory_space<hbm>>
      tpu.wait_indirect_dma semaphore(%arg29 : memref<!tpu.dma_semaphore, #tpu.memory_space<semaphore_mem>>) src(%dma_wait3A_195 : memref<10000x128xf32, #tpu.memory_space<hbm>>) dst(%arg19 : memref<48x128xf32, #tpu.memory_space<vmem>>)
      %dma_start3A_196 = arith.constant 0 : i32
      %dma_start3A_197 = arith.constant 0 : i32
      %dma_start3A_198 = tpu.memref_slice %arg24[%dma_start3A_196, %dma_start3A_197] : memref<10112x128xf32, #tpu.memory_space<vmem_shared>> -> memref<10112x128xf32, #tpu.memory_space<vmem_shared>>
      tpu.enqueue_indirect_dma source(%arg19 : memref<48x128xf32, #tpu.memory_space<vmem>>) target(%dma_start3A_198 : memref<10112x128xf32, #tpu.memory_space<vmem_shared>>) offsets(%arg13 : memref<48xi32, #tpu.memory_space<vmem>>) semaphore(%arg41 : memref<!tpu.dma_semaphore, #tpu.memory_space<semaphore_mem>>) {add = true}
      %dma_start3A_199 = arith.constant 0 : i32
      %dma_start3A_200 = tpu.memref_slice %arg25[%dma_start3A_199] : memref<10112xf32, #tpu.memory_space<vmem_shared>> -> memref<10112xf32, #tpu.memory_space<vmem_shared>>
      tpu.enqueue_indirect_dma source(%arg22 : memref<48xf32, #tpu.memory_space<vmem>>) target(%dma_start3A_200 : memref<10112xf32, #tpu.memory_space<vmem_shared>>) offsets(%arg13 : memref<48xi32, #tpu.memory_space<vmem>>) semaphore(%arg47 : memref<!tpu.dma_semaphore, #tpu.memory_space<semaphore_mem>>) {add = true}
      %add3A_201 = arith.constant 4 : i32
      %add3A_202 = arith.addi %mul3A_128, %add3A_201 : i32
      %mul3A_203 = arith.constant 48 : i32
      %mul3A_204 = arith.muli %add3A_202, %mul3A_203 : i32
      %add3A_205 = arith.addi %mul3A_2, %mul3A_204 : i32
      %dma_wait3A_206 = tpu.memref_slice %arg4[%add3A_205] : memref<331776xi32, #tpu.memory_space<hbm>> -> memref<48xi32, #tpu.memory_space<hbm>>
      %dma_wait3A_207 = tpu.memref_slice %arg4[%add3A_205] : memref<331776xi32, #tpu.memory_space<hbm>> -> memref<48xi32, #tpu.memory_space<hbm>>
      tpu.wait_dma2 semaphore(%arg36 : memref<!tpu.dma_semaphore, #tpu.memory_space<semaphore_mem>>) src(%dma_wait3A_207 : memref<48xi32, #tpu.memory_space<hbm>>) dst(%arg14 : memref<48xi32, #tpu.memory_space<vmem>>)
      %mul3A_208 = arith.constant 48 : i32
      %mul3A_209 = arith.muli %add3A_202, %mul3A_208 : i32
      %dma_wait3A_210 = tpu.memref_slice %arg9[%mul3A_209] : memref<10368xi32, #tpu.memory_space<vmem>> -> memref<48xi32, #tpu.memory_space<vmem>>
      %dma_wait3A_211 = arith.constant 0 : i32
      %dma_wait3A_212 = arith.constant 0 : i32
      %dma_wait3A_213 = tpu.memref_slice %arg2[%dma_wait3A_211, %dma_wait3A_212] : memref<10000x128xf32, #tpu.memory_space<hbm>> -> memref<10000x128xf32, #tpu.memory_space<hbm>>
      tpu.wait_indirect_dma semaphore(%arg30 : memref<!tpu.dma_semaphore, #tpu.memory_space<semaphore_mem>>) src(%dma_wait3A_213 : memref<10000x128xf32, #tpu.memory_space<hbm>>) dst(%arg20 : memref<48x128xf32, #tpu.memory_space<vmem>>)
      %dma_start3A_214 = arith.constant 0 : i32
      %dma_start3A_215 = arith.constant 0 : i32
      %dma_start3A_216 = tpu.memref_slice %arg24[%dma_start3A_214, %dma_start3A_215] : memref<10112x128xf32, #tpu.memory_space<vmem_shared>> -> memref<10112x128xf32, #tpu.memory_space<vmem_shared>>
      tpu.enqueue_indirect_dma source(%arg20 : memref<48x128xf32, #tpu.memory_space<vmem>>) target(%dma_start3A_216 : memref<10112x128xf32, #tpu.memory_space<vmem_shared>>) offsets(%arg14 : memref<48xi32, #tpu.memory_space<vmem>>) semaphore(%arg42 : memref<!tpu.dma_semaphore, #tpu.memory_space<semaphore_mem>>) {add = true}
      %dma_start3A_217 = arith.constant 0 : i32
      %dma_start3A_218 = tpu.memref_slice %arg25[%dma_start3A_217] : memref<10112xf32, #tpu.memory_space<vmem_shared>> -> memref<10112xf32, #tpu.memory_space<vmem_shared>>
      tpu.enqueue_indirect_dma source(%arg22 : memref<48xf32, #tpu.memory_space<vmem>>) target(%dma_start3A_218 : memref<10112xf32, #tpu.memory_space<vmem_shared>>) offsets(%arg14 : memref<48xi32, #tpu.memory_space<vmem>>) semaphore(%arg48 : memref<!tpu.dma_semaphore, #tpu.memory_space<semaphore_mem>>) {add = true}
      %add3A_219 = arith.constant 5 : i32
      %add3A_220 = arith.addi %mul3A_128, %add3A_219 : i32
      %mul3A_221 = arith.constant 48 : i32
      %mul3A_222 = arith.muli %add3A_220, %mul3A_221 : i32
      %add3A_223 = arith.addi %mul3A_2, %mul3A_222 : i32
      %dma_wait3A_224 = tpu.memref_slice %arg4[%add3A_223] : memref<331776xi32, #tpu.memory_space<hbm>> -> memref<48xi32, #tpu.memory_space<hbm>>
      %dma_wait3A_225 = tpu.memref_slice %arg4[%add3A_223] : memref<331776xi32, #tpu.memory_space<hbm>> -> memref<48xi32, #tpu.memory_space<hbm>>
      tpu.wait_dma2 semaphore(%arg37 : memref<!tpu.dma_semaphore, #tpu.memory_space<semaphore_mem>>) src(%dma_wait3A_225 : memref<48xi32, #tpu.memory_space<hbm>>) dst(%arg15 : memref<48xi32, #tpu.memory_space<vmem>>)
      %mul3A_226 = arith.constant 48 : i32
      %mul3A_227 = arith.muli %add3A_220, %mul3A_226 : i32
      %dma_wait3A_228 = tpu.memref_slice %arg9[%mul3A_227] : memref<10368xi32, #tpu.memory_space<vmem>> -> memref<48xi32, #tpu.memory_space<vmem>>
      %dma_wait3A_229 = arith.constant 0 : i32
      %dma_wait3A_230 = arith.constant 0 : i32
      %dma_wait3A_231 = tpu.memref_slice %arg2[%dma_wait3A_229, %dma_wait3A_230] : memref<10000x128xf32, #tpu.memory_space<hbm>> -> memref<10000x128xf32, #tpu.memory_space<hbm>>
      tpu.wait_indirect_dma semaphore(%arg31 : memref<!tpu.dma_semaphore, #tpu.memory_space<semaphore_mem>>) src(%dma_wait3A_231 : memref<10000x128xf32, #tpu.memory_space<hbm>>) dst(%arg21 : memref<48x128xf32, #tpu.memory_space<vmem>>)
      %dma_start3A_232 = arith.constant 0 : i32
      %dma_start3A_233 = arith.constant 0 : i32
      %dma_start3A_234 = tpu.memref_slice %arg24[%dma_start3A_232, %dma_start3A_233] : memref<10112x128xf32, #tpu.memory_space<vmem_shared>> -> memref<10112x128xf32, #tpu.memory_space<vmem_shared>>
      tpu.enqueue_indirect_dma source(%arg21 : memref<48x128xf32, #tpu.memory_space<vmem>>) target(%dma_start3A_234 : memref<10112x128xf32, #tpu.memory_space<vmem_shared>>) offsets(%arg15 : memref<48xi32, #tpu.memory_space<vmem>>) semaphore(%arg43 : memref<!tpu.dma_semaphore, #tpu.memory_space<semaphore_mem>>) {add = true}
      %dma_start3A_235 = arith.constant 0 : i32
      %dma_start3A_236 = tpu.memref_slice %arg25[%dma_start3A_235] : memref<10112xf32, #tpu.memory_space<vmem_shared>> -> memref<10112xf32, #tpu.memory_space<vmem_shared>>
      tpu.enqueue_indirect_dma source(%arg22 : memref<48xf32, #tpu.memory_space<vmem>>) target(%dma_start3A_236 : memref<10112xf32, #tpu.memory_space<vmem_shared>>) offsets(%arg15 : memref<48xi32, #tpu.memory_space<vmem>>) semaphore(%arg49 : memref<!tpu.dma_semaphore, #tpu.memory_space<semaphore_mem>>) {add = true}
      %lt3A = arith.constant 35 : i32
      %lt3A_237 = arith.cmpi slt, %scan3A_126, %lt3A : i32
      %convert_element_type3A = arith.extui %lt3A_237 : i1 to i32
      %cond3A = arith.constant 0 : i32
      %cond3A_238 = arith.cmpi ne, %convert_element_type3A, %cond3A : i32
      scf.if %cond3A_238 {
        %dma_wait3A_239 = arith.constant 0 : i32
        %dma_wait3A_240 = arith.constant 0 : i32
        %dma_wait3A_241 = tpu.memref_slice %arg24[%dma_wait3A_239, %dma_wait3A_240] : memref<10112x128xf32, #tpu.memory_space<vmem_shared>> -> memref<10112x128xf32, #tpu.memory_space<vmem_shared>>
        tpu.wait_indirect_dma semaphore(%arg38 : memref<!tpu.dma_semaphore, #tpu.memory_space<semaphore_mem>>) src(%arg16 : memref<48x128xf32, #tpu.memory_space<vmem>>) dst(%dma_wait3A_241 : memref<10112x128xf32, #tpu.memory_space<vmem_shared>>)
        %dma_wait3A_242 = arith.constant 0 : i32
        %dma_wait3A_243 = tpu.memref_slice %arg25[%dma_wait3A_242] : memref<10112xf32, #tpu.memory_space<vmem_shared>> -> memref<10112xf32, #tpu.memory_space<vmem_shared>>
        tpu.wait_indirect_dma semaphore(%arg44 : memref<!tpu.dma_semaphore, #tpu.memory_space<semaphore_mem>>) src(%arg22 : memref<48xf32, #tpu.memory_space<vmem>>) dst(%dma_wait3A_243 : memref<10112xf32, #tpu.memory_space<vmem_shared>>)
        %add3A_244 = arith.constant 6 : i32
        %add3A_245 = arith.addi %mul3A_128, %add3A_244 : i32
        %add3A_246 = arith.constant 0 : i32
        %add3A_247 = arith.addi %add3A_245, %add3A_246 : i32
        %mul3A_248 = arith.constant 48 : i32
        %mul3A_249 = arith.muli %add3A_247, %mul3A_248 : i32
        %add3A_250 = arith.addi %mul3A_2, %mul3A_249 : i32
        %dma_start3A_251 = tpu.memref_slice %arg4[%add3A_250] : memref<331776xi32, #tpu.memory_space<hbm>> -> memref<48xi32, #tpu.memory_space<hbm>>
        %dma_start3A_252 = tpu.memref_slice %arg4[%add3A_250] : memref<331776xi32, #tpu.memory_space<hbm>> -> memref<48xi32, #tpu.memory_space<hbm>>
        tpu.enqueue_dma source(%dma_start3A_252 : memref<48xi32, #tpu.memory_space<hbm>>) target(%arg10 : memref<48xi32, #tpu.memory_space<vmem>>) target_semaphore(%arg32 : memref<!tpu.dma_semaphore, #tpu.memory_space<semaphore_mem>>)
        %mul3A_253 = arith.constant 48 : i32
        %mul3A_254 = arith.muli %add3A_247, %mul3A_253 : i32
        %dma_start3A_255 = tpu.memref_slice %arg9[%mul3A_254] : memref<10368xi32, #tpu.memory_space<vmem>> -> memref<48xi32, #tpu.memory_space<vmem>>
        %dma_start3A_256 = arith.constant 0 : i32
        %dma_start3A_257 = arith.constant 0 : i32
        %dma_start3A_258 = tpu.memref_slice %arg2[%dma_start3A_256, %dma_start3A_257] : memref<10000x128xf32, #tpu.memory_space<hbm>> -> memref<10000x128xf32, #tpu.memory_space<hbm>>
        tpu.enqueue_indirect_dma source(%dma_start3A_258 : memref<10000x128xf32, #tpu.memory_space<hbm>>) target(%arg16 : memref<48x128xf32, #tpu.memory_space<vmem>>) offsets(%dma_start3A_255 : memref<48xi32, #tpu.memory_space<vmem>>) semaphore(%arg26 : memref<!tpu.dma_semaphore, #tpu.memory_space<semaphore_mem>>)
        %dma_wait3A_259 = arith.constant 0 : i32
        %dma_wait3A_260 = arith.constant 0 : i32
        %dma_wait3A_261 = tpu.memref_slice %arg24[%dma_wait3A_259, %dma_wait3A_260] : memref<10112x128xf32, #tpu.memory_space<vmem_shared>> -> memref<10112x128xf32, #tpu.memory_space<vmem_shared>>
        tpu.wait_indirect_dma semaphore(%arg39 : memref<!tpu.dma_semaphore, #tpu.memory_space<semaphore_mem>>) src(%arg17 : memref<48x128xf32, #tpu.memory_space<vmem>>) dst(%dma_wait3A_261 : memref<10112x128xf32, #tpu.memory_space<vmem_shared>>)
        %dma_wait3A_262 = arith.constant 0 : i32
        %dma_wait3A_263 = tpu.memref_slice %arg25[%dma_wait3A_262] : memref<10112xf32, #tpu.memory_space<vmem_shared>> -> memref<10112xf32, #tpu.memory_space<vmem_shared>>
        tpu.wait_indirect_dma semaphore(%arg45 : memref<!tpu.dma_semaphore, #tpu.memory_space<semaphore_mem>>) src(%arg22 : memref<48xf32, #tpu.memory_space<vmem>>) dst(%dma_wait3A_263 : memref<10112xf32, #tpu.memory_space<vmem_shared>>)
        %add3A_264 = arith.constant 6 : i32
        %add3A_265 = arith.addi %mul3A_128, %add3A_264 : i32
        %add3A_266 = arith.constant 1 : i32
        %add3A_267 = arith.addi %add3A_265, %add3A_266 : i32
        %mul3A_268 = arith.constant 48 : i32
        %mul3A_269 = arith.muli %add3A_267, %mul3A_268 : i32
        %add3A_270 = arith.addi %mul3A_2, %mul3A_269 : i32
        %dma_start3A_271 = tpu.memref_slice %arg4[%add3A_270] : memref<331776xi32, #tpu.memory_space<hbm>> -> memref<48xi32, #tpu.memory_space<hbm>>
        %dma_start3A_272 = tpu.memref_slice %arg4[%add3A_270] : memref<331776xi32, #tpu.memory_space<hbm>> -> memref<48xi32, #tpu.memory_space<hbm>>
        tpu.enqueue_dma source(%dma_start3A_272 : memref<48xi32, #tpu.memory_space<hbm>>) target(%arg11 : memref<48xi32, #tpu.memory_space<vmem>>) target_semaphore(%arg33 : memref<!tpu.dma_semaphore, #tpu.memory_space<semaphore_mem>>)
        %mul3A_273 = arith.constant 48 : i32
        %mul3A_274 = arith.muli %add3A_267, %mul3A_273 : i32
        %dma_start3A_275 = tpu.memref_slice %arg9[%mul3A_274] : memref<10368xi32, #tpu.memory_space<vmem>> -> memref<48xi32, #tpu.memory_space<vmem>>
        %dma_start3A_276 = arith.constant 0 : i32
        %dma_start3A_277 = arith.constant 0 : i32
        %dma_start3A_278 = tpu.memref_slice %arg2[%dma_start3A_276, %dma_start3A_277] : memref<10000x128xf32, #tpu.memory_space<hbm>> -> memref<10000x128xf32, #tpu.memory_space<hbm>>
        tpu.enqueue_indirect_dma source(%dma_start3A_278 : memref<10000x128xf32, #tpu.memory_space<hbm>>) target(%arg17 : memref<48x128xf32, #tpu.memory_space<vmem>>) offsets(%dma_start3A_275 : memref<48xi32, #tpu.memory_space<vmem>>) semaphore(%arg27 : memref<!tpu.dma_semaphore, #tpu.memory_space<semaphore_mem>>)
        %dma_wait3A_279 = arith.constant 0 : i32
        %dma_wait3A_280 = arith.constant 0 : i32
        %dma_wait3A_281 = tpu.memref_slice %arg24[%dma_wait3A_279, %dma_wait3A_280] : memref<10112x128xf32, #tpu.memory_space<vmem_shared>> -> memref<10112x128xf32, #tpu.memory_space<vmem_shared>>
        tpu.wait_indirect_dma semaphore(%arg40 : memref<!tpu.dma_semaphore, #tpu.memory_space<semaphore_mem>>) src(%arg18 : memref<48x128xf32, #tpu.memory_space<vmem>>) dst(%dma_wait3A_281 : memref<10112x128xf32, #tpu.memory_space<vmem_shared>>)
        %dma_wait3A_282 = arith.constant 0 : i32
        %dma_wait3A_283 = tpu.memref_slice %arg25[%dma_wait3A_282] : memref<10112xf32, #tpu.memory_space<vmem_shared>> -> memref<10112xf32, #tpu.memory_space<vmem_shared>>
        tpu.wait_indirect_dma semaphore(%arg46 : memref<!tpu.dma_semaphore, #tpu.memory_space<semaphore_mem>>) src(%arg22 : memref<48xf32, #tpu.memory_space<vmem>>) dst(%dma_wait3A_283 : memref<10112xf32, #tpu.memory_space<vmem_shared>>)
        %add3A_284 = arith.constant 6 : i32
        %add3A_285 = arith.addi %mul3A_128, %add3A_284 : i32
        %add3A_286 = arith.constant 2 : i32
        %add3A_287 = arith.addi %add3A_285, %add3A_286 : i32
        %mul3A_288 = arith.constant 48 : i32
        %mul3A_289 = arith.muli %add3A_287, %mul3A_288 : i32
        %add3A_290 = arith.addi %mul3A_2, %mul3A_289 : i32
        %dma_start3A_291 = tpu.memref_slice %arg4[%add3A_290] : memref<331776xi32, #tpu.memory_space<hbm>> -> memref<48xi32, #tpu.memory_space<hbm>>
        %dma_start3A_292 = tpu.memref_slice %arg4[%add3A_290] : memref<331776xi32, #tpu.memory_space<hbm>> -> memref<48xi32, #tpu.memory_space<hbm>>
        tpu.enqueue_dma source(%dma_start3A_292 : memref<48xi32, #tpu.memory_space<hbm>>) target(%arg12 : memref<48xi32, #tpu.memory_space<vmem>>) target_semaphore(%arg34 : memref<!tpu.dma_semaphore, #tpu.memory_space<semaphore_mem>>)
        %mul3A_293 = arith.constant 48 : i32
        %mul3A_294 = arith.muli %add3A_287, %mul3A_293 : i32
        %dma_start3A_295 = tpu.memref_slice %arg9[%mul3A_294] : memref<10368xi32, #tpu.memory_space<vmem>> -> memref<48xi32, #tpu.memory_space<vmem>>
        %dma_start3A_296 = arith.constant 0 : i32
        %dma_start3A_297 = arith.constant 0 : i32
        %dma_start3A_298 = tpu.memref_slice %arg2[%dma_start3A_296, %dma_start3A_297] : memref<10000x128xf32, #tpu.memory_space<hbm>> -> memref<10000x128xf32, #tpu.memory_space<hbm>>
        tpu.enqueue_indirect_dma source(%dma_start3A_298 : memref<10000x128xf32, #tpu.memory_space<hbm>>) target(%arg18 : memref<48x128xf32, #tpu.memory_space<vmem>>) offsets(%dma_start3A_295 : memref<48xi32, #tpu.memory_space<vmem>>) semaphore(%arg28 : memref<!tpu.dma_semaphore, #tpu.memory_space<semaphore_mem>>)
        %dma_wait3A_299 = arith.constant 0 : i32
        %dma_wait3A_300 = arith.constant 0 : i32
        %dma_wait3A_301 = tpu.memref_slice %arg24[%dma_wait3A_299, %dma_wait3A_300] : memref<10112x128xf32, #tpu.memory_space<vmem_shared>> -> memref<10112x128xf32, #tpu.memory_space<vmem_shared>>
        tpu.wait_indirect_dma semaphore(%arg41 : memref<!tpu.dma_semaphore, #tpu.memory_space<semaphore_mem>>) src(%arg19 : memref<48x128xf32, #tpu.memory_space<vmem>>) dst(%dma_wait3A_301 : memref<10112x128xf32, #tpu.memory_space<vmem_shared>>)
        %dma_wait3A_302 = arith.constant 0 : i32
        %dma_wait3A_303 = tpu.memref_slice %arg25[%dma_wait3A_302] : memref<10112xf32, #tpu.memory_space<vmem_shared>> -> memref<10112xf32, #tpu.memory_space<vmem_shared>>
        tpu.wait_indirect_dma semaphore(%arg47 : memref<!tpu.dma_semaphore, #tpu.memory_space<semaphore_mem>>) src(%arg22 : memref<48xf32, #tpu.memory_space<vmem>>) dst(%dma_wait3A_303 : memref<10112xf32, #tpu.memory_space<vmem_shared>>)
        %add3A_304 = arith.constant 6 : i32
        %add3A_305 = arith.addi %mul3A_128, %add3A_304 : i32
        %add3A_306 = arith.constant 3 : i32
        %add3A_307 = arith.addi %add3A_305, %add3A_306 : i32
        %mul3A_308 = arith.constant 48 : i32
        %mul3A_309 = arith.muli %add3A_307, %mul3A_308 : i32
        %add3A_310 = arith.addi %mul3A_2, %mul3A_309 : i32
        %dma_start3A_311 = tpu.memref_slice %arg4[%add3A_310] : memref<331776xi32, #tpu.memory_space<hbm>> -> memref<48xi32, #tpu.memory_space<hbm>>
        %dma_start3A_312 = tpu.memref_slice %arg4[%add3A_310] : memref<331776xi32, #tpu.memory_space<hbm>> -> memref<48xi32, #tpu.memory_space<hbm>>
        tpu.enqueue_dma source(%dma_start3A_312 : memref<48xi32, #tpu.memory_space<hbm>>) target(%arg13 : memref<48xi32, #tpu.memory_space<vmem>>) target_semaphore(%arg35 : memref<!tpu.dma_semaphore, #tpu.memory_space<semaphore_mem>>)
        %mul3A_313 = arith.constant 48 : i32
        %mul3A_314 = arith.muli %add3A_307, %mul3A_313 : i32
        %dma_start3A_315 = tpu.memref_slice %arg9[%mul3A_314] : memref<10368xi32, #tpu.memory_space<vmem>> -> memref<48xi32, #tpu.memory_space<vmem>>
        %dma_start3A_316 = arith.constant 0 : i32
        %dma_start3A_317 = arith.constant 0 : i32
        %dma_start3A_318 = tpu.memref_slice %arg2[%dma_start3A_316, %dma_start3A_317] : memref<10000x128xf32, #tpu.memory_space<hbm>> -> memref<10000x128xf32, #tpu.memory_space<hbm>>
        tpu.enqueue_indirect_dma source(%dma_start3A_318 : memref<10000x128xf32, #tpu.memory_space<hbm>>) target(%arg19 : memref<48x128xf32, #tpu.memory_space<vmem>>) offsets(%dma_start3A_315 : memref<48xi32, #tpu.memory_space<vmem>>) semaphore(%arg29 : memref<!tpu.dma_semaphore, #tpu.memory_space<semaphore_mem>>)
        %dma_wait3A_319 = arith.constant 0 : i32
        %dma_wait3A_320 = arith.constant 0 : i32
        %dma_wait3A_321 = tpu.memref_slice %arg24[%dma_wait3A_319, %dma_wait3A_320] : memref<10112x128xf32, #tpu.memory_space<vmem_shared>> -> memref<10112x128xf32, #tpu.memory_space<vmem_shared>>
        tpu.wait_indirect_dma semaphore(%arg42 : memref<!tpu.dma_semaphore, #tpu.memory_space<semaphore_mem>>) src(%arg20 : memref<48x128xf32, #tpu.memory_space<vmem>>) dst(%dma_wait3A_321 : memref<10112x128xf32, #tpu.memory_space<vmem_shared>>)
        %dma_wait3A_322 = arith.constant 0 : i32
        %dma_wait3A_323 = tpu.memref_slice %arg25[%dma_wait3A_322] : memref<10112xf32, #tpu.memory_space<vmem_shared>> -> memref<10112xf32, #tpu.memory_space<vmem_shared>>
        tpu.wait_indirect_dma semaphore(%arg48 : memref<!tpu.dma_semaphore, #tpu.memory_space<semaphore_mem>>) src(%arg22 : memref<48xf32, #tpu.memory_space<vmem>>) dst(%dma_wait3A_323 : memref<10112xf32, #tpu.memory_space<vmem_shared>>)
        %add3A_324 = arith.constant 6 : i32
        %add3A_325 = arith.addi %mul3A_128, %add3A_324 : i32
        %add3A_326 = arith.constant 4 : i32
        %add3A_327 = arith.addi %add3A_325, %add3A_326 : i32
        %mul3A_328 = arith.constant 48 : i32
        %mul3A_329 = arith.muli %add3A_327, %mul3A_328 : i32
        %add3A_330 = arith.addi %mul3A_2, %mul3A_329 : i32
        %dma_start3A_331 = tpu.memref_slice %arg4[%add3A_330] : memref<331776xi32, #tpu.memory_space<hbm>> -> memref<48xi32, #tpu.memory_space<hbm>>
        %dma_start3A_332 = tpu.memref_slice %arg4[%add3A_330] : memref<331776xi32, #tpu.memory_space<hbm>> -> memref<48xi32, #tpu.memory_space<hbm>>
        tpu.enqueue_dma source(%dma_start3A_332 : memref<48xi32, #tpu.memory_space<hbm>>) target(%arg14 : memref<48xi32, #tpu.memory_space<vmem>>) target_semaphore(%arg36 : memref<!tpu.dma_semaphore, #tpu.memory_space<semaphore_mem>>)
        %mul3A_333 = arith.constant 48 : i32
        %mul3A_334 = arith.muli %add3A_327, %mul3A_333 : i32
        %dma_start3A_335 = tpu.memref_slice %arg9[%mul3A_334] : memref<10368xi32, #tpu.memory_space<vmem>> -> memref<48xi32, #tpu.memory_space<vmem>>
        %dma_start3A_336 = arith.constant 0 : i32
        %dma_start3A_337 = arith.constant 0 : i32
        %dma_start3A_338 = tpu.memref_slice %arg2[%dma_start3A_336, %dma_start3A_337] : memref<10000x128xf32, #tpu.memory_space<hbm>> -> memref<10000x128xf32, #tpu.memory_space<hbm>>
        tpu.enqueue_indirect_dma source(%dma_start3A_338 : memref<10000x128xf32, #tpu.memory_space<hbm>>) target(%arg20 : memref<48x128xf32, #tpu.memory_space<vmem>>) offsets(%dma_start3A_335 : memref<48xi32, #tpu.memory_space<vmem>>) semaphore(%arg30 : memref<!tpu.dma_semaphore, #tpu.memory_space<semaphore_mem>>)
        %dma_wait3A_339 = arith.constant 0 : i32
        %dma_wait3A_340 = arith.constant 0 : i32
        %dma_wait3A_341 = tpu.memref_slice %arg24[%dma_wait3A_339, %dma_wait3A_340] : memref<10112x128xf32, #tpu.memory_space<vmem_shared>> -> memref<10112x128xf32, #tpu.memory_space<vmem_shared>>
        tpu.wait_indirect_dma semaphore(%arg43 : memref<!tpu.dma_semaphore, #tpu.memory_space<semaphore_mem>>) src(%arg21 : memref<48x128xf32, #tpu.memory_space<vmem>>) dst(%dma_wait3A_341 : memref<10112x128xf32, #tpu.memory_space<vmem_shared>>)
        %dma_wait3A_342 = arith.constant 0 : i32
        %dma_wait3A_343 = tpu.memref_slice %arg25[%dma_wait3A_342] : memref<10112xf32, #tpu.memory_space<vmem_shared>> -> memref<10112xf32, #tpu.memory_space<vmem_shared>>
        tpu.wait_indirect_dma semaphore(%arg49 : memref<!tpu.dma_semaphore, #tpu.memory_space<semaphore_mem>>) src(%arg22 : memref<48xf32, #tpu.memory_space<vmem>>) dst(%dma_wait3A_343 : memref<10112xf32, #tpu.memory_space<vmem_shared>>)
        %add3A_344 = arith.constant 6 : i32
        %add3A_345 = arith.addi %mul3A_128, %add3A_344 : i32
        %add3A_346 = arith.constant 5 : i32
        %add3A_347 = arith.addi %add3A_345, %add3A_346 : i32
        %mul3A_348 = arith.constant 48 : i32
        %mul3A_349 = arith.muli %add3A_347, %mul3A_348 : i32
        %add3A_350 = arith.addi %mul3A_2, %mul3A_349 : i32
        %dma_start3A_351 = tpu.memref_slice %arg4[%add3A_350] : memref<331776xi32, #tpu.memory_space<hbm>> -> memref<48xi32, #tpu.memory_space<hbm>>
        %dma_start3A_352 = tpu.memref_slice %arg4[%add3A_350] : memref<331776xi32, #tpu.memory_space<hbm>> -> memref<48xi32, #tpu.memory_space<hbm>>
        tpu.enqueue_dma source(%dma_start3A_352 : memref<48xi32, #tpu.memory_space<hbm>>) target(%arg15 : memref<48xi32, #tpu.memory_space<vmem>>) target_semaphore(%arg37 : memref<!tpu.dma_semaphore, #tpu.memory_space<semaphore_mem>>)
        %mul3A_353 = arith.constant 48 : i32
        %mul3A_354 = arith.muli %add3A_347, %mul3A_353 : i32
        %dma_start3A_355 = tpu.memref_slice %arg9[%mul3A_354] : memref<10368xi32, #tpu.memory_space<vmem>> -> memref<48xi32, #tpu.memory_space<vmem>>
        %dma_start3A_356 = arith.constant 0 : i32
        %dma_start3A_357 = arith.constant 0 : i32
        %dma_start3A_358 = tpu.memref_slice %arg2[%dma_start3A_356, %dma_start3A_357] : memref<10000x128xf32, #tpu.memory_space<hbm>> -> memref<10000x128xf32, #tpu.memory_space<hbm>>
        tpu.enqueue_indirect_dma source(%dma_start3A_358 : memref<10000x128xf32, #tpu.memory_space<hbm>>) target(%arg21 : memref<48x128xf32, #tpu.memory_space<vmem>>) offsets(%dma_start3A_355 : memref<48xi32, #tpu.memory_space<vmem>>) semaphore(%arg31 : memref<!tpu.dma_semaphore, #tpu.memory_space<semaphore_mem>>)
      } else {
      }
    }
    %scan3A_84 = arith.constant 36 : i32
    %dma_wait3A = arith.constant 0 : i32
    %dma_wait3A_85 = arith.constant 0 : i32
    %dma_wait3A_86 = tpu.memref_slice %arg24[%dma_wait3A, %dma_wait3A_85] : memref<10112x128xf32, #tpu.memory_space<vmem_shared>> -> memref<10112x128xf32, #tpu.memory_space<vmem_shared>>
    tpu.wait_indirect_dma semaphore(%arg38 : memref<!tpu.dma_semaphore, #tpu.memory_space<semaphore_mem>>) src(%arg16 : memref<48x128xf32, #tpu.memory_space<vmem>>) dst(%dma_wait3A_86 : memref<10112x128xf32, #tpu.memory_space<vmem_shared>>)
    %dma_wait3A_87 = arith.constant 0 : i32
    %dma_wait3A_88 = tpu.memref_slice %arg25[%dma_wait3A_87] : memref<10112xf32, #tpu.memory_space<vmem_shared>> -> memref<10112xf32, #tpu.memory_space<vmem_shared>>
    tpu.wait_indirect_dma semaphore(%arg44 : memref<!tpu.dma_semaphore, #tpu.memory_space<semaphore_mem>>) src(%arg22 : memref<48xf32, #tpu.memory_space<vmem>>) dst(%dma_wait3A_88 : memref<10112xf32, #tpu.memory_space<vmem_shared>>)
    %dma_wait3A_89 = arith.constant 0 : i32
    %dma_wait3A_90 = arith.constant 0 : i32
    %dma_wait3A_91 = tpu.memref_slice %arg24[%dma_wait3A_89, %dma_wait3A_90] : memref<10112x128xf32, #tpu.memory_space<vmem_shared>> -> memref<10112x128xf32, #tpu.memory_space<vmem_shared>>
    tpu.wait_indirect_dma semaphore(%arg39 : memref<!tpu.dma_semaphore, #tpu.memory_space<semaphore_mem>>) src(%arg17 : memref<48x128xf32, #tpu.memory_space<vmem>>) dst(%dma_wait3A_91 : memref<10112x128xf32, #tpu.memory_space<vmem_shared>>)
    %dma_wait3A_92 = arith.constant 0 : i32
    %dma_wait3A_93 = tpu.memref_slice %arg25[%dma_wait3A_92] : memref<10112xf32, #tpu.memory_space<vmem_shared>> -> memref<10112xf32, #tpu.memory_space<vmem_shared>>
    tpu.wait_indirect_dma semaphore(%arg45 : memref<!tpu.dma_semaphore, #tpu.memory_space<semaphore_mem>>) src(%arg22 : memref<48xf32, #tpu.memory_space<vmem>>) dst(%dma_wait3A_93 : memref<10112xf32, #tpu.memory_space<vmem_shared>>)
    %dma_wait3A_94 = arith.constant 0 : i32
    %dma_wait3A_95 = arith.constant 0 : i32
    %dma_wait3A_96 = tpu.memref_slice %arg24[%dma_wait3A_94, %dma_wait3A_95] : memref<10112x128xf32, #tpu.memory_space<vmem_shared>> -> memref<10112x128xf32, #tpu.memory_space<vmem_shared>>
    tpu.wait_indirect_dma semaphore(%arg40 : memref<!tpu.dma_semaphore, #tpu.memory_space<semaphore_mem>>) src(%arg18 : memref<48x128xf32, #tpu.memory_space<vmem>>) dst(%dma_wait3A_96 : memref<10112x128xf32, #tpu.memory_space<vmem_shared>>)
    %dma_wait3A_97 = arith.constant 0 : i32
    %dma_wait3A_98 = tpu.memref_slice %arg25[%dma_wait3A_97] : memref<10112xf32, #tpu.memory_space<vmem_shared>> -> memref<10112xf32, #tpu.memory_space<vmem_shared>>
    tpu.wait_indirect_dma semaphore(%arg46 : memref<!tpu.dma_semaphore, #tpu.memory_space<semaphore_mem>>) src(%arg22 : memref<48xf32, #tpu.memory_space<vmem>>) dst(%dma_wait3A_98 : memref<10112xf32, #tpu.memory_space<vmem_shared>>)
    %dma_wait3A_99 = arith.constant 0 : i32
    %dma_wait3A_100 = arith.constant 0 : i32
    %dma_wait3A_101 = tpu.memref_slice %arg24[%dma_wait3A_99, %dma_wait3A_100] : memref<10112x128xf32, #tpu.memory_space<vmem_shared>> -> memref<10112x128xf32, #tpu.memory_space<vmem_shared>>
    tpu.wait_indirect_dma semaphore(%arg41 : memref<!tpu.dma_semaphore, #tpu.memory_space<semaphore_mem>>) src(%arg19 : memref<48x128xf32, #tpu.memory_space<vmem>>) dst(%dma_wait3A_101 : memref<10112x128xf32, #tpu.memory_space<vmem_shared>>)
    %dma_wait3A_102 = arith.constant 0 : i32
    %dma_wait3A_103 = tpu.memref_slice %arg25[%dma_wait3A_102] : memref<10112xf32, #tpu.memory_space<vmem_shared>> -> memref<10112xf32, #tpu.memory_space<vmem_shared>>
    tpu.wait_indirect_dma semaphore(%arg47 : memref<!tpu.dma_semaphore, #tpu.memory_space<semaphore_mem>>) src(%arg22 : memref<48xf32, #tpu.memory_space<vmem>>) dst(%dma_wait3A_103 : memref<10112xf32, #tpu.memory_space<vmem_shared>>)
    %dma_wait3A_104 = arith.constant 0 : i32
    %dma_wait3A_105 = arith.constant 0 : i32
    %dma_wait3A_106 = tpu.memref_slice %arg24[%dma_wait3A_104, %dma_wait3A_105] : memref<10112x128xf32, #tpu.memory_space<vmem_shared>> -> memref<10112x128xf32, #tpu.memory_space<vmem_shared>>
    tpu.wait_indirect_dma semaphore(%arg42 : memref<!tpu.dma_semaphore, #tpu.memory_space<semaphore_mem>>) src(%arg20 : memref<48x128xf32, #tpu.memory_space<vmem>>) dst(%dma_wait3A_106 : memref<10112x128xf32, #tpu.memory_space<vmem_shared>>)
    %dma_wait3A_107 = arith.constant 0 : i32
    %dma_wait3A_108 = tpu.memref_slice %arg25[%dma_wait3A_107] : memref<10112xf32, #tpu.memory_space<vmem_shared>> -> memref<10112xf32, #tpu.memory_space<vmem_shared>>
    tpu.wait_indirect_dma semaphore(%arg48 : memref<!tpu.dma_semaphore, #tpu.memory_space<semaphore_mem>>) src(%arg22 : memref<48xf32, #tpu.memory_space<vmem>>) dst(%dma_wait3A_108 : memref<10112xf32, #tpu.memory_space<vmem_shared>>)
    %dma_wait3A_109 = arith.constant 0 : i32
    %dma_wait3A_110 = arith.constant 0 : i32
    %dma_wait3A_111 = tpu.memref_slice %arg24[%dma_wait3A_109, %dma_wait3A_110] : memref<10112x128xf32, #tpu.memory_space<vmem_shared>> -> memref<10112x128xf32, #tpu.memory_space<vmem_shared>>
    tpu.wait_indirect_dma semaphore(%arg43 : memref<!tpu.dma_semaphore, #tpu.memory_space<semaphore_mem>>) src(%arg21 : memref<48x128xf32, #tpu.memory_space<vmem>>) dst(%dma_wait3A_111 : memref<10112x128xf32, #tpu.memory_space<vmem_shared>>)
    %dma_wait3A_112 = arith.constant 0 : i32
    %dma_wait3A_113 = tpu.memref_slice %arg25[%dma_wait3A_112] : memref<10112xf32, #tpu.memory_space<vmem_shared>> -> memref<10112xf32, #tpu.memory_space<vmem_shared>>
    tpu.wait_indirect_dma semaphore(%arg49 : memref<!tpu.dma_semaphore, #tpu.memory_space<semaphore_mem>>) src(%arg22 : memref<48xf32, #tpu.memory_space<vmem>>) dst(%dma_wait3A_113 : memref<10112xf32, #tpu.memory_space<vmem_shared>>)
    %barrier3A_114 = arith.constant 0 : index
    tpu.barrier barrier_id(%barrier3A_114)
    %mul3A_115 = arith.constant 632 : i32
    %mul3A_116 = arith.muli %arg1, %mul3A_115 : i32
    %mul3A_117 = arith.constant 632 : i32
    %mul3A_118 = arith.muli %arg1, %mul3A_117 : i32
    "tpu.region"() ({
      %run_scoped3A = tpu.sem_alloc : memref<!tpu.dma_semaphore, #tpu.memory_space<semaphore_mem>>
      %dma_start3A_126 = arith.constant 0 : i32
      %dma_start3A_127 = tpu.memref_slice %arg7[%arg0, %mul3A_118, %dma_start3A_126] : memref<2x10112x128xf32, #tpu.memory_space<hbm>> -> memref<1x632x128xf32, #tpu.memory_space<hbm>>
      %dma_start3A_128 = tpu.memref_squeeze %dma_start3A_127 : memref<1x632x128xf32, #tpu.memory_space<hbm>> -> memref<632x128xf32, #tpu.memory_space<hbm>>
      %dma_start3A_129 = arith.constant 0 : i32
      %dma_start3A_130 = tpu.memref_slice %arg24[%mul3A_116, %dma_start3A_129] : memref<10112x128xf32, #tpu.memory_space<vmem_shared>> -> memref<632x128xf32, #tpu.memory_space<vmem_shared>>
      tpu.enqueue_dma source(%dma_start3A_130 : memref<632x128xf32, #tpu.memory_space<vmem_shared>>) target(%dma_start3A_128 : memref<632x128xf32, #tpu.memory_space<hbm>>) target_semaphore(%run_scoped3A : memref<!tpu.dma_semaphore, #tpu.memory_space<semaphore_mem>>)
      %dma_wait3A_131 = arith.constant 0 : i32
      %dma_wait3A_132 = tpu.memref_slice %arg7[%arg0, %mul3A_118, %dma_wait3A_131] : memref<2x10112x128xf32, #tpu.memory_space<hbm>> -> memref<1x632x128xf32, #tpu.memory_space<hbm>>
      %dma_wait3A_133 = tpu.memref_squeeze %dma_wait3A_132 : memref<1x632x128xf32, #tpu.memory_space<hbm>> -> memref<632x128xf32, #tpu.memory_space<hbm>>
      %dma_wait3A_134 = arith.constant 0 : i32
      %dma_wait3A_135 = tpu.memref_slice %arg24[%mul3A_116, %dma_wait3A_134] : memref<10112x128xf32, #tpu.memory_space<vmem_shared>> -> memref<632x128xf32, #tpu.memory_space<vmem_shared>>
      tpu.wait_dma2 semaphore(%run_scoped3A : memref<!tpu.dma_semaphore, #tpu.memory_space<semaphore_mem>>) src(%dma_wait3A_135 : memref<632x128xf32, #tpu.memory_space<vmem_shared>>) dst(%dma_wait3A_133 : memref<632x128xf32, #tpu.memory_space<hbm>>)
      tpu.yield
    }) : () -> ()
    %mul3A_119 = arith.constant 632 : i32
    %mul3A_120 = arith.muli %arg1, %mul3A_119 : i32
    "tpu.region"() ({
      %run_scoped3A = tpu.sem_alloc : memref<!tpu.dma_semaphore, #tpu.memory_space<semaphore_mem>>
      %dma_start3A_126 = tpu.memref_slice %arg25[%mul3A_120] : memref<10112xf32, #tpu.memory_space<vmem_shared>> -> memref<632xf32, #tpu.memory_space<vmem_shared>>
      %dma_start3A_127 = tpu.memref_slice %arg25[%mul3A_120] : memref<10112xf32, #tpu.memory_space<vmem_shared>> -> memref<632xf32, #tpu.memory_space<vmem_shared>>
      tpu.enqueue_dma source(%dma_start3A_127 : memref<632xf32, #tpu.memory_space<vmem_shared>>) target(%arg23 : memref<632xf32, #tpu.memory_space<vmem>>) target_semaphore(%run_scoped3A : memref<!tpu.dma_semaphore, #tpu.memory_space<semaphore_mem>>)
      %dma_wait3A_128 = tpu.memref_slice %arg25[%mul3A_120] : memref<10112xf32, #tpu.memory_space<vmem_shared>> -> memref<632xf32, #tpu.memory_space<vmem_shared>>
      %dma_wait3A_129 = tpu.memref_slice %arg25[%mul3A_120] : memref<10112xf32, #tpu.memory_space<vmem_shared>> -> memref<632xf32, #tpu.memory_space<vmem_shared>>
      tpu.wait_dma2 semaphore(%run_scoped3A : memref<!tpu.dma_semaphore, #tpu.memory_space<semaphore_mem>>) src(%dma_wait3A_129 : memref<632xf32, #tpu.memory_space<vmem_shared>>) dst(%arg23 : memref<632xf32, #tpu.memory_space<vmem>>)
      tpu.yield
    }) : () -> ()
    %mul3A_121 = arith.constant 10112 : i32
    %mul3A_122 = arith.muli %arg0, %mul3A_121 : i32
    %mul3A_123 = arith.constant 632 : i32
    %mul3A_124 = arith.muli %arg1, %mul3A_123 : i32
    %add3A_125 = arith.addi %mul3A_122, %mul3A_124 : i32
    "tpu.region"() ({
      %run_scoped3A = tpu.sem_alloc : memref<!tpu.dma_semaphore, #tpu.memory_space<semaphore_mem>>
      %dma_start3A_126 = tpu.memref_slice %arg8[%add3A_125] : memref<20224xf32, #tpu.memory_space<hbm>> -> memref<632xf32, #tpu.memory_space<hbm>>
      %dma_start3A_127 = tpu.memref_slice %arg8[%add3A_125] : memref<20224xf32, #tpu.memory_space<hbm>> -> memref<632xf32, #tpu.memory_space<hbm>>
      tpu.enqueue_dma source(%arg23 : memref<632xf32, #tpu.memory_space<vmem>>) target(%dma_start3A_127 : memref<632xf32, #tpu.memory_space<hbm>>) target_semaphore(%run_scoped3A : memref<!tpu.dma_semaphore, #tpu.memory_space<semaphore_mem>>)
      %dma_wait3A_128 = tpu.memref_slice %arg8[%add3A_125] : memref<20224xf32, #tpu.memory_space<hbm>> -> memref<632xf32, #tpu.memory_space<hbm>>
      %dma_wait3A_129 = tpu.memref_slice %arg8[%add3A_125] : memref<20224xf32, #tpu.memory_space<hbm>> -> memref<632xf32, #tpu.memory_space<hbm>>
      tpu.wait_dma2 semaphore(%run_scoped3A : memref<!tpu.dma_semaphore, #tpu.memory_space<semaphore_mem>>) src(%arg23 : memref<632xf32, #tpu.memory_space<vmem>>) dst(%dma_wait3A_129 : memref<632xf32, #tpu.memory_space<hbm>>)
      tpu.yield
    }) : () -> ()
    return
  }
}

#map = affine_map<(d0, d1) -> (0)>
module attributes {stable_mosaic.version = 14 : i64} {
  func.func @body(%arg0: i32, %arg1: i32, %arg2: memref<20000xf32, #tpu.memory_space<hbm>>, %arg3: memref<331776xi32, #tpu.memory_space<hbm>>, %arg4: memref<331776xi32, #tpu.memory_space<hbm>>, %arg5: memref<40448xf32, #tpu.memory_space<hbm>>, %arg6: memref<20000xf32, #tpu.memory_space<vmem>>, %arg7: memref<10368xi32, #tpu.memory_space<vmem>>, %arg8: memref<10368xi32, #tpu.memory_space<vmem>>, %arg9: memref<1264xf32, #tpu.memory_space<vmem>>, %arg10: memref<64xf32, #tpu.memory_space<vmem>>, %arg11: memref<64xf32, #tpu.memory_space<vmem>>, %arg12: memref<64xf32, #tpu.memory_space<vmem>>, %arg13: memref<64xf32, #tpu.memory_space<vmem>>, %arg14: memref<64xi32, #tpu.memory_space<vmem>>, %arg15: memref<64xi32, #tpu.memory_space<vmem>>, %arg16: memref<64xi32, #tpu.memory_space<vmem>>, %arg17: memref<64xi32, #tpu.memory_space<vmem>>, %arg18: memref<20224xf32, #tpu.memory_space<vmem_shared>>, %arg19: memref<!tpu.dma_semaphore, #tpu.memory_space<semaphore_mem>>, %arg20: memref<!tpu.dma_semaphore, #tpu.memory_space<semaphore_mem>>, %arg21: memref<!tpu.dma_semaphore, #tpu.memory_space<semaphore_mem>>, %arg22: memref<!tpu.dma_semaphore, #tpu.memory_space<semaphore_mem>>, %arg23: memref<!tpu.dma_semaphore, #tpu.memory_space<semaphore_mem>>, %arg24: memref<!tpu.dma_semaphore, #tpu.memory_space<semaphore_mem>>, %arg25: memref<!tpu.dma_semaphore, #tpu.memory_space<semaphore_mem>>) attributes {dimension_semantics = [#tpu.dimension_semantics<core_parallel>, #tpu.dimension_semantics<subcore_parallel>], iteration_bounds = array<i64: 2, 16>, scalar_prefetch = 0 : i64, scratch_operands = 20 : i64, tpu.core_type = #tpu.core_type<sc_vector_subcore>, window_params = [{transform_indices = #map}, {transform_indices = #map}, {transform_indices = #map}, {transform_indices = #map}]} {
    %mul3A = arith.constant 2 : i32
    %mul3A_0 = arith.muli %arg1, %mul3A : i32
    %add3A = arith.addi %mul3A_0, %arg0 : i32
    %mul3A_1 = arith.constant 10368 : i32
    %mul3A_2 = arith.muli %add3A, %mul3A_1 : i32
    tpu.enqueue_dma source(%arg2 : memref<20000xf32, #tpu.memory_space<hbm>>) target(%arg6 : memref<20000xf32, #tpu.memory_space<vmem>>) target_semaphore(%arg23 : memref<!tpu.dma_semaphore, #tpu.memory_space<semaphore_mem>>)
    %dma_start3A = tpu.memref_slice %arg3[%mul3A_2] : memref<331776xi32, #tpu.memory_space<hbm>> -> memref<10368xi32, #tpu.memory_space<hbm>>
    %dma_start3A_3 = tpu.memref_slice %arg3[%mul3A_2] : memref<331776xi32, #tpu.memory_space<hbm>> -> memref<10368xi32, #tpu.memory_space<hbm>>
    tpu.enqueue_dma source(%dma_start3A_3 : memref<10368xi32, #tpu.memory_space<hbm>>) target(%arg7 : memref<10368xi32, #tpu.memory_space<vmem>>) target_semaphore(%arg24 : memref<!tpu.dma_semaphore, #tpu.memory_space<semaphore_mem>>)
    %dma_start3A_4 = tpu.memref_slice %arg4[%mul3A_2] : memref<331776xi32, #tpu.memory_space<hbm>> -> memref<10368xi32, #tpu.memory_space<hbm>>
    %dma_start3A_5 = tpu.memref_slice %arg4[%mul3A_2] : memref<331776xi32, #tpu.memory_space<hbm>> -> memref<10368xi32, #tpu.memory_space<hbm>>
    tpu.enqueue_dma source(%dma_start3A_5 : memref<10368xi32, #tpu.memory_space<hbm>>) target(%arg8 : memref<10368xi32, #tpu.memory_space<vmem>>) target_semaphore(%arg25 : memref<!tpu.dma_semaphore, #tpu.memory_space<semaphore_mem>>)
    %broadcast_in_dim3A = arith.constant 0.000000e+00 : f32
    %broadcast_in_dim3A_6 = vector.broadcast %broadcast_in_dim3A : f32 to vector<16xf32>
    %swap3A = arith.constant 0 : index
    %swap3A_7 = tpu.vector_load %arg9[%swap3A] {strides = array<i32>} : memref<1264xf32, #tpu.memory_space<vmem>>, vector<16xf32>,
    tpu.vector_store %arg9[%swap3A], %broadcast_in_dim3A_6 {strides = array<i32>} : memref<1264xf32, #tpu.memory_space<vmem>>, vector<16xf32>,
    %broadcast_in_dim3A_8 = arith.constant 0.000000e+00 : f32
    %broadcast_in_dim3A_9 = vector.broadcast %broadcast_in_dim3A_8 : f32 to vector<16xf32>
    %swap3A_10 = arith.constant 16 : index
    %swap3A_11 = tpu.vector_load %arg9[%swap3A_10] {strides = array<i32>} : memref<1264xf32, #tpu.memory_space<vmem>>, vector<16xf32>,
    tpu.vector_store %arg9[%swap3A_10], %broadcast_in_dim3A_9 {strides = array<i32>} : memref<1264xf32, #tpu.memory_space<vmem>>, vector<16xf32>,
    %broadcast_in_dim3A_12 = arith.constant 0.000000e+00 : f32
    %broadcast_in_dim3A_13 = vector.broadcast %broadcast_in_dim3A_12 : f32 to vector<16xf32>
    %swap3A_14 = arith.constant 32 : index
    %swap3A_15 = tpu.vector_load %arg9[%swap3A_14] {strides = array<i32>} : memref<1264xf32, #tpu.memory_space<vmem>>, vector<16xf32>,
    tpu.vector_store %arg9[%swap3A_14], %broadcast_in_dim3A_13 {strides = array<i32>} : memref<1264xf32, #tpu.memory_space<vmem>>, vector<16xf32>,
    %broadcast_in_dim3A_16 = arith.constant 0.000000e+00 : f32
    %broadcast_in_dim3A_17 = vector.broadcast %broadcast_in_dim3A_16 : f32 to vector<16xf32>
    %swap3A_18 = arith.constant 48 : index
    %swap3A_19 = tpu.vector_load %arg9[%swap3A_18] {strides = array<i32>} : memref<1264xf32, #tpu.memory_space<vmem>>, vector<16xf32>,
    tpu.vector_store %arg9[%swap3A_18], %broadcast_in_dim3A_17 {strides = array<i32>} : memref<1264xf32, #tpu.memory_space<vmem>>, vector<16xf32>,
    %broadcast_in_dim3A_20 = arith.constant 0.000000e+00 : f32
    %broadcast_in_dim3A_21 = vector.broadcast %broadcast_in_dim3A_20 : f32 to vector<16xf32>
    %swap3A_22 = arith.constant 64 : index
    %swap3A_23 = tpu.vector_load %arg9[%swap3A_22] {strides = array<i32>} : memref<1264xf32, #tpu.memory_space<vmem>>, vector<16xf32>,
    tpu.vector_store %arg9[%swap3A_22], %broadcast_in_dim3A_21 {strides = array<i32>} : memref<1264xf32, #tpu.memory_space<vmem>>, vector<16xf32>,
    %broadcast_in_dim3A_24 = arith.constant 0.000000e+00 : f32
    %broadcast_in_dim3A_25 = vector.broadcast %broadcast_in_dim3A_24 : f32 to vector<16xf32>
    %swap3A_26 = arith.constant 80 : index
    %swap3A_27 = tpu.vector_load %arg9[%swap3A_26] {strides = array<i32>} : memref<1264xf32, #tpu.memory_space<vmem>>, vector<16xf32>,
    tpu.vector_store %arg9[%swap3A_26], %broadcast_in_dim3A_25 {strides = array<i32>} : memref<1264xf32, #tpu.memory_space<vmem>>, vector<16xf32>,
    %broadcast_in_dim3A_28 = arith.constant 0.000000e+00 : f32
    %broadcast_in_dim3A_29 = vector.broadcast %broadcast_in_dim3A_28 : f32 to vector<16xf32>
    %swap3A_30 = arith.constant 96 : index
    %swap3A_31 = tpu.vector_load %arg9[%swap3A_30] {strides = array<i32>} : memref<1264xf32, #tpu.memory_space<vmem>>, vector<16xf32>,
    tpu.vector_store %arg9[%swap3A_30], %broadcast_in_dim3A_29 {strides = array<i32>} : memref<1264xf32, #tpu.memory_space<vmem>>, vector<16xf32>,
    %broadcast_in_dim3A_32 = arith.constant 0.000000e+00 : f32
    %broadcast_in_dim3A_33 = vector.broadcast %broadcast_in_dim3A_32 : f32 to vector<16xf32>
    %swap3A_34 = arith.constant 112 : index
    %swap3A_35 = tpu.vector_load %arg9[%swap3A_34] {strides = array<i32>} : memref<1264xf32, #tpu.memory_space<vmem>>, vector<16xf32>,
    tpu.vector_store %arg9[%swap3A_34], %broadcast_in_dim3A_33 {strides = array<i32>} : memref<1264xf32, #tpu.memory_space<vmem>>, vector<16xf32>,
    %broadcast_in_dim3A_36 = arith.constant 0.000000e+00 : f32
    %broadcast_in_dim3A_37 = vector.broadcast %broadcast_in_dim3A_36 : f32 to vector<16xf32>
    %swap3A_38 = arith.constant 128 : index
    %swap3A_39 = tpu.vector_load %arg9[%swap3A_38] {strides = array<i32>} : memref<1264xf32, #tpu.memory_space<vmem>>, vector<16xf32>,
    tpu.vector_store %arg9[%swap3A_38], %broadcast_in_dim3A_37 {strides = array<i32>} : memref<1264xf32, #tpu.memory_space<vmem>>, vector<16xf32>,
    %broadcast_in_dim3A_40 = arith.constant 0.000000e+00 : f32
    %broadcast_in_dim3A_41 = vector.broadcast %broadcast_in_dim3A_40 : f32 to vector<16xf32>
    %swap3A_42 = arith.constant 144 : index
    %swap3A_43 = tpu.vector_load %arg9[%swap3A_42] {strides = array<i32>} : memref<1264xf32, #tpu.memory_space<vmem>>, vector<16xf32>,
    tpu.vector_store %arg9[%swap3A_42], %broadcast_in_dim3A_41 {strides = array<i32>} : memref<1264xf32, #tpu.memory_space<vmem>>, vector<16xf32>,
    %broadcast_in_dim3A_44 = arith.constant 0.000000e+00 : f32
    %broadcast_in_dim3A_45 = vector.broadcast %broadcast_in_dim3A_44 : f32 to vector<16xf32>
    %swap3A_46 = arith.constant 160 : index
    %swap3A_47 = tpu.vector_load %arg9[%swap3A_46] {strides = array<i32>} : memref<1264xf32, #tpu.memory_space<vmem>>, vector<16xf32>,
    tpu.vector_store %arg9[%swap3A_46], %broadcast_in_dim3A_45 {strides = array<i32>} : memref<1264xf32, #tpu.memory_space<vmem>>, vector<16xf32>,
    %broadcast_in_dim3A_48 = arith.constant 0.000000e+00 : f32
    %broadcast_in_dim3A_49 = vector.broadcast %broadcast_in_dim3A_48 : f32 to vector<16xf32>
    %swap3A_50 = arith.constant 176 : index
    %swap3A_51 = tpu.vector_load %arg9[%swap3A_50] {strides = array<i32>} : memref<1264xf32, #tpu.memory_space<vmem>>, vector<16xf32>,
    tpu.vector_store %arg9[%swap3A_50], %broadcast_in_dim3A_49 {strides = array<i32>} : memref<1264xf32, #tpu.memory_space<vmem>>, vector<16xf32>,
    %broadcast_in_dim3A_52 = arith.constant 0.000000e+00 : f32
    %broadcast_in_dim3A_53 = vector.broadcast %broadcast_in_dim3A_52 : f32 to vector<16xf32>
    %swap3A_54 = arith.constant 192 : index
    %swap3A_55 = tpu.vector_load %arg9[%swap3A_54] {strides = array<i32>} : memref<1264xf32, #tpu.memory_space<vmem>>, vector<16xf32>,
    tpu.vector_store %arg9[%swap3A_54], %broadcast_in_dim3A_53 {strides = array<i32>} : memref<1264xf32, #tpu.memory_space<vmem>>, vector<16xf32>,
    %broadcast_in_dim3A_56 = arith.constant 0.000000e+00 : f32
    %broadcast_in_dim3A_57 = vector.broadcast %broadcast_in_dim3A_56 : f32 to vector<16xf32>
    %swap3A_58 = arith.constant 208 : index
    %swap3A_59 = tpu.vector_load %arg9[%swap3A_58] {strides = array<i32>} : memref<1264xf32, #tpu.memory_space<vmem>>, vector<16xf32>,
    tpu.vector_store %arg9[%swap3A_58], %broadcast_in_dim3A_57 {strides = array<i32>} : memref<1264xf32, #tpu.memory_space<vmem>>, vector<16xf32>,
    %broadcast_in_dim3A_60 = arith.constant 0.000000e+00 : f32
    %broadcast_in_dim3A_61 = vector.broadcast %broadcast_in_dim3A_60 : f32 to vector<16xf32>
    %swap3A_62 = arith.constant 224 : index
    %swap3A_63 = tpu.vector_load %arg9[%swap3A_62] {strides = array<i32>} : memref<1264xf32, #tpu.memory_space<vmem>>, vector<16xf32>,
    tpu.vector_store %arg9[%swap3A_62], %broadcast_in_dim3A_61 {strides = array<i32>} : memref<1264xf32, #tpu.memory_space<vmem>>, vector<16xf32>,
    %broadcast_in_dim3A_64 = arith.constant 0.000000e+00 : f32
    %broadcast_in_dim3A_65 = vector.broadcast %broadcast_in_dim3A_64 : f32 to vector<16xf32>
    %swap3A_66 = arith.constant 240 : index
    %swap3A_67 = tpu.vector_load %arg9[%swap3A_66] {strides = array<i32>} : memref<1264xf32, #tpu.memory_space<vmem>>, vector<16xf32>,
    tpu.vector_store %arg9[%swap3A_66], %broadcast_in_dim3A_65 {strides = array<i32>} : memref<1264xf32, #tpu.memory_space<vmem>>, vector<16xf32>,
    %broadcast_in_dim3A_68 = arith.constant 0.000000e+00 : f32
    %broadcast_in_dim3A_69 = vector.broadcast %broadcast_in_dim3A_68 : f32 to vector<16xf32>
    %swap3A_70 = arith.constant 256 : index
    %swap3A_71 = tpu.vector_load %arg9[%swap3A_70] {strides = array<i32>} : memref<1264xf32, #tpu.memory_space<vmem>>, vector<16xf32>,
    tpu.vector_store %arg9[%swap3A_70], %broadcast_in_dim3A_69 {strides = array<i32>} : memref<1264xf32, #tpu.memory_space<vmem>>, vector<16xf32>,
    %broadcast_in_dim3A_72 = arith.constant 0.000000e+00 : f32
    %broadcast_in_dim3A_73 = vector.broadcast %broadcast_in_dim3A_72 : f32 to vector<16xf32>
    %swap3A_74 = arith.constant 272 : index
    %swap3A_75 = tpu.vector_load %arg9[%swap3A_74] {strides = array<i32>} : memref<1264xf32, #tpu.memory_space<vmem>>, vector<16xf32>,
    tpu.vector_store %arg9[%swap3A_74], %broadcast_in_dim3A_73 {strides = array<i32>} : memref<1264xf32, #tpu.memory_space<vmem>>, vector<16xf32>,
    %broadcast_in_dim3A_76 = arith.constant 0.000000e+00 : f32
    %broadcast_in_dim3A_77 = vector.broadcast %broadcast_in_dim3A_76 : f32 to vector<16xf32>
    %swap3A_78 = arith.constant 288 : index
    %swap3A_79 = tpu.vector_load %arg9[%swap3A_78] {strides = array<i32>} : memref<1264xf32, #tpu.memory_space<vmem>>, vector<16xf32>,
    tpu.vector_store %arg9[%swap3A_78], %broadcast_in_dim3A_77 {strides = array<i32>} : memref<1264xf32, #tpu.memory_space<vmem>>, vector<16xf32>,
    %broadcast_in_dim3A_80 = arith.constant 0.000000e+00 : f32
    %broadcast_in_dim3A_81 = vector.broadcast %broadcast_in_dim3A_80 : f32 to vector<16xf32>
    %swap3A_82 = arith.constant 304 : index
    %swap3A_83 = tpu.vector_load %arg9[%swap3A_82] {strides = array<i32>} : memref<1264xf32, #tpu.memory_space<vmem>>, vector<16xf32>,
    tpu.vector_store %arg9[%swap3A_82], %broadcast_in_dim3A_81 {strides = array<i32>} : memref<1264xf32, #tpu.memory_space<vmem>>, vector<16xf32>,
    %broadcast_in_dim3A_84 = arith.constant 0.000000e+00 : f32
    %broadcast_in_dim3A_85 = vector.broadcast %broadcast_in_dim3A_84 : f32 to vector<16xf32>
    %swap3A_86 = arith.constant 320 : index
    %swap3A_87 = tpu.vector_load %arg9[%swap3A_86] {strides = array<i32>} : memref<1264xf32, #tpu.memory_space<vmem>>, vector<16xf32>,
    tpu.vector_store %arg9[%swap3A_86], %broadcast_in_dim3A_85 {strides = array<i32>} : memref<1264xf32, #tpu.memory_space<vmem>>, vector<16xf32>,
    %broadcast_in_dim3A_88 = arith.constant 0.000000e+00 : f32
    %broadcast_in_dim3A_89 = vector.broadcast %broadcast_in_dim3A_88 : f32 to vector<16xf32>
    %swap3A_90 = arith.constant 336 : index
    %swap3A_91 = tpu.vector_load %arg9[%swap3A_90] {strides = array<i32>} : memref<1264xf32, #tpu.memory_space<vmem>>, vector<16xf32>,
    tpu.vector_store %arg9[%swap3A_90], %broadcast_in_dim3A_89 {strides = array<i32>} : memref<1264xf32, #tpu.memory_space<vmem>>, vector<16xf32>,
    %broadcast_in_dim3A_92 = arith.constant 0.000000e+00 : f32
    %broadcast_in_dim3A_93 = vector.broadcast %broadcast_in_dim3A_92 : f32 to vector<16xf32>
    %swap3A_94 = arith.constant 352 : index
    %swap3A_95 = tpu.vector_load %arg9[%swap3A_94] {strides = array<i32>} : memref<1264xf32, #tpu.memory_space<vmem>>, vector<16xf32>,
    tpu.vector_store %arg9[%swap3A_94], %broadcast_in_dim3A_93 {strides = array<i32>} : memref<1264xf32, #tpu.memory_space<vmem>>, vector<16xf32>,
    %broadcast_in_dim3A_96 = arith.constant 0.000000e+00 : f32
    %broadcast_in_dim3A_97 = vector.broadcast %broadcast_in_dim3A_96 : f32 to vector<16xf32>
    %swap3A_98 = arith.constant 368 : index
    %swap3A_99 = tpu.vector_load %arg9[%swap3A_98] {strides = array<i32>} : memref<1264xf32, #tpu.memory_space<vmem>>, vector<16xf32>,
    tpu.vector_store %arg9[%swap3A_98], %broadcast_in_dim3A_97 {strides = array<i32>} : memref<1264xf32, #tpu.memory_space<vmem>>, vector<16xf32>,
    %broadcast_in_dim3A_100 = arith.constant 0.000000e+00 : f32
    %broadcast_in_dim3A_101 = vector.broadcast %broadcast_in_dim3A_100 : f32 to vector<16xf32>
    %swap3A_102 = arith.constant 384 : index
    %swap3A_103 = tpu.vector_load %arg9[%swap3A_102] {strides = array<i32>} : memref<1264xf32, #tpu.memory_space<vmem>>, vector<16xf32>,
    tpu.vector_store %arg9[%swap3A_102], %broadcast_in_dim3A_101 {strides = array<i32>} : memref<1264xf32, #tpu.memory_space<vmem>>, vector<16xf32>,
    %broadcast_in_dim3A_104 = arith.constant 0.000000e+00 : f32
    %broadcast_in_dim3A_105 = vector.broadcast %broadcast_in_dim3A_104 : f32 to vector<16xf32>
    %swap3A_106 = arith.constant 400 : index
    %swap3A_107 = tpu.vector_load %arg9[%swap3A_106] {strides = array<i32>} : memref<1264xf32, #tpu.memory_space<vmem>>, vector<16xf32>,
    tpu.vector_store %arg9[%swap3A_106], %broadcast_in_dim3A_105 {strides = array<i32>} : memref<1264xf32, #tpu.memory_space<vmem>>, vector<16xf32>,
    %broadcast_in_dim3A_108 = arith.constant 0.000000e+00 : f32
    %broadcast_in_dim3A_109 = vector.broadcast %broadcast_in_dim3A_108 : f32 to vector<16xf32>
    %swap3A_110 = arith.constant 416 : index
    %swap3A_111 = tpu.vector_load %arg9[%swap3A_110] {strides = array<i32>} : memref<1264xf32, #tpu.memory_space<vmem>>, vector<16xf32>,
    tpu.vector_store %arg9[%swap3A_110], %broadcast_in_dim3A_109 {strides = array<i32>} : memref<1264xf32, #tpu.memory_space<vmem>>, vector<16xf32>,
    %broadcast_in_dim3A_112 = arith.constant 0.000000e+00 : f32
    %broadcast_in_dim3A_113 = vector.broadcast %broadcast_in_dim3A_112 : f32 to vector<16xf32>
    %swap3A_114 = arith.constant 432 : index
    %swap3A_115 = tpu.vector_load %arg9[%swap3A_114] {strides = array<i32>} : memref<1264xf32, #tpu.memory_space<vmem>>, vector<16xf32>,
    tpu.vector_store %arg9[%swap3A_114], %broadcast_in_dim3A_113 {strides = array<i32>} : memref<1264xf32, #tpu.memory_space<vmem>>, vector<16xf32>,
    %broadcast_in_dim3A_116 = arith.constant 0.000000e+00 : f32
    %broadcast_in_dim3A_117 = vector.broadcast %broadcast_in_dim3A_116 : f32 to vector<16xf32>
    %swap3A_118 = arith.constant 448 : index
    %swap3A_119 = tpu.vector_load %arg9[%swap3A_118] {strides = array<i32>} : memref<1264xf32, #tpu.memory_space<vmem>>, vector<16xf32>,
    tpu.vector_store %arg9[%swap3A_118], %broadcast_in_dim3A_117 {strides = array<i32>} : memref<1264xf32, #tpu.memory_space<vmem>>, vector<16xf32>,
    %broadcast_in_dim3A_120 = arith.constant 0.000000e+00 : f32
    %broadcast_in_dim3A_121 = vector.broadcast %broadcast_in_dim3A_120 : f32 to vector<16xf32>
    %swap3A_122 = arith.constant 464 : index
    %swap3A_123 = tpu.vector_load %arg9[%swap3A_122] {strides = array<i32>} : memref<1264xf32, #tpu.memory_space<vmem>>, vector<16xf32>,
    tpu.vector_store %arg9[%swap3A_122], %broadcast_in_dim3A_121 {strides = array<i32>} : memref<1264xf32, #tpu.memory_space<vmem>>, vector<16xf32>,
    %broadcast_in_dim3A_124 = arith.constant 0.000000e+00 : f32
    %broadcast_in_dim3A_125 = vector.broadcast %broadcast_in_dim3A_124 : f32 to vector<16xf32>
    %swap3A_126 = arith.constant 480 : index
    %swap3A_127 = tpu.vector_load %arg9[%swap3A_126] {strides = array<i32>} : memref<1264xf32, #tpu.memory_space<vmem>>, vector<16xf32>,
    tpu.vector_store %arg9[%swap3A_126], %broadcast_in_dim3A_125 {strides = array<i32>} : memref<1264xf32, #tpu.memory_space<vmem>>, vector<16xf32>,
    %broadcast_in_dim3A_128 = arith.constant 0.000000e+00 : f32
    %broadcast_in_dim3A_129 = vector.broadcast %broadcast_in_dim3A_128 : f32 to vector<16xf32>
    %swap3A_130 = arith.constant 496 : index
    %swap3A_131 = tpu.vector_load %arg9[%swap3A_130] {strides = array<i32>} : memref<1264xf32, #tpu.memory_space<vmem>>, vector<16xf32>,
    tpu.vector_store %arg9[%swap3A_130], %broadcast_in_dim3A_129 {strides = array<i32>} : memref<1264xf32, #tpu.memory_space<vmem>>, vector<16xf32>,
    %broadcast_in_dim3A_132 = arith.constant 0.000000e+00 : f32
    %broadcast_in_dim3A_133 = vector.broadcast %broadcast_in_dim3A_132 : f32 to vector<16xf32>
    %swap3A_134 = arith.constant 512 : index
    %swap3A_135 = tpu.vector_load %arg9[%swap3A_134] {strides = array<i32>} : memref<1264xf32, #tpu.memory_space<vmem>>, vector<16xf32>,
    tpu.vector_store %arg9[%swap3A_134], %broadcast_in_dim3A_133 {strides = array<i32>} : memref<1264xf32, #tpu.memory_space<vmem>>, vector<16xf32>,
    %broadcast_in_dim3A_136 = arith.constant 0.000000e+00 : f32
    %broadcast_in_dim3A_137 = vector.broadcast %broadcast_in_dim3A_136 : f32 to vector<16xf32>
    %swap3A_138 = arith.constant 528 : index
    %swap3A_139 = tpu.vector_load %arg9[%swap3A_138] {strides = array<i32>} : memref<1264xf32, #tpu.memory_space<vmem>>, vector<16xf32>,
    tpu.vector_store %arg9[%swap3A_138], %broadcast_in_dim3A_137 {strides = array<i32>} : memref<1264xf32, #tpu.memory_space<vmem>>, vector<16xf32>,
    %broadcast_in_dim3A_140 = arith.constant 0.000000e+00 : f32
    %broadcast_in_dim3A_141 = vector.broadcast %broadcast_in_dim3A_140 : f32 to vector<16xf32>
    %swap3A_142 = arith.constant 544 : index
    %swap3A_143 = tpu.vector_load %arg9[%swap3A_142] {strides = array<i32>} : memref<1264xf32, #tpu.memory_space<vmem>>, vector<16xf32>,
    tpu.vector_store %arg9[%swap3A_142], %broadcast_in_dim3A_141 {strides = array<i32>} : memref<1264xf32, #tpu.memory_space<vmem>>, vector<16xf32>,
    %broadcast_in_dim3A_144 = arith.constant 0.000000e+00 : f32
    %broadcast_in_dim3A_145 = vector.broadcast %broadcast_in_dim3A_144 : f32 to vector<16xf32>
    %swap3A_146 = arith.constant 560 : index
    %swap3A_147 = tpu.vector_load %arg9[%swap3A_146] {strides = array<i32>} : memref<1264xf32, #tpu.memory_space<vmem>>, vector<16xf32>,
    tpu.vector_store %arg9[%swap3A_146], %broadcast_in_dim3A_145 {strides = array<i32>} : memref<1264xf32, #tpu.memory_space<vmem>>, vector<16xf32>,
    %broadcast_in_dim3A_148 = arith.constant 0.000000e+00 : f32
    %broadcast_in_dim3A_149 = vector.broadcast %broadcast_in_dim3A_148 : f32 to vector<16xf32>
    %swap3A_150 = arith.constant 576 : index
    %swap3A_151 = tpu.vector_load %arg9[%swap3A_150] {strides = array<i32>} : memref<1264xf32, #tpu.memory_space<vmem>>, vector<16xf32>,
    tpu.vector_store %arg9[%swap3A_150], %broadcast_in_dim3A_149 {strides = array<i32>} : memref<1264xf32, #tpu.memory_space<vmem>>, vector<16xf32>,
    %broadcast_in_dim3A_152 = arith.constant 0.000000e+00 : f32
    %broadcast_in_dim3A_153 = vector.broadcast %broadcast_in_dim3A_152 : f32 to vector<16xf32>
    %swap3A_154 = arith.constant 592 : index
    %swap3A_155 = tpu.vector_load %arg9[%swap3A_154] {strides = array<i32>} : memref<1264xf32, #tpu.memory_space<vmem>>, vector<16xf32>,
    tpu.vector_store %arg9[%swap3A_154], %broadcast_in_dim3A_153 {strides = array<i32>} : memref<1264xf32, #tpu.memory_space<vmem>>, vector<16xf32>,
    %broadcast_in_dim3A_156 = arith.constant 0.000000e+00 : f32
    %broadcast_in_dim3A_157 = vector.broadcast %broadcast_in_dim3A_156 : f32 to vector<16xf32>
    %swap3A_158 = arith.constant 608 : index
    %swap3A_159 = tpu.vector_load %arg9[%swap3A_158] {strides = array<i32>} : memref<1264xf32, #tpu.memory_space<vmem>>, vector<16xf32>,
    tpu.vector_store %arg9[%swap3A_158], %broadcast_in_dim3A_157 {strides = array<i32>} : memref<1264xf32, #tpu.memory_space<vmem>>, vector<16xf32>,
    %broadcast_in_dim3A_160 = arith.constant 0.000000e+00 : f32
    %broadcast_in_dim3A_161 = vector.broadcast %broadcast_in_dim3A_160 : f32 to vector<16xf32>
    %swap3A_162 = arith.constant 624 : index
    %swap3A_163 = tpu.vector_load %arg9[%swap3A_162] {strides = array<i32>} : memref<1264xf32, #tpu.memory_space<vmem>>, vector<16xf32>,
    tpu.vector_store %arg9[%swap3A_162], %broadcast_in_dim3A_161 {strides = array<i32>} : memref<1264xf32, #tpu.memory_space<vmem>>, vector<16xf32>,
    %broadcast_in_dim3A_164 = arith.constant 0.000000e+00 : f32
    %broadcast_in_dim3A_165 = vector.broadcast %broadcast_in_dim3A_164 : f32 to vector<16xf32>
    %swap3A_166 = arith.constant 640 : index
    %swap3A_167 = tpu.vector_load %arg9[%swap3A_166] {strides = array<i32>} : memref<1264xf32, #tpu.memory_space<vmem>>, vector<16xf32>,
    tpu.vector_store %arg9[%swap3A_166], %broadcast_in_dim3A_165 {strides = array<i32>} : memref<1264xf32, #tpu.memory_space<vmem>>, vector<16xf32>,
    %broadcast_in_dim3A_168 = arith.constant 0.000000e+00 : f32
    %broadcast_in_dim3A_169 = vector.broadcast %broadcast_in_dim3A_168 : f32 to vector<16xf32>
    %swap3A_170 = arith.constant 656 : index
    %swap3A_171 = tpu.vector_load %arg9[%swap3A_170] {strides = array<i32>} : memref<1264xf32, #tpu.memory_space<vmem>>, vector<16xf32>,
    tpu.vector_store %arg9[%swap3A_170], %broadcast_in_dim3A_169 {strides = array<i32>} : memref<1264xf32, #tpu.memory_space<vmem>>, vector<16xf32>,
    %broadcast_in_dim3A_172 = arith.constant 0.000000e+00 : f32
    %broadcast_in_dim3A_173 = vector.broadcast %broadcast_in_dim3A_172 : f32 to vector<16xf32>
    %swap3A_174 = arith.constant 672 : index
    %swap3A_175 = tpu.vector_load %arg9[%swap3A_174] {strides = array<i32>} : memref<1264xf32, #tpu.memory_space<vmem>>, vector<16xf32>,
    tpu.vector_store %arg9[%swap3A_174], %broadcast_in_dim3A_173 {strides = array<i32>} : memref<1264xf32, #tpu.memory_space<vmem>>, vector<16xf32>,
    %broadcast_in_dim3A_176 = arith.constant 0.000000e+00 : f32
    %broadcast_in_dim3A_177 = vector.broadcast %broadcast_in_dim3A_176 : f32 to vector<16xf32>
    %swap3A_178 = arith.constant 688 : index
    %swap3A_179 = tpu.vector_load %arg9[%swap3A_178] {strides = array<i32>} : memref<1264xf32, #tpu.memory_space<vmem>>, vector<16xf32>,
    tpu.vector_store %arg9[%swap3A_178], %broadcast_in_dim3A_177 {strides = array<i32>} : memref<1264xf32, #tpu.memory_space<vmem>>, vector<16xf32>,
    %broadcast_in_dim3A_180 = arith.constant 0.000000e+00 : f32
    %broadcast_in_dim3A_181 = vector.broadcast %broadcast_in_dim3A_180 : f32 to vector<16xf32>
    %swap3A_182 = arith.constant 704 : index
    %swap3A_183 = tpu.vector_load %arg9[%swap3A_182] {strides = array<i32>} : memref<1264xf32, #tpu.memory_space<vmem>>, vector<16xf32>,
    tpu.vector_store %arg9[%swap3A_182], %broadcast_in_dim3A_181 {strides = array<i32>} : memref<1264xf32, #tpu.memory_space<vmem>>, vector<16xf32>,
    %broadcast_in_dim3A_184 = arith.constant 0.000000e+00 : f32
    %broadcast_in_dim3A_185 = vector.broadcast %broadcast_in_dim3A_184 : f32 to vector<16xf32>
    %swap3A_186 = arith.constant 720 : index
    %swap3A_187 = tpu.vector_load %arg9[%swap3A_186] {strides = array<i32>} : memref<1264xf32, #tpu.memory_space<vmem>>, vector<16xf32>,
    tpu.vector_store %arg9[%swap3A_186], %broadcast_in_dim3A_185 {strides = array<i32>} : memref<1264xf32, #tpu.memory_space<vmem>>, vector<16xf32>,
    %broadcast_in_dim3A_188 = arith.constant 0.000000e+00 : f32
    %broadcast_in_dim3A_189 = vector.broadcast %broadcast_in_dim3A_188 : f32 to vector<16xf32>
    %swap3A_190 = arith.constant 736 : index
    %swap3A_191 = tpu.vector_load %arg9[%swap3A_190] {strides = array<i32>} : memref<1264xf32, #tpu.memory_space<vmem>>, vector<16xf32>,
    tpu.vector_store %arg9[%swap3A_190], %broadcast_in_dim3A_189 {strides = array<i32>} : memref<1264xf32, #tpu.memory_space<vmem>>, vector<16xf32>,
    %broadcast_in_dim3A_192 = arith.constant 0.000000e+00 : f32
    %broadcast_in_dim3A_193 = vector.broadcast %broadcast_in_dim3A_192 : f32 to vector<16xf32>
    %swap3A_194 = arith.constant 752 : index
    %swap3A_195 = tpu.vector_load %arg9[%swap3A_194] {strides = array<i32>} : memref<1264xf32, #tpu.memory_space<vmem>>, vector<16xf32>,
    tpu.vector_store %arg9[%swap3A_194], %broadcast_in_dim3A_193 {strides = array<i32>} : memref<1264xf32, #tpu.memory_space<vmem>>, vector<16xf32>,
    %broadcast_in_dim3A_196 = arith.constant 0.000000e+00 : f32
    %broadcast_in_dim3A_197 = vector.broadcast %broadcast_in_dim3A_196 : f32 to vector<16xf32>
    %swap3A_198 = arith.constant 768 : index
    %swap3A_199 = tpu.vector_load %arg9[%swap3A_198] {strides = array<i32>} : memref<1264xf32, #tpu.memory_space<vmem>>, vector<16xf32>,
    tpu.vector_store %arg9[%swap3A_198], %broadcast_in_dim3A_197 {strides = array<i32>} : memref<1264xf32, #tpu.memory_space<vmem>>, vector<16xf32>,
    %broadcast_in_dim3A_200 = arith.constant 0.000000e+00 : f32
    %broadcast_in_dim3A_201 = vector.broadcast %broadcast_in_dim3A_200 : f32 to vector<16xf32>
    %swap3A_202 = arith.constant 784 : index
    %swap3A_203 = tpu.vector_load %arg9[%swap3A_202] {strides = array<i32>} : memref<1264xf32, #tpu.memory_space<vmem>>, vector<16xf32>,
    tpu.vector_store %arg9[%swap3A_202], %broadcast_in_dim3A_201 {strides = array<i32>} : memref<1264xf32, #tpu.memory_space<vmem>>, vector<16xf32>,
    %broadcast_in_dim3A_204 = arith.constant 0.000000e+00 : f32
    %broadcast_in_dim3A_205 = vector.broadcast %broadcast_in_dim3A_204 : f32 to vector<16xf32>
    %swap3A_206 = arith.constant 800 : index
    %swap3A_207 = tpu.vector_load %arg9[%swap3A_206] {strides = array<i32>} : memref<1264xf32, #tpu.memory_space<vmem>>, vector<16xf32>,
    tpu.vector_store %arg9[%swap3A_206], %broadcast_in_dim3A_205 {strides = array<i32>} : memref<1264xf32, #tpu.memory_space<vmem>>, vector<16xf32>,
    %broadcast_in_dim3A_208 = arith.constant 0.000000e+00 : f32
    %broadcast_in_dim3A_209 = vector.broadcast %broadcast_in_dim3A_208 : f32 to vector<16xf32>
    %swap3A_210 = arith.constant 816 : index
    %swap3A_211 = tpu.vector_load %arg9[%swap3A_210] {strides = array<i32>} : memref<1264xf32, #tpu.memory_space<vmem>>, vector<16xf32>,
    tpu.vector_store %arg9[%swap3A_210], %broadcast_in_dim3A_209 {strides = array<i32>} : memref<1264xf32, #tpu.memory_space<vmem>>, vector<16xf32>,
    %broadcast_in_dim3A_212 = arith.constant 0.000000e+00 : f32
    %broadcast_in_dim3A_213 = vector.broadcast %broadcast_in_dim3A_212 : f32 to vector<16xf32>
    %swap3A_214 = arith.constant 832 : index
    %swap3A_215 = tpu.vector_load %arg9[%swap3A_214] {strides = array<i32>} : memref<1264xf32, #tpu.memory_space<vmem>>, vector<16xf32>,
    tpu.vector_store %arg9[%swap3A_214], %broadcast_in_dim3A_213 {strides = array<i32>} : memref<1264xf32, #tpu.memory_space<vmem>>, vector<16xf32>,
    %broadcast_in_dim3A_216 = arith.constant 0.000000e+00 : f32
    %broadcast_in_dim3A_217 = vector.broadcast %broadcast_in_dim3A_216 : f32 to vector<16xf32>
    %swap3A_218 = arith.constant 848 : index
    %swap3A_219 = tpu.vector_load %arg9[%swap3A_218] {strides = array<i32>} : memref<1264xf32, #tpu.memory_space<vmem>>, vector<16xf32>,
    tpu.vector_store %arg9[%swap3A_218], %broadcast_in_dim3A_217 {strides = array<i32>} : memref<1264xf32, #tpu.memory_space<vmem>>, vector<16xf32>,
    %broadcast_in_dim3A_220 = arith.constant 0.000000e+00 : f32
    %broadcast_in_dim3A_221 = vector.broadcast %broadcast_in_dim3A_220 : f32 to vector<16xf32>
    %swap3A_222 = arith.constant 864 : index
    %swap3A_223 = tpu.vector_load %arg9[%swap3A_222] {strides = array<i32>} : memref<1264xf32, #tpu.memory_space<vmem>>, vector<16xf32>,
    tpu.vector_store %arg9[%swap3A_222], %broadcast_in_dim3A_221 {strides = array<i32>} : memref<1264xf32, #tpu.memory_space<vmem>>, vector<16xf32>,
    %broadcast_in_dim3A_224 = arith.constant 0.000000e+00 : f32
    %broadcast_in_dim3A_225 = vector.broadcast %broadcast_in_dim3A_224 : f32 to vector<16xf32>
    %swap3A_226 = arith.constant 880 : index
    %swap3A_227 = tpu.vector_load %arg9[%swap3A_226] {strides = array<i32>} : memref<1264xf32, #tpu.memory_space<vmem>>, vector<16xf32>,
    tpu.vector_store %arg9[%swap3A_226], %broadcast_in_dim3A_225 {strides = array<i32>} : memref<1264xf32, #tpu.memory_space<vmem>>, vector<16xf32>,
    %broadcast_in_dim3A_228 = arith.constant 0.000000e+00 : f32
    %broadcast_in_dim3A_229 = vector.broadcast %broadcast_in_dim3A_228 : f32 to vector<16xf32>
    %swap3A_230 = arith.constant 896 : index
    %swap3A_231 = tpu.vector_load %arg9[%swap3A_230] {strides = array<i32>} : memref<1264xf32, #tpu.memory_space<vmem>>, vector<16xf32>,
    tpu.vector_store %arg9[%swap3A_230], %broadcast_in_dim3A_229 {strides = array<i32>} : memref<1264xf32, #tpu.memory_space<vmem>>, vector<16xf32>,
    %broadcast_in_dim3A_232 = arith.constant 0.000000e+00 : f32
    %broadcast_in_dim3A_233 = vector.broadcast %broadcast_in_dim3A_232 : f32 to vector<16xf32>
    %swap3A_234 = arith.constant 912 : index
    %swap3A_235 = tpu.vector_load %arg9[%swap3A_234] {strides = array<i32>} : memref<1264xf32, #tpu.memory_space<vmem>>, vector<16xf32>,
    tpu.vector_store %arg9[%swap3A_234], %broadcast_in_dim3A_233 {strides = array<i32>} : memref<1264xf32, #tpu.memory_space<vmem>>, vector<16xf32>,
    %broadcast_in_dim3A_236 = arith.constant 0.000000e+00 : f32
    %broadcast_in_dim3A_237 = vector.broadcast %broadcast_in_dim3A_236 : f32 to vector<16xf32>
    %swap3A_238 = arith.constant 928 : index
    %swap3A_239 = tpu.vector_load %arg9[%swap3A_238] {strides = array<i32>} : memref<1264xf32, #tpu.memory_space<vmem>>, vector<16xf32>,
    tpu.vector_store %arg9[%swap3A_238], %broadcast_in_dim3A_237 {strides = array<i32>} : memref<1264xf32, #tpu.memory_space<vmem>>, vector<16xf32>,
    %broadcast_in_dim3A_240 = arith.constant 0.000000e+00 : f32
    %broadcast_in_dim3A_241 = vector.broadcast %broadcast_in_dim3A_240 : f32 to vector<16xf32>
    %swap3A_242 = arith.constant 944 : index
    %swap3A_243 = tpu.vector_load %arg9[%swap3A_242] {strides = array<i32>} : memref<1264xf32, #tpu.memory_space<vmem>>, vector<16xf32>,
    tpu.vector_store %arg9[%swap3A_242], %broadcast_in_dim3A_241 {strides = array<i32>} : memref<1264xf32, #tpu.memory_space<vmem>>, vector<16xf32>,
    %broadcast_in_dim3A_244 = arith.constant 0.000000e+00 : f32
    %broadcast_in_dim3A_245 = vector.broadcast %broadcast_in_dim3A_244 : f32 to vector<16xf32>
    %swap3A_246 = arith.constant 960 : index
    %swap3A_247 = tpu.vector_load %arg9[%swap3A_246] {strides = array<i32>} : memref<1264xf32, #tpu.memory_space<vmem>>, vector<16xf32>,
    tpu.vector_store %arg9[%swap3A_246], %broadcast_in_dim3A_245 {strides = array<i32>} : memref<1264xf32, #tpu.memory_space<vmem>>, vector<16xf32>,
    %broadcast_in_dim3A_248 = arith.constant 0.000000e+00 : f32
    %broadcast_in_dim3A_249 = vector.broadcast %broadcast_in_dim3A_248 : f32 to vector<16xf32>
    %swap3A_250 = arith.constant 976 : index
    %swap3A_251 = tpu.vector_load %arg9[%swap3A_250] {strides = array<i32>} : memref<1264xf32, #tpu.memory_space<vmem>>, vector<16xf32>,
    tpu.vector_store %arg9[%swap3A_250], %broadcast_in_dim3A_249 {strides = array<i32>} : memref<1264xf32, #tpu.memory_space<vmem>>, vector<16xf32>,
    %broadcast_in_dim3A_252 = arith.constant 0.000000e+00 : f32
    %broadcast_in_dim3A_253 = vector.broadcast %broadcast_in_dim3A_252 : f32 to vector<16xf32>
    %swap3A_254 = arith.constant 992 : index
    %swap3A_255 = tpu.vector_load %arg9[%swap3A_254] {strides = array<i32>} : memref<1264xf32, #tpu.memory_space<vmem>>, vector<16xf32>,
    tpu.vector_store %arg9[%swap3A_254], %broadcast_in_dim3A_253 {strides = array<i32>} : memref<1264xf32, #tpu.memory_space<vmem>>, vector<16xf32>,
    %broadcast_in_dim3A_256 = arith.constant 0.000000e+00 : f32
    %broadcast_in_dim3A_257 = vector.broadcast %broadcast_in_dim3A_256 : f32 to vector<16xf32>
    %swap3A_258 = arith.constant 1008 : index
    %swap3A_259 = tpu.vector_load %arg9[%swap3A_258] {strides = array<i32>} : memref<1264xf32, #tpu.memory_space<vmem>>, vector<16xf32>,
    tpu.vector_store %arg9[%swap3A_258], %broadcast_in_dim3A_257 {strides = array<i32>} : memref<1264xf32, #tpu.memory_space<vmem>>, vector<16xf32>,
    %broadcast_in_dim3A_260 = arith.constant 0.000000e+00 : f32
    %broadcast_in_dim3A_261 = vector.broadcast %broadcast_in_dim3A_260 : f32 to vector<16xf32>
    %swap3A_262 = arith.constant 1024 : index
    %swap3A_263 = tpu.vector_load %arg9[%swap3A_262] {strides = array<i32>} : memref<1264xf32, #tpu.memory_space<vmem>>, vector<16xf32>,
    tpu.vector_store %arg9[%swap3A_262], %broadcast_in_dim3A_261 {strides = array<i32>} : memref<1264xf32, #tpu.memory_space<vmem>>, vector<16xf32>,
    %broadcast_in_dim3A_264 = arith.constant 0.000000e+00 : f32
    %broadcast_in_dim3A_265 = vector.broadcast %broadcast_in_dim3A_264 : f32 to vector<16xf32>
    %swap3A_266 = arith.constant 1040 : index
    %swap3A_267 = tpu.vector_load %arg9[%swap3A_266] {strides = array<i32>} : memref<1264xf32, #tpu.memory_space<vmem>>, vector<16xf32>,
    tpu.vector_store %arg9[%swap3A_266], %broadcast_in_dim3A_265 {strides = array<i32>} : memref<1264xf32, #tpu.memory_space<vmem>>, vector<16xf32>,
    %broadcast_in_dim3A_268 = arith.constant 0.000000e+00 : f32
    %broadcast_in_dim3A_269 = vector.broadcast %broadcast_in_dim3A_268 : f32 to vector<16xf32>
    %swap3A_270 = arith.constant 1056 : index
    %swap3A_271 = tpu.vector_load %arg9[%swap3A_270] {strides = array<i32>} : memref<1264xf32, #tpu.memory_space<vmem>>, vector<16xf32>,
    tpu.vector_store %arg9[%swap3A_270], %broadcast_in_dim3A_269 {strides = array<i32>} : memref<1264xf32, #tpu.memory_space<vmem>>, vector<16xf32>,
    %broadcast_in_dim3A_272 = arith.constant 0.000000e+00 : f32
    %broadcast_in_dim3A_273 = vector.broadcast %broadcast_in_dim3A_272 : f32 to vector<16xf32>
    %swap3A_274 = arith.constant 1072 : index
    %swap3A_275 = tpu.vector_load %arg9[%swap3A_274] {strides = array<i32>} : memref<1264xf32, #tpu.memory_space<vmem>>, vector<16xf32>,
    tpu.vector_store %arg9[%swap3A_274], %broadcast_in_dim3A_273 {strides = array<i32>} : memref<1264xf32, #tpu.memory_space<vmem>>, vector<16xf32>,
    %broadcast_in_dim3A_276 = arith.constant 0.000000e+00 : f32
    %broadcast_in_dim3A_277 = vector.broadcast %broadcast_in_dim3A_276 : f32 to vector<16xf32>
    %swap3A_278 = arith.constant 1088 : index
    %swap3A_279 = tpu.vector_load %arg9[%swap3A_278] {strides = array<i32>} : memref<1264xf32, #tpu.memory_space<vmem>>, vector<16xf32>,
    tpu.vector_store %arg9[%swap3A_278], %broadcast_in_dim3A_277 {strides = array<i32>} : memref<1264xf32, #tpu.memory_space<vmem>>, vector<16xf32>,
    %broadcast_in_dim3A_280 = arith.constant 0.000000e+00 : f32
    %broadcast_in_dim3A_281 = vector.broadcast %broadcast_in_dim3A_280 : f32 to vector<16xf32>
    %swap3A_282 = arith.constant 1104 : index
    %swap3A_283 = tpu.vector_load %arg9[%swap3A_282] {strides = array<i32>} : memref<1264xf32, #tpu.memory_space<vmem>>, vector<16xf32>,
    tpu.vector_store %arg9[%swap3A_282], %broadcast_in_dim3A_281 {strides = array<i32>} : memref<1264xf32, #tpu.memory_space<vmem>>, vector<16xf32>,
    %broadcast_in_dim3A_284 = arith.constant 0.000000e+00 : f32
    %broadcast_in_dim3A_285 = vector.broadcast %broadcast_in_dim3A_284 : f32 to vector<16xf32>
    %swap3A_286 = arith.constant 1120 : index
    %swap3A_287 = tpu.vector_load %arg9[%swap3A_286] {strides = array<i32>} : memref<1264xf32, #tpu.memory_space<vmem>>, vector<16xf32>,
    tpu.vector_store %arg9[%swap3A_286], %broadcast_in_dim3A_285 {strides = array<i32>} : memref<1264xf32, #tpu.memory_space<vmem>>, vector<16xf32>,
    %broadcast_in_dim3A_288 = arith.constant 0.000000e+00 : f32
    %broadcast_in_dim3A_289 = vector.broadcast %broadcast_in_dim3A_288 : f32 to vector<16xf32>
    %swap3A_290 = arith.constant 1136 : index
    %swap3A_291 = tpu.vector_load %arg9[%swap3A_290] {strides = array<i32>} : memref<1264xf32, #tpu.memory_space<vmem>>, vector<16xf32>,
    tpu.vector_store %arg9[%swap3A_290], %broadcast_in_dim3A_289 {strides = array<i32>} : memref<1264xf32, #tpu.memory_space<vmem>>, vector<16xf32>,
    %broadcast_in_dim3A_292 = arith.constant 0.000000e+00 : f32
    %broadcast_in_dim3A_293 = vector.broadcast %broadcast_in_dim3A_292 : f32 to vector<16xf32>
    %swap3A_294 = arith.constant 1152 : index
    %swap3A_295 = tpu.vector_load %arg9[%swap3A_294] {strides = array<i32>} : memref<1264xf32, #tpu.memory_space<vmem>>, vector<16xf32>,
    tpu.vector_store %arg9[%swap3A_294], %broadcast_in_dim3A_293 {strides = array<i32>} : memref<1264xf32, #tpu.memory_space<vmem>>, vector<16xf32>,
    %broadcast_in_dim3A_296 = arith.constant 0.000000e+00 : f32
    %broadcast_in_dim3A_297 = vector.broadcast %broadcast_in_dim3A_296 : f32 to vector<16xf32>
    %swap3A_298 = arith.constant 1168 : index
    %swap3A_299 = tpu.vector_load %arg9[%swap3A_298] {strides = array<i32>} : memref<1264xf32, #tpu.memory_space<vmem>>, vector<16xf32>,
    tpu.vector_store %arg9[%swap3A_298], %broadcast_in_dim3A_297 {strides = array<i32>} : memref<1264xf32, #tpu.memory_space<vmem>>, vector<16xf32>,
    %broadcast_in_dim3A_300 = arith.constant 0.000000e+00 : f32
    %broadcast_in_dim3A_301 = vector.broadcast %broadcast_in_dim3A_300 : f32 to vector<16xf32>
    %swap3A_302 = arith.constant 1184 : index
    %swap3A_303 = tpu.vector_load %arg9[%swap3A_302] {strides = array<i32>} : memref<1264xf32, #tpu.memory_space<vmem>>, vector<16xf32>,
    tpu.vector_store %arg9[%swap3A_302], %broadcast_in_dim3A_301 {strides = array<i32>} : memref<1264xf32, #tpu.memory_space<vmem>>, vector<16xf32>,
    %broadcast_in_dim3A_304 = arith.constant 0.000000e+00 : f32
    %broadcast_in_dim3A_305 = vector.broadcast %broadcast_in_dim3A_304 : f32 to vector<16xf32>
    %swap3A_306 = arith.constant 1200 : index
    %swap3A_307 = tpu.vector_load %arg9[%swap3A_306] {strides = array<i32>} : memref<1264xf32, #tpu.memory_space<vmem>>, vector<16xf32>,
    tpu.vector_store %arg9[%swap3A_306], %broadcast_in_dim3A_305 {strides = array<i32>} : memref<1264xf32, #tpu.memory_space<vmem>>, vector<16xf32>,
    %broadcast_in_dim3A_308 = arith.constant 0.000000e+00 : f32
    %broadcast_in_dim3A_309 = vector.broadcast %broadcast_in_dim3A_308 : f32 to vector<16xf32>
    %swap3A_310 = arith.constant 1216 : index
    %swap3A_311 = tpu.vector_load %arg9[%swap3A_310] {strides = array<i32>} : memref<1264xf32, #tpu.memory_space<vmem>>, vector<16xf32>,
    tpu.vector_store %arg9[%swap3A_310], %broadcast_in_dim3A_309 {strides = array<i32>} : memref<1264xf32, #tpu.memory_space<vmem>>, vector<16xf32>,
    %broadcast_in_dim3A_312 = arith.constant 0.000000e+00 : f32
    %broadcast_in_dim3A_313 = vector.broadcast %broadcast_in_dim3A_312 : f32 to vector<16xf32>
    %swap3A_314 = arith.constant 1232 : index
    %swap3A_315 = tpu.vector_load %arg9[%swap3A_314] {strides = array<i32>} : memref<1264xf32, #tpu.memory_space<vmem>>, vector<16xf32>,
    tpu.vector_store %arg9[%swap3A_314], %broadcast_in_dim3A_313 {strides = array<i32>} : memref<1264xf32, #tpu.memory_space<vmem>>, vector<16xf32>,
    %broadcast_in_dim3A_316 = arith.constant 0.000000e+00 : f32
    %broadcast_in_dim3A_317 = vector.broadcast %broadcast_in_dim3A_316 : f32 to vector<16xf32>
    %swap3A_318 = arith.constant 1248 : index
    %swap3A_319 = tpu.vector_load %arg9[%swap3A_318] {strides = array<i32>} : memref<1264xf32, #tpu.memory_space<vmem>>, vector<16xf32>,
    tpu.vector_store %arg9[%swap3A_318], %broadcast_in_dim3A_317 {strides = array<i32>} : memref<1264xf32, #tpu.memory_space<vmem>>, vector<16xf32>,
    %mul3A_320 = arith.constant 1264 : i32
    %mul3A_321 = arith.muli %arg1, %mul3A_320 : i32
    "tpu.region"() ({
      %run_scoped3A = tpu.sem_alloc : memref<!tpu.dma_semaphore, #tpu.memory_space<semaphore_mem>>
      %dma_start3A_352 = tpu.memref_slice %arg18[%mul3A_321] : memref<20224xf32, #tpu.memory_space<vmem_shared>> -> memref<1264xf32, #tpu.memory_space<vmem_shared>>
      %dma_start3A_353 = tpu.memref_slice %arg18[%mul3A_321] : memref<20224xf32, #tpu.memory_space<vmem_shared>> -> memref<1264xf32, #tpu.memory_space<vmem_shared>>
      tpu.enqueue_dma source(%arg9 : memref<1264xf32, #tpu.memory_space<vmem>>) target(%dma_start3A_353 : memref<1264xf32, #tpu.memory_space<vmem_shared>>) target_semaphore(%run_scoped3A : memref<!tpu.dma_semaphore, #tpu.memory_space<semaphore_mem>>)
      %dma_wait3A_354 = tpu.memref_slice %arg18[%mul3A_321] : memref<20224xf32, #tpu.memory_space<vmem_shared>> -> memref<1264xf32, #tpu.memory_space<vmem_shared>>
      %dma_wait3A_355 = tpu.memref_slice %arg18[%mul3A_321] : memref<20224xf32, #tpu.memory_space<vmem_shared>> -> memref<1264xf32, #tpu.memory_space<vmem_shared>>
      tpu.wait_dma2 semaphore(%run_scoped3A : memref<!tpu.dma_semaphore, #tpu.memory_space<semaphore_mem>>) src(%arg9 : memref<1264xf32, #tpu.memory_space<vmem>>) dst(%dma_wait3A_355 : memref<1264xf32, #tpu.memory_space<vmem_shared>>)
      tpu.yield
    }) : () -> ()
    tpu.wait_dma2 semaphore(%arg23 : memref<!tpu.dma_semaphore, #tpu.memory_space<semaphore_mem>>) src(%arg2 : memref<20000xf32, #tpu.memory_space<hbm>>) dst(%arg6 : memref<20000xf32, #tpu.memory_space<vmem>>)
    %dma_wait3A = tpu.memref_slice %arg3[%mul3A_2] : memref<331776xi32, #tpu.memory_space<hbm>> -> memref<10368xi32, #tpu.memory_space<hbm>>
    %dma_wait3A_322 = tpu.memref_slice %arg3[%mul3A_2] : memref<331776xi32, #tpu.memory_space<hbm>> -> memref<10368xi32, #tpu.memory_space<hbm>>
    tpu.wait_dma2 semaphore(%arg24 : memref<!tpu.dma_semaphore, #tpu.memory_space<semaphore_mem>>) src(%dma_wait3A_322 : memref<10368xi32, #tpu.memory_space<hbm>>) dst(%arg7 : memref<10368xi32, #tpu.memory_space<vmem>>)
    %dma_wait3A_323 = tpu.memref_slice %arg4[%mul3A_2] : memref<331776xi32, #tpu.memory_space<hbm>> -> memref<10368xi32, #tpu.memory_space<hbm>>
    %dma_wait3A_324 = tpu.memref_slice %arg4[%mul3A_2] : memref<331776xi32, #tpu.memory_space<hbm>> -> memref<10368xi32, #tpu.memory_space<hbm>>
    tpu.wait_dma2 semaphore(%arg25 : memref<!tpu.dma_semaphore, #tpu.memory_space<semaphore_mem>>) src(%dma_wait3A_324 : memref<10368xi32, #tpu.memory_space<hbm>>) dst(%arg8 : memref<10368xi32, #tpu.memory_space<vmem>>)
    %barrier3A = arith.constant 0 : index
    tpu.barrier barrier_id(%barrier3A)
    %iota3A = tpu.iota {dimensions = array<i32: 0>} : vector<16xi32>
    %shift_right_logical3A = arith.constant 1 : i32
    %shift_right_logical3A_325 = vector.broadcast %shift_right_logical3A : i32 to vector<16xi32>
    %shift_right_logical3A_326 = arith.shrui %iota3A, %shift_right_logical3A_325 : vector<16xi32>
    %and3A = arith.constant 1 : i32
    %and3A_327 = vector.broadcast %and3A : i32 to vector<16xi32>
    %and3A_328 = arith.andi %iota3A, %and3A_327 : vector<16xi32>
    %scan3A = arith.constant 0 : i32
    %scan3A_329 = arith.constant 0 : i32
    %scan3A_330 = arith.constant 81 : i32
    %scan3A_331 = arith.addi %scan3A_329, %scan3A_330 : i32
    %scan3A_332 = arith.constant 1 : i32
    scf.for %scan3A_352 = %scan3A_329 to %scan3A_331 step %scan3A_332  : i32 {
      %mul3A_353 = arith.constant 4 : i32
      %mul3A_354 = arith.muli %scan3A_352, %mul3A_353 : i32
      %add3A_355 = arith.constant 0 : i32
      %add3A_356 = arith.addi %mul3A_354, %add3A_355 : i32
      %gt3A = arith.constant 0 : i32
      %gt3A_357 = arith.cmpi sgt, %scan3A_352, %gt3A : i32
      %convert_element_type3A = arith.extui %gt3A_357 : i1 to i32
      %cond3A = arith.constant 0 : i32
      %cond3A_358 = arith.cmpi ne, %convert_element_type3A, %cond3A : i32
      scf.if %cond3A_358 {
        %dma_wait3A_729 = arith.constant 0 : i32
        %dma_wait3A_730 = tpu.memref_slice %arg18[%dma_wait3A_729] : memref<20224xf32, #tpu.memory_space<vmem_shared>> -> memref<20224xf32, #tpu.memory_space<vmem_shared>>
        tpu.wait_indirect_dma semaphore(%arg19 : memref<!tpu.dma_semaphore, #tpu.memory_space<semaphore_mem>>) src(%arg10 : memref<64xf32, #tpu.memory_space<vmem>>) dst(%dma_wait3A_730 : memref<20224xf32, #tpu.memory_space<vmem_shared>>)
      } else {
      }
      %mul3A_359 = arith.constant 32 : i32
      %mul3A_360 = arith.muli %add3A_356, %mul3A_359 : i32
      %add3A_361 = arith.constant 0 : i32
      %add3A_362 = arith.addi %mul3A_360, %add3A_361 : i32
      %add3A_363 = vector.broadcast %add3A_362 : i32 to vector<16xi32>
      %add3A_364 = arith.addi %add3A_363, %shift_right_logical3A_326 : vector<16xi32>
      %gather3A = tpu.vector_load_idx %arg7[%add3A_364] : memref<10368xi32, #tpu.memory_space<vmem>>[vector<16xi32>], vector<16xi32>,
      %mul3A_365 = arith.constant 2 : i32
      %mul3A_366 = vector.broadcast %mul3A_365 : i32 to vector<16xi32>
      %mul3A_367 = arith.muli %gather3A, %mul3A_366 : vector<16xi32>
      %add3A_368 = arith.addi %mul3A_367, %and3A_328 : vector<16xi32>
      %gather3A_369 = tpu.vector_load_idx %arg6[%add3A_368] : memref<20000xf32, #tpu.memory_space<vmem>>[vector<16xi32>], vector<16xf32>,
      %swap3A_370 = arith.constant 0 : index
      %swap3A_371 = tpu.vector_load %arg10[%swap3A_370] {strides = array<i32>} : memref<64xf32, #tpu.memory_space<vmem>>, vector<16xf32>,
      tpu.vector_store %arg10[%swap3A_370], %gather3A_369 {strides = array<i32>} : memref<64xf32, #tpu.memory_space<vmem>>, vector<16xf32>,
      %gather3A_372 = tpu.vector_load_idx %arg8[%add3A_364] : memref<10368xi32, #tpu.memory_space<vmem>>[vector<16xi32>], vector<16xi32>,
      %mul3A_373 = arith.constant 2 : i32
      %mul3A_374 = vector.broadcast %mul3A_373 : i32 to vector<16xi32>
      %mul3A_375 = arith.muli %gather3A_372, %mul3A_374 : vector<16xi32>
      %add3A_376 = arith.addi %mul3A_375, %and3A_328 : vector<16xi32>
      %swap3A_377 = arith.constant 0 : index
      %swap3A_378 = tpu.vector_load %arg14[%swap3A_377] {strides = array<i32>} : memref<64xi32, #tpu.memory_space<vmem>>, vector<16xi32>,
      tpu.vector_store %arg14[%swap3A_377], %add3A_376 {strides = array<i32>} : memref<64xi32, #tpu.memory_space<vmem>>, vector<16xi32>,
      %mul3A_379 = arith.constant 32 : i32
      %mul3A_380 = arith.muli %add3A_356, %mul3A_379 : i32
      %add3A_381 = arith.constant 8 : i32
      %add3A_382 = arith.addi %mul3A_380, %add3A_381 : i32
      %add3A_383 = vector.broadcast %add3A_382 : i32 to vector<16xi32>
      %add3A_384 = arith.addi %add3A_383, %shift_right_logical3A_326 : vector<16xi32>
      %gather3A_385 = tpu.vector_load_idx %arg7[%add3A_384] : memref<10368xi32, #tpu.memory_space<vmem>>[vector<16xi32>], vector<16xi32>,
      %mul3A_386 = arith.constant 2 : i32
      %mul3A_387 = vector.broadcast %mul3A_386 : i32 to vector<16xi32>
      %mul3A_388 = arith.muli %gather3A_385, %mul3A_387 : vector<16xi32>
      %add3A_389 = arith.addi %mul3A_388, %and3A_328 : vector<16xi32>
      %gather3A_390 = tpu.vector_load_idx %arg6[%add3A_389] : memref<20000xf32, #tpu.memory_space<vmem>>[vector<16xi32>], vector<16xf32>,
      %swap3A_391 = arith.constant 16 : index
      %swap3A_392 = tpu.vector_load %arg10[%swap3A_391] {strides = array<i32>} : memref<64xf32, #tpu.memory_space<vmem>>, vector<16xf32>,
      tpu.vector_store %arg10[%swap3A_391], %gather3A_390 {strides = array<i32>} : memref<64xf32, #tpu.memory_space<vmem>>, vector<16xf32>,
      %gather3A_393 = tpu.vector_load_idx %arg8[%add3A_384] : memref<10368xi32, #tpu.memory_space<vmem>>[vector<16xi32>], vector<16xi32>,
      %mul3A_394 = arith.constant 2 : i32
      %mul3A_395 = vector.broadcast %mul3A_394 : i32 to vector<16xi32>
      %mul3A_396 = arith.muli %gather3A_393, %mul3A_395 : vector<16xi32>
      %add3A_397 = arith.addi %mul3A_396, %and3A_328 : vector<16xi32>
      %swap3A_398 = arith.constant 16 : index
      %swap3A_399 = tpu.vector_load %arg14[%swap3A_398] {strides = array<i32>} : memref<64xi32, #tpu.memory_space<vmem>>, vector<16xi32>,
      tpu.vector_store %arg14[%swap3A_398], %add3A_397 {strides = array<i32>} : memref<64xi32, #tpu.memory_space<vmem>>, vector<16xi32>,
      %mul3A_400 = arith.constant 32 : i32
      %mul3A_401 = arith.muli %add3A_356, %mul3A_400 : i32
      %add3A_402 = arith.constant 16 : i32
      %add3A_403 = arith.addi %mul3A_401, %add3A_402 : i32
      %add3A_404 = vector.broadcast %add3A_403 : i32 to vector<16xi32>
      %add3A_405 = arith.addi %add3A_404, %shift_right_logical3A_326 : vector<16xi32>
      %gather3A_406 = tpu.vector_load_idx %arg7[%add3A_405] : memref<10368xi32, #tpu.memory_space<vmem>>[vector<16xi32>], vector<16xi32>,
      %mul3A_407 = arith.constant 2 : i32
      %mul3A_408 = vector.broadcast %mul3A_407 : i32 to vector<16xi32>
      %mul3A_409 = arith.muli %gather3A_406, %mul3A_408 : vector<16xi32>
      %add3A_410 = arith.addi %mul3A_409, %and3A_328 : vector<16xi32>
      %gather3A_411 = tpu.vector_load_idx %arg6[%add3A_410] : memref<20000xf32, #tpu.memory_space<vmem>>[vector<16xi32>], vector<16xf32>,
      %swap3A_412 = arith.constant 32 : index
      %swap3A_413 = tpu.vector_load %arg10[%swap3A_412] {strides = array<i32>} : memref<64xf32, #tpu.memory_space<vmem>>, vector<16xf32>,
      tpu.vector_store %arg10[%swap3A_412], %gather3A_411 {strides = array<i32>} : memref<64xf32, #tpu.memory_space<vmem>>, vector<16xf32>,
      %gather3A_414 = tpu.vector_load_idx %arg8[%add3A_405] : memref<10368xi32, #tpu.memory_space<vmem>>[vector<16xi32>], vector<16xi32>,
      %mul3A_415 = arith.constant 2 : i32
      %mul3A_416 = vector.broadcast %mul3A_415 : i32 to vector<16xi32>
      %mul3A_417 = arith.muli %gather3A_414, %mul3A_416 : vector<16xi32>
      %add3A_418 = arith.addi %mul3A_417, %and3A_328 : vector<16xi32>
      %swap3A_419 = arith.constant 32 : index
      %swap3A_420 = tpu.vector_load %arg14[%swap3A_419] {strides = array<i32>} : memref<64xi32, #tpu.memory_space<vmem>>, vector<16xi32>,
      tpu.vector_store %arg14[%swap3A_419], %add3A_418 {strides = array<i32>} : memref<64xi32, #tpu.memory_space<vmem>>, vector<16xi32>,
      %mul3A_421 = arith.constant 32 : i32
      %mul3A_422 = arith.muli %add3A_356, %mul3A_421 : i32
      %add3A_423 = arith.constant 24 : i32
      %add3A_424 = arith.addi %mul3A_422, %add3A_423 : i32
      %add3A_425 = vector.broadcast %add3A_424 : i32 to vector<16xi32>
      %add3A_426 = arith.addi %add3A_425, %shift_right_logical3A_326 : vector<16xi32>
      %gather3A_427 = tpu.vector_load_idx %arg7[%add3A_426] : memref<10368xi32, #tpu.memory_space<vmem>>[vector<16xi32>], vector<16xi32>,
      %mul3A_428 = arith.constant 2 : i32
      %mul3A_429 = vector.broadcast %mul3A_428 : i32 to vector<16xi32>
      %mul3A_430 = arith.muli %gather3A_427, %mul3A_429 : vector<16xi32>
      %add3A_431 = arith.addi %mul3A_430, %and3A_328 : vector<16xi32>
      %gather3A_432 = tpu.vector_load_idx %arg6[%add3A_431] : memref<20000xf32, #tpu.memory_space<vmem>>[vector<16xi32>], vector<16xf32>,
      %swap3A_433 = arith.constant 48 : index
      %swap3A_434 = tpu.vector_load %arg10[%swap3A_433] {strides = array<i32>} : memref<64xf32, #tpu.memory_space<vmem>>, vector<16xf32>,
      tpu.vector_store %arg10[%swap3A_433], %gather3A_432 {strides = array<i32>} : memref<64xf32, #tpu.memory_space<vmem>>, vector<16xf32>,
      %gather3A_435 = tpu.vector_load_idx %arg8[%add3A_426] : memref<10368xi32, #tpu.memory_space<vmem>>[vector<16xi32>], vector<16xi32>,
      %mul3A_436 = arith.constant 2 : i32
      %mul3A_437 = vector.broadcast %mul3A_436 : i32 to vector<16xi32>
      %mul3A_438 = arith.muli %gather3A_435, %mul3A_437 : vector<16xi32>
      %add3A_439 = arith.addi %mul3A_438, %and3A_328 : vector<16xi32>
      %swap3A_440 = arith.constant 48 : index
      %swap3A_441 = tpu.vector_load %arg14[%swap3A_440] {strides = array<i32>} : memref<64xi32, #tpu.memory_space<vmem>>, vector<16xi32>,
      tpu.vector_store %arg14[%swap3A_440], %add3A_439 {strides = array<i32>} : memref<64xi32, #tpu.memory_space<vmem>>, vector<16xi32>,
      %dma_start3A_442 = arith.constant 0 : i32
      %dma_start3A_443 = tpu.memref_slice %arg18[%dma_start3A_442] : memref<20224xf32, #tpu.memory_space<vmem_shared>> -> memref<20224xf32, #tpu.memory_space<vmem_shared>>
      tpu.enqueue_indirect_dma source(%arg10 : memref<64xf32, #tpu.memory_space<vmem>>) target(%dma_start3A_443 : memref<20224xf32, #tpu.memory_space<vmem_shared>>) offsets(%arg14 : memref<64xi32, #tpu.memory_space<vmem>>) semaphore(%arg19 : memref<!tpu.dma_semaphore, #tpu.memory_space<semaphore_mem>>) {add = true}
      %mul3A_444 = arith.constant 4 : i32
      %mul3A_445 = arith.muli %scan3A_352, %mul3A_444 : i32
      %add3A_446 = arith.constant 1 : i32
      %add3A_447 = arith.addi %mul3A_445, %add3A_446 : i32
      %gt3A_448 = arith.constant 0 : i32
      %gt3A_449 = arith.cmpi sgt, %scan3A_352, %gt3A_448 : i32
      %convert_element_type3A_450 = arith.extui %gt3A_449 : i1 to i32
      %cond3A_451 = arith.constant 0 : i32
      %cond3A_452 = arith.cmpi ne, %convert_element_type3A_450, %cond3A_451 : i32
      scf.if %cond3A_452 {
        %dma_wait3A_729 = arith.constant 0 : i32
        %dma_wait3A_730 = tpu.memref_slice %arg18[%dma_wait3A_729] : memref<20224xf32, #tpu.memory_space<vmem_shared>> -> memref<20224xf32, #tpu.memory_space<vmem_shared>>
        tpu.wait_indirect_dma semaphore(%arg20 : memref<!tpu.dma_semaphore, #tpu.memory_space<semaphore_mem>>) src(%arg11 : memref<64xf32, #tpu.memory_space<vmem>>) dst(%dma_wait3A_730 : memref<20224xf32, #tpu.memory_space<vmem_shared>>)
      } else {
      }
      %mul3A_453 = arith.constant 32 : i32
      %mul3A_454 = arith.muli %add3A_447, %mul3A_453 : i32
      %add3A_455 = arith.constant 0 : i32
      %add3A_456 = arith.addi %mul3A_454, %add3A_455 : i32
      %add3A_457 = vector.broadcast %add3A_456 : i32 to vector<16xi32>
      %add3A_458 = arith.addi %add3A_457, %shift_right_logical3A_326 : vector<16xi32>
      %gather3A_459 = tpu.vector_load_idx %arg7[%add3A_458] : memref<10368xi32, #tpu.memory_space<vmem>>[vector<16xi32>], vector<16xi32>,
      %mul3A_460 = arith.constant 2 : i32
      %mul3A_461 = vector.broadcast %mul3A_460 : i32 to vector<16xi32>
      %mul3A_462 = arith.muli %gather3A_459, %mul3A_461 : vector<16xi32>
      %add3A_463 = arith.addi %mul3A_462, %and3A_328 : vector<16xi32>
      %gather3A_464 = tpu.vector_load_idx %arg6[%add3A_463] : memref<20000xf32, #tpu.memory_space<vmem>>[vector<16xi32>], vector<16xf32>,
      %swap3A_465 = arith.constant 0 : index
      %swap3A_466 = tpu.vector_load %arg11[%swap3A_465] {strides = array<i32>} : memref<64xf32, #tpu.memory_space<vmem>>, vector<16xf32>,
      tpu.vector_store %arg11[%swap3A_465], %gather3A_464 {strides = array<i32>} : memref<64xf32, #tpu.memory_space<vmem>>, vector<16xf32>,
      %gather3A_467 = tpu.vector_load_idx %arg8[%add3A_458] : memref<10368xi32, #tpu.memory_space<vmem>>[vector<16xi32>], vector<16xi32>,
      %mul3A_468 = arith.constant 2 : i32
      %mul3A_469 = vector.broadcast %mul3A_468 : i32 to vector<16xi32>
      %mul3A_470 = arith.muli %gather3A_467, %mul3A_469 : vector<16xi32>
      %add3A_471 = arith.addi %mul3A_470, %and3A_328 : vector<16xi32>
      %swap3A_472 = arith.constant 0 : index
      %swap3A_473 = tpu.vector_load %arg15[%swap3A_472] {strides = array<i32>} : memref<64xi32, #tpu.memory_space<vmem>>, vector<16xi32>,
      tpu.vector_store %arg15[%swap3A_472], %add3A_471 {strides = array<i32>} : memref<64xi32, #tpu.memory_space<vmem>>, vector<16xi32>,
      %mul3A_474 = arith.constant 32 : i32
      %mul3A_475 = arith.muli %add3A_447, %mul3A_474 : i32
      %add3A_476 = arith.constant 8 : i32
      %add3A_477 = arith.addi %mul3A_475, %add3A_476 : i32
      %add3A_478 = vector.broadcast %add3A_477 : i32 to vector<16xi32>
      %add3A_479 = arith.addi %add3A_478, %shift_right_logical3A_326 : vector<16xi32>
      %gather3A_480 = tpu.vector_load_idx %arg7[%add3A_479] : memref<10368xi32, #tpu.memory_space<vmem>>[vector<16xi32>], vector<16xi32>,
      %mul3A_481 = arith.constant 2 : i32
      %mul3A_482 = vector.broadcast %mul3A_481 : i32 to vector<16xi32>
      %mul3A_483 = arith.muli %gather3A_480, %mul3A_482 : vector<16xi32>
      %add3A_484 = arith.addi %mul3A_483, %and3A_328 : vector<16xi32>
      %gather3A_485 = tpu.vector_load_idx %arg6[%add3A_484] : memref<20000xf32, #tpu.memory_space<vmem>>[vector<16xi32>], vector<16xf32>,
      %swap3A_486 = arith.constant 16 : index
      %swap3A_487 = tpu.vector_load %arg11[%swap3A_486] {strides = array<i32>} : memref<64xf32, #tpu.memory_space<vmem>>, vector<16xf32>,
      tpu.vector_store %arg11[%swap3A_486], %gather3A_485 {strides = array<i32>} : memref<64xf32, #tpu.memory_space<vmem>>, vector<16xf32>,
      %gather3A_488 = tpu.vector_load_idx %arg8[%add3A_479] : memref<10368xi32, #tpu.memory_space<vmem>>[vector<16xi32>], vector<16xi32>,
      %mul3A_489 = arith.constant 2 : i32
      %mul3A_490 = vector.broadcast %mul3A_489 : i32 to vector<16xi32>
      %mul3A_491 = arith.muli %gather3A_488, %mul3A_490 : vector<16xi32>
      %add3A_492 = arith.addi %mul3A_491, %and3A_328 : vector<16xi32>
      %swap3A_493 = arith.constant 16 : index
      %swap3A_494 = tpu.vector_load %arg15[%swap3A_493] {strides = array<i32>} : memref<64xi32, #tpu.memory_space<vmem>>, vector<16xi32>,
      tpu.vector_store %arg15[%swap3A_493], %add3A_492 {strides = array<i32>} : memref<64xi32, #tpu.memory_space<vmem>>, vector<16xi32>,
      %mul3A_495 = arith.constant 32 : i32
      %mul3A_496 = arith.muli %add3A_447, %mul3A_495 : i32
      %add3A_497 = arith.constant 16 : i32
      %add3A_498 = arith.addi %mul3A_496, %add3A_497 : i32
      %add3A_499 = vector.broadcast %add3A_498 : i32 to vector<16xi32>
      %add3A_500 = arith.addi %add3A_499, %shift_right_logical3A_326 : vector<16xi32>
      %gather3A_501 = tpu.vector_load_idx %arg7[%add3A_500] : memref<10368xi32, #tpu.memory_space<vmem>>[vector<16xi32>], vector<16xi32>,
      %mul3A_502 = arith.constant 2 : i32
      %mul3A_503 = vector.broadcast %mul3A_502 : i32 to vector<16xi32>
      %mul3A_504 = arith.muli %gather3A_501, %mul3A_503 : vector<16xi32>
      %add3A_505 = arith.addi %mul3A_504, %and3A_328 : vector<16xi32>
      %gather3A_506 = tpu.vector_load_idx %arg6[%add3A_505] : memref<20000xf32, #tpu.memory_space<vmem>>[vector<16xi32>], vector<16xf32>,
      %swap3A_507 = arith.constant 32 : index
      %swap3A_508 = tpu.vector_load %arg11[%swap3A_507] {strides = array<i32>} : memref<64xf32, #tpu.memory_space<vmem>>, vector<16xf32>,
      tpu.vector_store %arg11[%swap3A_507], %gather3A_506 {strides = array<i32>} : memref<64xf32, #tpu.memory_space<vmem>>, vector<16xf32>,
      %gather3A_509 = tpu.vector_load_idx %arg8[%add3A_500] : memref<10368xi32, #tpu.memory_space<vmem>>[vector<16xi32>], vector<16xi32>,
      %mul3A_510 = arith.constant 2 : i32
      %mul3A_511 = vector.broadcast %mul3A_510 : i32 to vector<16xi32>
      %mul3A_512 = arith.muli %gather3A_509, %mul3A_511 : vector<16xi32>
      %add3A_513 = arith.addi %mul3A_512, %and3A_328 : vector<16xi32>
      %swap3A_514 = arith.constant 32 : index
      %swap3A_515 = tpu.vector_load %arg15[%swap3A_514] {strides = array<i32>} : memref<64xi32, #tpu.memory_space<vmem>>, vector<16xi32>,
      tpu.vector_store %arg15[%swap3A_514], %add3A_513 {strides = array<i32>} : memref<64xi32, #tpu.memory_space<vmem>>, vector<16xi32>,
      %mul3A_516 = arith.constant 32 : i32
      %mul3A_517 = arith.muli %add3A_447, %mul3A_516 : i32
      %add3A_518 = arith.constant 24 : i32
      %add3A_519 = arith.addi %mul3A_517, %add3A_518 : i32
      %add3A_520 = vector.broadcast %add3A_519 : i32 to vector<16xi32>
      %add3A_521 = arith.addi %add3A_520, %shift_right_logical3A_326 : vector<16xi32>
      %gather3A_522 = tpu.vector_load_idx %arg7[%add3A_521] : memref<10368xi32, #tpu.memory_space<vmem>>[vector<16xi32>], vector<16xi32>,
      %mul3A_523 = arith.constant 2 : i32
      %mul3A_524 = vector.broadcast %mul3A_523 : i32 to vector<16xi32>
      %mul3A_525 = arith.muli %gather3A_522, %mul3A_524 : vector<16xi32>
      %add3A_526 = arith.addi %mul3A_525, %and3A_328 : vector<16xi32>
      %gather3A_527 = tpu.vector_load_idx %arg6[%add3A_526] : memref<20000xf32, #tpu.memory_space<vmem>>[vector<16xi32>], vector<16xf32>,
      %swap3A_528 = arith.constant 48 : index
      %swap3A_529 = tpu.vector_load %arg11[%swap3A_528] {strides = array<i32>} : memref<64xf32, #tpu.memory_space<vmem>>, vector<16xf32>,
      tpu.vector_store %arg11[%swap3A_528], %gather3A_527 {strides = array<i32>} : memref<64xf32, #tpu.memory_space<vmem>>, vector<16xf32>,
      %gather3A_530 = tpu.vector_load_idx %arg8[%add3A_521] : memref<10368xi32, #tpu.memory_space<vmem>>[vector<16xi32>], vector<16xi32>,
      %mul3A_531 = arith.constant 2 : i32
      %mul3A_532 = vector.broadcast %mul3A_531 : i32 to vector<16xi32>
      %mul3A_533 = arith.muli %gather3A_530, %mul3A_532 : vector<16xi32>
      %add3A_534 = arith.addi %mul3A_533, %and3A_328 : vector<16xi32>
      %swap3A_535 = arith.constant 48 : index
      %swap3A_536 = tpu.vector_load %arg15[%swap3A_535] {strides = array<i32>} : memref<64xi32, #tpu.memory_space<vmem>>, vector<16xi32>,
      tpu.vector_store %arg15[%swap3A_535], %add3A_534 {strides = array<i32>} : memref<64xi32, #tpu.memory_space<vmem>>, vector<16xi32>,
      %dma_start3A_537 = arith.constant 0 : i32
      %dma_start3A_538 = tpu.memref_slice %arg18[%dma_start3A_537] : memref<20224xf32, #tpu.memory_space<vmem_shared>> -> memref<20224xf32, #tpu.memory_space<vmem_shared>>
      tpu.enqueue_indirect_dma source(%arg11 : memref<64xf32, #tpu.memory_space<vmem>>) target(%dma_start3A_538 : memref<20224xf32, #tpu.memory_space<vmem_shared>>) offsets(%arg15 : memref<64xi32, #tpu.memory_space<vmem>>) semaphore(%arg20 : memref<!tpu.dma_semaphore, #tpu.memory_space<semaphore_mem>>) {add = true}
      %mul3A_539 = arith.constant 4 : i32
      %mul3A_540 = arith.muli %scan3A_352, %mul3A_539 : i32
      %add3A_541 = arith.constant 2 : i32
      %add3A_542 = arith.addi %mul3A_540, %add3A_541 : i32
      %gt3A_543 = arith.constant 0 : i32
      %gt3A_544 = arith.cmpi sgt, %scan3A_352, %gt3A_543 : i32
      %convert_element_type3A_545 = arith.extui %gt3A_544 : i1 to i32
      %cond3A_546 = arith.constant 0 : i32
      %cond3A_547 = arith.cmpi ne, %convert_element_type3A_545, %cond3A_546 : i32
      scf.if %cond3A_547 {
        %dma_wait3A_729 = arith.constant 0 : i32
        %dma_wait3A_730 = tpu.memref_slice %arg18[%dma_wait3A_729] : memref<20224xf32, #tpu.memory_space<vmem_shared>> -> memref<20224xf32, #tpu.memory_space<vmem_shared>>
        tpu.wait_indirect_dma semaphore(%arg21 : memref<!tpu.dma_semaphore, #tpu.memory_space<semaphore_mem>>) src(%arg12 : memref<64xf32, #tpu.memory_space<vmem>>) dst(%dma_wait3A_730 : memref<20224xf32, #tpu.memory_space<vmem_shared>>)
      } else {
      }
      %mul3A_548 = arith.constant 32 : i32
      %mul3A_549 = arith.muli %add3A_542, %mul3A_548 : i32
      %add3A_550 = arith.constant 0 : i32
      %add3A_551 = arith.addi %mul3A_549, %add3A_550 : i32
      %add3A_552 = vector.broadcast %add3A_551 : i32 to vector<16xi32>
      %add3A_553 = arith.addi %add3A_552, %shift_right_logical3A_326 : vector<16xi32>
      %gather3A_554 = tpu.vector_load_idx %arg7[%add3A_553] : memref<10368xi32, #tpu.memory_space<vmem>>[vector<16xi32>], vector<16xi32>,
      %mul3A_555 = arith.constant 2 : i32
      %mul3A_556 = vector.broadcast %mul3A_555 : i32 to vector<16xi32>
      %mul3A_557 = arith.muli %gather3A_554, %mul3A_556 : vector<16xi32>
      %add3A_558 = arith.addi %mul3A_557, %and3A_328 : vector<16xi32>
      %gather3A_559 = tpu.vector_load_idx %arg6[%add3A_558] : memref<20000xf32, #tpu.memory_space<vmem>>[vector<16xi32>], vector<16xf32>,
      %swap3A_560 = arith.constant 0 : index
      %swap3A_561 = tpu.vector_load %arg12[%swap3A_560] {strides = array<i32>} : memref<64xf32, #tpu.memory_space<vmem>>, vector<16xf32>,
      tpu.vector_store %arg12[%swap3A_560], %gather3A_559 {strides = array<i32>} : memref<64xf32, #tpu.memory_space<vmem>>, vector<16xf32>,
      %gather3A_562 = tpu.vector_load_idx %arg8[%add3A_553] : memref<10368xi32, #tpu.memory_space<vmem>>[vector<16xi32>], vector<16xi32>,
      %mul3A_563 = arith.constant 2 : i32
      %mul3A_564 = vector.broadcast %mul3A_563 : i32 to vector<16xi32>
      %mul3A_565 = arith.muli %gather3A_562, %mul3A_564 : vector<16xi32>
      %add3A_566 = arith.addi %mul3A_565, %and3A_328 : vector<16xi32>
      %swap3A_567 = arith.constant 0 : index
      %swap3A_568 = tpu.vector_load %arg16[%swap3A_567] {strides = array<i32>} : memref<64xi32, #tpu.memory_space<vmem>>, vector<16xi32>,
      tpu.vector_store %arg16[%swap3A_567], %add3A_566 {strides = array<i32>} : memref<64xi32, #tpu.memory_space<vmem>>, vector<16xi32>,
      %mul3A_569 = arith.constant 32 : i32
      %mul3A_570 = arith.muli %add3A_542, %mul3A_569 : i32
      %add3A_571 = arith.constant 8 : i32
      %add3A_572 = arith.addi %mul3A_570, %add3A_571 : i32
      %add3A_573 = vector.broadcast %add3A_572 : i32 to vector<16xi32>
      %add3A_574 = arith.addi %add3A_573, %shift_right_logical3A_326 : vector<16xi32>
      %gather3A_575 = tpu.vector_load_idx %arg7[%add3A_574] : memref<10368xi32, #tpu.memory_space<vmem>>[vector<16xi32>], vector<16xi32>,
      %mul3A_576 = arith.constant 2 : i32
      %mul3A_577 = vector.broadcast %mul3A_576 : i32 to vector<16xi32>
      %mul3A_578 = arith.muli %gather3A_575, %mul3A_577 : vector<16xi32>
      %add3A_579 = arith.addi %mul3A_578, %and3A_328 : vector<16xi32>
      %gather3A_580 = tpu.vector_load_idx %arg6[%add3A_579] : memref<20000xf32, #tpu.memory_space<vmem>>[vector<16xi32>], vector<16xf32>,
      %swap3A_581 = arith.constant 16 : index
      %swap3A_582 = tpu.vector_load %arg12[%swap3A_581] {strides = array<i32>} : memref<64xf32, #tpu.memory_space<vmem>>, vector<16xf32>,
      tpu.vector_store %arg12[%swap3A_581], %gather3A_580 {strides = array<i32>} : memref<64xf32, #tpu.memory_space<vmem>>, vector<16xf32>,
      %gather3A_583 = tpu.vector_load_idx %arg8[%add3A_574] : memref<10368xi32, #tpu.memory_space<vmem>>[vector<16xi32>], vector<16xi32>,
      %mul3A_584 = arith.constant 2 : i32
      %mul3A_585 = vector.broadcast %mul3A_584 : i32 to vector<16xi32>
      %mul3A_586 = arith.muli %gather3A_583, %mul3A_585 : vector<16xi32>
      %add3A_587 = arith.addi %mul3A_586, %and3A_328 : vector<16xi32>
      %swap3A_588 = arith.constant 16 : index
      %swap3A_589 = tpu.vector_load %arg16[%swap3A_588] {strides = array<i32>} : memref<64xi32, #tpu.memory_space<vmem>>, vector<16xi32>,
      tpu.vector_store %arg16[%swap3A_588], %add3A_587 {strides = array<i32>} : memref<64xi32, #tpu.memory_space<vmem>>, vector<16xi32>,
      %mul3A_590 = arith.constant 32 : i32
      %mul3A_591 = arith.muli %add3A_542, %mul3A_590 : i32
      %add3A_592 = arith.constant 16 : i32
      %add3A_593 = arith.addi %mul3A_591, %add3A_592 : i32
      %add3A_594 = vector.broadcast %add3A_593 : i32 to vector<16xi32>
      %add3A_595 = arith.addi %add3A_594, %shift_right_logical3A_326 : vector<16xi32>
      %gather3A_596 = tpu.vector_load_idx %arg7[%add3A_595] : memref<10368xi32, #tpu.memory_space<vmem>>[vector<16xi32>], vector<16xi32>,
      %mul3A_597 = arith.constant 2 : i32
      %mul3A_598 = vector.broadcast %mul3A_597 : i32 to vector<16xi32>
      %mul3A_599 = arith.muli %gather3A_596, %mul3A_598 : vector<16xi32>
      %add3A_600 = arith.addi %mul3A_599, %and3A_328 : vector<16xi32>
      %gather3A_601 = tpu.vector_load_idx %arg6[%add3A_600] : memref<20000xf32, #tpu.memory_space<vmem>>[vector<16xi32>], vector<16xf32>,
      %swap3A_602 = arith.constant 32 : index
      %swap3A_603 = tpu.vector_load %arg12[%swap3A_602] {strides = array<i32>} : memref<64xf32, #tpu.memory_space<vmem>>, vector<16xf32>,
      tpu.vector_store %arg12[%swap3A_602], %gather3A_601 {strides = array<i32>} : memref<64xf32, #tpu.memory_space<vmem>>, vector<16xf32>,
      %gather3A_604 = tpu.vector_load_idx %arg8[%add3A_595] : memref<10368xi32, #tpu.memory_space<vmem>>[vector<16xi32>], vector<16xi32>,
      %mul3A_605 = arith.constant 2 : i32
      %mul3A_606 = vector.broadcast %mul3A_605 : i32 to vector<16xi32>
      %mul3A_607 = arith.muli %gather3A_604, %mul3A_606 : vector<16xi32>
      %add3A_608 = arith.addi %mul3A_607, %and3A_328 : vector<16xi32>
      %swap3A_609 = arith.constant 32 : index
      %swap3A_610 = tpu.vector_load %arg16[%swap3A_609] {strides = array<i32>} : memref<64xi32, #tpu.memory_space<vmem>>, vector<16xi32>,
      tpu.vector_store %arg16[%swap3A_609], %add3A_608 {strides = array<i32>} : memref<64xi32, #tpu.memory_space<vmem>>, vector<16xi32>,
      %mul3A_611 = arith.constant 32 : i32
      %mul3A_612 = arith.muli %add3A_542, %mul3A_611 : i32
      %add3A_613 = arith.constant 24 : i32
      %add3A_614 = arith.addi %mul3A_612, %add3A_613 : i32
      %add3A_615 = vector.broadcast %add3A_614 : i32 to vector<16xi32>
      %add3A_616 = arith.addi %add3A_615, %shift_right_logical3A_326 : vector<16xi32>
      %gather3A_617 = tpu.vector_load_idx %arg7[%add3A_616] : memref<10368xi32, #tpu.memory_space<vmem>>[vector<16xi32>], vector<16xi32>,
      %mul3A_618 = arith.constant 2 : i32
      %mul3A_619 = vector.broadcast %mul3A_618 : i32 to vector<16xi32>
      %mul3A_620 = arith.muli %gather3A_617, %mul3A_619 : vector<16xi32>
      %add3A_621 = arith.addi %mul3A_620, %and3A_328 : vector<16xi32>
      %gather3A_622 = tpu.vector_load_idx %arg6[%add3A_621] : memref<20000xf32, #tpu.memory_space<vmem>>[vector<16xi32>], vector<16xf32>,
      %swap3A_623 = arith.constant 48 : index
      %swap3A_624 = tpu.vector_load %arg12[%swap3A_623] {strides = array<i32>} : memref<64xf32, #tpu.memory_space<vmem>>, vector<16xf32>,
      tpu.vector_store %arg12[%swap3A_623], %gather3A_622 {strides = array<i32>} : memref<64xf32, #tpu.memory_space<vmem>>, vector<16xf32>,
      %gather3A_625 = tpu.vector_load_idx %arg8[%add3A_616] : memref<10368xi32, #tpu.memory_space<vmem>>[vector<16xi32>], vector<16xi32>,
      %mul3A_626 = arith.constant 2 : i32
      %mul3A_627 = vector.broadcast %mul3A_626 : i32 to vector<16xi32>
      %mul3A_628 = arith.muli %gather3A_625, %mul3A_627 : vector<16xi32>
      %add3A_629 = arith.addi %mul3A_628, %and3A_328 : vector<16xi32>
      %swap3A_630 = arith.constant 48 : index
      %swap3A_631 = tpu.vector_load %arg16[%swap3A_630] {strides = array<i32>} : memref<64xi32, #tpu.memory_space<vmem>>, vector<16xi32>,
      tpu.vector_store %arg16[%swap3A_630], %add3A_629 {strides = array<i32>} : memref<64xi32, #tpu.memory_space<vmem>>, vector<16xi32>,
      %dma_start3A_632 = arith.constant 0 : i32
      %dma_start3A_633 = tpu.memref_slice %arg18[%dma_start3A_632] : memref<20224xf32, #tpu.memory_space<vmem_shared>> -> memref<20224xf32, #tpu.memory_space<vmem_shared>>
      tpu.enqueue_indirect_dma source(%arg12 : memref<64xf32, #tpu.memory_space<vmem>>) target(%dma_start3A_633 : memref<20224xf32, #tpu.memory_space<vmem_shared>>) offsets(%arg16 : memref<64xi32, #tpu.memory_space<vmem>>) semaphore(%arg21 : memref<!tpu.dma_semaphore, #tpu.memory_space<semaphore_mem>>) {add = true}
      %mul3A_634 = arith.constant 4 : i32
      %mul3A_635 = arith.muli %scan3A_352, %mul3A_634 : i32
      %add3A_636 = arith.constant 3 : i32
      %add3A_637 = arith.addi %mul3A_635, %add3A_636 : i32
      %gt3A_638 = arith.constant 0 : i32
      %gt3A_639 = arith.cmpi sgt, %scan3A_352, %gt3A_638 : i32
      %convert_element_type3A_640 = arith.extui %gt3A_639 : i1 to i32
      %cond3A_641 = arith.constant 0 : i32
      %cond3A_642 = arith.cmpi ne, %convert_element_type3A_640, %cond3A_641 : i32
      scf.if %cond3A_642 {
        %dma_wait3A_729 = arith.constant 0 : i32
        %dma_wait3A_730 = tpu.memref_slice %arg18[%dma_wait3A_729] : memref<20224xf32, #tpu.memory_space<vmem_shared>> -> memref<20224xf32, #tpu.memory_space<vmem_shared>>
        tpu.wait_indirect_dma semaphore(%arg22 : memref<!tpu.dma_semaphore, #tpu.memory_space<semaphore_mem>>) src(%arg13 : memref<64xf32, #tpu.memory_space<vmem>>) dst(%dma_wait3A_730 : memref<20224xf32, #tpu.memory_space<vmem_shared>>)
      } else {
      }
      %mul3A_643 = arith.constant 32 : i32
      %mul3A_644 = arith.muli %add3A_637, %mul3A_643 : i32
      %add3A_645 = arith.constant 0 : i32
      %add3A_646 = arith.addi %mul3A_644, %add3A_645 : i32
      %add3A_647 = vector.broadcast %add3A_646 : i32 to vector<16xi32>
      %add3A_648 = arith.addi %add3A_647, %shift_right_logical3A_326 : vector<16xi32>
      %gather3A_649 = tpu.vector_load_idx %arg7[%add3A_648] : memref<10368xi32, #tpu.memory_space<vmem>>[vector<16xi32>], vector<16xi32>,
      %mul3A_650 = arith.constant 2 : i32
      %mul3A_651 = vector.broadcast %mul3A_650 : i32 to vector<16xi32>
      %mul3A_652 = arith.muli %gather3A_649, %mul3A_651 : vector<16xi32>
      %add3A_653 = arith.addi %mul3A_652, %and3A_328 : vector<16xi32>
      %gather3A_654 = tpu.vector_load_idx %arg6[%add3A_653] : memref<20000xf32, #tpu.memory_space<vmem>>[vector<16xi32>], vector<16xf32>,
      %swap3A_655 = arith.constant 0 : index
      %swap3A_656 = tpu.vector_load %arg13[%swap3A_655] {strides = array<i32>} : memref<64xf32, #tpu.memory_space<vmem>>, vector<16xf32>,
      tpu.vector_store %arg13[%swap3A_655], %gather3A_654 {strides = array<i32>} : memref<64xf32, #tpu.memory_space<vmem>>, vector<16xf32>,
      %gather3A_657 = tpu.vector_load_idx %arg8[%add3A_648] : memref<10368xi32, #tpu.memory_space<vmem>>[vector<16xi32>], vector<16xi32>,
      %mul3A_658 = arith.constant 2 : i32
      %mul3A_659 = vector.broadcast %mul3A_658 : i32 to vector<16xi32>
      %mul3A_660 = arith.muli %gather3A_657, %mul3A_659 : vector<16xi32>
      %add3A_661 = arith.addi %mul3A_660, %and3A_328 : vector<16xi32>
      %swap3A_662 = arith.constant 0 : index
      %swap3A_663 = tpu.vector_load %arg17[%swap3A_662] {strides = array<i32>} : memref<64xi32, #tpu.memory_space<vmem>>, vector<16xi32>,
      tpu.vector_store %arg17[%swap3A_662], %add3A_661 {strides = array<i32>} : memref<64xi32, #tpu.memory_space<vmem>>, vector<16xi32>,
      %mul3A_664 = arith.constant 32 : i32
      %mul3A_665 = arith.muli %add3A_637, %mul3A_664 : i32
      %add3A_666 = arith.constant 8 : i32
      %add3A_667 = arith.addi %mul3A_665, %add3A_666 : i32
      %add3A_668 = vector.broadcast %add3A_667 : i32 to vector<16xi32>
      %add3A_669 = arith.addi %add3A_668, %shift_right_logical3A_326 : vector<16xi32>
      %gather3A_670 = tpu.vector_load_idx %arg7[%add3A_669] : memref<10368xi32, #tpu.memory_space<vmem>>[vector<16xi32>], vector<16xi32>,
      %mul3A_671 = arith.constant 2 : i32
      %mul3A_672 = vector.broadcast %mul3A_671 : i32 to vector<16xi32>
      %mul3A_673 = arith.muli %gather3A_670, %mul3A_672 : vector<16xi32>
      %add3A_674 = arith.addi %mul3A_673, %and3A_328 : vector<16xi32>
      %gather3A_675 = tpu.vector_load_idx %arg6[%add3A_674] : memref<20000xf32, #tpu.memory_space<vmem>>[vector<16xi32>], vector<16xf32>,
      %swap3A_676 = arith.constant 16 : index
      %swap3A_677 = tpu.vector_load %arg13[%swap3A_676] {strides = array<i32>} : memref<64xf32, #tpu.memory_space<vmem>>, vector<16xf32>,
      tpu.vector_store %arg13[%swap3A_676], %gather3A_675 {strides = array<i32>} : memref<64xf32, #tpu.memory_space<vmem>>, vector<16xf32>,
      %gather3A_678 = tpu.vector_load_idx %arg8[%add3A_669] : memref<10368xi32, #tpu.memory_space<vmem>>[vector<16xi32>], vector<16xi32>,
      %mul3A_679 = arith.constant 2 : i32
      %mul3A_680 = vector.broadcast %mul3A_679 : i32 to vector<16xi32>
      %mul3A_681 = arith.muli %gather3A_678, %mul3A_680 : vector<16xi32>
      %add3A_682 = arith.addi %mul3A_681, %and3A_328 : vector<16xi32>
      %swap3A_683 = arith.constant 16 : index
      %swap3A_684 = tpu.vector_load %arg17[%swap3A_683] {strides = array<i32>} : memref<64xi32, #tpu.memory_space<vmem>>, vector<16xi32>,
      tpu.vector_store %arg17[%swap3A_683], %add3A_682 {strides = array<i32>} : memref<64xi32, #tpu.memory_space<vmem>>, vector<16xi32>,
      %mul3A_685 = arith.constant 32 : i32
      %mul3A_686 = arith.muli %add3A_637, %mul3A_685 : i32
      %add3A_687 = arith.constant 16 : i32
      %add3A_688 = arith.addi %mul3A_686, %add3A_687 : i32
      %add3A_689 = vector.broadcast %add3A_688 : i32 to vector<16xi32>
      %add3A_690 = arith.addi %add3A_689, %shift_right_logical3A_326 : vector<16xi32>
      %gather3A_691 = tpu.vector_load_idx %arg7[%add3A_690] : memref<10368xi32, #tpu.memory_space<vmem>>[vector<16xi32>], vector<16xi32>,
      %mul3A_692 = arith.constant 2 : i32
      %mul3A_693 = vector.broadcast %mul3A_692 : i32 to vector<16xi32>
      %mul3A_694 = arith.muli %gather3A_691, %mul3A_693 : vector<16xi32>
      %add3A_695 = arith.addi %mul3A_694, %and3A_328 : vector<16xi32>
      %gather3A_696 = tpu.vector_load_idx %arg6[%add3A_695] : memref<20000xf32, #tpu.memory_space<vmem>>[vector<16xi32>], vector<16xf32>,
      %swap3A_697 = arith.constant 32 : index
      %swap3A_698 = tpu.vector_load %arg13[%swap3A_697] {strides = array<i32>} : memref<64xf32, #tpu.memory_space<vmem>>, vector<16xf32>,
      tpu.vector_store %arg13[%swap3A_697], %gather3A_696 {strides = array<i32>} : memref<64xf32, #tpu.memory_space<vmem>>, vector<16xf32>,
      %gather3A_699 = tpu.vector_load_idx %arg8[%add3A_690] : memref<10368xi32, #tpu.memory_space<vmem>>[vector<16xi32>], vector<16xi32>,
      %mul3A_700 = arith.constant 2 : i32
      %mul3A_701 = vector.broadcast %mul3A_700 : i32 to vector<16xi32>
      %mul3A_702 = arith.muli %gather3A_699, %mul3A_701 : vector<16xi32>
      %add3A_703 = arith.addi %mul3A_702, %and3A_328 : vector<16xi32>
      %swap3A_704 = arith.constant 32 : index
      %swap3A_705 = tpu.vector_load %arg17[%swap3A_704] {strides = array<i32>} : memref<64xi32, #tpu.memory_space<vmem>>, vector<16xi32>,
      tpu.vector_store %arg17[%swap3A_704], %add3A_703 {strides = array<i32>} : memref<64xi32, #tpu.memory_space<vmem>>, vector<16xi32>,
      %mul3A_706 = arith.constant 32 : i32
      %mul3A_707 = arith.muli %add3A_637, %mul3A_706 : i32
      %add3A_708 = arith.constant 24 : i32
      %add3A_709 = arith.addi %mul3A_707, %add3A_708 : i32
      %add3A_710 = vector.broadcast %add3A_709 : i32 to vector<16xi32>
      %add3A_711 = arith.addi %add3A_710, %shift_right_logical3A_326 : vector<16xi32>
      %gather3A_712 = tpu.vector_load_idx %arg7[%add3A_711] : memref<10368xi32, #tpu.memory_space<vmem>>[vector<16xi32>], vector<16xi32>,
      %mul3A_713 = arith.constant 2 : i32
      %mul3A_714 = vector.broadcast %mul3A_713 : i32 to vector<16xi32>
      %mul3A_715 = arith.muli %gather3A_712, %mul3A_714 : vector<16xi32>
      %add3A_716 = arith.addi %mul3A_715, %and3A_328 : vector<16xi32>
      %gather3A_717 = tpu.vector_load_idx %arg6[%add3A_716] : memref<20000xf32, #tpu.memory_space<vmem>>[vector<16xi32>], vector<16xf32>,
      %swap3A_718 = arith.constant 48 : index
      %swap3A_719 = tpu.vector_load %arg13[%swap3A_718] {strides = array<i32>} : memref<64xf32, #tpu.memory_space<vmem>>, vector<16xf32>,
      tpu.vector_store %arg13[%swap3A_718], %gather3A_717 {strides = array<i32>} : memref<64xf32, #tpu.memory_space<vmem>>, vector<16xf32>,
      %gather3A_720 = tpu.vector_load_idx %arg8[%add3A_711] : memref<10368xi32, #tpu.memory_space<vmem>>[vector<16xi32>], vector<16xi32>,
      %mul3A_721 = arith.constant 2 : i32
      %mul3A_722 = vector.broadcast %mul3A_721 : i32 to vector<16xi32>
      %mul3A_723 = arith.muli %gather3A_720, %mul3A_722 : vector<16xi32>
      %add3A_724 = arith.addi %mul3A_723, %and3A_328 : vector<16xi32>
      %swap3A_725 = arith.constant 48 : index
      %swap3A_726 = tpu.vector_load %arg17[%swap3A_725] {strides = array<i32>} : memref<64xi32, #tpu.memory_space<vmem>>, vector<16xi32>,
      tpu.vector_store %arg17[%swap3A_725], %add3A_724 {strides = array<i32>} : memref<64xi32, #tpu.memory_space<vmem>>, vector<16xi32>,
      %dma_start3A_727 = arith.constant 0 : i32
      %dma_start3A_728 = tpu.memref_slice %arg18[%dma_start3A_727] : memref<20224xf32, #tpu.memory_space<vmem_shared>> -> memref<20224xf32, #tpu.memory_space<vmem_shared>>
      tpu.enqueue_indirect_dma source(%arg13 : memref<64xf32, #tpu.memory_space<vmem>>) target(%dma_start3A_728 : memref<20224xf32, #tpu.memory_space<vmem_shared>>) offsets(%arg17 : memref<64xi32, #tpu.memory_space<vmem>>) semaphore(%arg22 : memref<!tpu.dma_semaphore, #tpu.memory_space<semaphore_mem>>) {add = true}
    }
    %scan3A_333 = arith.constant 81 : i32
    %dma_wait3A_334 = arith.constant 0 : i32
    %dma_wait3A_335 = tpu.memref_slice %arg18[%dma_wait3A_334] : memref<20224xf32, #tpu.memory_space<vmem_shared>> -> memref<20224xf32, #tpu.memory_space<vmem_shared>>
    tpu.wait_indirect_dma semaphore(%arg19 : memref<!tpu.dma_semaphore, #tpu.memory_space<semaphore_mem>>) src(%arg10 : memref<64xf32, #tpu.memory_space<vmem>>) dst(%dma_wait3A_335 : memref<20224xf32, #tpu.memory_space<vmem_shared>>)
    %dma_wait3A_336 = arith.constant 0 : i32
    %dma_wait3A_337 = tpu.memref_slice %arg18[%dma_wait3A_336] : memref<20224xf32, #tpu.memory_space<vmem_shared>> -> memref<20224xf32, #tpu.memory_space<vmem_shared>>
    tpu.wait_indirect_dma semaphore(%arg20 : memref<!tpu.dma_semaphore, #tpu.memory_space<semaphore_mem>>) src(%arg11 : memref<64xf32, #tpu.memory_space<vmem>>) dst(%dma_wait3A_337 : memref<20224xf32, #tpu.memory_space<vmem_shared>>)
    %dma_wait3A_338 = arith.constant 0 : i32
    %dma_wait3A_339 = tpu.memref_slice %arg18[%dma_wait3A_338] : memref<20224xf32, #tpu.memory_space<vmem_shared>> -> memref<20224xf32, #tpu.memory_space<vmem_shared>>
    tpu.wait_indirect_dma semaphore(%arg21 : memref<!tpu.dma_semaphore, #tpu.memory_space<semaphore_mem>>) src(%arg12 : memref<64xf32, #tpu.memory_space<vmem>>) dst(%dma_wait3A_339 : memref<20224xf32, #tpu.memory_space<vmem_shared>>)
    %dma_wait3A_340 = arith.constant 0 : i32
    %dma_wait3A_341 = tpu.memref_slice %arg18[%dma_wait3A_340] : memref<20224xf32, #tpu.memory_space<vmem_shared>> -> memref<20224xf32, #tpu.memory_space<vmem_shared>>
    tpu.wait_indirect_dma semaphore(%arg22 : memref<!tpu.dma_semaphore, #tpu.memory_space<semaphore_mem>>) src(%arg13 : memref<64xf32, #tpu.memory_space<vmem>>) dst(%dma_wait3A_341 : memref<20224xf32, #tpu.memory_space<vmem_shared>>)
    %barrier3A_342 = arith.constant 0 : index
    tpu.barrier barrier_id(%barrier3A_342)
    %mul3A_343 = arith.constant 1264 : i32
    %mul3A_344 = arith.muli %arg1, %mul3A_343 : i32
    "tpu.region"() ({
      %run_scoped3A = tpu.sem_alloc : memref<!tpu.dma_semaphore, #tpu.memory_space<semaphore_mem>>
      %dma_start3A_352 = tpu.memref_slice %arg18[%mul3A_344] : memref<20224xf32, #tpu.memory_space<vmem_shared>> -> memref<1264xf32, #tpu.memory_space<vmem_shared>>
      %dma_start3A_353 = tpu.memref_slice %arg18[%mul3A_344] : memref<20224xf32, #tpu.memory_space<vmem_shared>> -> memref<1264xf32, #tpu.memory_space<vmem_shared>>
      tpu.enqueue_dma source(%dma_start3A_353 : memref<1264xf32, #tpu.memory_space<vmem_shared>>) target(%arg9 : memref<1264xf32, #tpu.memory_space<vmem>>) target_semaphore(%run_scoped3A : memref<!tpu.dma_semaphore, #tpu.memory_space<semaphore_mem>>)
      %dma_wait3A_354 = tpu.memref_slice %arg18[%mul3A_344] : memref<20224xf32, #tpu.memory_space<vmem_shared>> -> memref<1264xf32, #tpu.memory_space<vmem_shared>>
      %dma_wait3A_355 = tpu.memref_slice %arg18[%mul3A_344] : memref<20224xf32, #tpu.memory_space<vmem_shared>> -> memref<1264xf32, #tpu.memory_space<vmem_shared>>
      tpu.wait_dma2 semaphore(%run_scoped3A : memref<!tpu.dma_semaphore, #tpu.memory_space<semaphore_mem>>) src(%dma_wait3A_355 : memref<1264xf32, #tpu.memory_space<vmem_shared>>) dst(%arg9 : memref<1264xf32, #tpu.memory_space<vmem>>)
      tpu.yield
    }) : () -> ()
    %mul3A_345 = arith.constant 2 : i32
    %mul3A_346 = arith.muli %arg0, %mul3A_345 : i32
    %mul3A_347 = arith.constant 10112 : i32
    %mul3A_348 = arith.muli %mul3A_346, %mul3A_347 : i32
    %mul3A_349 = arith.constant 1264 : i32
    %mul3A_350 = arith.muli %arg1, %mul3A_349 : i32
    %add3A_351 = arith.addi %mul3A_348, %mul3A_350 : i32
    "tpu.region"() ({
      %run_scoped3A = tpu.sem_alloc : memref<!tpu.dma_semaphore, #tpu.memory_space<semaphore_mem>>
      %dma_start3A_352 = tpu.memref_slice %arg5[%add3A_351] : memref<40448xf32, #tpu.memory_space<hbm>> -> memref<1264xf32, #tpu.memory_space<hbm>>
      %dma_start3A_353 = tpu.memref_slice %arg5[%add3A_351] : memref<40448xf32, #tpu.memory_space<hbm>> -> memref<1264xf32, #tpu.memory_space<hbm>>
      tpu.enqueue_dma source(%arg9 : memref<1264xf32, #tpu.memory_space<vmem>>) target(%dma_start3A_353 : memref<1264xf32, #tpu.memory_space<hbm>>) target_semaphore(%run_scoped3A : memref<!tpu.dma_semaphore, #tpu.memory_space<semaphore_mem>>)
      %dma_wait3A_354 = tpu.memref_slice %arg5[%add3A_351] : memref<40448xf32, #tpu.memory_space<hbm>> -> memref<1264xf32, #tpu.memory_space<hbm>>
      %dma_wait3A_355 = tpu.memref_slice %arg5[%add3A_351] : memref<40448xf32, #tpu.memory_space<hbm>> -> memref<1264xf32, #tpu.memory_space<hbm>>
      tpu.wait_dma2 semaphore(%run_scoped3A : memref<!tpu.dma_semaphore, #tpu.memory_space<semaphore_mem>>) src(%arg9 : memref<1264xf32, #tpu.memory_space<vmem>>) dst(%dma_wait3A_355 : memref<1264xf32, #tpu.memory_space<hbm>>)
      tpu.yield
    }) : () -> ()
    return
  }
}

#map = affine_map<(d0, d1) -> (0, 0)>
#map1 = affine_map<(d0, d1) -> (0)>
#map2 = affine_map<(d0, d1) -> (0, 0, 0)>
module attributes {stable_mosaic.version = 14 : i64} {
  func.func @body(%arg0: i32, %arg1: i32, %arg2: memref<10000x128xf32, #tpu.memory_space<hbm>>, %arg3: memref<331776xi32, #tpu.memory_space<hbm>>, %arg4: memref<331776xi32, #tpu.memory_space<hbm>>, %arg5: memref<10112x128xf32, #tpu.memory_space<hbm>>, %arg6: memref<10112xf32, #tpu.memory_space<hbm>>, %arg7: memref<2x10112x128xf32, #tpu.memory_space<hbm>>, %arg8: memref<10368xi32, #tpu.memory_space<vmem>>, %arg9: memref<48xi32, #tpu.memory_space<vmem>>, %arg10: memref<48xi32, #tpu.memory_space<vmem>>, %arg11: memref<48xi32, #tpu.memory_space<vmem>>, %arg12: memref<48xi32, #tpu.memory_space<vmem>>, %arg13: memref<48xi32, #tpu.memory_space<vmem>>, %arg14: memref<48xi32, #tpu.memory_space<vmem>>, %arg15: memref<48x128xf32, #tpu.memory_space<vmem>>, %arg16: memref<48x128xf32, #tpu.memory_space<vmem>>, %arg17: memref<48x128xf32, #tpu.memory_space<vmem>>, %arg18: memref<48x128xf32, #tpu.memory_space<vmem>>, %arg19: memref<48x128xf32, #tpu.memory_space<vmem>>, %arg20: memref<48x128xf32, #tpu.memory_space<vmem>>, %arg21: memref<48xf32, #tpu.memory_space<vmem>>, %arg22: memref<632xf32, #tpu.memory_space<vmem>>, %arg23: memref<10112x128xf32, #tpu.memory_space<vmem_shared>>, %arg24: memref<10112xf32, #tpu.memory_space<vmem_shared>>, %arg25: memref<!tpu.dma_semaphore, #tpu.memory_space<semaphore_mem>>, %arg26: memref<!tpu.dma_semaphore, #tpu.memory_space<semaphore_mem>>, %arg27: memref<!tpu.dma_semaphore, #tpu.memory_space<semaphore_mem>>, %arg28: memref<!tpu.dma_semaphore, #tpu.memory_space<semaphore_mem>>, %arg29: memref<!tpu.dma_semaphore, #tpu.memory_space<semaphore_mem>>, %arg30: memref<!tpu.dma_semaphore, #tpu.memory_space<semaphore_mem>>, %arg31: memref<!tpu.dma_semaphore, #tpu.memory_space<semaphore_mem>>, %arg32: memref<!tpu.dma_semaphore, #tpu.memory_space<semaphore_mem>>, %arg33: memref<!tpu.dma_semaphore, #tpu.memory_space<semaphore_mem>>, %arg34: memref<!tpu.dma_semaphore, #tpu.memory_space<semaphore_mem>>, %arg35: memref<!tpu.dma_semaphore, #tpu.memory_space<semaphore_mem>>, %arg36: memref<!tpu.dma_semaphore, #tpu.memory_space<semaphore_mem>>, %arg37: memref<!tpu.dma_semaphore, #tpu.memory_space<semaphore_mem>>, %arg38: memref<!tpu.dma_semaphore, #tpu.memory_space<semaphore_mem>>, %arg39: memref<!tpu.dma_semaphore, #tpu.memory_space<semaphore_mem>>, %arg40: memref<!tpu.dma_semaphore, #tpu.memory_space<semaphore_mem>>, %arg41: memref<!tpu.dma_semaphore, #tpu.memory_space<semaphore_mem>>, %arg42: memref<!tpu.dma_semaphore, #tpu.memory_space<semaphore_mem>>, %arg43: memref<!tpu.dma_semaphore, #tpu.memory_space<semaphore_mem>>, %arg44: memref<!tpu.dma_semaphore, #tpu.memory_space<semaphore_mem>>, %arg45: memref<!tpu.dma_semaphore, #tpu.memory_space<semaphore_mem>>, %arg46: memref<!tpu.dma_semaphore, #tpu.memory_space<semaphore_mem>>, %arg47: memref<!tpu.dma_semaphore, #tpu.memory_space<semaphore_mem>>, %arg48: memref<!tpu.dma_semaphore, #tpu.memory_space<semaphore_mem>>) attributes {dimension_semantics = [#tpu.dimension_semantics<core_parallel>, #tpu.dimension_semantics<subcore_parallel>], iteration_bounds = array<i64: 2, 16>, scalar_prefetch = 0 : i64, scratch_operands = 41 : i64, tpu.core_type = #tpu.core_type<sc_vector_subcore>, window_params = [{transform_indices = #map}, {transform_indices = #map1}, {transform_indices = #map1}, {transform_indices = #map}, {transform_indices = #map1}, {transform_indices = #map2}]} {
    %mul3A = arith.constant 2 : i32
    %mul3A_0 = arith.muli %arg1, %mul3A : i32
    %add3A = arith.addi %mul3A_0, %arg0 : i32
    %mul3A_1 = arith.constant 10368 : i32
    %mul3A_2 = arith.muli %add3A, %mul3A_1 : i32
    "tpu.region"() ({
      %run_scoped3A = tpu.sem_alloc : memref<!tpu.dma_semaphore, #tpu.memory_space<semaphore_mem>>
      %dma_start3A_87 = tpu.memref_slice %arg3[%mul3A_2] : memref<331776xi32, #tpu.memory_space<hbm>> -> memref<10368xi32, #tpu.memory_space<hbm>>
      %dma_start3A_88 = tpu.memref_slice %arg3[%mul3A_2] : memref<331776xi32, #tpu.memory_space<hbm>> -> memref<10368xi32, #tpu.memory_space<hbm>>
      tpu.enqueue_dma source(%dma_start3A_88 : memref<10368xi32, #tpu.memory_space<hbm>>) target(%arg8 : memref<10368xi32, #tpu.memory_space<vmem>>) target_semaphore(%run_scoped3A : memref<!tpu.dma_semaphore, #tpu.memory_space<semaphore_mem>>)
      %dma_wait3A_89 = tpu.memref_slice %arg3[%mul3A_2] : memref<331776xi32, #tpu.memory_space<hbm>> -> memref<10368xi32, #tpu.memory_space<hbm>>
      %dma_wait3A_90 = tpu.memref_slice %arg3[%mul3A_2] : memref<331776xi32, #tpu.memory_space<hbm>> -> memref<10368xi32, #tpu.memory_space<hbm>>
      tpu.wait_dma2 semaphore(%run_scoped3A : memref<!tpu.dma_semaphore, #tpu.memory_space<semaphore_mem>>) src(%dma_wait3A_90 : memref<10368xi32, #tpu.memory_space<hbm>>) dst(%arg8 : memref<10368xi32, #tpu.memory_space<vmem>>)
      tpu.yield
    }) : () -> ()
    %add3A_3 = arith.constant 0 : i32
    %add3A_4 = arith.addi %mul3A_2, %add3A_3 : i32
    %dma_start3A = tpu.memref_slice %arg4[%add3A_4] : memref<331776xi32, #tpu.memory_space<hbm>> -> memref<48xi32, #tpu.memory_space<hbm>>
    %dma_start3A_5 = tpu.memref_slice %arg4[%add3A_4] : memref<331776xi32, #tpu.memory_space<hbm>> -> memref<48xi32, #tpu.memory_space<hbm>>
    tpu.enqueue_dma source(%dma_start3A_5 : memref<48xi32, #tpu.memory_space<hbm>>) target(%arg9 : memref<48xi32, #tpu.memory_space<vmem>>) target_semaphore(%arg31 : memref<!tpu.dma_semaphore, #tpu.memory_space<semaphore_mem>>)
    %dma_start3A_6 = arith.constant 0 : i32
    %dma_start3A_7 = tpu.memref_slice %arg8[%dma_start3A_6] : memref<10368xi32, #tpu.memory_space<vmem>> -> memref<48xi32, #tpu.memory_space<vmem>>
    %dma_start3A_8 = arith.constant 0 : i32
    %dma_start3A_9 = arith.constant 0 : i32
    %dma_start3A_10 = tpu.memref_slice %arg2[%dma_start3A_8, %dma_start3A_9] : memref<10000x128xf32, #tpu.memory_space<hbm>> -> memref<10000x128xf32, #tpu.memory_space<hbm>>
    tpu.enqueue_indirect_dma source(%dma_start3A_10 : memref<10000x128xf32, #tpu.memory_space<hbm>>) target(%arg15 : memref<48x128xf32, #tpu.memory_space<vmem>>) offsets(%dma_start3A_7 : memref<48xi32, #tpu.memory_space<vmem>>) semaphore(%arg25 : memref<!tpu.dma_semaphore, #tpu.memory_space<semaphore_mem>>)
    %add3A_11 = arith.constant 48 : i32
    %add3A_12 = arith.addi %mul3A_2, %add3A_11 : i32
    %dma_start3A_13 = tpu.memref_slice %arg4[%add3A_12] : memref<331776xi32, #tpu.memory_space<hbm>> -> memref<48xi32, #tpu.memory_space<hbm>>
    %dma_start3A_14 = tpu.memref_slice %arg4[%add3A_12] : memref<331776xi32, #tpu.memory_space<hbm>> -> memref<48xi32, #tpu.memory_space<hbm>>
    tpu.enqueue_dma source(%dma_start3A_14 : memref<48xi32, #tpu.memory_space<hbm>>) target(%arg10 : memref<48xi32, #tpu.memory_space<vmem>>) target_semaphore(%arg32 : memref<!tpu.dma_semaphore, #tpu.memory_space<semaphore_mem>>)
    %dma_start3A_15 = arith.constant 48 : i32
    %dma_start3A_16 = tpu.memref_slice %arg8[%dma_start3A_15] : memref<10368xi32, #tpu.memory_space<vmem>> -> memref<48xi32, #tpu.memory_space<vmem>>
    %dma_start3A_17 = arith.constant 0 : i32
    %dma_start3A_18 = arith.constant 0 : i32
    %dma_start3A_19 = tpu.memref_slice %arg2[%dma_start3A_17, %dma_start3A_18] : memref<10000x128xf32, #tpu.memory_space<hbm>> -> memref<10000x128xf32, #tpu.memory_space<hbm>>
    tpu.enqueue_indirect_dma source(%dma_start3A_19 : memref<10000x128xf32, #tpu.memory_space<hbm>>) target(%arg16 : memref<48x128xf32, #tpu.memory_space<vmem>>) offsets(%dma_start3A_16 : memref<48xi32, #tpu.memory_space<vmem>>) semaphore(%arg26 : memref<!tpu.dma_semaphore, #tpu.memory_space<semaphore_mem>>)
    %add3A_20 = arith.constant 96 : i32
    %add3A_21 = arith.addi %mul3A_2, %add3A_20 : i32
    %dma_start3A_22 = tpu.memref_slice %arg4[%add3A_21] : memref<331776xi32, #tpu.memory_space<hbm>> -> memref<48xi32, #tpu.memory_space<hbm>>
    %dma_start3A_23 = tpu.memref_slice %arg4[%add3A_21] : memref<331776xi32, #tpu.memory_space<hbm>> -> memref<48xi32, #tpu.memory_space<hbm>>
    tpu.enqueue_dma source(%dma_start3A_23 : memref<48xi32, #tpu.memory_space<hbm>>) target(%arg11 : memref<48xi32, #tpu.memory_space<vmem>>) target_semaphore(%arg33 : memref<!tpu.dma_semaphore, #tpu.memory_space<semaphore_mem>>)
    %dma_start3A_24 = arith.constant 96 : i32
    %dma_start3A_25 = tpu.memref_slice %arg8[%dma_start3A_24] : memref<10368xi32, #tpu.memory_space<vmem>> -> memref<48xi32, #tpu.memory_space<vmem>>
    %dma_start3A_26 = arith.constant 0 : i32
    %dma_start3A_27 = arith.constant 0 : i32
    %dma_start3A_28 = tpu.memref_slice %arg2[%dma_start3A_26, %dma_start3A_27] : memref<10000x128xf32, #tpu.memory_space<hbm>> -> memref<10000x128xf32, #tpu.memory_space<hbm>>
    tpu.enqueue_indirect_dma source(%dma_start3A_28 : memref<10000x128xf32, #tpu.memory_space<hbm>>) target(%arg17 : memref<48x128xf32, #tpu.memory_space<vmem>>) offsets(%dma_start3A_25 : memref<48xi32, #tpu.memory_space<vmem>>) semaphore(%arg27 : memref<!tpu.dma_semaphore, #tpu.memory_space<semaphore_mem>>)
    %add3A_29 = arith.constant 144 : i32
    %add3A_30 = arith.addi %mul3A_2, %add3A_29 : i32
    %dma_start3A_31 = tpu.memref_slice %arg4[%add3A_30] : memref<331776xi32, #tpu.memory_space<hbm>> -> memref<48xi32, #tpu.memory_space<hbm>>
    %dma_start3A_32 = tpu.memref_slice %arg4[%add3A_30] : memref<331776xi32, #tpu.memory_space<hbm>> -> memref<48xi32, #tpu.memory_space<hbm>>
    tpu.enqueue_dma source(%dma_start3A_32 : memref<48xi32, #tpu.memory_space<hbm>>) target(%arg12 : memref<48xi32, #tpu.memory_space<vmem>>) target_semaphore(%arg34 : memref<!tpu.dma_semaphore, #tpu.memory_space<semaphore_mem>>)
    %dma_start3A_33 = arith.constant 144 : i32
    %dma_start3A_34 = tpu.memref_slice %arg8[%dma_start3A_33] : memref<10368xi32, #tpu.memory_space<vmem>> -> memref<48xi32, #tpu.memory_space<vmem>>
    %dma_start3A_35 = arith.constant 0 : i32
    %dma_start3A_36 = arith.constant 0 : i32
    %dma_start3A_37 = tpu.memref_slice %arg2[%dma_start3A_35, %dma_start3A_36] : memref<10000x128xf32, #tpu.memory_space<hbm>> -> memref<10000x128xf32, #tpu.memory_space<hbm>>
    tpu.enqueue_indirect_dma source(%dma_start3A_37 : memref<10000x128xf32, #tpu.memory_space<hbm>>) target(%arg18 : memref<48x128xf32, #tpu.memory_space<vmem>>) offsets(%dma_start3A_34 : memref<48xi32, #tpu.memory_space<vmem>>) semaphore(%arg28 : memref<!tpu.dma_semaphore, #tpu.memory_space<semaphore_mem>>)
    %add3A_38 = arith.constant 192 : i32
    %add3A_39 = arith.addi %mul3A_2, %add3A_38 : i32
    %dma_start3A_40 = tpu.memref_slice %arg4[%add3A_39] : memref<331776xi32, #tpu.memory_space<hbm>> -> memref<48xi32, #tpu.memory_space<hbm>>
    %dma_start3A_41 = tpu.memref_slice %arg4[%add3A_39] : memref<331776xi32, #tpu.memory_space<hbm>> -> memref<48xi32, #tpu.memory_space<hbm>>
    tpu.enqueue_dma source(%dma_start3A_41 : memref<48xi32, #tpu.memory_space<hbm>>) target(%arg13 : memref<48xi32, #tpu.memory_space<vmem>>) target_semaphore(%arg35 : memref<!tpu.dma_semaphore, #tpu.memory_space<semaphore_mem>>)
    %dma_start3A_42 = arith.constant 192 : i32
    %dma_start3A_43 = tpu.memref_slice %arg8[%dma_start3A_42] : memref<10368xi32, #tpu.memory_space<vmem>> -> memref<48xi32, #tpu.memory_space<vmem>>
    %dma_start3A_44 = arith.constant 0 : i32
    %dma_start3A_45 = arith.constant 0 : i32
    %dma_start3A_46 = tpu.memref_slice %arg2[%dma_start3A_44, %dma_start3A_45] : memref<10000x128xf32, #tpu.memory_space<hbm>> -> memref<10000x128xf32, #tpu.memory_space<hbm>>
    tpu.enqueue_indirect_dma source(%dma_start3A_46 : memref<10000x128xf32, #tpu.memory_space<hbm>>) target(%arg19 : memref<48x128xf32, #tpu.memory_space<vmem>>) offsets(%dma_start3A_43 : memref<48xi32, #tpu.memory_space<vmem>>) semaphore(%arg29 : memref<!tpu.dma_semaphore, #tpu.memory_space<semaphore_mem>>)
    %add3A_47 = arith.constant 240 : i32
    %add3A_48 = arith.addi %mul3A_2, %add3A_47 : i32
    %dma_start3A_49 = tpu.memref_slice %arg4[%add3A_48] : memref<331776xi32, #tpu.memory_space<hbm>> -> memref<48xi32, #tpu.memory_space<hbm>>
    %dma_start3A_50 = tpu.memref_slice %arg4[%add3A_48] : memref<331776xi32, #tpu.memory_space<hbm>> -> memref<48xi32, #tpu.memory_space<hbm>>
    tpu.enqueue_dma source(%dma_start3A_50 : memref<48xi32, #tpu.memory_space<hbm>>) target(%arg14 : memref<48xi32, #tpu.memory_space<vmem>>) target_semaphore(%arg36 : memref<!tpu.dma_semaphore, #tpu.memory_space<semaphore_mem>>)
    %dma_start3A_51 = arith.constant 240 : i32
    %dma_start3A_52 = tpu.memref_slice %arg8[%dma_start3A_51] : memref<10368xi32, #tpu.memory_space<vmem>> -> memref<48xi32, #tpu.memory_space<vmem>>
    %dma_start3A_53 = arith.constant 0 : i32
    %dma_start3A_54 = arith.constant 0 : i32
    %dma_start3A_55 = tpu.memref_slice %arg2[%dma_start3A_53, %dma_start3A_54] : memref<10000x128xf32, #tpu.memory_space<hbm>> -> memref<10000x128xf32, #tpu.memory_space<hbm>>
    tpu.enqueue_indirect_dma source(%dma_start3A_55 : memref<10000x128xf32, #tpu.memory_space<hbm>>) target(%arg20 : memref<48x128xf32, #tpu.memory_space<vmem>>) offsets(%dma_start3A_52 : memref<48xi32, #tpu.memory_space<vmem>>) semaphore(%arg30 : memref<!tpu.dma_semaphore, #tpu.memory_space<semaphore_mem>>)
    %mul3A_56 = arith.constant 632 : i32
    %mul3A_57 = arith.muli %arg1, %mul3A_56 : i32
    %mul3A_58 = arith.constant 632 : i32
    %mul3A_59 = arith.muli %arg1, %mul3A_58 : i32
    "tpu.region"() ({
      %run_scoped3A = tpu.sem_alloc : memref<!tpu.dma_semaphore, #tpu.memory_space<semaphore_mem>>
      %dma_start3A_87 = arith.constant 0 : i32
      %dma_start3A_88 = tpu.memref_slice %arg23[%mul3A_59, %dma_start3A_87] : memref<10112x128xf32, #tpu.memory_space<vmem_shared>> -> memref<632x128xf32, #tpu.memory_space<vmem_shared>>
      %dma_start3A_89 = arith.constant 0 : i32
      %dma_start3A_90 = tpu.memref_slice %arg5[%mul3A_57, %dma_start3A_89] : memref<10112x128xf32, #tpu.memory_space<hbm>> -> memref<632x128xf32, #tpu.memory_space<hbm>>
      tpu.enqueue_dma source(%dma_start3A_90 : memref<632x128xf32, #tpu.memory_space<hbm>>) target(%dma_start3A_88 : memref<632x128xf32, #tpu.memory_space<vmem_shared>>) target_semaphore(%run_scoped3A : memref<!tpu.dma_semaphore, #tpu.memory_space<semaphore_mem>>)
      %dma_wait3A_91 = arith.constant 0 : i32
      %dma_wait3A_92 = tpu.memref_slice %arg23[%mul3A_59, %dma_wait3A_91] : memref<10112x128xf32, #tpu.memory_space<vmem_shared>> -> memref<632x128xf32, #tpu.memory_space<vmem_shared>>
      %dma_wait3A_93 = arith.constant 0 : i32
      %dma_wait3A_94 = tpu.memref_slice %arg5[%mul3A_57, %dma_wait3A_93] : memref<10112x128xf32, #tpu.memory_space<hbm>> -> memref<632x128xf32, #tpu.memory_space<hbm>>
      tpu.wait_dma2 semaphore(%run_scoped3A : memref<!tpu.dma_semaphore, #tpu.memory_space<semaphore_mem>>) src(%dma_wait3A_94 : memref<632x128xf32, #tpu.memory_space<hbm>>) dst(%dma_wait3A_92 : memref<632x128xf32, #tpu.memory_space<vmem_shared>>)
      tpu.yield
    }) : () -> ()
    %barrier3A = arith.constant 0 : index
    tpu.barrier barrier_id(%barrier3A)
    %scan3A = arith.constant 0 : i32
    %scan3A_60 = arith.constant 0 : i32
    %scan3A_61 = arith.constant 36 : i32
    %scan3A_62 = arith.addi %scan3A_60, %scan3A_61 : i32
    %scan3A_63 = arith.constant 1 : i32
    scf.for %scan3A_87 = %scan3A_60 to %scan3A_62 step %scan3A_63  : i32 {
      %mul3A_88 = arith.constant 6 : i32
      %mul3A_89 = arith.muli %scan3A_87, %mul3A_88 : i32
      %add3A_90 = arith.constant 0 : i32
      %add3A_91 = arith.addi %mul3A_89, %add3A_90 : i32
      %mul3A_92 = arith.constant 48 : i32
      %mul3A_93 = arith.muli %add3A_91, %mul3A_92 : i32
      %add3A_94 = arith.addi %mul3A_2, %mul3A_93 : i32
      %dma_wait3A_95 = tpu.memref_slice %arg4[%add3A_94] : memref<331776xi32, #tpu.memory_space<hbm>> -> memref<48xi32, #tpu.memory_space<hbm>>
      %dma_wait3A_96 = tpu.memref_slice %arg4[%add3A_94] : memref<331776xi32, #tpu.memory_space<hbm>> -> memref<48xi32, #tpu.memory_space<hbm>>
      tpu.wait_dma2 semaphore(%arg31 : memref<!tpu.dma_semaphore, #tpu.memory_space<semaphore_mem>>) src(%dma_wait3A_96 : memref<48xi32, #tpu.memory_space<hbm>>) dst(%arg9 : memref<48xi32, #tpu.memory_space<vmem>>)
      %mul3A_97 = arith.constant 48 : i32
      %mul3A_98 = arith.muli %add3A_91, %mul3A_97 : i32
      %dma_wait3A_99 = tpu.memref_slice %arg8[%mul3A_98] : memref<10368xi32, #tpu.memory_space<vmem>> -> memref<48xi32, #tpu.memory_space<vmem>>
      %dma_wait3A_100 = arith.constant 0 : i32
      %dma_wait3A_101 = arith.constant 0 : i32
      %dma_wait3A_102 = tpu.memref_slice %arg2[%dma_wait3A_100, %dma_wait3A_101] : memref<10000x128xf32, #tpu.memory_space<hbm>> -> memref<10000x128xf32, #tpu.memory_space<hbm>>
      tpu.wait_indirect_dma semaphore(%arg25 : memref<!tpu.dma_semaphore, #tpu.memory_space<semaphore_mem>>) src(%dma_wait3A_102 : memref<10000x128xf32, #tpu.memory_space<hbm>>) dst(%arg15 : memref<48x128xf32, #tpu.memory_space<vmem>>)
      %dma_start3A_103 = arith.constant 0 : i32
      %dma_start3A_104 = arith.constant 0 : i32
      %dma_start3A_105 = tpu.memref_slice %arg23[%dma_start3A_103, %dma_start3A_104] : memref<10112x128xf32, #tpu.memory_space<vmem_shared>> -> memref<10112x128xf32, #tpu.memory_space<vmem_shared>>
      tpu.enqueue_indirect_dma source(%arg15 : memref<48x128xf32, #tpu.memory_space<vmem>>) target(%dma_start3A_105 : memref<10112x128xf32, #tpu.memory_space<vmem_shared>>) offsets(%arg9 : memref<48xi32, #tpu.memory_space<vmem>>) semaphore(%arg37 : memref<!tpu.dma_semaphore, #tpu.memory_space<semaphore_mem>>) {add = true}
      %add3A_106 = arith.constant 1 : i32
      %add3A_107 = arith.addi %mul3A_89, %add3A_106 : i32
      %mul3A_108 = arith.constant 48 : i32
      %mul3A_109 = arith.muli %add3A_107, %mul3A_108 : i32
      %add3A_110 = arith.addi %mul3A_2, %mul3A_109 : i32
      %dma_wait3A_111 = tpu.memref_slice %arg4[%add3A_110] : memref<331776xi32, #tpu.memory_space<hbm>> -> memref<48xi32, #tpu.memory_space<hbm>>
      %dma_wait3A_112 = tpu.memref_slice %arg4[%add3A_110] : memref<331776xi32, #tpu.memory_space<hbm>> -> memref<48xi32, #tpu.memory_space<hbm>>
      tpu.wait_dma2 semaphore(%arg32 : memref<!tpu.dma_semaphore, #tpu.memory_space<semaphore_mem>>) src(%dma_wait3A_112 : memref<48xi32, #tpu.memory_space<hbm>>) dst(%arg10 : memref<48xi32, #tpu.memory_space<vmem>>)
      %mul3A_113 = arith.constant 48 : i32
      %mul3A_114 = arith.muli %add3A_107, %mul3A_113 : i32
      %dma_wait3A_115 = tpu.memref_slice %arg8[%mul3A_114] : memref<10368xi32, #tpu.memory_space<vmem>> -> memref<48xi32, #tpu.memory_space<vmem>>
      %dma_wait3A_116 = arith.constant 0 : i32
      %dma_wait3A_117 = arith.constant 0 : i32
      %dma_wait3A_118 = tpu.memref_slice %arg2[%dma_wait3A_116, %dma_wait3A_117] : memref<10000x128xf32, #tpu.memory_space<hbm>> -> memref<10000x128xf32, #tpu.memory_space<hbm>>
      tpu.wait_indirect_dma semaphore(%arg26 : memref<!tpu.dma_semaphore, #tpu.memory_space<semaphore_mem>>) src(%dma_wait3A_118 : memref<10000x128xf32, #tpu.memory_space<hbm>>) dst(%arg16 : memref<48x128xf32, #tpu.memory_space<vmem>>)
      %dma_start3A_119 = arith.constant 0 : i32
      %dma_start3A_120 = arith.constant 0 : i32
      %dma_start3A_121 = tpu.memref_slice %arg23[%dma_start3A_119, %dma_start3A_120] : memref<10112x128xf32, #tpu.memory_space<vmem_shared>> -> memref<10112x128xf32, #tpu.memory_space<vmem_shared>>
      tpu.enqueue_indirect_dma source(%arg16 : memref<48x128xf32, #tpu.memory_space<vmem>>) target(%dma_start3A_121 : memref<10112x128xf32, #tpu.memory_space<vmem_shared>>) offsets(%arg10 : memref<48xi32, #tpu.memory_space<vmem>>) semaphore(%arg38 : memref<!tpu.dma_semaphore, #tpu.memory_space<semaphore_mem>>) {add = true}
      %add3A_122 = arith.constant 2 : i32
      %add3A_123 = arith.addi %mul3A_89, %add3A_122 : i32
      %mul3A_124 = arith.constant 48 : i32
      %mul3A_125 = arith.muli %add3A_123, %mul3A_124 : i32
      %add3A_126 = arith.addi %mul3A_2, %mul3A_125 : i32
      %dma_wait3A_127 = tpu.memref_slice %arg4[%add3A_126] : memref<331776xi32, #tpu.memory_space<hbm>> -> memref<48xi32, #tpu.memory_space<hbm>>
      %dma_wait3A_128 = tpu.memref_slice %arg4[%add3A_126] : memref<331776xi32, #tpu.memory_space<hbm>> -> memref<48xi32, #tpu.memory_space<hbm>>
      tpu.wait_dma2 semaphore(%arg33 : memref<!tpu.dma_semaphore, #tpu.memory_space<semaphore_mem>>) src(%dma_wait3A_128 : memref<48xi32, #tpu.memory_space<hbm>>) dst(%arg11 : memref<48xi32, #tpu.memory_space<vmem>>)
      %mul3A_129 = arith.constant 48 : i32
      %mul3A_130 = arith.muli %add3A_123, %mul3A_129 : i32
      %dma_wait3A_131 = tpu.memref_slice %arg8[%mul3A_130] : memref<10368xi32, #tpu.memory_space<vmem>> -> memref<48xi32, #tpu.memory_space<vmem>>
      %dma_wait3A_132 = arith.constant 0 : i32
      %dma_wait3A_133 = arith.constant 0 : i32
      %dma_wait3A_134 = tpu.memref_slice %arg2[%dma_wait3A_132, %dma_wait3A_133] : memref<10000x128xf32, #tpu.memory_space<hbm>> -> memref<10000x128xf32, #tpu.memory_space<hbm>>
      tpu.wait_indirect_dma semaphore(%arg27 : memref<!tpu.dma_semaphore, #tpu.memory_space<semaphore_mem>>) src(%dma_wait3A_134 : memref<10000x128xf32, #tpu.memory_space<hbm>>) dst(%arg17 : memref<48x128xf32, #tpu.memory_space<vmem>>)
      %dma_start3A_135 = arith.constant 0 : i32
      %dma_start3A_136 = arith.constant 0 : i32
      %dma_start3A_137 = tpu.memref_slice %arg23[%dma_start3A_135, %dma_start3A_136] : memref<10112x128xf32, #tpu.memory_space<vmem_shared>> -> memref<10112x128xf32, #tpu.memory_space<vmem_shared>>
      tpu.enqueue_indirect_dma source(%arg17 : memref<48x128xf32, #tpu.memory_space<vmem>>) target(%dma_start3A_137 : memref<10112x128xf32, #tpu.memory_space<vmem_shared>>) offsets(%arg11 : memref<48xi32, #tpu.memory_space<vmem>>) semaphore(%arg39 : memref<!tpu.dma_semaphore, #tpu.memory_space<semaphore_mem>>) {add = true}
      %add3A_138 = arith.constant 3 : i32
      %add3A_139 = arith.addi %mul3A_89, %add3A_138 : i32
      %mul3A_140 = arith.constant 48 : i32
      %mul3A_141 = arith.muli %add3A_139, %mul3A_140 : i32
      %add3A_142 = arith.addi %mul3A_2, %mul3A_141 : i32
      %dma_wait3A_143 = tpu.memref_slice %arg4[%add3A_142] : memref<331776xi32, #tpu.memory_space<hbm>> -> memref<48xi32, #tpu.memory_space<hbm>>
      %dma_wait3A_144 = tpu.memref_slice %arg4[%add3A_142] : memref<331776xi32, #tpu.memory_space<hbm>> -> memref<48xi32, #tpu.memory_space<hbm>>
      tpu.wait_dma2 semaphore(%arg34 : memref<!tpu.dma_semaphore, #tpu.memory_space<semaphore_mem>>) src(%dma_wait3A_144 : memref<48xi32, #tpu.memory_space<hbm>>) dst(%arg12 : memref<48xi32, #tpu.memory_space<vmem>>)
      %mul3A_145 = arith.constant 48 : i32
      %mul3A_146 = arith.muli %add3A_139, %mul3A_145 : i32
      %dma_wait3A_147 = tpu.memref_slice %arg8[%mul3A_146] : memref<10368xi32, #tpu.memory_space<vmem>> -> memref<48xi32, #tpu.memory_space<vmem>>
      %dma_wait3A_148 = arith.constant 0 : i32
      %dma_wait3A_149 = arith.constant 0 : i32
      %dma_wait3A_150 = tpu.memref_slice %arg2[%dma_wait3A_148, %dma_wait3A_149] : memref<10000x128xf32, #tpu.memory_space<hbm>> -> memref<10000x128xf32, #tpu.memory_space<hbm>>
      tpu.wait_indirect_dma semaphore(%arg28 : memref<!tpu.dma_semaphore, #tpu.memory_space<semaphore_mem>>) src(%dma_wait3A_150 : memref<10000x128xf32, #tpu.memory_space<hbm>>) dst(%arg18 : memref<48x128xf32, #tpu.memory_space<vmem>>)
      %dma_start3A_151 = arith.constant 0 : i32
      %dma_start3A_152 = arith.constant 0 : i32
      %dma_start3A_153 = tpu.memref_slice %arg23[%dma_start3A_151, %dma_start3A_152] : memref<10112x128xf32, #tpu.memory_space<vmem_shared>> -> memref<10112x128xf32, #tpu.memory_space<vmem_shared>>
      tpu.enqueue_indirect_dma source(%arg18 : memref<48x128xf32, #tpu.memory_space<vmem>>) target(%dma_start3A_153 : memref<10112x128xf32, #tpu.memory_space<vmem_shared>>) offsets(%arg12 : memref<48xi32, #tpu.memory_space<vmem>>) semaphore(%arg40 : memref<!tpu.dma_semaphore, #tpu.memory_space<semaphore_mem>>) {add = true}
      %add3A_154 = arith.constant 4 : i32
      %add3A_155 = arith.addi %mul3A_89, %add3A_154 : i32
      %mul3A_156 = arith.constant 48 : i32
      %mul3A_157 = arith.muli %add3A_155, %mul3A_156 : i32
      %add3A_158 = arith.addi %mul3A_2, %mul3A_157 : i32
      %dma_wait3A_159 = tpu.memref_slice %arg4[%add3A_158] : memref<331776xi32, #tpu.memory_space<hbm>> -> memref<48xi32, #tpu.memory_space<hbm>>
      %dma_wait3A_160 = tpu.memref_slice %arg4[%add3A_158] : memref<331776xi32, #tpu.memory_space<hbm>> -> memref<48xi32, #tpu.memory_space<hbm>>
      tpu.wait_dma2 semaphore(%arg35 : memref<!tpu.dma_semaphore, #tpu.memory_space<semaphore_mem>>) src(%dma_wait3A_160 : memref<48xi32, #tpu.memory_space<hbm>>) dst(%arg13 : memref<48xi32, #tpu.memory_space<vmem>>)
      %mul3A_161 = arith.constant 48 : i32
      %mul3A_162 = arith.muli %add3A_155, %mul3A_161 : i32
      %dma_wait3A_163 = tpu.memref_slice %arg8[%mul3A_162] : memref<10368xi32, #tpu.memory_space<vmem>> -> memref<48xi32, #tpu.memory_space<vmem>>
      %dma_wait3A_164 = arith.constant 0 : i32
      %dma_wait3A_165 = arith.constant 0 : i32
      %dma_wait3A_166 = tpu.memref_slice %arg2[%dma_wait3A_164, %dma_wait3A_165] : memref<10000x128xf32, #tpu.memory_space<hbm>> -> memref<10000x128xf32, #tpu.memory_space<hbm>>
      tpu.wait_indirect_dma semaphore(%arg29 : memref<!tpu.dma_semaphore, #tpu.memory_space<semaphore_mem>>) src(%dma_wait3A_166 : memref<10000x128xf32, #tpu.memory_space<hbm>>) dst(%arg19 : memref<48x128xf32, #tpu.memory_space<vmem>>)
      %dma_start3A_167 = arith.constant 0 : i32
      %dma_start3A_168 = arith.constant 0 : i32
      %dma_start3A_169 = tpu.memref_slice %arg23[%dma_start3A_167, %dma_start3A_168] : memref<10112x128xf32, #tpu.memory_space<vmem_shared>> -> memref<10112x128xf32, #tpu.memory_space<vmem_shared>>
      tpu.enqueue_indirect_dma source(%arg19 : memref<48x128xf32, #tpu.memory_space<vmem>>) target(%dma_start3A_169 : memref<10112x128xf32, #tpu.memory_space<vmem_shared>>) offsets(%arg13 : memref<48xi32, #tpu.memory_space<vmem>>) semaphore(%arg41 : memref<!tpu.dma_semaphore, #tpu.memory_space<semaphore_mem>>) {add = true}
      %add3A_170 = arith.constant 5 : i32
      %add3A_171 = arith.addi %mul3A_89, %add3A_170 : i32
      %mul3A_172 = arith.constant 48 : i32
      %mul3A_173 = arith.muli %add3A_171, %mul3A_172 : i32
      %add3A_174 = arith.addi %mul3A_2, %mul3A_173 : i32
      %dma_wait3A_175 = tpu.memref_slice %arg4[%add3A_174] : memref<331776xi32, #tpu.memory_space<hbm>> -> memref<48xi32, #tpu.memory_space<hbm>>
      %dma_wait3A_176 = tpu.memref_slice %arg4[%add3A_174] : memref<331776xi32, #tpu.memory_space<hbm>> -> memref<48xi32, #tpu.memory_space<hbm>>
      tpu.wait_dma2 semaphore(%arg36 : memref<!tpu.dma_semaphore, #tpu.memory_space<semaphore_mem>>) src(%dma_wait3A_176 : memref<48xi32, #tpu.memory_space<hbm>>) dst(%arg14 : memref<48xi32, #tpu.memory_space<vmem>>)
      %mul3A_177 = arith.constant 48 : i32
      %mul3A_178 = arith.muli %add3A_171, %mul3A_177 : i32
      %dma_wait3A_179 = tpu.memref_slice %arg8[%mul3A_178] : memref<10368xi32, #tpu.memory_space<vmem>> -> memref<48xi32, #tpu.memory_space<vmem>>
      %dma_wait3A_180 = arith.constant 0 : i32
      %dma_wait3A_181 = arith.constant 0 : i32
      %dma_wait3A_182 = tpu.memref_slice %arg2[%dma_wait3A_180, %dma_wait3A_181] : memref<10000x128xf32, #tpu.memory_space<hbm>> -> memref<10000x128xf32, #tpu.memory_space<hbm>>
      tpu.wait_indirect_dma semaphore(%arg30 : memref<!tpu.dma_semaphore, #tpu.memory_space<semaphore_mem>>) src(%dma_wait3A_182 : memref<10000x128xf32, #tpu.memory_space<hbm>>) dst(%arg20 : memref<48x128xf32, #tpu.memory_space<vmem>>)
      %dma_start3A_183 = arith.constant 0 : i32
      %dma_start3A_184 = arith.constant 0 : i32
      %dma_start3A_185 = tpu.memref_slice %arg23[%dma_start3A_183, %dma_start3A_184] : memref<10112x128xf32, #tpu.memory_space<vmem_shared>> -> memref<10112x128xf32, #tpu.memory_space<vmem_shared>>
      tpu.enqueue_indirect_dma source(%arg20 : memref<48x128xf32, #tpu.memory_space<vmem>>) target(%dma_start3A_185 : memref<10112x128xf32, #tpu.memory_space<vmem_shared>>) offsets(%arg14 : memref<48xi32, #tpu.memory_space<vmem>>) semaphore(%arg42 : memref<!tpu.dma_semaphore, #tpu.memory_space<semaphore_mem>>) {add = true}
      %lt3A = arith.constant 35 : i32
      %lt3A_186 = arith.cmpi slt, %scan3A_87, %lt3A : i32
      %convert_element_type3A = arith.extui %lt3A_186 : i1 to i32
      %cond3A = arith.constant 0 : i32
      %cond3A_187 = arith.cmpi ne, %convert_element_type3A, %cond3A : i32
      scf.if %cond3A_187 {
        %dma_wait3A_188 = arith.constant 0 : i32
        %dma_wait3A_189 = arith.constant 0 : i32
        %dma_wait3A_190 = tpu.memref_slice %arg23[%dma_wait3A_188, %dma_wait3A_189] : memref<10112x128xf32, #tpu.memory_space<vmem_shared>> -> memref<10112x128xf32, #tpu.memory_space<vmem_shared>>
        tpu.wait_indirect_dma semaphore(%arg37 : memref<!tpu.dma_semaphore, #tpu.memory_space<semaphore_mem>>) src(%arg15 : memref<48x128xf32, #tpu.memory_space<vmem>>) dst(%dma_wait3A_190 : memref<10112x128xf32, #tpu.memory_space<vmem_shared>>)
        %add3A_191 = arith.constant 6 : i32
        %add3A_192 = arith.addi %mul3A_89, %add3A_191 : i32
        %add3A_193 = arith.constant 0 : i32
        %add3A_194 = arith.addi %add3A_192, %add3A_193 : i32
        %mul3A_195 = arith.constant 48 : i32
        %mul3A_196 = arith.muli %add3A_194, %mul3A_195 : i32
        %add3A_197 = arith.addi %mul3A_2, %mul3A_196 : i32
        %dma_start3A_198 = tpu.memref_slice %arg4[%add3A_197] : memref<331776xi32, #tpu.memory_space<hbm>> -> memref<48xi32, #tpu.memory_space<hbm>>
        %dma_start3A_199 = tpu.memref_slice %arg4[%add3A_197] : memref<331776xi32, #tpu.memory_space<hbm>> -> memref<48xi32, #tpu.memory_space<hbm>>
        tpu.enqueue_dma source(%dma_start3A_199 : memref<48xi32, #tpu.memory_space<hbm>>) target(%arg9 : memref<48xi32, #tpu.memory_space<vmem>>) target_semaphore(%arg31 : memref<!tpu.dma_semaphore, #tpu.memory_space<semaphore_mem>>)
        %mul3A_200 = arith.constant 48 : i32
        %mul3A_201 = arith.muli %add3A_194, %mul3A_200 : i32
        %dma_start3A_202 = tpu.memref_slice %arg8[%mul3A_201] : memref<10368xi32, #tpu.memory_space<vmem>> -> memref<48xi32, #tpu.memory_space<vmem>>
        %dma_start3A_203 = arith.constant 0 : i32
        %dma_start3A_204 = arith.constant 0 : i32
        %dma_start3A_205 = tpu.memref_slice %arg2[%dma_start3A_203, %dma_start3A_204] : memref<10000x128xf32, #tpu.memory_space<hbm>> -> memref<10000x128xf32, #tpu.memory_space<hbm>>
        tpu.enqueue_indirect_dma source(%dma_start3A_205 : memref<10000x128xf32, #tpu.memory_space<hbm>>) target(%arg15 : memref<48x128xf32, #tpu.memory_space<vmem>>) offsets(%dma_start3A_202 : memref<48xi32, #tpu.memory_space<vmem>>) semaphore(%arg25 : memref<!tpu.dma_semaphore, #tpu.memory_space<semaphore_mem>>)
        %dma_wait3A_206 = arith.constant 0 : i32
        %dma_wait3A_207 = arith.constant 0 : i32
        %dma_wait3A_208 = tpu.memref_slice %arg23[%dma_wait3A_206, %dma_wait3A_207] : memref<10112x128xf32, #tpu.memory_space<vmem_shared>> -> memref<10112x128xf32, #tpu.memory_space<vmem_shared>>
        tpu.wait_indirect_dma semaphore(%arg38 : memref<!tpu.dma_semaphore, #tpu.memory_space<semaphore_mem>>) src(%arg16 : memref<48x128xf32, #tpu.memory_space<vmem>>) dst(%dma_wait3A_208 : memref<10112x128xf32, #tpu.memory_space<vmem_shared>>)
        %add3A_209 = arith.constant 6 : i32
        %add3A_210 = arith.addi %mul3A_89, %add3A_209 : i32
        %add3A_211 = arith.constant 1 : i32
        %add3A_212 = arith.addi %add3A_210, %add3A_211 : i32
        %mul3A_213 = arith.constant 48 : i32
        %mul3A_214 = arith.muli %add3A_212, %mul3A_213 : i32
        %add3A_215 = arith.addi %mul3A_2, %mul3A_214 : i32
        %dma_start3A_216 = tpu.memref_slice %arg4[%add3A_215] : memref<331776xi32, #tpu.memory_space<hbm>> -> memref<48xi32, #tpu.memory_space<hbm>>
        %dma_start3A_217 = tpu.memref_slice %arg4[%add3A_215] : memref<331776xi32, #tpu.memory_space<hbm>> -> memref<48xi32, #tpu.memory_space<hbm>>
        tpu.enqueue_dma source(%dma_start3A_217 : memref<48xi32, #tpu.memory_space<hbm>>) target(%arg10 : memref<48xi32, #tpu.memory_space<vmem>>) target_semaphore(%arg32 : memref<!tpu.dma_semaphore, #tpu.memory_space<semaphore_mem>>)
        %mul3A_218 = arith.constant 48 : i32
        %mul3A_219 = arith.muli %add3A_212, %mul3A_218 : i32
        %dma_start3A_220 = tpu.memref_slice %arg8[%mul3A_219] : memref<10368xi32, #tpu.memory_space<vmem>> -> memref<48xi32, #tpu.memory_space<vmem>>
        %dma_start3A_221 = arith.constant 0 : i32
        %dma_start3A_222 = arith.constant 0 : i32
        %dma_start3A_223 = tpu.memref_slice %arg2[%dma_start3A_221, %dma_start3A_222] : memref<10000x128xf32, #tpu.memory_space<hbm>> -> memref<10000x128xf32, #tpu.memory_space<hbm>>
        tpu.enqueue_indirect_dma source(%dma_start3A_223 : memref<10000x128xf32, #tpu.memory_space<hbm>>) target(%arg16 : memref<48x128xf32, #tpu.memory_space<vmem>>) offsets(%dma_start3A_220 : memref<48xi32, #tpu.memory_space<vmem>>) semaphore(%arg26 : memref<!tpu.dma_semaphore, #tpu.memory_space<semaphore_mem>>)
        %dma_wait3A_224 = arith.constant 0 : i32
        %dma_wait3A_225 = arith.constant 0 : i32
        %dma_wait3A_226 = tpu.memref_slice %arg23[%dma_wait3A_224, %dma_wait3A_225] : memref<10112x128xf32, #tpu.memory_space<vmem_shared>> -> memref<10112x128xf32, #tpu.memory_space<vmem_shared>>
        tpu.wait_indirect_dma semaphore(%arg39 : memref<!tpu.dma_semaphore, #tpu.memory_space<semaphore_mem>>) src(%arg17 : memref<48x128xf32, #tpu.memory_space<vmem>>) dst(%dma_wait3A_226 : memref<10112x128xf32, #tpu.memory_space<vmem_shared>>)
        %add3A_227 = arith.constant 6 : i32
        %add3A_228 = arith.addi %mul3A_89, %add3A_227 : i32
        %add3A_229 = arith.constant 2 : i32
        %add3A_230 = arith.addi %add3A_228, %add3A_229 : i32
        %mul3A_231 = arith.constant 48 : i32
        %mul3A_232 = arith.muli %add3A_230, %mul3A_231 : i32
        %add3A_233 = arith.addi %mul3A_2, %mul3A_232 : i32
        %dma_start3A_234 = tpu.memref_slice %arg4[%add3A_233] : memref<331776xi32, #tpu.memory_space<hbm>> -> memref<48xi32, #tpu.memory_space<hbm>>
        %dma_start3A_235 = tpu.memref_slice %arg4[%add3A_233] : memref<331776xi32, #tpu.memory_space<hbm>> -> memref<48xi32, #tpu.memory_space<hbm>>
        tpu.enqueue_dma source(%dma_start3A_235 : memref<48xi32, #tpu.memory_space<hbm>>) target(%arg11 : memref<48xi32, #tpu.memory_space<vmem>>) target_semaphore(%arg33 : memref<!tpu.dma_semaphore, #tpu.memory_space<semaphore_mem>>)
        %mul3A_236 = arith.constant 48 : i32
        %mul3A_237 = arith.muli %add3A_230, %mul3A_236 : i32
        %dma_start3A_238 = tpu.memref_slice %arg8[%mul3A_237] : memref<10368xi32, #tpu.memory_space<vmem>> -> memref<48xi32, #tpu.memory_space<vmem>>
        %dma_start3A_239 = arith.constant 0 : i32
        %dma_start3A_240 = arith.constant 0 : i32
        %dma_start3A_241 = tpu.memref_slice %arg2[%dma_start3A_239, %dma_start3A_240] : memref<10000x128xf32, #tpu.memory_space<hbm>> -> memref<10000x128xf32, #tpu.memory_space<hbm>>
        tpu.enqueue_indirect_dma source(%dma_start3A_241 : memref<10000x128xf32, #tpu.memory_space<hbm>>) target(%arg17 : memref<48x128xf32, #tpu.memory_space<vmem>>) offsets(%dma_start3A_238 : memref<48xi32, #tpu.memory_space<vmem>>) semaphore(%arg27 : memref<!tpu.dma_semaphore, #tpu.memory_space<semaphore_mem>>)
        %dma_wait3A_242 = arith.constant 0 : i32
        %dma_wait3A_243 = arith.constant 0 : i32
        %dma_wait3A_244 = tpu.memref_slice %arg23[%dma_wait3A_242, %dma_wait3A_243] : memref<10112x128xf32, #tpu.memory_space<vmem_shared>> -> memref<10112x128xf32, #tpu.memory_space<vmem_shared>>
        tpu.wait_indirect_dma semaphore(%arg40 : memref<!tpu.dma_semaphore, #tpu.memory_space<semaphore_mem>>) src(%arg18 : memref<48x128xf32, #tpu.memory_space<vmem>>) dst(%dma_wait3A_244 : memref<10112x128xf32, #tpu.memory_space<vmem_shared>>)
        %add3A_245 = arith.constant 6 : i32
        %add3A_246 = arith.addi %mul3A_89, %add3A_245 : i32
        %add3A_247 = arith.constant 3 : i32
        %add3A_248 = arith.addi %add3A_246, %add3A_247 : i32
        %mul3A_249 = arith.constant 48 : i32
        %mul3A_250 = arith.muli %add3A_248, %mul3A_249 : i32
        %add3A_251 = arith.addi %mul3A_2, %mul3A_250 : i32
        %dma_start3A_252 = tpu.memref_slice %arg4[%add3A_251] : memref<331776xi32, #tpu.memory_space<hbm>> -> memref<48xi32, #tpu.memory_space<hbm>>
        %dma_start3A_253 = tpu.memref_slice %arg4[%add3A_251] : memref<331776xi32, #tpu.memory_space<hbm>> -> memref<48xi32, #tpu.memory_space<hbm>>
        tpu.enqueue_dma source(%dma_start3A_253 : memref<48xi32, #tpu.memory_space<hbm>>) target(%arg12 : memref<48xi32, #tpu.memory_space<vmem>>) target_semaphore(%arg34 : memref<!tpu.dma_semaphore, #tpu.memory_space<semaphore_mem>>)
        %mul3A_254 = arith.constant 48 : i32
        %mul3A_255 = arith.muli %add3A_248, %mul3A_254 : i32
        %dma_start3A_256 = tpu.memref_slice %arg8[%mul3A_255] : memref<10368xi32, #tpu.memory_space<vmem>> -> memref<48xi32, #tpu.memory_space<vmem>>
        %dma_start3A_257 = arith.constant 0 : i32
        %dma_start3A_258 = arith.constant 0 : i32
        %dma_start3A_259 = tpu.memref_slice %arg2[%dma_start3A_257, %dma_start3A_258] : memref<10000x128xf32, #tpu.memory_space<hbm>> -> memref<10000x128xf32, #tpu.memory_space<hbm>>
        tpu.enqueue_indirect_dma source(%dma_start3A_259 : memref<10000x128xf32, #tpu.memory_space<hbm>>) target(%arg18 : memref<48x128xf32, #tpu.memory_space<vmem>>) offsets(%dma_start3A_256 : memref<48xi32, #tpu.memory_space<vmem>>) semaphore(%arg28 : memref<!tpu.dma_semaphore, #tpu.memory_space<semaphore_mem>>)
        %dma_wait3A_260 = arith.constant 0 : i32
        %dma_wait3A_261 = arith.constant 0 : i32
        %dma_wait3A_262 = tpu.memref_slice %arg23[%dma_wait3A_260, %dma_wait3A_261] : memref<10112x128xf32, #tpu.memory_space<vmem_shared>> -> memref<10112x128xf32, #tpu.memory_space<vmem_shared>>
        tpu.wait_indirect_dma semaphore(%arg41 : memref<!tpu.dma_semaphore, #tpu.memory_space<semaphore_mem>>) src(%arg19 : memref<48x128xf32, #tpu.memory_space<vmem>>) dst(%dma_wait3A_262 : memref<10112x128xf32, #tpu.memory_space<vmem_shared>>)
        %add3A_263 = arith.constant 6 : i32
        %add3A_264 = arith.addi %mul3A_89, %add3A_263 : i32
        %add3A_265 = arith.constant 4 : i32
        %add3A_266 = arith.addi %add3A_264, %add3A_265 : i32
        %mul3A_267 = arith.constant 48 : i32
        %mul3A_268 = arith.muli %add3A_266, %mul3A_267 : i32
        %add3A_269 = arith.addi %mul3A_2, %mul3A_268 : i32
        %dma_start3A_270 = tpu.memref_slice %arg4[%add3A_269] : memref<331776xi32, #tpu.memory_space<hbm>> -> memref<48xi32, #tpu.memory_space<hbm>>
        %dma_start3A_271 = tpu.memref_slice %arg4[%add3A_269] : memref<331776xi32, #tpu.memory_space<hbm>> -> memref<48xi32, #tpu.memory_space<hbm>>
        tpu.enqueue_dma source(%dma_start3A_271 : memref<48xi32, #tpu.memory_space<hbm>>) target(%arg13 : memref<48xi32, #tpu.memory_space<vmem>>) target_semaphore(%arg35 : memref<!tpu.dma_semaphore, #tpu.memory_space<semaphore_mem>>)
        %mul3A_272 = arith.constant 48 : i32
        %mul3A_273 = arith.muli %add3A_266, %mul3A_272 : i32
        %dma_start3A_274 = tpu.memref_slice %arg8[%mul3A_273] : memref<10368xi32, #tpu.memory_space<vmem>> -> memref<48xi32, #tpu.memory_space<vmem>>
        %dma_start3A_275 = arith.constant 0 : i32
        %dma_start3A_276 = arith.constant 0 : i32
        %dma_start3A_277 = tpu.memref_slice %arg2[%dma_start3A_275, %dma_start3A_276] : memref<10000x128xf32, #tpu.memory_space<hbm>> -> memref<10000x128xf32, #tpu.memory_space<hbm>>
        tpu.enqueue_indirect_dma source(%dma_start3A_277 : memref<10000x128xf32, #tpu.memory_space<hbm>>) target(%arg19 : memref<48x128xf32, #tpu.memory_space<vmem>>) offsets(%dma_start3A_274 : memref<48xi32, #tpu.memory_space<vmem>>) semaphore(%arg29 : memref<!tpu.dma_semaphore, #tpu.memory_space<semaphore_mem>>)
        %dma_wait3A_278 = arith.constant 0 : i32
        %dma_wait3A_279 = arith.constant 0 : i32
        %dma_wait3A_280 = tpu.memref_slice %arg23[%dma_wait3A_278, %dma_wait3A_279] : memref<10112x128xf32, #tpu.memory_space<vmem_shared>> -> memref<10112x128xf32, #tpu.memory_space<vmem_shared>>
        tpu.wait_indirect_dma semaphore(%arg42 : memref<!tpu.dma_semaphore, #tpu.memory_space<semaphore_mem>>) src(%arg20 : memref<48x128xf32, #tpu.memory_space<vmem>>) dst(%dma_wait3A_280 : memref<10112x128xf32, #tpu.memory_space<vmem_shared>>)
        %add3A_281 = arith.constant 6 : i32
        %add3A_282 = arith.addi %mul3A_89, %add3A_281 : i32
        %add3A_283 = arith.constant 5 : i32
        %add3A_284 = arith.addi %add3A_282, %add3A_283 : i32
        %mul3A_285 = arith.constant 48 : i32
        %mul3A_286 = arith.muli %add3A_284, %mul3A_285 : i32
        %add3A_287 = arith.addi %mul3A_2, %mul3A_286 : i32
        %dma_start3A_288 = tpu.memref_slice %arg4[%add3A_287] : memref<331776xi32, #tpu.memory_space<hbm>> -> memref<48xi32, #tpu.memory_space<hbm>>
        %dma_start3A_289 = tpu.memref_slice %arg4[%add3A_287] : memref<331776xi32, #tpu.memory_space<hbm>> -> memref<48xi32, #tpu.memory_space<hbm>>
        tpu.enqueue_dma source(%dma_start3A_289 : memref<48xi32, #tpu.memory_space<hbm>>) target(%arg14 : memref<48xi32, #tpu.memory_space<vmem>>) target_semaphore(%arg36 : memref<!tpu.dma_semaphore, #tpu.memory_space<semaphore_mem>>)
        %mul3A_290 = arith.constant 48 : i32
        %mul3A_291 = arith.muli %add3A_284, %mul3A_290 : i32
        %dma_start3A_292 = tpu.memref_slice %arg8[%mul3A_291] : memref<10368xi32, #tpu.memory_space<vmem>> -> memref<48xi32, #tpu.memory_space<vmem>>
        %dma_start3A_293 = arith.constant 0 : i32
        %dma_start3A_294 = arith.constant 0 : i32
        %dma_start3A_295 = tpu.memref_slice %arg2[%dma_start3A_293, %dma_start3A_294] : memref<10000x128xf32, #tpu.memory_space<hbm>> -> memref<10000x128xf32, #tpu.memory_space<hbm>>
        tpu.enqueue_indirect_dma source(%dma_start3A_295 : memref<10000x128xf32, #tpu.memory_space<hbm>>) target(%arg20 : memref<48x128xf32, #tpu.memory_space<vmem>>) offsets(%dma_start3A_292 : memref<48xi32, #tpu.memory_space<vmem>>) semaphore(%arg30 : memref<!tpu.dma_semaphore, #tpu.memory_space<semaphore_mem>>)
      } else {
      }
    }
    %scan3A_64 = arith.constant 36 : i32
    %dma_wait3A = arith.constant 0 : i32
    %dma_wait3A_65 = arith.constant 0 : i32
    %dma_wait3A_66 = tpu.memref_slice %arg23[%dma_wait3A, %dma_wait3A_65] : memref<10112x128xf32, #tpu.memory_space<vmem_shared>> -> memref<10112x128xf32, #tpu.memory_space<vmem_shared>>
    tpu.wait_indirect_dma semaphore(%arg37 : memref<!tpu.dma_semaphore, #tpu.memory_space<semaphore_mem>>) src(%arg15 : memref<48x128xf32, #tpu.memory_space<vmem>>) dst(%dma_wait3A_66 : memref<10112x128xf32, #tpu.memory_space<vmem_shared>>)
    %dma_wait3A_67 = arith.constant 0 : i32
    %dma_wait3A_68 = arith.constant 0 : i32
    %dma_wait3A_69 = tpu.memref_slice %arg23[%dma_wait3A_67, %dma_wait3A_68] : memref<10112x128xf32, #tpu.memory_space<vmem_shared>> -> memref<10112x128xf32, #tpu.memory_space<vmem_shared>>
    tpu.wait_indirect_dma semaphore(%arg38 : memref<!tpu.dma_semaphore, #tpu.memory_space<semaphore_mem>>) src(%arg16 : memref<48x128xf32, #tpu.memory_space<vmem>>) dst(%dma_wait3A_69 : memref<10112x128xf32, #tpu.memory_space<vmem_shared>>)
    %dma_wait3A_70 = arith.constant 0 : i32
    %dma_wait3A_71 = arith.constant 0 : i32
    %dma_wait3A_72 = tpu.memref_slice %arg23[%dma_wait3A_70, %dma_wait3A_71] : memref<10112x128xf32, #tpu.memory_space<vmem_shared>> -> memref<10112x128xf32, #tpu.memory_space<vmem_shared>>
    tpu.wait_indirect_dma semaphore(%arg39 : memref<!tpu.dma_semaphore, #tpu.memory_space<semaphore_mem>>) src(%arg17 : memref<48x128xf32, #tpu.memory_space<vmem>>) dst(%dma_wait3A_72 : memref<10112x128xf32, #tpu.memory_space<vmem_shared>>)
    %dma_wait3A_73 = arith.constant 0 : i32
    %dma_wait3A_74 = arith.constant 0 : i32
    %dma_wait3A_75 = tpu.memref_slice %arg23[%dma_wait3A_73, %dma_wait3A_74] : memref<10112x128xf32, #tpu.memory_space<vmem_shared>> -> memref<10112x128xf32, #tpu.memory_space<vmem_shared>>
    tpu.wait_indirect_dma semaphore(%arg40 : memref<!tpu.dma_semaphore, #tpu.memory_space<semaphore_mem>>) src(%arg18 : memref<48x128xf32, #tpu.memory_space<vmem>>) dst(%dma_wait3A_75 : memref<10112x128xf32, #tpu.memory_space<vmem_shared>>)
    %dma_wait3A_76 = arith.constant 0 : i32
    %dma_wait3A_77 = arith.constant 0 : i32
    %dma_wait3A_78 = tpu.memref_slice %arg23[%dma_wait3A_76, %dma_wait3A_77] : memref<10112x128xf32, #tpu.memory_space<vmem_shared>> -> memref<10112x128xf32, #tpu.memory_space<vmem_shared>>
    tpu.wait_indirect_dma semaphore(%arg41 : memref<!tpu.dma_semaphore, #tpu.memory_space<semaphore_mem>>) src(%arg19 : memref<48x128xf32, #tpu.memory_space<vmem>>) dst(%dma_wait3A_78 : memref<10112x128xf32, #tpu.memory_space<vmem_shared>>)
    %dma_wait3A_79 = arith.constant 0 : i32
    %dma_wait3A_80 = arith.constant 0 : i32
    %dma_wait3A_81 = tpu.memref_slice %arg23[%dma_wait3A_79, %dma_wait3A_80] : memref<10112x128xf32, #tpu.memory_space<vmem_shared>> -> memref<10112x128xf32, #tpu.memory_space<vmem_shared>>
    tpu.wait_indirect_dma semaphore(%arg42 : memref<!tpu.dma_semaphore, #tpu.memory_space<semaphore_mem>>) src(%arg20 : memref<48x128xf32, #tpu.memory_space<vmem>>) dst(%dma_wait3A_81 : memref<10112x128xf32, #tpu.memory_space<vmem_shared>>)
    %barrier3A_82 = arith.constant 0 : index
    tpu.barrier barrier_id(%barrier3A_82)
    %mul3A_83 = arith.constant 632 : i32
    %mul3A_84 = arith.muli %arg1, %mul3A_83 : i32
    %mul3A_85 = arith.constant 632 : i32
    %mul3A_86 = arith.muli %arg1, %mul3A_85 : i32
    "tpu.region"() ({
      %run_scoped3A = tpu.sem_alloc : memref<!tpu.dma_semaphore, #tpu.memory_space<semaphore_mem>>
      %dma_start3A_87 = arith.constant 0 : i32
      %dma_start3A_88 = tpu.memref_slice %arg7[%arg0, %mul3A_86, %dma_start3A_87] : memref<2x10112x128xf32, #tpu.memory_space<hbm>> -> memref<1x632x128xf32, #tpu.memory_space<hbm>>
      %dma_start3A_89 = tpu.memref_squeeze %dma_start3A_88 : memref<1x632x128xf32, #tpu.memory_space<hbm>> -> memref<632x128xf32, #tpu.memory_space<hbm>>
      %dma_start3A_90 = arith.constant 0 : i32
      %dma_start3A_91 = tpu.memref_slice %arg23[%mul3A_84, %dma_start3A_90] : memref<10112x128xf32, #tpu.memory_space<vmem_shared>> -> memref<632x128xf32, #tpu.memory_space<vmem_shared>>
      tpu.enqueue_dma source(%dma_start3A_91 : memref<632x128xf32, #tpu.memory_space<vmem_shared>>) target(%dma_start3A_89 : memref<632x128xf32, #tpu.memory_space<hbm>>) target_semaphore(%run_scoped3A : memref<!tpu.dma_semaphore, #tpu.memory_space<semaphore_mem>>)
      %dma_wait3A_92 = arith.constant 0 : i32
      %dma_wait3A_93 = tpu.memref_slice %arg7[%arg0, %mul3A_86, %dma_wait3A_92] : memref<2x10112x128xf32, #tpu.memory_space<hbm>> -> memref<1x632x128xf32, #tpu.memory_space<hbm>>
      %dma_wait3A_94 = tpu.memref_squeeze %dma_wait3A_93 : memref<1x632x128xf32, #tpu.memory_space<hbm>> -> memref<632x128xf32, #tpu.memory_space<hbm>>
      %dma_wait3A_95 = arith.constant 0 : i32
      %dma_wait3A_96 = tpu.memref_slice %arg23[%mul3A_84, %dma_wait3A_95] : memref<10112x128xf32, #tpu.memory_space<vmem_shared>> -> memref<632x128xf32, #tpu.memory_space<vmem_shared>>
      tpu.wait_dma2 semaphore(%run_scoped3A : memref<!tpu.dma_semaphore, #tpu.memory_space<semaphore_mem>>) src(%dma_wait3A_96 : memref<632x128xf32, #tpu.memory_space<vmem_shared>>) dst(%dma_wait3A_94 : memref<632x128xf32, #tpu.memory_space<hbm>>)
      tpu.yield
    }) : () -> ()
    return
  }
}

module attributes {stable_mosaic.version = 14 : i64} {
  func.func @_mm_body(%arg0: i32, %arg1: memref<2000x128xf32, #tpu.memory_space<vmem>>, %arg2: memref<128x128xf32, #tpu.memory_space<vmem>>, %arg3: memref<2000x128xf32, #tpu.memory_space<vmem>>) attributes {dimension_semantics = [#tpu.dimension_semantics<arbitrary>], iteration_bounds = array<i64: 5>, scalar_prefetch = 0 : i64, scratch_operands = 0 : i64, tpu.core_type = #tpu.core_type<tc>, window_params = [{transform_indices = @transform_0, window_bounds = array<i64: 2000, 128>}, {pipeline_mode = #tpu.pipeline_mode<synchronous>, transform_indices = @transform_1, window_bounds = array<i64: 128, 128>}, {transform_indices = @transform_2, window_bounds = array<i64: 2000, 128>}]} {
    %get3A = arith.constant 0 : index
    %get3A_0 = arith.constant 0 : index
    %get3A_1 = vector.load %arg1[%get3A, %get3A_0] : memref<2000x128xf32, #tpu.memory_space<vmem>>, vector<2000x128xf32>
    %get3A_2 = arith.constant 0 : index
    %get3A_3 = arith.constant 0 : index
    %get3A_4 = vector.load %arg2[%get3A_2, %get3A_3] : memref<128x128xf32, #tpu.memory_space<vmem>>, vector<128x128xf32>
    %dot_general3A = arith.constant dense<0.000000e+00> : vector<2000x128xf32>
    %dot_general3A_5 = tpu.matmul %get3A_1, %get3A_4, %dot_general3A {dimension_numbers = #tpu.dot_dimension_numbers<[1], [0], [0], [1], [0, 0, 1, 1], [], []>, transpose_lhs_hint = false} : vector<2000x128xf32>, vector<128x128xf32>, vector<2000x128xf32> -> vector<2000x128xf32>
    %swap3A = arith.constant 0 : index
    %swap3A_6 = arith.constant 0 : index
    %swap3A_7 = vector.load %arg3[%swap3A, %swap3A_6] : memref<2000x128xf32, #tpu.memory_space<vmem>>, vector<2000x128xf32>
    tpu.vector_store %arg3[%swap3A, %swap3A_6], %dot_general3A_5 {strides = array<i32>} : memref<2000x128xf32, #tpu.memory_space<vmem>>, vector<2000x128xf32>,
    return
  }
  func.func @transform_0(%arg0: i32) -> (i32, i32) {
    %c0_i32 = arith.constant 0 : i32
    %c0_i32_0 = arith.constant 0 : i32
    return %arg0, %c0_i32 : i32, i32
  }
  func.func @transform_1(%arg0: i32) -> (i32, i32) {
    %c0_i32 = arith.constant 0 : i32
    %c0_i32_0 = arith.constant 0 : i32
    %c0_i32_1 = arith.constant 0 : i32
    return %c0_i32, %c0_i32_0 : i32, i32
  }
  func.func @transform_2(%arg0: i32) -> (i32, i32) {
    %c0_i32 = arith.constant 0 : i32
    %c0_i32_0 = arith.constant 0 : i32
    return %arg0, %c0_i32 : i32, i32
  }
}

module attributes {stable_mosaic.version = 14 : i64} {
  func.func @_stage_body(%arg0: i32, %arg1: memref<2000x128xf32, #tpu.memory_space<vmem>>, %arg2: memref<2x2000x128xf32, #tpu.memory_space<vmem>>, %arg3: memref<2000x2xf32, #tpu.memory_space<vmem>>, %arg4: memref<128x128xf32, #tpu.memory_space<vmem>>, %arg5: memref<1x128xf32, #tpu.memory_space<vmem>>, %arg6: memref<1x128xf32, #tpu.memory_space<vmem>>, %arg7: memref<1x128xf32, #tpu.memory_space<vmem>>, %arg8: memref<128x128xf32, #tpu.memory_space<vmem>>, %arg9: memref<2000x128xf32, #tpu.memory_space<vmem>>, %arg10: memref<2000x128xf32, #tpu.memory_space<vmem>>) attributes {dimension_semantics = [#tpu.dimension_semantics<arbitrary>], iteration_bounds = array<i64: 5>, scalar_prefetch = 0 : i64, scratch_operands = 0 : i64, tpu.core_type = #tpu.core_type<tc>, window_params = [{transform_indices = @transform_0, window_bounds = array<i64: 2000, 128>}, {transform_indices = @transform_1, window_bounds = array<i64: 2, 2000, 128>}, {transform_indices = @transform_2, window_bounds = array<i64: 2000, 2>}, {pipeline_mode = #tpu.pipeline_mode<synchronous>, transform_indices = @transform_3, window_bounds = array<i64: 128, 128>}, {pipeline_mode = #tpu.pipeline_mode<synchronous>, transform_indices = @transform_4, window_bounds = array<i64: 1, 128>}, {pipeline_mode = #tpu.pipeline_mode<synchronous>, transform_indices = @transform_5, window_bounds = array<i64: 1, 128>}, {pipeline_mode = #tpu.pipeline_mode<synchronous>, transform_indices = @transform_6, window_bounds = array<i64: 1, 128>}, {pipeline_mode = #tpu.pipeline_mode<synchronous>, transform_indices = @transform_7, window_bounds = array<i64: 128, 128>}, {transform_indices = @transform_8, window_bounds = array<i64: 2000, 128>}, {transform_indices = @transform_9, window_bounds = array<i64: 2000, 128>}]} {
    %get3A = arith.constant 0 : index
    %get3A_0 = arith.constant 0 : index
    %get3A_1 = vector.load %arg3[%get3A, %get3A_0] : memref<2000x2xf32, #tpu.memory_space<vmem>>, vector<2000x1xf32>
    %get3A_2 = arith.constant 0 : index
    %get3A_3 = arith.constant 1 : index
    %get3A_4 = vector.load %arg3[%get3A_2, %get3A_3] : memref<2000x2xf32, #tpu.memory_space<vmem>>, vector<2000x1xf32>
    %add3A = arith.addf %get3A_1, %get3A_4 : vector<2000x1xf32>
    %max3A = arith.constant 1.000000e+00 : f32
    %max3A_5 = vector.broadcast %max3A : f32 to vector<2000x1xf32>
    %max3A_6 = arith.maximumf %add3A, %max3A_5 : vector<2000x1xf32>
    %div3A = arith.constant 1.000000e+00 : f32
    %div3A_7 = vector.broadcast %div3A : f32 to vector<2000x1xf32>
    %div3A_8 = arith.divf %div3A_7, %max3A_6 : vector<2000x1xf32>
    %get3A_9 = arith.constant 0 : index
    %get3A_10 = arith.constant 0 : index
    %get3A_11 = arith.constant 0 : index
    %get3A_12 = vector.load %arg2[%get3A_9, %get3A_10, %get3A_11] : memref<2x2000x128xf32, #tpu.memory_space<vmem>>, vector<1x2000x128xf32>
    %get3A_13 = vector.shape_cast %get3A_12 : vector<1x2000x128xf32> to vector<2000x128xf32>
    %get3A_14 = arith.constant 1 : index
    %get3A_15 = arith.constant 0 : index
    %get3A_16 = arith.constant 0 : index
    %get3A_17 = vector.load %arg2[%get3A_14, %get3A_15, %get3A_16] : memref<2x2000x128xf32, #tpu.memory_space<vmem>>, vector<1x2000x128xf32>
    %get3A_18 = vector.shape_cast %get3A_17 : vector<1x2000x128xf32> to vector<2000x128xf32>
    %add3A_19 = arith.addf %get3A_13, %get3A_18 : vector<2000x128xf32>
    %mul3A = vector.broadcast %div3A_8 : vector<2000x1xf32> to vector<2000x128xf32>
    %mul3A_20 = arith.mulf %add3A_19, %mul3A : vector<2000x128xf32>
    %get3A_21 = arith.constant 0 : index
    %get3A_22 = arith.constant 0 : index
    %get3A_23 = vector.load %arg1[%get3A_21, %get3A_22] : memref<2000x128xf32, #tpu.memory_space<vmem>>, vector<2000x128xf32>
    %get3A_24 = arith.constant 0 : index
    %get3A_25 = arith.constant 0 : index
    %get3A_26 = vector.load %arg4[%get3A_24, %get3A_25] : memref<128x128xf32, #tpu.memory_space<vmem>>, vector<128x128xf32>
    %dot_general3A = arith.constant dense<0.000000e+00> : vector<2000x128xf32>
    %dot_general3A_27 = tpu.matmul %get3A_23, %get3A_26, %dot_general3A {dimension_numbers = #tpu.dot_dimension_numbers<[1], [0], [0], [1], [0, 0, 1, 1], [], []>, transpose_lhs_hint = false} : vector<2000x128xf32>, vector<128x128xf32>, vector<2000x128xf32> -> vector<2000x128xf32>
    %add3A_28 = arith.addf %mul3A_20, %dot_general3A_27 : vector<2000x128xf32>
    %get3A_29 = arith.constant 0 : index
    %get3A_30 = arith.constant 0 : index
    %get3A_31 = vector.load %arg5[%get3A_29, %get3A_30] : memref<1x128xf32, #tpu.memory_space<vmem>>, vector<1x128xf32>
    %add3A_32 = vector.broadcast %get3A_31 : vector<1x128xf32> to vector<2000x128xf32>
    %add3A_33 = arith.addf %add3A_28, %add3A_32 : vector<2000x128xf32>
    %reduce_sum3A = arith.constant dense<0.000000e+00> : vector<2000xf32>
    %reduce_sum3A_34 = vector.multi_reduction <add>, %add3A_33, %reduce_sum3A [1] : vector<2000x128xf32> to vector<2000xf32>
    %broadcast_in_dim3A = vector.shape_cast %reduce_sum3A_34 : vector<2000xf32> to vector<2000x1xf32>
    %div3A_35 = arith.constant 1.280000e+02 : f32
    %div3A_36 = vector.broadcast %div3A_35 : f32 to vector<2000x1xf32>
    %div3A_37 = arith.divf %broadcast_in_dim3A, %div3A_36 : vector<2000x1xf32>
    %sub3A = vector.broadcast %div3A_37 : vector<2000x1xf32> to vector<2000x128xf32>
    %sub3A_38 = arith.subf %add3A_33, %sub3A : vector<2000x128xf32>
    %integer_pow3A = arith.mulf %sub3A_38, %sub3A_38 : vector<2000x128xf32>
    %reduce_sum3A_39 = arith.constant dense<0.000000e+00> : vector<2000xf32>
    %reduce_sum3A_40 = vector.multi_reduction <add>, %integer_pow3A, %reduce_sum3A_39 [1] : vector<2000x128xf32> to vector<2000xf32>
    %broadcast_in_dim3A_41 = vector.shape_cast %reduce_sum3A_40 : vector<2000xf32> to vector<2000x1xf32>
    %div3A_42 = arith.constant 1.280000e+02 : f32
    %div3A_43 = vector.broadcast %div3A_42 : f32 to vector<2000x1xf32>
    %div3A_44 = arith.divf %broadcast_in_dim3A_41, %div3A_43 : vector<2000x1xf32>
    %sub3A_45 = vector.broadcast %div3A_37 : vector<2000x1xf32> to vector<2000x128xf32>
    %sub3A_46 = arith.subf %add3A_33, %sub3A_45 : vector<2000x128xf32>
    %add3A_47 = arith.constant 9.99999974E-6 : f32
    %add3A_48 = vector.broadcast %add3A_47 : f32 to vector<2000x1xf32>
    %add3A_49 = arith.addf %div3A_44, %add3A_48 : vector<2000x1xf32>
    %rsqrt3A = math.rsqrt %add3A_49 : vector<2000x1xf32>
    %mul3A_50 = vector.broadcast %rsqrt3A : vector<2000x1xf32> to vector<2000x128xf32>
    %mul3A_51 = arith.mulf %sub3A_46, %mul3A_50 : vector<2000x128xf32>
    %get3A_52 = arith.constant 0 : index
    %get3A_53 = arith.constant 0 : index
    %get3A_54 = vector.load %arg6[%get3A_52, %get3A_53] : memref<1x128xf32, #tpu.memory_space<vmem>>, vector<1x128xf32>
    %mul3A_55 = vector.broadcast %get3A_54 : vector<1x128xf32> to vector<2000x128xf32>
    %mul3A_56 = arith.mulf %mul3A_51, %mul3A_55 : vector<2000x128xf32>
    %get3A_57 = arith.constant 0 : index
    %get3A_58 = arith.constant 0 : index
    %get3A_59 = vector.load %arg7[%get3A_57, %get3A_58] : memref<1x128xf32, #tpu.memory_space<vmem>>, vector<1x128xf32>
    %add3A_60 = vector.broadcast %get3A_59 : vector<1x128xf32> to vector<2000x128xf32>
    %add3A_61 = arith.addf %mul3A_56, %add3A_60 : vector<2000x128xf32>
    %max3A_62 = arith.constant 0.000000e+00 : f32
    %max3A_63 = vector.broadcast %max3A_62 : f32 to vector<2000x128xf32>
    %max3A_64 = arith.maximumf %add3A_61, %max3A_63 : vector<2000x128xf32>
    %swap3A = arith.constant 0 : index
    %swap3A_65 = arith.constant 0 : index
    %swap3A_66 = vector.load %arg9[%swap3A, %swap3A_65] : memref<2000x128xf32, #tpu.memory_space<vmem>>, vector<2000x128xf32>
    tpu.vector_store %arg9[%swap3A, %swap3A_65], %max3A_64 {strides = array<i32>} : memref<2000x128xf32, #tpu.memory_space<vmem>>, vector<2000x128xf32>,
    %get3A_67 = arith.constant 0 : index
    %get3A_68 = arith.constant 0 : index
    %get3A_69 = vector.load %arg8[%get3A_67, %get3A_68] : memref<128x128xf32, #tpu.memory_space<vmem>>, vector<128x128xf32>
    %dot_general3A_70 = arith.constant dense<0.000000e+00> : vector<2000x128xf32>
    %dot_general3A_71 = tpu.matmul %max3A_64, %get3A_69, %dot_general3A_70 {dimension_numbers = #tpu.dot_dimension_numbers<[1], [0], [0], [1], [0, 0, 1, 1], [], []>, transpose_lhs_hint = false} : vector<2000x128xf32>, vector<128x128xf32>, vector<2000x128xf32> -> vector<2000x128xf32>
    %swap3A_72 = arith.constant 0 : index
    %swap3A_73 = arith.constant 0 : index
    %swap3A_74 = vector.load %arg10[%swap3A_72, %swap3A_73] : memref<2000x128xf32, #tpu.memory_space<vmem>>, vector<2000x128xf32>
    tpu.vector_store %arg10[%swap3A_72, %swap3A_73], %dot_general3A_71 {strides = array<i32>} : memref<2000x128xf32, #tpu.memory_space<vmem>>, vector<2000x128xf32>,
    return
  }
  func.func @transform_0(%arg0: i32) -> (i32, i32) {
    %c0_i32 = arith.constant 0 : i32
    %c0_i32_0 = arith.constant 0 : i32
    return %arg0, %c0_i32 : i32, i32
  }
  func.func @transform_1(%arg0: i32) -> (i32, i32, i32) {
    %c0_i32 = arith.constant 0 : i32
    %c0_i32_0 = arith.constant 0 : i32
    %c0_i32_1 = arith.constant 0 : i32
    return %c0_i32, %arg0, %c0_i32_0 : i32, i32, i32
  }
  func.func @transform_2(%arg0: i32) -> (i32, i32) {
    %c0_i32 = arith.constant 0 : i32
    %c0_i32_0 = arith.constant 0 : i32
    return %arg0, %c0_i32 : i32, i32
  }
  func.func @transform_3(%arg0: i32) -> (i32, i32) {
    %c0_i32 = arith.constant 0 : i32
    %c0_i32_0 = arith.constant 0 : i32
    %c0_i32_1 = arith.constant 0 : i32
    return %c0_i32, %c0_i32_0 : i32, i32
  }
  func.func @transform_4(%arg0: i32) -> (i32, i32) {
    %c0_i32 = arith.constant 0 : i32
    %c0_i32_0 = arith.constant 0 : i32
    %c0_i32_1 = arith.constant 0 : i32
    return %c0_i32, %c0_i32_0 : i32, i32
  }
  func.func @transform_5(%arg0: i32) -> (i32, i32) {
    %c0_i32 = arith.constant 0 : i32
    %c0_i32_0 = arith.constant 0 : i32
    %c0_i32_1 = arith.constant 0 : i32
    return %c0_i32, %c0_i32_0 : i32, i32
  }
  func.func @transform_6(%arg0: i32) -> (i32, i32) {
    %c0_i32 = arith.constant 0 : i32
    %c0_i32_0 = arith.constant 0 : i32
    %c0_i32_1 = arith.constant 0 : i32
    return %c0_i32, %c0_i32_0 : i32, i32
  }
  func.func @transform_7(%arg0: i32) -> (i32, i32) {
    %c0_i32 = arith.constant 0 : i32
    %c0_i32_0 = arith.constant 0 : i32
    %c0_i32_1 = arith.constant 0 : i32
    return %c0_i32, %c0_i32_0 : i32, i32
  }
  func.func @transform_8(%arg0: i32) -> (i32, i32) {
    %c0_i32 = arith.constant 0 : i32
    %c0_i32_0 = arith.constant 0 : i32
    return %arg0, %c0_i32 : i32, i32
  }
  func.func @transform_9(%arg0: i32) -> (i32, i32) {
    %c0_i32 = arith.constant 0 : i32
    %c0_i32_0 = arith.constant 0 : i32
    return %arg0, %c0_i32 : i32, i32
  }
}

module attributes {stable_mosaic.version = 14 : i64} {
  func.func @_stage_body(%arg0: i32, %arg1: memref<2000x128xf32, #tpu.memory_space<vmem>>, %arg2: memref<2x2000x128xf32, #tpu.memory_space<vmem>>, %arg3: memref<2000x2xf32, #tpu.memory_space<vmem>>, %arg4: memref<128x128xf32, #tpu.memory_space<vmem>>, %arg5: memref<1x128xf32, #tpu.memory_space<vmem>>, %arg6: memref<1x128xf32, #tpu.memory_space<vmem>>, %arg7: memref<1x128xf32, #tpu.memory_space<vmem>>, %arg8: memref<128x2xf32, #tpu.memory_space<vmem>>, %arg9: memref<2000x128xf32, #tpu.memory_space<vmem>>, %arg10: memref<2000x2xf32, #tpu.memory_space<vmem>>) attributes {dimension_semantics = [#tpu.dimension_semantics<arbitrary>], iteration_bounds = array<i64: 5>, scalar_prefetch = 0 : i64, scratch_operands = 0 : i64, tpu.core_type = #tpu.core_type<tc>, window_params = [{transform_indices = @transform_0, window_bounds = array<i64: 2000, 128>}, {transform_indices = @transform_1, window_bounds = array<i64: 2, 2000, 128>}, {transform_indices = @transform_2, window_bounds = array<i64: 2000, 2>}, {pipeline_mode = #tpu.pipeline_mode<synchronous>, transform_indices = @transform_3, window_bounds = array<i64: 128, 128>}, {pipeline_mode = #tpu.pipeline_mode<synchronous>, transform_indices = @transform_4, window_bounds = array<i64: 1, 128>}, {pipeline_mode = #tpu.pipeline_mode<synchronous>, transform_indices = @transform_5, window_bounds = array<i64: 1, 128>}, {pipeline_mode = #tpu.pipeline_mode<synchronous>, transform_indices = @transform_6, window_bounds = array<i64: 1, 128>}, {pipeline_mode = #tpu.pipeline_mode<synchronous>, transform_indices = @transform_7, window_bounds = array<i64: 128, 2>}, {transform_indices = @transform_8, window_bounds = array<i64: 2000, 128>}, {transform_indices = @transform_9, window_bounds = array<i64: 2000, 2>}]} {
    %get3A = arith.constant 0 : index
    %get3A_0 = arith.constant 0 : index
    %get3A_1 = vector.load %arg3[%get3A, %get3A_0] : memref<2000x2xf32, #tpu.memory_space<vmem>>, vector<2000x1xf32>
    %get3A_2 = arith.constant 0 : index
    %get3A_3 = arith.constant 1 : index
    %get3A_4 = vector.load %arg3[%get3A_2, %get3A_3] : memref<2000x2xf32, #tpu.memory_space<vmem>>, vector<2000x1xf32>
    %add3A = arith.addf %get3A_1, %get3A_4 : vector<2000x1xf32>
    %max3A = arith.constant 1.000000e+00 : f32
    %max3A_5 = vector.broadcast %max3A : f32 to vector<2000x1xf32>
    %max3A_6 = arith.maximumf %add3A, %max3A_5 : vector<2000x1xf32>
    %div3A = arith.constant 1.000000e+00 : f32
    %div3A_7 = vector.broadcast %div3A : f32 to vector<2000x1xf32>
    %div3A_8 = arith.divf %div3A_7, %max3A_6 : vector<2000x1xf32>
    %get3A_9 = arith.constant 0 : index
    %get3A_10 = arith.constant 0 : index
    %get3A_11 = arith.constant 0 : index
    %get3A_12 = vector.load %arg2[%get3A_9, %get3A_10, %get3A_11] : memref<2x2000x128xf32, #tpu.memory_space<vmem>>, vector<1x2000x128xf32>
    %get3A_13 = vector.shape_cast %get3A_12 : vector<1x2000x128xf32> to vector<2000x128xf32>
    %get3A_14 = arith.constant 1 : index
    %get3A_15 = arith.constant 0 : index
    %get3A_16 = arith.constant 0 : index
    %get3A_17 = vector.load %arg2[%get3A_14, %get3A_15, %get3A_16] : memref<2x2000x128xf32, #tpu.memory_space<vmem>>, vector<1x2000x128xf32>
    %get3A_18 = vector.shape_cast %get3A_17 : vector<1x2000x128xf32> to vector<2000x128xf32>
    %add3A_19 = arith.addf %get3A_13, %get3A_18 : vector<2000x128xf32>
    %mul3A = vector.broadcast %div3A_8 : vector<2000x1xf32> to vector<2000x128xf32>
    %mul3A_20 = arith.mulf %add3A_19, %mul3A : vector<2000x128xf32>
    %get3A_21 = arith.constant 0 : index
    %get3A_22 = arith.constant 0 : index
    %get3A_23 = vector.load %arg1[%get3A_21, %get3A_22] : memref<2000x128xf32, #tpu.memory_space<vmem>>, vector<2000x128xf32>
    %get3A_24 = arith.constant 0 : index
    %get3A_25 = arith.constant 0 : index
    %get3A_26 = vector.load %arg4[%get3A_24, %get3A_25] : memref<128x128xf32, #tpu.memory_space<vmem>>, vector<128x128xf32>
    %dot_general3A = arith.constant dense<0.000000e+00> : vector<2000x128xf32>
    %dot_general3A_27 = tpu.matmul %get3A_23, %get3A_26, %dot_general3A {dimension_numbers = #tpu.dot_dimension_numbers<[1], [0], [0], [1], [0, 0, 1, 1], [], []>, transpose_lhs_hint = false} : vector<2000x128xf32>, vector<128x128xf32>, vector<2000x128xf32> -> vector<2000x128xf32>
    %add3A_28 = arith.addf %mul3A_20, %dot_general3A_27 : vector<2000x128xf32>
    %get3A_29 = arith.constant 0 : index
    %get3A_30 = arith.constant 0 : index
    %get3A_31 = vector.load %arg5[%get3A_29, %get3A_30] : memref<1x128xf32, #tpu.memory_space<vmem>>, vector<1x128xf32>
    %add3A_32 = vector.broadcast %get3A_31 : vector<1x128xf32> to vector<2000x128xf32>
    %add3A_33 = arith.addf %add3A_28, %add3A_32 : vector<2000x128xf32>
    %reduce_sum3A = arith.constant dense<0.000000e+00> : vector<2000xf32>
    %reduce_sum3A_34 = vector.multi_reduction <add>, %add3A_33, %reduce_sum3A [1] : vector<2000x128xf32> to vector<2000xf32>
    %broadcast_in_dim3A = vector.shape_cast %reduce_sum3A_34 : vector<2000xf32> to vector<2000x1xf32>
    %div3A_35 = arith.constant 1.280000e+02 : f32
    %div3A_36 = vector.broadcast %div3A_35 : f32 to vector<2000x1xf32>
    %div3A_37 = arith.divf %broadcast_in_dim3A, %div3A_36 : vector<2000x1xf32>
    %sub3A = vector.broadcast %div3A_37 : vector<2000x1xf32> to vector<2000x128xf32>
    %sub3A_38 = arith.subf %add3A_33, %sub3A : vector<2000x128xf32>
    %integer_pow3A = arith.mulf %sub3A_38, %sub3A_38 : vector<2000x128xf32>
    %reduce_sum3A_39 = arith.constant dense<0.000000e+00> : vector<2000xf32>
    %reduce_sum3A_40 = vector.multi_reduction <add>, %integer_pow3A, %reduce_sum3A_39 [1] : vector<2000x128xf32> to vector<2000xf32>
    %broadcast_in_dim3A_41 = vector.shape_cast %reduce_sum3A_40 : vector<2000xf32> to vector<2000x1xf32>
    %div3A_42 = arith.constant 1.280000e+02 : f32
    %div3A_43 = vector.broadcast %div3A_42 : f32 to vector<2000x1xf32>
    %div3A_44 = arith.divf %broadcast_in_dim3A_41, %div3A_43 : vector<2000x1xf32>
    %sub3A_45 = vector.broadcast %div3A_37 : vector<2000x1xf32> to vector<2000x128xf32>
    %sub3A_46 = arith.subf %add3A_33, %sub3A_45 : vector<2000x128xf32>
    %add3A_47 = arith.constant 9.99999974E-6 : f32
    %add3A_48 = vector.broadcast %add3A_47 : f32 to vector<2000x1xf32>
    %add3A_49 = arith.addf %div3A_44, %add3A_48 : vector<2000x1xf32>
    %rsqrt3A = math.rsqrt %add3A_49 : vector<2000x1xf32>
    %mul3A_50 = vector.broadcast %rsqrt3A : vector<2000x1xf32> to vector<2000x128xf32>
    %mul3A_51 = arith.mulf %sub3A_46, %mul3A_50 : vector<2000x128xf32>
    %get3A_52 = arith.constant 0 : index
    %get3A_53 = arith.constant 0 : index
    %get3A_54 = vector.load %arg6[%get3A_52, %get3A_53] : memref<1x128xf32, #tpu.memory_space<vmem>>, vector<1x128xf32>
    %mul3A_55 = vector.broadcast %get3A_54 : vector<1x128xf32> to vector<2000x128xf32>
    %mul3A_56 = arith.mulf %mul3A_51, %mul3A_55 : vector<2000x128xf32>
    %get3A_57 = arith.constant 0 : index
    %get3A_58 = arith.constant 0 : index
    %get3A_59 = vector.load %arg7[%get3A_57, %get3A_58] : memref<1x128xf32, #tpu.memory_space<vmem>>, vector<1x128xf32>
    %add3A_60 = vector.broadcast %get3A_59 : vector<1x128xf32> to vector<2000x128xf32>
    %add3A_61 = arith.addf %mul3A_56, %add3A_60 : vector<2000x128xf32>
    %max3A_62 = arith.constant 0.000000e+00 : f32
    %max3A_63 = vector.broadcast %max3A_62 : f32 to vector<2000x128xf32>
    %max3A_64 = arith.maximumf %add3A_61, %max3A_63 : vector<2000x128xf32>
    %swap3A = arith.constant 0 : index
    %swap3A_65 = arith.constant 0 : index
    %swap3A_66 = vector.load %arg9[%swap3A, %swap3A_65] : memref<2000x128xf32, #tpu.memory_space<vmem>>, vector<2000x128xf32>
    tpu.vector_store %arg9[%swap3A, %swap3A_65], %max3A_64 {strides = array<i32>} : memref<2000x128xf32, #tpu.memory_space<vmem>>, vector<2000x128xf32>,
    %get3A_67 = arith.constant 0 : index
    %get3A_68 = arith.constant 0 : index
    %get3A_69 = vector.load %arg8[%get3A_67, %get3A_68] : memref<128x2xf32, #tpu.memory_space<vmem>>, vector<128x2xf32>
    %dot_general3A_70 = arith.constant dense<0.000000e+00> : vector<2000x2xf32>
    %dot_general3A_71 = tpu.matmul %max3A_64, %get3A_69, %dot_general3A_70 {dimension_numbers = #tpu.dot_dimension_numbers<[1], [0], [0], [1], [0, 0, 1, 1], [], []>, transpose_lhs_hint = false} : vector<2000x128xf32>, vector<128x2xf32>, vector<2000x2xf32> -> vector<2000x2xf32>
    %swap3A_72 = arith.constant 0 : index
    %swap3A_73 = arith.constant 0 : index
    %swap3A_74 = vector.load %arg10[%swap3A_72, %swap3A_73] : memref<2000x2xf32, #tpu.memory_space<vmem>>, vector<2000x2xf32>
    tpu.vector_store %arg10[%swap3A_72, %swap3A_73], %dot_general3A_71 {strides = array<i32>} : memref<2000x2xf32, #tpu.memory_space<vmem>>, vector<2000x2xf32>,
    return
  }
  func.func @transform_0(%arg0: i32) -> (i32, i32) {
    %c0_i32 = arith.constant 0 : i32
    %c0_i32_0 = arith.constant 0 : i32
    return %arg0, %c0_i32 : i32, i32
  }
  func.func @transform_1(%arg0: i32) -> (i32, i32, i32) {
    %c0_i32 = arith.constant 0 : i32
    %c0_i32_0 = arith.constant 0 : i32
    %c0_i32_1 = arith.constant 0 : i32
    return %c0_i32, %arg0, %c0_i32_0 : i32, i32, i32
  }
  func.func @transform_2(%arg0: i32) -> (i32, i32) {
    %c0_i32 = arith.constant 0 : i32
    %c0_i32_0 = arith.constant 0 : i32
    return %arg0, %c0_i32 : i32, i32
  }
  func.func @transform_3(%arg0: i32) -> (i32, i32) {
    %c0_i32 = arith.constant 0 : i32
    %c0_i32_0 = arith.constant 0 : i32
    %c0_i32_1 = arith.constant 0 : i32
    return %c0_i32, %c0_i32_0 : i32, i32
  }
  func.func @transform_4(%arg0: i32) -> (i32, i32) {
    %c0_i32 = arith.constant 0 : i32
    %c0_i32_0 = arith.constant 0 : i32
    %c0_i32_1 = arith.constant 0 : i32
    return %c0_i32, %c0_i32_0 : i32, i32
  }
  func.func @transform_5(%arg0: i32) -> (i32, i32) {
    %c0_i32 = arith.constant 0 : i32
    %c0_i32_0 = arith.constant 0 : i32
    %c0_i32_1 = arith.constant 0 : i32
    return %c0_i32, %c0_i32_0 : i32, i32
  }
  func.func @transform_6(%arg0: i32) -> (i32, i32) {
    %c0_i32 = arith.constant 0 : i32
    %c0_i32_0 = arith.constant 0 : i32
    %c0_i32_1 = arith.constant 0 : i32
    return %c0_i32, %c0_i32_0 : i32, i32
  }
  func.func @transform_7(%arg0: i32) -> (i32, i32) {
    %c0_i32 = arith.constant 0 : i32
    %c0_i32_0 = arith.constant 0 : i32
    %c0_i32_1 = arith.constant 0 : i32
    return %c0_i32, %c0_i32_0 : i32, i32
  }
  func.func @transform_8(%arg0: i32) -> (i32, i32) {
    %c0_i32 = arith.constant 0 : i32
    %c0_i32_0 = arith.constant 0 : i32
    return %arg0, %c0_i32 : i32, i32
  }
  func.func @transform_9(%arg0: i32) -> (i32, i32) {
    %c0_i32 = arith.constant 0 : i32
    %c0_i32_0 = arith.constant 0 : i32
    return %arg0, %c0_i32 : i32, i32
  }
}

module attributes {stable_mosaic.version = 14 : i64} {
  func.func @_final_body(%arg0: i32, %arg1: memref<2000x128xf32, #tpu.memory_space<vmem>>, %arg2: memref<2x2000x2xf32, #tpu.memory_space<vmem>>, %arg3: memref<2000x2xf32, #tpu.memory_space<vmem>>, %arg4: memref<128x2xf32, #tpu.memory_space<vmem>>, %arg5: memref<1x2xf32, #tpu.memory_space<vmem>>, %arg6: memref<2000x2xf32, #tpu.memory_space<vmem>>) attributes {dimension_semantics = [#tpu.dimension_semantics<arbitrary>], iteration_bounds = array<i64: 5>, scalar_prefetch = 0 : i64, scratch_operands = 0 : i64, tpu.core_type = #tpu.core_type<tc>, window_params = [{transform_indices = @transform_0, window_bounds = array<i64: 2000, 128>}, {transform_indices = @transform_1, window_bounds = array<i64: 2, 2000, 2>}, {transform_indices = @transform_2, window_bounds = array<i64: 2000, 2>}, {pipeline_mode = #tpu.pipeline_mode<synchronous>, transform_indices = @transform_3, window_bounds = array<i64: 128, 2>}, {pipeline_mode = #tpu.pipeline_mode<synchronous>, transform_indices = @transform_4, window_bounds = array<i64: 1, 2>}, {transform_indices = @transform_5, window_bounds = array<i64: 2000, 2>}]} {
    %get3A = arith.constant 0 : index
    %get3A_0 = arith.constant 0 : index
    %get3A_1 = vector.load %arg3[%get3A, %get3A_0] : memref<2000x2xf32, #tpu.memory_space<vmem>>, vector<2000x1xf32>
    %get3A_2 = arith.constant 0 : index
    %get3A_3 = arith.constant 1 : index
    %get3A_4 = vector.load %arg3[%get3A_2, %get3A_3] : memref<2000x2xf32, #tpu.memory_space<vmem>>, vector<2000x1xf32>
    %add3A = arith.addf %get3A_1, %get3A_4 : vector<2000x1xf32>
    %max3A = arith.constant 1.000000e+00 : f32
    %max3A_5 = vector.broadcast %max3A : f32 to vector<2000x1xf32>
    %max3A_6 = arith.maximumf %add3A, %max3A_5 : vector<2000x1xf32>
    %div3A = arith.constant 1.000000e+00 : f32
    %div3A_7 = vector.broadcast %div3A : f32 to vector<2000x1xf32>
    %div3A_8 = arith.divf %div3A_7, %max3A_6 : vector<2000x1xf32>
    %get3A_9 = arith.constant 0 : index
    %get3A_10 = arith.constant 0 : index
    %get3A_11 = arith.constant 0 : index
    %get3A_12 = vector.load %arg2[%get3A_9, %get3A_10, %get3A_11] : memref<2x2000x2xf32, #tpu.memory_space<vmem>>, vector<1x2000x2xf32>
    %get3A_13 = vector.shape_cast %get3A_12 : vector<1x2000x2xf32> to vector<2000x2xf32>
    %get3A_14 = arith.constant 1 : index
    %get3A_15 = arith.constant 0 : index
    %get3A_16 = arith.constant 0 : index
    %get3A_17 = vector.load %arg2[%get3A_14, %get3A_15, %get3A_16] : memref<2x2000x2xf32, #tpu.memory_space<vmem>>, vector<1x2000x2xf32>
    %get3A_18 = vector.shape_cast %get3A_17 : vector<1x2000x2xf32> to vector<2000x2xf32>
    %add3A_19 = arith.addf %get3A_13, %get3A_18 : vector<2000x2xf32>
    %mul3A = vector.broadcast %div3A_8 : vector<2000x1xf32> to vector<2000x2xf32>
    %mul3A_20 = arith.mulf %add3A_19, %mul3A : vector<2000x2xf32>
    %get3A_21 = arith.constant 0 : index
    %get3A_22 = arith.constant 0 : index
    %get3A_23 = vector.load %arg1[%get3A_21, %get3A_22] : memref<2000x128xf32, #tpu.memory_space<vmem>>, vector<2000x128xf32>
    %get3A_24 = arith.constant 0 : index
    %get3A_25 = arith.constant 0 : index
    %get3A_26 = vector.load %arg4[%get3A_24, %get3A_25] : memref<128x2xf32, #tpu.memory_space<vmem>>, vector<128x2xf32>
    %dot_general3A = arith.constant dense<0.000000e+00> : vector<2000x2xf32>
    %dot_general3A_27 = tpu.matmul %get3A_23, %get3A_26, %dot_general3A {dimension_numbers = #tpu.dot_dimension_numbers<[1], [0], [0], [1], [0, 0, 1, 1], [], []>, transpose_lhs_hint = false} : vector<2000x128xf32>, vector<128x2xf32>, vector<2000x2xf32> -> vector<2000x2xf32>
    %add3A_28 = arith.addf %mul3A_20, %dot_general3A_27 : vector<2000x2xf32>
    %get3A_29 = arith.constant 0 : index
    %get3A_30 = arith.constant 0 : index
    %get3A_31 = vector.load %arg5[%get3A_29, %get3A_30] : memref<1x2xf32, #tpu.memory_space<vmem>>, vector<1x2xf32>
    %add3A_32 = vector.broadcast %get3A_31 : vector<1x2xf32> to vector<2000x2xf32>
    %add3A_33 = arith.addf %add3A_28, %add3A_32 : vector<2000x2xf32>
    %swap3A = arith.constant 0 : index
    %swap3A_34 = arith.constant 0 : index
    %swap3A_35 = vector.load %arg6[%swap3A, %swap3A_34] : memref<2000x2xf32, #tpu.memory_space<vmem>>, vector<2000x2xf32>
    tpu.vector_store %arg6[%swap3A, %swap3A_34], %add3A_33 {strides = array<i32>} : memref<2000x2xf32, #tpu.memory_space<vmem>>, vector<2000x2xf32>,
    return
  }
  func.func @transform_0(%arg0: i32) -> (i32, i32) {
    %c0_i32 = arith.constant 0 : i32
    %c0_i32_0 = arith.constant 0 : i32
    return %arg0, %c0_i32 : i32, i32
  }
  func.func @transform_1(%arg0: i32) -> (i32, i32, i32) {
    %c0_i32 = arith.constant 0 : i32
    %c0_i32_0 = arith.constant 0 : i32
    %c0_i32_1 = arith.constant 0 : i32
    return %c0_i32, %arg0, %c0_i32_0 : i32, i32, i32
  }
  func.func @transform_2(%arg0: i32) -> (i32, i32) {
    %c0_i32 = arith.constant 0 : i32
    %c0_i32_0 = arith.constant 0 : i32
    return %arg0, %c0_i32 : i32, i32
  }
  func.func @transform_3(%arg0: i32) -> (i32, i32) {
    %c0_i32 = arith.constant 0 : i32
    %c0_i32_0 = arith.constant 0 : i32
    %c0_i32_1 = arith.constant 0 : i32
    return %c0_i32, %c0_i32_0 : i32, i32
  }
  func.func @transform_4(%arg0: i32) -> (i32, i32) {
    %c0_i32 = arith.constant 0 : i32
    %c0_i32_0 = arith.constant 0 : i32
    %c0_i32_1 = arith.constant 0 : i32
    return %c0_i32, %c0_i32_0 : i32, i32
  }
  func.func @transform_5(%arg0: i32) -> (i32, i32) {
    %c0_i32 = arith.constant 0 : i32
    %c0_i32_0 = arith.constant 0 : i32
    return %arg0, %c0_i32 : i32, i32
  }
}

</mosaic_0001>

<sc_bundles>
// kernel: kernel.12.cloned.1.call-start
scs
__scs_entry_jumppad:
0x0: {  	(pc) =	sbr.rel $0x88, $3  }
0x1: {  	(tag) =	ssettag $0x0;
	lr =	simm.s32 $0x1  }
0x2: {  	[smem:$0x3F92] =	sst lr;
	_ =	strace $0xD0000000  }
0x3: {  	_ = 	snop  }
0x4: {  	_ = 	snop  }
0x5: {  	_ = 	snop  }
0x6: {  	_ = 	snop  }
0x7: {  	_ = 	snop  }
__scs_overlays_trampoline_lowered:
0x8: {  	[smem:$0x3FA1] =	sst s0  }
0x9: {  	[smem:$0x3FA2] =	sst s1  }
0xa: {  	[smem:$0x3FA3] =	sst s2  }
0xb: {  	[smem:$0x3FA4] =	sst s3  }
0xc: {  	[smem:$0x3FA5] =	sst s4  }
0xd: {  	[smem:$0x3FA6] =	sst s5  }
0xe: {  	[smem:$0x3FA7] =	sst s6  }
0xf: {  	[smem:$0x3FA8] =	sst s7  }
0x10: {  	[smem:$0x3FA9] =	sst s8  }
0x11: {  	[smem:$0x3FAA] =	sst s9;
	s0 =	simm.s32 @!p0 $0x0  }
0x12: {  	s1 =	sld [smem:$0x3F90];
	s0 =	simm.s32 @p0 $0x1  }
0x13: {  	[smem:$0x3FAB] =	sst s0;
	s0 =	simm.s32 @!p1 $0x0  }
0x14: {  	s2 =	sld [smem:$0x3F8F];
	s0 =	simm.s32 @p1 $0x1  }
0x15: {  	[smem:$0x3FAC] =	sst s0;
	s0 =	simm.s32 @!p2 $0x0  }
0x16: {  	s3 =	sld [smem:$0x3FDB];
	s0 =	simm.s32 @p2 $0x1  }
0x17: {  	s4 =	simm.s32 $0x1BF5;
	[smem:$0x3FAE] =	sst s0  }
0x18: {  	s0 =	sld [smem:$0x3F91];
	_ =	swait.ge [sflag:s4], $0x0  }
0x19: {  	s7 =	sld [smem:$0x3F92]  }
0x1a: {  	s8 =	sadd.s32 $0xFFFFE003, lr  }
0x1b: {  	s9 =	sadd.s32 $0xFFFFFEF7, lr;
	s5 =	simm.s32 $0xFFFFFFFF;
	p2 =	slt.u32 s8, $0xFFFFF086  }
0x1c: {  	p1 =	slt.u32 s9, $0xF7A;
	s5 =	simm.s32 @!p2 $0x0  }
0x1d: {  	s5 =	simm.s32 @p1 $0x1;
	p0 =	seq.s32 s7, s2  }
0x1e: {  	s7 =	smul.u32 @!p0 $0xF7A, s2;
	p2 =	seq.s32 @!p0 s5, $0x0  }
0x1f: {  	s9 =	smul.u32 $0xF7A, s1;
	s8 =	simm.s32 @!p0 $0x1BF5;
	p2 =	por !p2, p0  }
0x20: {  	[sflag:s8] =	ssyncset.s32 @!p0 $0xFFFFF086;
	s6 =	sadd.s32 @!p0 s3, s7;
	s7 =	simm.s32 @!p0 $0x108  }
0x21: {  	s3 =	sadd.s32 s3, s9;
	s6 =	sadd.s32 @!p0 $0x88, s6;
	s7 =	simm.s32 @p2 $0x1082  }
0x22: {  	[simem:s7], [sflag:s8] =	dma.local @!p0 [hbm:s6], $0xF7A  }
0x23: {  	s9 =	sor.u32 $0xD0000000, s2;
	s6 =	simm.s32 $0x108;
	_ =	swait.ge @!p0 [sflag:s8], $0x0  }
0x24: {  	s3 =	sadd.s32 $0x88, s3;
	s6 =	simm.s32 @!p1 $0x1082;
	[sflag:s4] =	ssyncset.s32 $0xFFFFF086  }
0x25: {  	[simem:s6], [sflag:s4] =	dma.local [hbm:s3], $0xF7A  }
0x26: {  	[smem:$0x3F92] =	sst s1;
	(tag) =	ssettag s2;
	_ =	strace s9  }
0x27: {  	s1 =	sld [smem:$0x3FA2]  }
0x28: {  	s2 =	sld [smem:$0x3FA3]  }
0x29: {  	s4 =	sld [smem:$0x3FA5]  }
0x2a: {  	p0 =	seq.s32 s5, $0x0;
	s5 =	sld [smem:$0x3FA6]  }
0x2b: {  	s6 =	sld [smem:$0x3FA7]  }
0x2c: {  	s7 =	sld [smem:$0x3FA8]  }
0x2d: {  	s3 =	simm.s32 $0x108;
	s8 =	sld [smem:$0x3FA9]  }
0x2e: {  	s3 =	simm.s32 @!p0 $0x1082;
	s9 =	sld [smem:$0x3FAA]  }
0x2f: {  	lr =	sadd.s32 s0, s3;
	s0 =	sld [smem:$0x3FA1]  }
0x30: {  	s3 =	sld [smem:$0x3FA4]  }
0x31: {  	[smem:$0x3FAD] =	sst s10  }
0x32: {  	s10 =	sld [smem:$0x3FAB];
	_ =	sdelay $0x3  }
0x33: {  	p0 =	seq.s32 s10, $0x1;
	s10 =	sld [smem:$0x3FAD];
	_ =	sdelay $0x3  }
0x34: {  	[smem:$0x3FAD] =	sst s10  }
0x35: {  	s10 =	sld [smem:$0x3FAC];
	_ =	sdelay $0x3  }
0x36: {  	p1 =	seq.s32 s10, $0x1;
	s10 =	sld [smem:$0x3FAD];
	_ =	sdelay $0x3  }
0x37: {  	[smem:$0x3FAD] =	sst s10  }
0x38: {  	s10 =	sld [smem:$0x3FAE]  }
0x39: {  	_ = 	snop;
	(pc) =	sbr.ind lr, $3  }
0x3a: {  	_ = 	snop  }
0x3b: {  	_ = 	snop  }
0x3c: {  	p2 =	seq.s32 s10, $0x1;
	s10 =	sld [smem:$0x3FAD]  }
0x3d: {  	_ =	shalt  }
0x3e: {  	_ =	shalt  }
0x3f: {  	_ =	shalt  }
0x40: {  	_ =	shalt  }
0x41: {  	_ =	shalt  }
0x42: {  	_ =	shalt  }
0x43: {  	_ =	shalt  }
0x44: {  	_ =	shalt  }
0x45: {  	_ =	shalt  }
0x46: {  	_ =	shalt  }
0x47: {  	_ =	shalt  }
0x48: {  	_ =	shalt  }
0x49: {  	_ =	shalt  }
0x4a: {  	_ =	shalt  }
0x4b: {  	_ =	shalt  }
0x4c: {  	_ =	shalt  }
0x4d: {  	_ =	shalt  }
0x4e: {  	_ =	shalt  }
0x4f: {  	_ =	shalt  }
0x50: {  	_ =	shalt  }
0x51: {  	_ =	shalt  }
0x52: {  	_ =	shalt  }
0x53: {  	_ =	shalt  }
0x54: {  	_ =	shalt  }
0x55: {  	_ =	shalt  }
0x56: {  	_ =	shalt  }
0x57: {  	_ =	shalt  }
0x58: {  	_ =	shalt  }
0x59: {  	_ =	shalt  }
0x5a: {  	_ =	shalt  }
0x5b: {  	_ =	shalt  }
0x5c: {  	_ =	shalt  }
0x5d: {  	_ =	shalt  }
0x5e: {  	_ =	shalt  }
0x5f: {  	_ =	shalt  }
0x60: {  	_ =	shalt  }
0x61: {  	_ =	shalt  }
0x62: {  	_ =	shalt  }
0x63: {  	_ =	shalt  }
0x64: {  	_ =	shalt  }
0x65: {  	_ =	shalt  }
0x66: {  	_ =	shalt  }
0x67: {  	_ =	shalt  }
0x68: {  	_ =	shalt  }
0x69: {  	_ =	shalt  }
0x6a: {  	_ =	shalt  }
0x6b: {  	_ =	shalt  }
0x6c: {  	_ =	shalt  }
0x6d: {  	_ =	shalt  }
0x6e: {  	_ =	shalt  }
0x6f: {  	_ =	shalt  }
0x70: {  	_ =	shalt  }
0x71: {  	_ =	shalt  }
0x72: {  	_ =	shalt  }
0x73: {  	_ =	shalt  }
0x74: {  	_ =	shalt  }
0x75: {  	_ =	shalt  }
0x76: {  	_ =	shalt  }
0x77: {  	_ =	shalt  }
0x78: {  	_ =	shalt  }
0x79: {  	_ =	shalt  }
0x7a: {  	_ =	shalt  }
0x7b: {  	_ =	shalt  }
0x7c: {  	_ =	shalt  }
0x7d: {  	_ =	shalt  }
0x7e: {  	_ =	shalt  }
0x7f: {  	_ =	shalt  }
0x80: {  	_ =	shalt  }
0x81: {  	_ =	shalt  }
0x82: {  	_ =	shalt  }
0x83: {  	_ =	shalt  }
0x84: {  	_ =	shalt  }
0x85: {  	_ =	shalt  }
0x86: {  	_ =	shalt  }
0x87: {  	_ =	shalt  }
.Lfunc_end0:
.L_simem_size_0:
called_computation.1_lowered:
.L_overlay_start_0:
0x88: {  	s2 =	sld [smem:$0x3FD9]  }
0x89: {  	s3 =	sld [smem:$0x3FFE];
	_ =	sdelay $0x1  }
0x8a: {  	s1 =	srdreg.scid  }
0x8b: {  	s0 =	sand.u32 $0x1, s1  }
0x8c: {  	s16 =	sshll.u32 s0, $0xA;
	s2 =	sadd.s32 s3, s2  }
0x8d: {  	s2 =	sadd.s32 s2, s16  }
0x8e: {  	[smem:$0x3FB9] =	sst s2  }
0x8f: {  	_ = 	snop  }
0x90: {  	(tm) =	ssettm $0x1  }
0x91: {  	s17 =	sld [smem:$0x3FFB];
	_ =	sdelay $0x3  }
0x92: {  	_ =	strace s17  }
0x93: {  	s2 =	sld [smem:$0x3FFC];
	_ =	sdelay $0x3  }
0x94: {  	_ =	strace s2  }
0x95: {  	s2 =	sld [smem:$0x3FFD];
	_ =	sdelay $0x3  }
0x96: {  	_ =	strace s2  }
0x97: {  	_ =	strace $0x8FFFFFFF  }
0x98: {  	s18 =	sld [smem:$0x3FDB];
	_ =	sdelay $0x1  }
0x99: {  	s19 =	simm.s32 $_scs_section_size  }
0x9a: {  	s4 =	simm.s32 $_size__tile_overlayer_lowered;
	s5 =	simm.s32 $_tile_overlayer_lowered  }
0x9b: {  	s22 =	simm.s32 $0x1BFF;
	s21 =	sshll.u32 s5, $0x1;
	s2 =	sadd.s32 s19, s18  }
0x9c: {  	s6 =	simm.s32 $0x0;
	s20 =	sshll.u32 s4, $0x1;
	s4 =	sadd.s32 s21, s2  }
0x9d: {  	[timem:s6], [sflag:s22] =	dma.local [hbm:s4], s20  }
0x9e: {  	_ =	swait.ge [sflag:s22], s20  }
0x9f: {  	s3 =	ssub.s32 $0x0, s20;
	[sflag:s22] =	ssyncset.done $0x0  }
0xa0: {  	[sflag:s22] =	ssyncadd.s32 s3;
	_ =	sdelay $0x1  }
0xa1: {  	s23 =	simm.s32 $0x1B8B  }
0xa2: {  	_ =	swait.ge [sflag:s23], $0x1  }
0xa3: {  	[sflag:s23] =	ssyncset.done $0x0  }
0xa4: {  	s25 =	simm.s32 $0x1B8E;
	s24 =	sld [smem:$0x3FFE];
	[sflag:s23] =	ssyncadd.s32 $0xFFFFFFFF  }
0xa5: {  	s26 =	simm.s32 $execute0_lowered;
	[smem:$0x3FD2] =	sst s25  }
0xa6: {  	s4 =	sshll.u32 s26, $0x1;
	_ =	strace $0x80000049;
	[dreg:$0x1] =	wrdreg $0xFFFFFFFF  }
0xa7: {  	s28 =	simm.s32 $_size_execute0_lowered;
	s2 =	sadd.s32 s2, s4;
	[dreg:$0x0] =	wrdreg $0x0  }
0xa8: {  	s4 =	sshll.u32 s28, $0x1;
	[dreg:$0x2] =	wrdreg s2  }
0xa9: {  	[dreg:$0x3] =	wrdreg s4  }
0xaa: {  	[dreg:$0x4] =	wrdreg $0xC0  }
0xab: {  	_ =	task [dreg:s6], $0x5FFFF  }
0xac: {  	[dreg:$0x1] =	wrdreg $0xFFFFFFFF  }
0xad: {  	[dreg:$0x0] =	wrdreg $0x60  }
0xae: {  	[dreg:$0x2] =	wrdreg s24  }
0xaf: {  	[dreg:$0x3] =	wrdreg $0xBB800  }
0xb0: {  	[dreg:$0x4] =	wrdreg $0x9  }
0xb1: {  	_ =	task.clear_ibuf [dreg:s6], $0x5FFFF;
	_ =	strace $0x90000049  }
0xb2: {  	s29 =	simm.s32 $0x9;
	_ =	strace $0x8000004B  }
0xb3: {  	_ =	swait.ge [sflag:s29], $0x1  }
0xb4: {  	[sflag:s29] =	ssyncadd.s32 $0xFFFFFFFF  }
0xb5: {  	_ =	strace $0x9000004B  }
0xb6: {  	_ =	sfence  }
0xb7: {  	s30 =	sld [smem:$0x0];
	_ =	sdelay $0x2  }
0xb8: {  	s31 =	sshll.u32 s1, $0xD;
	s1 =	sshrl.u32 s1, $0x2  }
0xb9: {  	s3 =	sand.u32 $0x4000, s31;
	s1 =	sadd.s32 s1, s30  }
0xba: {  	s0 =	sor.u32 s3, s0;
	s1 =	sshll.u32 s1, $0x11  }
0xbb: {  	s0 =	sor.u32 s1, s0  }
0xbc: {  	s0 =	sadd.s32 $0x8F2B, s0  }
0xbd: {  	[sflag:s0] =	ssyncadd.remote.s32 $0x1  }
0xbe: {  	_ =	sfence.sel $0xFFFF  }
0xbf: {  	[dreg:$0x0] =	wrdreg $0xFFFFFFFF;
	(pc) =	sbr.abs _section_cstart, $3  }
0xc0: {  	[dreg:$0x1] =	wrdreg $0xFFFFFFFF  }
0xc1: {  	_ =	task.clear_ibuf [dreg:s6], $0x2FFFF;
	_ =	strace $0x9FFFFFFF  }
0xc2: {  	(tm) =	ssettm $0x7FFFFFFF  }
0xc3: {  	_ =	shalt  }
tec
execute0_lowered:
.L_overlay_start_1:
0x0: {  	(tag) =	ssettag $0x1  }
0x1: {  	s0 =	srdreg.scid  }
0x2: {  	s11 =	stileid.u32;
	s5 =	rddreg [dreg:$0x0]  }
0x3: {  	s2 =	rddreg [dreg:$0x1];
	s3 =	simm.s32 $0x0;
	s28 =	simm.s32 $0x12  }
0x4: {  	s0 =	sand.u32 $0x1, s0;
	s1 =	sshll.u32 s11, $0x1;
	s6 =	smul.u32 $0x13C00, s11  }
0x5: {  	[smem:$0x7FF] =	sst s3;
	s4 =	sadd.s32 $0x2E00, s5;
	s10 =	smul.u32 $0x4F000, s11  }
0x6: {  	s12 =	sadd.s32 $0x34200, s5;
	s13 =	smul.u32 $0x5100, s11;
	s11 =	simm.s32 $0x2B80  }
0x7: {  	s1 =	sor.u32 s0, s1;
	s7 =	smul.u32 $0x13C000, s0;
	_ =	strace $0x8000004A  }
0x8: {  	s30 =	ssub.s32 $0x2, s0;
	s0 =	smul.u32 $0x2880, s0;
	[dreg:$0x3] =	wrdreg s12  }
0x9: {  	s1 =	smul.u32 $0x2880, s1;
	s9 =	sshrl.u32 s6, $0x3;
	s31 =	sshrl.u32 s30, $0x1  }
0xa: {  	s19 =	sshrl.u32 s10, $0x2;
	s10 =	simm.s32 $0x2900;
	s6 =	sadd.s32 s6, s7  }
0xb: {  	s29 =	sadd.s32 s9, s5;
	s0 =	sadd.s32 s0, s13;
	s20 =	sadd.s32 s19, s2  }
0xc: {  	s9 =	simm.s32 $0x2880;
	s7 =	simm.s32 $0x2980;
	s13 =	simm.s32 $0x2A00  }
0xd: {  	s19 =	simm.s32 $0x0;
	s1 =	sshrl.u32 s1, $0x3;
	s6 =	sshrl.u32 s6, $0x3  }
0xe: {  	[dreg:$0xb] =	wrdreg s20;
	s21 =	sadd.s32 $0x3E400, s29;
	s22 =	sadd.s32 $0x210, s0  }
0xf: {  	s23 =	sadd.s32 $0x1E0, s0;
	s25 =	sadd.s32 $0x1B0, s0;
	s26 =	sadd.s32 $0x180, s0  }
0x10: {  	s29 =	sadd.s32 $0x150, s0;
	s0 =	sadd.s32 $0x120, s0;
	[dreg:$0xc] =	wrdreg s21  }
0x11: {  	s8 =	sadd.s32 s1, s5;
	s1 =	sadd.s32 s12, s1;
	[dreg:$0x14] =	wrdreg s0  }
0x12: {  	s20 =	simm.s32 $0xA380;
	s8 =	sadd.s32 $0x2A000, s8;
	[dreg:$0x4] =	wrdreg s1  }
0x13: {  	s5 =	sadd.s32 s6, s5;
	s14 =	sadd.s32 $0x6, s1;
	[dreg:$0x5] =	wrdreg s8  }
0x14: {  	s6 =	ssub.s32 s30, s31;
	s15 =	sadd.s32 $0xC, s1;
	[dreg:$0x6] =	wrdreg s14  }
0x15: {  	s24 =	sshrl.u32 s23, $0x3;
	s16 =	sadd.s32 $0x12, s1;
	[dreg:$0x7] =	wrdreg s15  }
0x16: {  	s31 =	sshrl.u32 s29, $0x3;
	s17 =	sadd.s32 $0x18, s1;
	[dreg:$0x8] =	wrdreg s16  }
0x17: {  	s23 =	simm.s32 $0xE;
	s18 =	sadd.s32 $0x1E, s1;
	[dreg:$0x9] =	wrdreg s17  }
0x18: {  	s5 =	sadd.s32 $0x65C00, s5;
	s1 =	sshrl.u32 s22, $0x3;
	[dreg:$0xa] =	wrdreg s18  }
0x19: {  	s6 =	smax.u32 s6, $0x1;
	s22 =	simm.s32 $0xD;
	[dreg:$0xd] =	wrdreg s5  }
0x1a: {  	[dreg:$0xe] =	wrdreg s6;
	s1 =	sadd.s32 s1, s12;
	s5 =	sshrl.u32 s26, $0x3  }
0x1b: {  	s8 =	simm.s32 $0x5B80;
	s14 =	simm.s32 $0x7380;
	s15 =	simm.s32 $0x2A80  }
0x1c: {  	s16 =	simm.s32 $0x8B80;
	s17 =	simm.s32 $0x2B00;
	s18 =	simm.s32 $0xA380  }
0x1d: {  	s6 =	simm.s32 $0x6;
	s26 =	simm.s32 $0x11;
	[dreg:$0xf] =	wrdreg s1  }
.Ltmp0:
0x1e: {  	s1 =	sadd.s32 s24, s12;
	s30 =	sadd.s32 s5, s12;
	(pc) =	sbr.rel .LBB2_1-.Ltmp0, $4  }
0x1f: {  	s5 =	simm.s32 $0xF;
	[dreg:$0x10] =	wrdreg s1;
	s1 =	sshrl.u32 s25, $0x3  }
0x20: {  	s24 =	simm.s32 $0x10;
	[dreg:$0x12] =	wrdreg s30;
	s1 =	sadd.s32 s1, s12  }
0x21: {  	s25 =	simm.s32 $0x30;
	[dreg:$0x11] =	wrdreg s1;
	s1 =	sadd.s32 s31, s12  }
0x22: {  	s12 =	simm.s32 $0x4380;
	[dreg:$0x13] =	wrdreg s1;
	s1 =	simm.s32 $0x13  }
.LBB2_4:
0x23: {  	_ =	swait.ge [sflag:s23], $0x1800  }
0x24: {  	[sflag:s23] =	ssyncset.done $0x0  }
0x25: {  	[sflag:s23] =	ssyncadd.s32 $0xFFFFE800  }
0x26: {  	_ =	swait.ge [sflag:s5], $0x1800  }
0x27: {  	[sflag:s5] =	ssyncset.done $0x0  }
0x28: {  	[sflag:s5] =	ssyncadd.s32 $0xFFFFE800  }
0x29: {  	_ =	swait.ge [sflag:s24], $0x1800  }
0x2a: {  	[sflag:s24] =	ssyncset.done $0x0  }
0x2b: {  	[sflag:s24] =	ssyncadd.s32 $0xFFFFE800  }
0x2c: {  	_ =	swait.ge [sflag:s26], $0x1800  }
0x2d: {  	[sflag:s26] =	ssyncset.done $0x0  }
0x2e: {  	[sflag:s26] =	ssyncadd.s32 $0xFFFFE800  }
0x2f: {  	_ =	swait.ge [sflag:s28], $0x1800  }
0x30: {  	[sflag:s28] =	ssyncset.done $0x0  }
0x31: {  	[sflag:s28] =	ssyncadd.s32 $0xFFFFE800  }
0x32: {  	[bflag:$0x0] =	sbarrier.arrive $0xFFFF  }
0x33: {  	s0 =	rddreg [dreg:$0xd]  }
0x34: {  	s1 =	rddreg [dreg:$0x16]  }
0x35: {  	s7 =	rddreg [dreg:$0x17]  }
0x36: {  	[hbm:s0], [sflag:s1] =	dma.local [spmem:s7], $0x2780  }
0x37: {  	s1 =	simm.s32 $0x13  }
0x38: {  	_ =	swait.ge [sflag:s1], $0x2780  }
0x39: {  	s19 =	rddreg [dreg:$0x15]  }
0x3a: {  	s31 =	rddreg [dreg:$0xe];
	s19 =	sadd.s32 $0x1, s19  }
0x3b: {  	p0 =	sne.s32 s19, s31  }
.Ltmp1:
0x3c: {  	_ = 	snop;
	(pc) =	sbr.rel @!p0 .LBB2_5-.Ltmp1, $4  }
0x3d: {  	s8 =	simm.s32 $0x5B80  }
0x3e: {  	s13 =	simm.s32 $0x2A00;
	s14 =	simm.s32 $0x7380;
	s15 =	simm.s32 $0x2A80  }
0x3f: {  	s16 =	simm.s32 $0x8B80;
	s17 =	simm.s32 $0x2B00;
	[sflag:s1] =	ssyncset.done $0x0  }
0x40: {  	s18 =	simm.s32 $0xA380;
	s7 =	simm.s32 $0x2980;
	[sflag:s1] =	ssyncadd.s32 $0xFFFFD880  }
.LBB2_1:
0x41: {  	[dreg:$0x15] =	wrdreg s19  }
0x42: {  	s0 =	rddreg [dreg:$0x5]  }
0x43: {  	[tilespmem:s3], [sflag:$0x13] =	stream.linear.gather [hbm4b:s0+s3], $0x2880, $0x38;
	[tilespmem:$0x1F780] =	vst v63  }
0x44: {  	_ =	swait.ge [sflag:s1], $0x2880  }
0x45: {  	[sflag:s1] =	ssyncset.done $0x0  }
0x46: {  	s21 =	rddreg [dreg:$0x4];
	[sflag:s1] =	ssyncadd.s32 $0xFFFFD780  }
0x47: {  	[tilespmem:s9], [sflag:$0x7] =	stream.linear.gather [hbm4b:s21+s3], $0x30, $0x38;
	[tilespmem:$0x1F780] =	vst v63  }
0x48: {  	_ = 	snop  }
0x49: {  	[tilespmem:s11], [sflag:$0x1] =	stream.indirect.gather [hbm4b:s4+s25], $0x80, s3, s25, $0xb8;
	[tilespmem:$0x1F780] =	vst v63  }
0x4a: {  	s19 =	rddreg [dreg:$0x6]  }
0x4b: {  	[tilespmem:s10], [sflag:$0x8] =	stream.linear.gather [hbm4b:s19+s3], $0x30, $0x38;
	[tilespmem:$0x1F780] =	vst v63  }
0x4c: {  	_ = 	snop  }
0x4d: {  	[tilespmem:s12], [sflag:$0x2] =	stream.indirect.gather [hbm4b:s4+s25], $0x80, s25, s25, $0xb8;
	[tilespmem:$0x1F780] =	vst v63  }
0x4e: {  	s21 =	rddreg [dreg:$0x7]  }
0x4f: {  	[tilespmem:s7], [sflag:$0x9] =	stream.linear.gather [hbm4b:s21+s3], $0x30, $0x38;
	[tilespmem:$0x1F780] =	vst v63  }
0x50: {  	s19 =	simm.s32 $0x60  }
0x51: {  	[tilespmem:s8], [sflag:$0x3] =	stream.indirect.gather [hbm4b:s4+s25], $0x80, s19, s25, $0xb8;
	[tilespmem:$0x1F780] =	vst v63  }
0x52: {  	s21 =	rddreg [dreg:$0x8]  }
0x53: {  	[tilespmem:s13], [sflag:$0xA] =	stream.linear.gather [hbm4b:s21+s3], $0x30, $0x38;
	[tilespmem:$0x1F780] =	vst v63  }
0x54: {  	s7 =	simm.s32 $0x90  }
0x55: {  	[tilespmem:s14], [sflag:$0x4] =	stream.indirect.gather [hbm4b:s4+s25], $0x80, s7, s25, $0xb8;
	[tilespmem:$0x1F780] =	vst v63  }
0x56: {  	s8 =	rddreg [dreg:$0x9]  }
0x57: {  	[tilespmem:s15], [sflag:$0xB] =	stream.linear.gather [hbm4b:s8+s3], $0x30, $0x38;
	[tilespmem:$0x1F780] =	vst v63  }
0x58: {  	s13 =	simm.s32 $0xC0  }
0x59: {  	[tilespmem:s16], [sflag:$0x5] =	stream.indirect.gather [hbm4b:s4+s25], $0x80, s13, s25, $0xb8;
	[tilespmem:$0x1F780] =	vst v63  }
0x5a: {  	s14 =	rddreg [dreg:$0xa];
	s16 =	stileid.u32  }
0x5b: {  	[tilespmem:s17], [sflag:$0xC] =	stream.linear.gather [hbm4b:s14+s3], $0x30, $0x38;
	[tilespmem:$0x1F780] =	vst v63  }
0x5c: {  	s21 =	rddreg [dreg:$0xc];
	s15 =	simm.s32 $0xF0;
	s0 =	sshll.u32 s16, $0x6  }
0x5d: {  	[tilespmem:s18], [sflag:$0x6] =	stream.indirect.gather [hbm4b:s4+s25], $0x80, s15, s25, $0xb8;
	[tilespmem:$0x1F780] =	vst v63  }
0x5e: {  	s17 =	sor.u32 $0x1C13, s0;
	s18 =	rddreg [dreg:$0xb]  }
0x5f: {  	[dreg:$0x16] =	wrdreg s17;
	s19 =	sshrl.u32 s18, $0x3  }
0x60: {  	[dreg:$0x17] =	wrdreg s19  }
0x61: {  	[spmem:s19], [sflag:s17] =	dma.local [hbm:s21], $0x2780  }
0x62: {  	_ =	swait.ge [sflag:s1], $0x2780  }
0x63: {  	[sflag:s1] =	ssyncset.done $0x0  }
0x64: {  	[sflag:s1] =	ssyncadd.s32 $0xFFFFD880  }
0x65: {  	[bflag:$0x0] =	sbarrier.arrive $0xFFFF  }
0x66: {  	s29 =	rddreg [dreg:$0x14]  }
0x67: {  	s30 =	rddreg [dreg:$0x13]  }
0x68: {  	s7 =	simm.s32 $0x0;
	s13 =	simm.s32 $0x2980;
	s1 =	rddreg [dreg:$0x12]  }
0x69: {  	s16 =	simm.s32 $0x7380;
	s14 =	simm.s32 $0x5B80;
	s0 =	rddreg [dreg:$0x11]  }
0x6a: {  	s15 =	simm.s32 $0x2A00;
	s18 =	simm.s32 $0x8B80;
	s31 =	rddreg [dreg:$0x10]  }
0x6b: {  	s19 =	simm.s32 $0x2B00;
	s17 =	simm.s32 $0x2A80;
	s8 =	rddreg [dreg:$0xf]  }
.LBB2_2:
0x6c: {  	s21 =	simm.s32 $0x7  }
0x6d: {  	_ =	swait.ge [sflag:s21], $0x30  }
0x6e: {  	[sflag:s21] =	ssyncset.done $0x0  }
0x6f: {  	[sflag:s21] =	ssyncadd.s32 $0xFFFFFFD0;
	s21 =	simm.s32 $0x1  }
0x70: {  	_ =	swait.ge [sflag:s21], $0x1800  }
0x71: {  	[sflag:s21] =	ssyncset.done $0x0  }
0x72: {  	[sflag:s21] =	ssyncadd.s32 $0xFFFFE800;
	s21 =	simm.s32 $0x8  }
0x73: {  	[spmem:s2] =	stream.indirect.scatter.add.f32 [tilespmem:s11], [sflag:$0xD], $0x80, s9, s25, $0xb8;
	[tilespmem:$0x1F780] =	vst v63  }
0x74: {  	_ =	swait.ge [sflag:s21], $0x30  }
0x75: {  	[sflag:s21] =	ssyncset.done $0x0  }
0x76: {  	[sflag:s21] =	ssyncadd.s32 $0xFFFFFFD0;
	s21 =	simm.s32 $0x2  }
0x77: {  	_ =	swait.ge [sflag:s21], $0x1800  }
0x78: {  	[sflag:s21] =	ssyncset.done $0x0  }
0x79: {  	[sflag:s21] =	ssyncadd.s32 $0xFFFFE800;
	s21 =	simm.s32 $0x9  }
0x7a: {  	[spmem:s2] =	stream.indirect.scatter.add.f32 [tilespmem:s12], [sflag:$0xE], $0x80, s10, s25, $0xb8;
	[tilespmem:$0x1F780] =	vst v63  }
0x7b: {  	_ =	swait.ge [sflag:s21], $0x30  }
0x7c: {  	[sflag:s21] =	ssyncset.done $0x0  }
0x7d: {  	[sflag:s21] =	ssyncadd.s32 $0xFFFFFFD0;
	s21 =	simm.s32 $0x3  }
0x7e: {  	_ =	swait.ge [sflag:s21], $0x1800  }
0x7f: {  	[sflag:s21] =	ssyncset.done $0x0  }
0x80: {  	[sflag:s21] =	ssyncadd.s32 $0xFFFFE800;
	s21 =	simm.s32 $0xA  }
0x81: {  	[spmem:s2] =	stream.indirect.scatter.add.f32 [tilespmem:s14], [sflag:$0xF], $0x80, s13, s25, $0xb8;
	[tilespmem:$0x1F780] =	vst v63  }
0x82: {  	_ =	swait.ge [sflag:s21], $0x30  }
0x83: {  	[sflag:s21] =	ssyncset.done $0x0  }
0x84: {  	[sflag:s21] =	ssyncadd.s32 $0xFFFFFFD0;
	s21 =	simm.s32 $0x4  }
0x85: {  	_ =	swait.ge [sflag:s21], $0x1800  }
0x86: {  	[sflag:s21] =	ssyncset.done $0x0  }
0x87: {  	[sflag:s21] =	ssyncadd.s32 $0xFFFFE800;
	s21 =	simm.s32 $0xB  }
0x88: {  	[spmem:s2] =	stream.indirect.scatter.add.f32 [tilespmem:s16], [sflag:$0x10], $0x80, s15, s25, $0xb8;
	[tilespmem:$0x1F780] =	vst v63  }
0x89: {  	_ =	swait.ge [sflag:s21], $0x30  }
0x8a: {  	[sflag:s21] =	ssyncset.done $0x0  }
0x8b: {  	[sflag:s21] =	ssyncadd.s32 $0xFFFFFFD0;
	s21 =	simm.s32 $0x5  }
0x8c: {  	_ =	swait.ge [sflag:s21], $0x1800  }
0x8d: {  	[sflag:s21] =	ssyncset.done $0x0  }
0x8e: {  	[sflag:s21] =	ssyncadd.s32 $0xFFFFE800;
	s21 =	simm.s32 $0xC  }
0x8f: {  	[spmem:s2] =	stream.indirect.scatter.add.f32 [tilespmem:s18], [sflag:$0x11], $0x80, s17, s25, $0xb8;
	[tilespmem:$0x1F780] =	vst v63  }
0x90: {  	_ =	swait.ge [sflag:s21], $0x30  }
0x91: {  	[sflag:s21] =	ssyncset.done $0x0  }
0x92: {  	[sflag:s21] =	ssyncadd.s32 $0xFFFFFFD0  }
0x93: {  	_ =	swait.ge [sflag:s6], $0x1800  }
0x94: {  	p0 =	seq.s32 s7, $0x9D80;
	[sflag:s6] =	ssyncset.done $0x0  }
.Ltmp2:
0x95: {  	[sflag:s6] =	ssyncadd.s32 $0xFFFFE800;
	(pc) =	sbr.rel @p0 .LBB2_4-.Ltmp2, $4  }
0x96: {  	[spmem:s2] =	stream.indirect.scatter.add.f32 [tilespmem:s20], [sflag:$0x12], $0x80, s19, s25, $0xb8;
	[tilespmem:$0x1F780] =	vst v63  }
0x97: {  	_ =	swait.ge [sflag:s22], $0x1800  }
0x98: {  	[sflag:s22] =	ssyncset.done $0x0  }
0x99: {  	[sflag:s22] =	ssyncadd.s32 $0xFFFFE800  }
0x9a: {  	s9 =	sshrl.u32 s29, $0x3;
	s10 =	rddreg [dreg:$0x3]  }
0x9b: {  	s11 =	simm.s32 $0x2880;
	s9 =	sadd.s32 s10, s9  }
0x9c: {  	[tilespmem:s11], [sflag:$0x7] =	stream.linear.gather [hbm4b:s9+s3], $0x30, $0x38;
	[tilespmem:$0x1F780] =	vst v63  }
0x9d: {  	s9 =	sshra.s32 s7, $0x2  }
0x9e: {  	s11 =	simm.s32 $0x2B80;
	s21 =	sadd.s32 $0x120, s9  }
0x9f: {  	[tilespmem:s11], [sflag:$0x1] =	stream.indirect.gather [hbm4b:s4+s25], $0x80, s21, s25, $0xb8;
	[tilespmem:$0x1F780] =	vst v63  }
0xa0: {  	_ =	swait.ge [sflag:s23], $0x1800  }
0xa1: {  	[sflag:s23] =	ssyncset.done $0x0  }
0xa2: {  	s12 =	simm.s32 $0x2900;
	[sflag:s23] =	ssyncadd.s32 $0xFFFFE800  }
0xa3: {  	[tilespmem:s12], [sflag:$0x8] =	stream.linear.gather [hbm4b:s30+s3], $0x30, $0x38;
	[tilespmem:$0x1F780] =	vst v63  }
0xa4: {  	s21 =	sadd.s32 $0x150, s9;
	s12 =	simm.s32 $0x4380  }
0xa5: {  	[tilespmem:s12], [sflag:$0x2] =	stream.indirect.gather [hbm4b:s4+s25], $0x80, s21, s25, $0xb8;
	[tilespmem:$0x1F780] =	vst v63  }
0xa6: {  	_ =	swait.ge [sflag:s5], $0x1800  }
0xa7: {  	[sflag:s5] =	ssyncset.done $0x0  }
0xa8: {  	[sflag:s5] =	ssyncadd.s32 $0xFFFFE800  }
0xa9: {  	[tilespmem:s13], [sflag:$0x9] =	stream.linear.gather [hbm4b:s1+s3], $0x30, $0x38;
	[tilespmem:$0x1F780] =	vst v63  }
0xaa: {  	s21 =	sadd.s32 $0x180, s9  }
0xab: {  	[tilespmem:s14], [sflag:$0x3] =	stream.indirect.gather [hbm4b:s4+s25], $0x80, s21, s25, $0xb8;
	[tilespmem:$0x1F780] =	vst v63  }
0xac: {  	_ =	swait.ge [sflag:s24], $0x1800  }
0xad: {  	[sflag:s24] =	ssyncset.done $0x0  }
0xae: {  	[sflag:s24] =	ssyncadd.s32 $0xFFFFE800  }
0xaf: {  	[tilespmem:s15], [sflag:$0xA] =	stream.linear.gather [hbm4b:s0+s3], $0x30, $0x38;
	[tilespmem:$0x1F780] =	vst v63  }
0xb0: {  	s21 =	sadd.s32 $0x1B0, s9  }
0xb1: {  	[tilespmem:s16], [sflag:$0x4] =	stream.indirect.gather [hbm4b:s4+s25], $0x80, s21, s25, $0xb8;
	[tilespmem:$0x1F780] =	vst v63  }
0xb2: {  	_ =	swait.ge [sflag:s26], $0x1800  }
0xb3: {  	[sflag:s26] =	ssyncset.done $0x0  }
0xb4: {  	[sflag:s26] =	ssyncadd.s32 $0xFFFFE800  }
0xb5: {  	[tilespmem:s17], [sflag:$0xB] =	stream.linear.gather [hbm4b:s31+s3], $0x30, $0x38;
	[tilespmem:$0x1F780] =	vst v63  }
0xb6: {  	s21 =	sadd.s32 $0x1E0, s9  }
0xb7: {  	[tilespmem:s18], [sflag:$0x5] =	stream.indirect.gather [hbm4b:s4+s25], $0x80, s21, s25, $0xb8;
	[tilespmem:$0x1F780] =	vst v63  }
0xb8: {  	s29 =	sadd.s32 $0x120, s29;
	_ =	swait.ge [sflag:s28], $0x1800  }
0xb9: {  	s10 =	simm.s32 $0x2900;
	s7 =	sadd.s32 $0x480, s7;
	[sflag:s28] =	ssyncset.done $0x0  }
.Ltmp3:
0xba: {  	s30 =	sadd.s32 $0x24, s30;
	[sflag:s28] =	ssyncadd.s32 $0xFFFFE800;
	(pc) =	sbr.rel .LBB2_2-.Ltmp3, $4  }
0xbb: {  	[tilespmem:s19], [sflag:$0xC] =	stream.linear.gather [hbm4b:s8+s3], $0x30, $0x38;
	[tilespmem:$0x1F780] =	vst v63  }
0xbc: {  	s1 =	sadd.s32 $0x24, s1;
	s0 =	sadd.s32 $0x24, s0;
	s9 =	sadd.s32 $0x210, s9  }
0xbd: {  	[tilespmem:s20], [sflag:$0x6] =	stream.indirect.gather [hbm4b:s4+s25], $0x80, s9, s25, $0xb8;
	[tilespmem:$0x1F780] =	vst v63  }
0xbe: {  	s31 =	sadd.s32 $0x24, s31;
	s8 =	sadd.s32 $0x24, s8;
	s9 =	simm.s32 $0x2880  }
.LBB2_5:
0xbf: {  	_ =	sfence.sel $0x180000  }
0xc0: {  	[bflag:$0x0] =	sbarrier.arrive $0xFFFF  }
0xc1: {  	_ =	strace $0x9000004A  }
0xc2: {  	s0 =	stileid.u32;
	[bflag:$0x2] =	sbarrier.arrive $0xFFFF  }
0xc3: {  	p0 =	sne.s32 s0, $0x0;
	s0 =	rddreg [dreg:$0x2]  }
0xc4: {  	s0 =	sadd.s32 @!p0 $0x100000, s0  }
0xc5: {  	[sflag:s0] =	ssyncadd.tile.s32 @!p0 $0x1;
	_ =	shalt  }
.Lfunc_end2:
_tile_overlayer_lowered:
.L_overlay_start_2:
0xc6: {  	(tag) =	ssettag $0x2  }
0xc7: {  	s0 =	rddreg [dreg:$0x0];
	s2 =	stileid.u32  }
0xc8: {  	s1 =	rddreg [dreg:$0x1];
	p0 =	sne.s32 s2, $0x0  }
0xc9: {  	s3 =	rddreg [dreg:$0x2];
	[bflag:$0x3] =	sbarrier.arrive $0xFFFF;
	s2 =	simm.s32 @!p0 $0x1C13  }
0xca: {  	[timem:s3], [sflag:s2] =	dma.local @!p0 [hbm:s0], s1  }
0xcb: {  	s0 =	simm.s32 @!p0 $0x13  }
0xcc: {  	_ =	swait.ge @!p0 [sflag:s0], s1  }
0xcd: {  	s1 =	ssub.s32 @!p0 $0x0, s1;
	[sflag:s0] =	ssyncset.done @!p0 $0x0  }
0xce: {  	[sflag:s0] =	ssyncadd.s32 @!p0 s1  }
0xcf: {  	[bflag:$0x3] =	sbarrier.arrive $0xFFFF  }
0xd0: {  	_ =	shalt  }

// kernel: kernel.15.cloned.1.call-start
scs
__scs_entry_jumppad:
0x0: {  	(pc) =	sbr.rel $0x88, $3  }
0x1: {  	(tag) =	ssettag $0x0;
	lr =	simm.s32 $0x1  }
0x2: {  	[smem:$0x3F92] =	sst lr;
	_ =	strace $0xD0000000  }
0x3: {  	_ = 	snop  }
0x4: {  	_ = 	snop  }
0x5: {  	_ = 	snop  }
0x6: {  	_ = 	snop  }
0x7: {  	_ = 	snop  }
__scs_overlays_trampoline_lowered:
0x8: {  	[smem:$0x3FA1] =	sst s0  }
0x9: {  	[smem:$0x3FA2] =	sst s1  }
0xa: {  	[smem:$0x3FA3] =	sst s2  }
0xb: {  	[smem:$0x3FA4] =	sst s3  }
0xc: {  	[smem:$0x3FA5] =	sst s4  }
0xd: {  	[smem:$0x3FA6] =	sst s5  }
0xe: {  	[smem:$0x3FA7] =	sst s6  }
0xf: {  	[smem:$0x3FA8] =	sst s7  }
0x10: {  	[smem:$0x3FA9] =	sst s8  }
0x11: {  	[smem:$0x3FAA] =	sst s9;
	s0 =	simm.s32 @!p0 $0x0  }
0x12: {  	s1 =	sld [smem:$0x3F90];
	s0 =	simm.s32 @p0 $0x1  }
0x13: {  	[smem:$0x3FAB] =	sst s0;
	s0 =	simm.s32 @!p1 $0x0  }
0x14: {  	s2 =	sld [smem:$0x3F8F];
	s0 =	simm.s32 @p1 $0x1  }
0x15: {  	[smem:$0x3FAC] =	sst s0;
	s0 =	simm.s32 @!p2 $0x0  }
0x16: {  	s3 =	sld [smem:$0x3FDB];
	s0 =	simm.s32 @p2 $0x1  }
0x17: {  	s4 =	simm.s32 $0x1BF5;
	[smem:$0x3FAE] =	sst s0  }
0x18: {  	s0 =	sld [smem:$0x3F91];
	_ =	swait.ge [sflag:s4], $0x0  }
0x19: {  	s7 =	sld [smem:$0x3F92]  }
0x1a: {  	s8 =	sadd.s32 $0xFFFFE003, lr  }
0x1b: {  	s9 =	sadd.s32 $0xFFFFFEF7, lr;
	s5 =	simm.s32 $0xFFFFFFFF;
	p2 =	slt.u32 s8, $0xFFFFF086  }
0x1c: {  	p1 =	slt.u32 s9, $0xF7A;
	s5 =	simm.s32 @!p2 $0x0  }
0x1d: {  	s5 =	simm.s32 @p1 $0x1;
	p0 =	seq.s32 s7, s2  }
0x1e: {  	s7 =	smul.u32 @!p0 $0xF7A, s2;
	p2 =	seq.s32 @!p0 s5, $0x0  }
0x1f: {  	s9 =	smul.u32 $0xF7A, s1;
	s8 =	simm.s32 @!p0 $0x1BF5;
	p2 =	por !p2, p0  }
0x20: {  	[sflag:s8] =	ssyncset.s32 @!p0 $0xFFFFF086;
	s6 =	sadd.s32 @!p0 s3, s7;
	s7 =	simm.s32 @!p0 $0x108  }
0x21: {  	s3 =	sadd.s32 s3, s9;
	s6 =	sadd.s32 @!p0 $0x88, s6;
	s7 =	simm.s32 @p2 $0x1082  }
0x22: {  	[simem:s7], [sflag:s8] =	dma.local @!p0 [hbm:s6], $0xF7A  }
0x23: {  	s9 =	sor.u32 $0xD0000000, s2;
	s6 =	simm.s32 $0x108;
	_ =	swait.ge @!p0 [sflag:s8], $0x0  }
0x24: {  	s3 =	sadd.s32 $0x88, s3;
	s6 =	simm.s32 @!p1 $0x1082;
	[sflag:s4] =	ssyncset.s32 $0xFFFFF086  }
0x25: {  	[simem:s6], [sflag:s4] =	dma.local [hbm:s3], $0xF7A  }
0x26: {  	[smem:$0x3F92] =	sst s1;
	(tag) =	ssettag s2;
	_ =	strace s9  }
0x27: {  	s1 =	sld [smem:$0x3FA2]  }
0x28: {  	s2 =	sld [smem:$0x3FA3]  }
0x29: {  	s4 =	sld [smem:$0x3FA5]  }
0x2a: {  	p0 =	seq.s32 s5, $0x0;
	s5 =	sld [smem:$0x3FA6]  }
0x2b: {  	s6 =	sld [smem:$0x3FA7]  }
0x2c: {  	s7 =	sld [smem:$0x3FA8]  }
0x2d: {  	s3 =	simm.s32 $0x108;
	s8 =	sld [smem:$0x3FA9]  }
0x2e: {  	s3 =	simm.s32 @!p0 $0x1082;
	s9 =	sld [smem:$0x3FAA]  }
0x2f: {  	lr =	sadd.s32 s0, s3;
	s0 =	sld [smem:$0x3FA1]  }
0x30: {  	s3 =	sld [smem:$0x3FA4]  }
0x31: {  	[smem:$0x3FAD] =	sst s10  }
0x32: {  	s10 =	sld [smem:$0x3FAB];
	_ =	sdelay $0x3  }
0x33: {  	p0 =	seq.s32 s10, $0x1;
	s10 =	sld [smem:$0x3FAD];
	_ =	sdelay $0x3  }
0x34: {  	[smem:$0x3FAD] =	sst s10  }
0x35: {  	s10 =	sld [smem:$0x3FAC];
	_ =	sdelay $0x3  }
0x36: {  	p1 =	seq.s32 s10, $0x1;
	s10 =	sld [smem:$0x3FAD];
	_ =	sdelay $0x3  }
0x37: {  	[smem:$0x3FAD] =	sst s10  }
0x38: {  	s10 =	sld [smem:$0x3FAE]  }
0x39: {  	_ = 	snop;
	(pc) =	sbr.ind lr, $3  }
0x3a: {  	_ = 	snop  }
0x3b: {  	_ = 	snop  }
0x3c: {  	p2 =	seq.s32 s10, $0x1;
	s10 =	sld [smem:$0x3FAD]  }
0x3d: {  	_ =	shalt  }
0x3e: {  	_ =	shalt  }
0x3f: {  	_ =	shalt  }
0x40: {  	_ =	shalt  }
0x41: {  	_ =	shalt  }
0x42: {  	_ =	shalt  }
0x43: {  	_ =	shalt  }
0x44: {  	_ =	shalt  }
0x45: {  	_ =	shalt  }
0x46: {  	_ =	shalt  }
0x47: {  	_ =	shalt  }
0x48: {  	_ =	shalt  }
0x49: {  	_ =	shalt  }
0x4a: {  	_ =	shalt  }
0x4b: {  	_ =	shalt  }
0x4c: {  	_ =	shalt  }
0x4d: {  	_ =	shalt  }
0x4e: {  	_ =	shalt  }
0x4f: {  	_ =	shalt  }
0x50: {  	_ =	shalt  }
0x51: {  	_ =	shalt  }
0x52: {  	_ =	shalt  }
0x53: {  	_ =	shalt  }
0x54: {  	_ =	shalt  }
0x55: {  	_ =	shalt  }
0x56: {  	_ =	shalt  }
0x57: {  	_ =	shalt  }
0x58: {  	_ =	shalt  }
0x59: {  	_ =	shalt  }
0x5a: {  	_ =	shalt  }
0x5b: {  	_ =	shalt  }
0x5c: {  	_ =	shalt  }
0x5d: {  	_ =	shalt  }
0x5e: {  	_ =	shalt  }
0x5f: {  	_ =	shalt  }
0x60: {  	_ =	shalt  }
0x61: {  	_ =	shalt  }
0x62: {  	_ =	shalt  }
0x63: {  	_ =	shalt  }
0x64: {  	_ =	shalt  }
0x65: {  	_ =	shalt  }
0x66: {  	_ =	shalt  }
0x67: {  	_ =	shalt  }
0x68: {  	_ =	shalt  }
0x69: {  	_ =	shalt  }
0x6a: {  	_ =	shalt  }
0x6b: {  	_ =	shalt  }
0x6c: {  	_ =	shalt  }
0x6d: {  	_ =	shalt  }
0x6e: {  	_ =	shalt  }
0x6f: {  	_ =	shalt  }
0x70: {  	_ =	shalt  }
0x71: {  	_ =	shalt  }
0x72: {  	_ =	shalt  }
0x73: {  	_ =	shalt  }
0x74: {  	_ =	shalt  }
0x75: {  	_ =	shalt  }
0x76: {  	_ =	shalt  }
0x77: {  	_ =	shalt  }
0x78: {  	_ =	shalt  }
0x79: {  	_ =	shalt  }
0x7a: {  	_ =	shalt  }
0x7b: {  	_ =	shalt  }
0x7c: {  	_ =	shalt  }
0x7d: {  	_ =	shalt  }
0x7e: {  	_ =	shalt  }
0x7f: {  	_ =	shalt  }
0x80: {  	_ =	shalt  }
0x81: {  	_ =	shalt  }
0x82: {  	_ =	shalt  }
0x83: {  	_ =	shalt  }
0x84: {  	_ =	shalt  }
0x85: {  	_ =	shalt  }
0x86: {  	_ =	shalt  }
0x87: {  	_ =	shalt  }
.Lfunc_end0:
.L_simem_size_0:
called_computation.2_lowered:
.L_overlay_start_0:
0x88: {  	s2 =	sld [smem:$0x3FD9]  }
0x89: {  	s3 =	sld [smem:$0x3FFE];
	_ =	sdelay $0x1  }
0x8a: {  	s1 =	srdreg.scid  }
0x8b: {  	s0 =	sand.u32 $0x1, s1  }
0x8c: {  	s16 =	sshll.u32 s0, $0xA;
	s2 =	sadd.s32 s3, s2  }
0x8d: {  	s2 =	sadd.s32 s2, s16  }
0x8e: {  	[smem:$0x3FB9] =	sst s2  }
0x8f: {  	_ = 	snop  }
0x90: {  	(tm) =	ssettm $0x1  }
0x91: {  	s17 =	sld [smem:$0x3FFB];
	_ =	sdelay $0x3  }
0x92: {  	_ =	strace s17  }
0x93: {  	s2 =	sld [smem:$0x3FFC];
	_ =	sdelay $0x3  }
0x94: {  	_ =	strace s2  }
0x95: {  	s2 =	sld [smem:$0x3FFD];
	_ =	sdelay $0x3  }
0x96: {  	_ =	strace s2  }
0x97: {  	_ =	strace $0x8FFFFFFF  }
0x98: {  	s18 =	sld [smem:$0x3FDB];
	_ =	sdelay $0x1  }
0x99: {  	s19 =	simm.s32 $_scs_section_size  }
0x9a: {  	s4 =	simm.s32 $_size__tile_overlayer_lowered;
	s5 =	simm.s32 $_tile_overlayer_lowered  }
0x9b: {  	s22 =	simm.s32 $0x1BFF;
	s21 =	sshll.u32 s5, $0x1;
	s2 =	sadd.s32 s19, s18  }
0x9c: {  	s6 =	simm.s32 $0x0;
	s20 =	sshll.u32 s4, $0x1;
	s4 =	sadd.s32 s21, s2  }
0x9d: {  	[timem:s6], [sflag:s22] =	dma.local [hbm:s4], s20  }
0x9e: {  	_ =	swait.ge [sflag:s22], s20  }
0x9f: {  	s3 =	ssub.s32 $0x0, s20;
	[sflag:s22] =	ssyncset.done $0x0  }
0xa0: {  	[sflag:s22] =	ssyncadd.s32 s3;
	_ =	sdelay $0x1  }
0xa1: {  	s23 =	simm.s32 $0x1B8B  }
0xa2: {  	_ =	swait.ge [sflag:s23], $0x1  }
0xa3: {  	[sflag:s23] =	ssyncset.done $0x0  }
0xa4: {  	s25 =	simm.s32 $0x1B8E;
	s24 =	sld [smem:$0x3FFE];
	[sflag:s23] =	ssyncadd.s32 $0xFFFFFFFF  }
0xa5: {  	s26 =	simm.s32 $execute0_lowered;
	[smem:$0x3FD2] =	sst s25  }
0xa6: {  	s4 =	sshll.u32 s26, $0x1;
	_ =	strace $0x8000004C;
	[dreg:$0x1] =	wrdreg $0xFFFFFFFF  }
0xa7: {  	s28 =	simm.s32 $_size_execute0_lowered;
	s2 =	sadd.s32 s2, s4;
	[dreg:$0x0] =	wrdreg $0x0  }
0xa8: {  	s4 =	sshll.u32 s28, $0x1;
	[dreg:$0x2] =	wrdreg s2  }
0xa9: {  	[dreg:$0x3] =	wrdreg s4  }
0xaa: {  	[dreg:$0x4] =	wrdreg $0xC0  }
0xab: {  	_ =	task [dreg:s6], $0x5FFFF  }
0xac: {  	[dreg:$0x1] =	wrdreg $0xFFFFFFFF  }
0xad: {  	[dreg:$0x0] =	wrdreg $0x60  }
0xae: {  	[dreg:$0x2] =	wrdreg s24  }
0xaf: {  	[dreg:$0x3] =	wrdreg $0xA8800  }
0xb0: {  	[dreg:$0x4] =	wrdreg $0x9  }
0xb1: {  	_ =	task.clear_ibuf [dreg:s6], $0x5FFFF;
	_ =	strace $0x9000004C  }
0xb2: {  	s29 =	simm.s32 $0x9;
	_ =	strace $0x8000004E  }
0xb3: {  	_ =	swait.ge [sflag:s29], $0x1  }
0xb4: {  	[sflag:s29] =	ssyncadd.s32 $0xFFFFFFFF  }
0xb5: {  	_ =	strace $0x9000004E  }
0xb6: {  	_ =	sfence  }
0xb7: {  	s30 =	sld [smem:$0x0];
	_ =	sdelay $0x2  }
0xb8: {  	s31 =	sshll.u32 s1, $0xD;
	s1 =	sshrl.u32 s1, $0x2  }
0xb9: {  	s3 =	sand.u32 $0x4000, s31;
	s1 =	sadd.s32 s1, s30  }
0xba: {  	s0 =	sor.u32 s3, s0;
	s1 =	sshll.u32 s1, $0x11  }
0xbb: {  	s0 =	sor.u32 s1, s0  }
0xbc: {  	s0 =	sadd.s32 $0x8F2B, s0  }
0xbd: {  	[sflag:s0] =	ssyncadd.remote.s32 $0x1  }
0xbe: {  	_ =	sfence.sel $0xFFFF  }
0xbf: {  	[dreg:$0x0] =	wrdreg $0xFFFFFFFF;
	(pc) =	sbr.abs _section_cstart, $3  }
0xc0: {  	[dreg:$0x1] =	wrdreg $0xFFFFFFFF  }
0xc1: {  	_ =	task.clear_ibuf [dreg:s6], $0x2FFFF;
	_ =	strace $0x9FFFFFFF  }
0xc2: {  	(tm) =	ssettm $0x7FFFFFFF  }
0xc3: {  	_ =	shalt  }
tec
execute0_lowered:
.L_overlay_start_1:
0x0: {  	(tag) =	ssettag $0x1  }
0x1: {  	s0 =	rddreg [dreg:$0x0]  }
0x2: {  	s2 =	rddreg [dreg:$0x1]  }
0x3: {  	s3 =	srdreg.scid;
	s1 =	stileid.u32;
	s10 =	simm.s32 $0x4E80  }
0x4: {  	s11 =	simm.s32 $0x7700;
	s12 =	simm.s32 $0x9F80;
	s13 =	simm.s32 $0x8  }
0x5: {  	s14 =	simm.s32 $0x5;
	s15 =	simm.s32 $0x6;
	s16 =	simm.s32 $0x7  }
0x6: {  	s17 =	simm.s32 $0x40;
	s18 =	simm.s32 $0xA680;
	s19 =	simm.s32 $0xA480  }
0x7: {  	s20 =	simm.s32 $0xA700;
	s21 =	simm.s32 $0xA500;
	s22 =	simm.s32 $0xA780  }
0x8: {  	s23 =	simm.s32 $0xA580;
	s24 =	simm.s32 $0xA800;
	s25 =	simm.s32 $0xA600  }
0x9: {  	s28 =	simm.s32 $0x2;
	s29 =	simm.s32 $0x3;
	s30 =	simm.s32 $0x4  }
0xa: {  	s31 =	simm.s32 $0x0;
	s5 =	sand.u32 $0x1, s3;
	s7 =	smul.u32 $0x4F0, s1  }
0xb: {  	v2 =	vlaneseq.u32;
	s3 =	simm.s32 $0x0;
	s4 =	sshll.u32 s1, $0x1;
	s6 =	smul.u32 $0x4F00, s5  }
0xc: {  	v0 =	vimm.f32 $0.0e+00;
	v1 =	vshrl.u32 v2, $0x1;
	v2 =	vand.u32 $0x1, v2;
	[smem:$0x7FF] =	sst s3;
	s4 =	sor.u32 s5, s4;
	s5 =	ssub.s32 $0x2, s5  }
0xd: {  	v3 =	vor.u32 $0x8, v1;
	v4 =	vor.u32 $0x10, v1;
	v5 =	vor.u32 $0x18, v1;
	_ =	strace $0x8000004D;
	s8 =	smul.u32 $0x510, s4;
	s26 =	sshrl.u32 s5, $0x1  }
0xe: {  	v6 =	vor.u32 $0x20, v1;
	v7 =	vor.u32 $0x28, v1;
	v8 =	vor.u32 $0x30, v1;
	s4 =	sadd.s32 $0x2E00, s0;
	s6 =	sadd.s32 s7, s6;
	s9 =	ssub.s32 s5, s26  }
0xf: {  	v9 =	vor.u32 $0x38, v1;
	v10 =	vor.u32 $0x40, v1;
	v11 =	vor.u32 $0x48, v1;
	s7 =	sadd.s32 s7, s2;
	s26 =	simm.s32 $0x1;
	s6 =	sshrl.u32 s6, $0x3  }
0x10: {  	v12 =	vor.u32 $0x50, v1;
	v13 =	vor.u32 $0x58, v1;
	v14 =	vor.u32 $0x60, v1;
	s8 =	sadd.s32 s8, s0;
	s9 =	smax.u32 s9, $0x1;
	s0 =	sadd.s32 s6, s0  }
0x11: {  	v15 =	vor.u32 $0x68, v1;
	v16 =	vor.u32 $0x70, v1;
	v17 =	vor.u32 $0x78, v1;
	s5 =	sadd.s32 $0x2A000, s8;
	s6 =	sadd.s32 $0x34200, s8;
	s8 =	sadd.s32 $0x3800, s0  }
.LBB2_1:
0x12: {  	[tilespmem:s3], [sflag:$0x5] =	stream.linear.gather [hbm4b:s4+s3], $0x4E80, $0x38;
	[tilespmem:$0xAD70] =	vst v63  }
0x13: {  	_ = 	snop  }
0x14: {  	[tilespmem:s10], [sflag:$0x6] =	stream.linear.gather [hbm4b:s5+s3], $0x2880, $0x38;
	[tilespmem:$0xAD70] =	vst v63  }
0x15: {  	_ = 	snop  }
0x16: {  	[tilespmem:s11], [sflag:$0x7] =	stream.linear.gather [hbm4b:s6+s3], $0x2880, $0x38;
	[tilespmem:$0xAD70] =	vst v63  }
0x17: {  	[tilespmem:$0x9F80] =	vst v0  }
0x18: {  	[tilespmem:$0x9F90] =	vst v0  }
0x19: {  	[tilespmem:$0x9FA0] =	vst v0  }
0x1a: {  	[tilespmem:$0x9FB0] =	vst v0  }
0x1b: {  	[tilespmem:$0x9FC0] =	vst v0  }
0x1c: {  	[tilespmem:$0x9FD0] =	vst v0  }
0x1d: {  	[tilespmem:$0x9FE0] =	vst v0  }
0x1e: {  	[tilespmem:$0x9FF0] =	vst v0  }
0x1f: {  	[tilespmem:$0xA000] =	vst v0  }
0x20: {  	[tilespmem:$0xA010] =	vst v0  }
0x21: {  	[tilespmem:$0xA020] =	vst v0  }
0x22: {  	[tilespmem:$0xA030] =	vst v0  }
0x23: {  	[tilespmem:$0xA040] =	vst v0  }
0x24: {  	[tilespmem:$0xA050] =	vst v0  }
0x25: {  	[tilespmem:$0xA060] =	vst v0  }
0x26: {  	[tilespmem:$0xA070] =	vst v0  }
0x27: {  	[tilespmem:$0xA080] =	vst v0  }
0x28: {  	[tilespmem:$0xA090] =	vst v0  }
0x29: {  	[tilespmem:$0xA0A0] =	vst v0  }
0x2a: {  	[tilespmem:$0xA0B0] =	vst v0  }
0x2b: {  	[tilespmem:$0xA0C0] =	vst v0  }
0x2c: {  	[tilespmem:$0xA0D0] =	vst v0  }
0x2d: {  	[tilespmem:$0xA0E0] =	vst v0  }
0x2e: {  	[tilespmem:$0xA0F0] =	vst v0  }
0x2f: {  	[tilespmem:$0xA100] =	vst v0  }
0x30: {  	[tilespmem:$0xA110] =	vst v0  }
0x31: {  	[tilespmem:$0xA120] =	vst v0  }
0x32: {  	[tilespmem:$0xA130] =	vst v0  }
0x33: {  	[tilespmem:$0xA140] =	vst v0  }
0x34: {  	[tilespmem:$0xA150] =	vst v0  }
0x35: {  	[tilespmem:$0xA160] =	vst v0  }
0x36: {  	[tilespmem:$0xA170] =	vst v0  }
0x37: {  	[tilespmem:$0xA180] =	vst v0  }
0x38: {  	[tilespmem:$0xA190] =	vst v0  }
0x39: {  	[tilespmem:$0xA1A0] =	vst v0  }
0x3a: {  	[tilespmem:$0xA1B0] =	vst v0  }
0x3b: {  	[tilespmem:$0xA1C0] =	vst v0  }
0x3c: {  	[tilespmem:$0xA1D0] =	vst v0  }
0x3d: {  	[tilespmem:$0xA1E0] =	vst v0  }
0x3e: {  	[tilespmem:$0xA1F0] =	vst v0  }
0x3f: {  	[tilespmem:$0xA200] =	vst v0  }
0x40: {  	[tilespmem:$0xA210] =	vst v0  }
0x41: {  	[tilespmem:$0xA220] =	vst v0  }
0x42: {  	[tilespmem:$0xA230] =	vst v0  }
0x43: {  	[tilespmem:$0xA240] =	vst v0  }
0x44: {  	[tilespmem:$0xA250] =	vst v0  }
0x45: {  	[tilespmem:$0xA260] =	vst v0  }
0x46: {  	[tilespmem:$0xA270] =	vst v0  }
0x47: {  	[tilespmem:$0xA280] =	vst v0  }
0x48: {  	[tilespmem:$0xA290] =	vst v0  }
0x49: {  	[tilespmem:$0xA2A0] =	vst v0  }
0x4a: {  	[tilespmem:$0xA2B0] =	vst v0  }
0x4b: {  	[tilespmem:$0xA2C0] =	vst v0  }
0x4c: {  	[tilespmem:$0xA2D0] =	vst v0  }
0x4d: {  	[tilespmem:$0xA2E0] =	vst v0  }
0x4e: {  	[tilespmem:$0xA2F0] =	vst v0  }
0x4f: {  	[tilespmem:$0xA300] =	vst v0  }
0x50: {  	[tilespmem:$0xA310] =	vst v0  }
0x51: {  	[tilespmem:$0xA320] =	vst v0  }
0x52: {  	[tilespmem:$0xA330] =	vst v0  }
0x53: {  	[tilespmem:$0xA340] =	vst v0  }
0x54: {  	[tilespmem:$0xA350] =	vst v0  }
0x55: {  	[tilespmem:$0xA360] =	vst v0  }
0x56: {  	[tilespmem:$0xA370] =	vst v0  }
0x57: {  	[tilespmem:$0xA380] =	vst v0  }
0x58: {  	[tilespmem:$0xA390] =	vst v0  }
0x59: {  	[tilespmem:$0xA3A0] =	vst v0  }
0x5a: {  	[tilespmem:$0xA3B0] =	vst v0  }
0x5b: {  	[tilespmem:$0xA3C0] =	vst v0  }
0x5c: {  	[tilespmem:$0xA3D0] =	vst v0  }
0x5d: {  	[tilespmem:$0xA3E0] =	vst v0  }
0x5e: {  	[tilespmem:$0xA3F0] =	vst v0  }
0x5f: {  	[tilespmem:$0xA400] =	vst v0  }
0x60: {  	[tilespmem:$0xA410] =	vst v0  }
0x61: {  	[tilespmem:$0xA420] =	vst v0  }
0x62: {  	[tilespmem:$0xA430] =	vst v0  }
0x63: {  	[tilespmem:$0xA440] =	vst v0  }
0x64: {  	[tilespmem:$0xA450] =	vst v0  }
0x65: {  	[tilespmem:$0xA460] =	vst v0  }
0x66: {  	[spmem:s7] =	stream.linear.scatter [tilespmem:s12], [sflag:$0x8], $0x4F0, $0x38;
	[tilespmem:$0xAD70] =	vst v63  }
0x67: {  	_ =	swait.ge [sflag:s13], $0x4F0  }
0x68: {  	[sflag:s13] =	ssyncset.done $0x0  }
0x69: {  	[sflag:s13] =	ssyncadd.s32 $0xFFFFFB10  }
0x6a: {  	_ =	swait.ge [sflag:s14], $0x4E80  }
0x6b: {  	[sflag:s14] =	ssyncset.done $0x0  }
0x6c: {  	[sflag:s14] =	ssyncadd.s32 $0xFFFFB180  }
0x6d: {  	_ =	swait.ge [sflag:s15], $0x2880  }
0x6e: {  	[sflag:s15] =	ssyncset.done $0x0  }
0x6f: {  	[sflag:s15] =	ssyncadd.s32 $0xFFFFD780  }
0x70: {  	_ =	swait.ge [sflag:s16], $0x2880  }
0x71: {  	[sflag:s16] =	ssyncset.done $0x0  }
0x72: {  	[sflag:s16] =	ssyncadd.s32 $0xFFFFD780  }
0x73: {  	s0 =	simm.s32 $0x0;
	[bflag:$0x0] =	sbarrier.arrive $0xFFFF  }
.LBB2_2:
0x74: {  	v18 =	vmov s0  }
0x75: {  	v18 =	vshrl.u32 v18, $0x7  }
0x76: {  	v18 =	vshll.u32 v18, $0x7  }
0x77: {  	v18 =	vbroadcast v18, $0x0;
	_ =	sdelay $0x1  }
0x78: {  	p0 =	seq.s32 s0, $0x0;
	v19 =	vor.u32 v1, v18  }
0x79: {  	s1 =	simm.s32 @!p0 $0x1  }
0x7a: {  	_ =	swait.ge @!p0 [sflag:s1], $0x40  }
0x7b: {  	[sflag:s1] =	ssyncset.done @!p0 $0x0  }
0x7c: {  	[sflag:s1] =	ssyncadd.s32 @!p0 $0xFFFFFFC0  }
0x7d: {  	v20 =	vld.idx.msk [tilespmem:v19+s10+$0x0], $0xffff;
	_ =	sdelay $0x4  }
0x7e: {  	v20 =	vshll.u32 v20, $0x1  }
0x7f: {  	v20 =	vor.u32 v2, v20;
	_ =	sdelay $0x4  }
0x80: {  	v20 =	vld.idx.msk [tilespmem:v20+s3+$0x0], $0xffff;
	_ =	sdelay $0x4  }
0x81: {  	[tilespmem:$0xA480] =	vst v20  }
0x82: {  	v19 =	vld.idx.msk [tilespmem:v19+s11+$0x0], $0xffff;
	_ =	sdelay $0x2  }
0x83: {  	v50 =	vor.u32 v3, v18;
	_ =	sdelay $0x1  }
0x84: {  	v19 =	vshll.u32 v19, $0x1  }
0x85: {  	v19 =	vor.u32 v2, v19  }
0x86: {  	[tilespmem:$0xA680] =	vst v19  }
0x87: {  	v19 =	vld.idx.msk [tilespmem:v50+s10+$0x0], $0xffff;
	_ =	sdelay $0x4  }
0x88: {  	v19 =	vshll.u32 v19, $0x1  }
0x89: {  	v19 =	vor.u32 v2, v19;
	_ =	sdelay $0x4  }
0x8a: {  	v19 =	vld.idx.msk [tilespmem:v19+s3+$0x0], $0xffff;
	_ =	sdelay $0x4  }
0x8b: {  	[tilespmem:$0xA490] =	vst v19  }
0x8c: {  	v19 =	vld.idx.msk [tilespmem:v50+s11+$0x0], $0xffff;
	_ =	sdelay $0x2  }
0x8d: {  	v51 =	vor.u32 v4, v18;
	_ =	sdelay $0x1  }
0x8e: {  	v19 =	vshll.u32 v19, $0x1  }
0x8f: {  	v19 =	vor.u32 v2, v19  }
0x90: {  	[tilespmem:$0xA690] =	vst v19  }
0x91: {  	v19 =	vld.idx.msk [tilespmem:v51+s10+$0x0], $0xffff;
	_ =	sdelay $0x4  }
0x92: {  	v19 =	vshll.u32 v19, $0x1  }
0x93: {  	v19 =	vor.u32 v2, v19;
	_ =	sdelay $0x4  }
0x94: {  	v19 =	vld.idx.msk [tilespmem:v19+s3+$0x0], $0xffff;
	_ =	sdelay $0x4  }
0x95: {  	[tilespmem:$0xA4A0] =	vst v19  }
0x96: {  	v19 =	vld.idx.msk [tilespmem:v51+s11+$0x0], $0xffff;
	_ =	sdelay $0x2  }
0x97: {  	v52 =	vor.u32 v5, v18;
	_ =	sdelay $0x1  }
0x98: {  	v19 =	vshll.u32 v19, $0x1  }
0x99: {  	v19 =	vor.u32 v2, v19  }
0x9a: {  	[tilespmem:$0xA6A0] =	vst v19  }
0x9b: {  	v19 =	vld.idx.msk [tilespmem:v52+s10+$0x0], $0xffff;
	_ =	sdelay $0x4  }
0x9c: {  	v19 =	vshll.u32 v19, $0x1  }
0x9d: {  	v19 =	vor.u32 v2, v19;
	_ =	sdelay $0x4  }
0x9e: {  	v19 =	vld.idx.msk [tilespmem:v19+s3+$0x0], $0xffff;
	_ =	sdelay $0x4  }
0x9f: {  	[tilespmem:$0xA4B0] =	vst v19  }
0xa0: {  	v19 =	vld.idx.msk [tilespmem:v52+s11+$0x0], $0xffff;
	_ =	sdelay $0x4  }
0xa1: {  	v19 =	vshll.u32 v19, $0x1  }
0xa2: {  	v19 =	vor.u32 v2, v19  }
0xa3: {  	s1 =	simm.s32 @!p0 $0x2;
	[tilespmem:$0xA6B0] =	vst v19;
	v19 =	vor.u32 v6, v18  }
0xa4: {  	[spmem:s2] =	stream.indirect.scatter.add.f32 [tilespmem:s19], [sflag:$0x1], $0x1, s18, s17, $0xb8;
	[tilespmem:$0xAD70] =	vst v63  }
0xa5: {  	_ =	swait.ge @!p0 [sflag:s1], $0x40  }
0xa6: {  	[sflag:s1] =	ssyncset.done @!p0 $0x0  }
0xa7: {  	[sflag:s1] =	ssyncadd.s32 @!p0 $0xFFFFFFC0  }
0xa8: {  	v53 =	vld.idx.msk [tilespmem:v19+s10+$0x0], $0xffff;
	_ =	sdelay $0x4  }
0xa9: {  	v20 =	vshll.u32 v53, $0x1  }
0xaa: {  	v20 =	vor.u32 v2, v20;
	_ =	sdelay $0x4  }
0xab: {  	v20 =	vld.idx.msk [tilespmem:v20+s3+$0x0], $0xffff;
	_ =	sdelay $0x4  }
0xac: {  	[tilespmem:$0xA500] =	vst v20  }
0xad: {  	v19 =	vld.idx.msk [tilespmem:v19+s11+$0x0], $0xffff;
	_ =	sdelay $0x2  }
0xae: {  	v54 =	vor.u32 v7, v18;
	_ =	sdelay $0x1  }
0xaf: {  	v19 =	vshll.u32 v19, $0x1  }
0xb0: {  	v19 =	vor.u32 v2, v19  }
0xb1: {  	[tilespmem:$0xA700] =	vst v19  }
0xb2: {  	v19 =	vld.idx.msk [tilespmem:v54+s10+$0x0], $0xffff;
	_ =	sdelay $0x4  }
0xb3: {  	v19 =	vshll.u32 v19, $0x1  }
0xb4: {  	v19 =	vor.u32 v2, v19;
	_ =	sdelay $0x4  }
0xb5: {  	v19 =	vld.idx.msk [tilespmem:v19+s3+$0x0], $0xffff;
	_ =	sdelay $0x4  }
0xb6: {  	[tilespmem:$0xA510] =	vst v19  }
0xb7: {  	v19 =	vld.idx.msk [tilespmem:v54+s11+$0x0], $0xffff;
	_ =	sdelay $0x2  }
0xb8: {  	v55 =	vor.u32 v8, v18;
	_ =	sdelay $0x1  }
0xb9: {  	v19 =	vshll.u32 v19, $0x1  }
0xba: {  	v19 =	vor.u32 v2, v19  }
0xbb: {  	[tilespmem:$0xA710] =	vst v19  }
0xbc: {  	v19 =	vld.idx.msk [tilespmem:v55+s10+$0x0], $0xffff;
	_ =	sdelay $0x4  }
0xbd: {  	v19 =	vshll.u32 v19, $0x1  }
0xbe: {  	v19 =	vor.u32 v2, v19;
	_ =	sdelay $0x4  }
0xbf: {  	v19 =	vld.idx.msk [tilespmem:v19+s3+$0x0], $0xffff;
	_ =	sdelay $0x4  }
0xc0: {  	[tilespmem:$0xA520] =	vst v19  }
0xc1: {  	v19 =	vld.idx.msk [tilespmem:v55+s11+$0x0], $0xffff;
	_ =	sdelay $0x2  }
0xc2: {  	v56 =	vor.u32 v9, v18;
	_ =	sdelay $0x1  }
0xc3: {  	v19 =	vshll.u32 v19, $0x1  }
0xc4: {  	v19 =	vor.u32 v2, v19  }
0xc5: {  	[tilespmem:$0xA720] =	vst v19  }
0xc6: {  	v19 =	vld.idx.msk [tilespmem:v56+s10+$0x0], $0xffff;
	_ =	sdelay $0x4  }
0xc7: {  	v19 =	vshll.u32 v19, $0x1  }
0xc8: {  	v19 =	vor.u32 v2, v19;
	_ =	sdelay $0x4  }
0xc9: {  	v19 =	vld.idx.msk [tilespmem:v19+s3+$0x0], $0xffff;
	_ =	sdelay $0x4  }
0xca: {  	[tilespmem:$0xA530] =	vst v19  }
0xcb: {  	v19 =	vld.idx.msk [tilespmem:v56+s11+$0x0], $0xffff;
	_ =	sdelay $0x4  }
0xcc: {  	v19 =	vshll.u32 v19, $0x1  }
0xcd: {  	v19 =	vor.u32 v2, v19  }
0xce: {  	s1 =	simm.s32 @!p0 $0x3;
	[tilespmem:$0xA730] =	vst v19;
	v19 =	vor.u32 v10, v18  }
0xcf: {  	[spmem:s2] =	stream.indirect.scatter.add.f32 [tilespmem:s21], [sflag:$0x2], $0x1, s20, s17, $0xb8;
	[tilespmem:$0xAD70] =	vst v63  }
0xd0: {  	_ =	swait.ge @!p0 [sflag:s1], $0x40  }
0xd1: {  	[sflag:s1] =	ssyncset.done @!p0 $0x0  }
0xd2: {  	[sflag:s1] =	ssyncadd.s32 @!p0 $0xFFFFFFC0  }
0xd3: {  	v57 =	vld.idx.msk [tilespmem:v19+s10+$0x0], $0xffff;
	_ =	sdelay $0x4  }
0xd4: {  	v20 =	vshll.u32 v57, $0x1  }
0xd5: {  	v20 =	vor.u32 v2, v20;
	_ =	sdelay $0x4  }
0xd6: {  	v20 =	vld.idx.msk [tilespmem:v20+s3+$0x0], $0xffff;
	_ =	sdelay $0x4  }
0xd7: {  	[tilespmem:$0xA580] =	vst v20  }
0xd8: {  	v19 =	vld.idx.msk [tilespmem:v19+s11+$0x0], $0xffff;
	_ =	sdelay $0x2  }
0xd9: {  	v58 =	vor.u32 v11, v18;
	_ =	sdelay $0x1  }
0xda: {  	v19 =	vshll.u32 v19, $0x1  }
0xdb: {  	v19 =	vor.u32 v2, v19  }
0xdc: {  	[tilespmem:$0xA780] =	vst v19  }
0xdd: {  	v19 =	vld.idx.msk [tilespmem:v58+s10+$0x0], $0xffff;
	_ =	sdelay $0x4  }
0xde: {  	v19 =	vshll.u32 v19, $0x1  }
0xdf: {  	v19 =	vor.u32 v2, v19;
	_ =	sdelay $0x4  }
0xe0: {  	v19 =	vld.idx.msk [tilespmem:v19+s3+$0x0], $0xffff;
	_ =	sdelay $0x4  }
0xe1: {  	[tilespmem:$0xA590] =	vst v19  }
0xe2: {  	v19 =	vld.idx.msk [tilespmem:v58+s11+$0x0], $0xffff;
	_ =	sdelay $0x2  }
0xe3: {  	v59 =	vor.u32 v12, v18;
	_ =	sdelay $0x1  }
0xe4: {  	v19 =	vshll.u32 v19, $0x1  }
0xe5: {  	v19 =	vor.u32 v2, v19  }
0xe6: {  	[tilespmem:$0xA790] =	vst v19  }
0xe7: {  	v19 =	vld.idx.msk [tilespmem:v59+s10+$0x0], $0xffff;
	_ =	sdelay $0x4  }
0xe8: {  	v19 =	vshll.u32 v19, $0x1  }
0xe9: {  	v19 =	vor.u32 v2, v19;
	_ =	sdelay $0x4  }
0xea: {  	v19 =	vld.idx.msk [tilespmem:v19+s3+$0x0], $0xffff;
	_ =	sdelay $0x4  }
0xeb: {  	[tilespmem:$0xA5A0] =	vst v19  }
0xec: {  	v19 =	vld.idx.msk [tilespmem:v59+s11+$0x0], $0xffff;
	_ =	sdelay $0x2  }
0xed: {  	v60 =	vor.u32 v13, v18;
	_ =	sdelay $0x1  }
0xee: {  	v19 =	vshll.u32 v19, $0x1  }
0xef: {  	v19 =	vor.u32 v2, v19  }
0xf0: {  	[tilespmem:$0xA7A0] =	vst v19  }
0xf1: {  	v19 =	vld.idx.msk [tilespmem:v60+s10+$0x0], $0xffff;
	_ =	sdelay $0x4  }
0xf2: {  	v19 =	vshll.u32 v19, $0x1  }
0xf3: {  	v19 =	vor.u32 v2, v19;
	_ =	sdelay $0x4  }
0xf4: {  	v19 =	vld.idx.msk [tilespmem:v19+s3+$0x0], $0xffff;
	_ =	sdelay $0x4  }
0xf5: {  	[tilespmem:$0xA5B0] =	vst v19  }
0xf6: {  	v19 =	vld.idx.msk [tilespmem:v60+s11+$0x0], $0xffff;
	_ =	sdelay $0x4  }
0xf7: {  	v19 =	vshll.u32 v19, $0x1  }
0xf8: {  	v19 =	vor.u32 v2, v19  }
0xf9: {  	s1 =	simm.s32 @!p0 $0x4;
	[tilespmem:$0xA7B0] =	vst v19;
	v19 =	vor.u32 v14, v18  }
0xfa: {  	[spmem:s2] =	stream.indirect.scatter.add.f32 [tilespmem:s23], [sflag:$0x3], $0x1, s22, s17, $0xb8;
	[tilespmem:$0xAD70] =	vst v63  }
0xfb: {  	_ =	swait.ge @!p0 [sflag:s1], $0x40  }
0xfc: {  	[sflag:s1] =	ssyncset.done @!p0 $0x0  }
0xfd: {  	[sflag:s1] =	ssyncadd.s32 @!p0 $0xFFFFFFC0  }
0xfe: {  	v61 =	vld.idx.msk [tilespmem:v19+s10+$0x0], $0xffff;
	_ =	sdelay $0x4  }
0xff: {  	v20 =	vshll.u32 v61, $0x1  }
0x100: {  	v20 =	vor.u32 v2, v20;
	_ =	sdelay $0x4  }
0x101: {  	v20 =	vld.idx.msk [tilespmem:v20+s3+$0x0], $0xffff;
	_ =	sdelay $0x4  }
0x102: {  	[tilespmem:$0xA600] =	vst v20  }
0x103: {  	v19 =	vld.idx.msk [tilespmem:v19+s11+$0x0], $0xffff;
	_ =	sdelay $0x2  }
0x104: {  	v62 =	vor.u32 v15, v18;
	_ =	sdelay $0x1  }
0x105: {  	v19 =	vshll.u32 v19, $0x1  }
0x106: {  	v19 =	vor.u32 v2, v19  }
0x107: {  	[tilespmem:$0xA800] =	vst v19  }
0x108: {  	v19 =	vld.idx.msk [tilespmem:v62+s10+$0x0], $0xffff;
	_ =	sdelay $0x4  }
0x109: {  	v19 =	vshll.u32 v19, $0x1  }
0x10a: {  	v19 =	vor.u32 v2, v19;
	_ =	sdelay $0x4  }
0x10b: {  	v19 =	vld.idx.msk [tilespmem:v19+s3+$0x0], $0xffff;
	_ =	sdelay $0x4  }
0x10c: {  	[tilespmem:$0xA610] =	vst v19  }
0x10d: {  	v19 =	vld.idx.msk [tilespmem:v62+s11+$0x0], $0xffff;
	_ =	sdelay $0x2  }
0x10e: {  	v63 =	vor.u32 v16, v18;
	_ =	sdelay $0x1  }
0x10f: {  	v19 =	vshll.u32 v19, $0x1  }
0x110: {  	v19 =	vor.u32 v2, v19  }
0x111: {  	[tilespmem:$0xA810] =	vst v19  }
0x112: {  	v19 =	vld.idx.msk [tilespmem:v63+s10+$0x0], $0xffff;
	_ =	sdelay $0x4  }
0x113: {  	v19 =	vshll.u32 v19, $0x1  }
0x114: {  	v19 =	vor.u32 v2, v19;
	_ =	sdelay $0x4  }
0x115: {  	v19 =	vld.idx.msk [tilespmem:v19+s3+$0x0], $0xffff;
	_ =	sdelay $0x4  }
0x116: {  	[tilespmem:$0xA620] =	vst v19  }
0x117: {  	v19 =	vld.idx.msk [tilespmem:v63+s11+$0x0], $0xffff;
	_ =	sdelay $0x2  }
0x118: {  	v18 =	vor.u32 v17, v18;
	_ =	sdelay $0x1  }
0x119: {  	v19 =	vshll.u32 v19, $0x1  }
0x11a: {  	v19 =	vor.u32 v2, v19  }
0x11b: {  	[tilespmem:$0xA820] =	vst v19  }
0x11c: {  	v19 =	vld.idx.msk [tilespmem:v18+s10+$0x0], $0xffff;
	_ =	sdelay $0x4  }
0x11d: {  	v19 =	vshll.u32 v19, $0x1  }
0x11e: {  	v19 =	vor.u32 v2, v19;
	_ =	sdelay $0x4  }
0x11f: {  	v19 =	vld.idx.msk [tilespmem:v19+s3+$0x0], $0xffff;
	_ =	sdelay $0x4  }
0x120: {  	[tilespmem:$0xA630] =	vst v19  }
0x121: {  	v18 =	vld.idx.msk [tilespmem:v18+s11+$0x0], $0xffff;
	_ =	sdelay $0x1  }
0x122: {  	s0 =	sadd.s32 $0x80, s0  }
0x123: {  	p0 =	sne.s32 s0, $0x2880  }
.Ltmp0:
0x124: {  	_ = 	snop;
	(pc) =	sbr.rel @p0 .LBB2_2-.Ltmp0, $4  }
0x125: {  	v18 =	vshll.u32 v18, $0x1  }
0x126: {  	v18 =	vor.u32 v2, v18  }
0x127: {  	[tilespmem:$0xA830] =	vst v18  }
0x128: {  	[spmem:s2] =	stream.indirect.scatter.add.f32 [tilespmem:s25], [sflag:$0x4], $0x1, s24, s17, $0xb8;
	[tilespmem:$0xAD70] =	vst v63  }
0x129: {  	_ =	swait.ge [sflag:s26], $0x40  }
0x12a: {  	[sflag:s26] =	ssyncset.done $0x0  }
0x12b: {  	[sflag:s26] =	ssyncadd.s32 $0xFFFFFFC0  }
0x12c: {  	_ =	swait.ge [sflag:s28], $0x40  }
0x12d: {  	[sflag:s28] =	ssyncset.done $0x0  }
0x12e: {  	[sflag:s28] =	ssyncadd.s32 $0xFFFFFFC0  }
0x12f: {  	_ =	swait.ge [sflag:s29], $0x40  }
0x130: {  	[sflag:s29] =	ssyncset.done $0x0  }
0x131: {  	[sflag:s29] =	ssyncadd.s32 $0xFFFFFFC0  }
0x132: {  	_ =	swait.ge [sflag:s30], $0x40  }
0x133: {  	[sflag:s30] =	ssyncset.done $0x0  }
0x134: {  	[sflag:s30] =	ssyncadd.s32 $0xFFFFFFC0  }
0x135: {  	[bflag:$0x0] =	sbarrier.arrive $0xFFFF  }
0x136: {  	[tilespmem:s12], [sflag:$0x8] =	stream.linear.gather [spmem:s7], $0x4F0, $0x38;
	[tilespmem:$0xAD70] =	vst v63  }
0x137: {  	s31 =	sadd.s32 $0x1, s31;
	_ =	swait.ge [sflag:s13], $0x4F0  }
0x138: {  	p0 =	sne.s32 s31, s9;
	[sflag:s13] =	ssyncset.done $0x0  }
.Ltmp1:
0x139: {  	[sflag:s13] =	ssyncadd.s32 $0xFFFFFB10;
	(pc) =	sbr.rel @p0 .LBB2_1-.Ltmp1, $4  }
0x13a: {  	[hbm4b:s8+s3] =	stream.linear.scatter [tilespmem:s12], [sflag:$0x8], $0x4F0, $0x38;
	[tilespmem:$0xAD70] =	vst v63  }
0x13b: {  	_ =	swait.ge [sflag:s13], $0x4F0  }
0x13c: {  	[sflag:s13] =	ssyncset.done $0x0  }
0x13d: {  	[sflag:s13] =	ssyncadd.s32 $0xFFFFFB10  }
0x13e: {  	_ =	sfence.sel $0x180000  }
0x13f: {  	[bflag:$0x0] =	sbarrier.arrive $0xFFFF  }
0x140: {  	_ =	strace $0x9000004D  }
0x141: {  	s0 =	stileid.u32;
	[bflag:$0x2] =	sbarrier.arrive $0xFFFF  }
0x142: {  	p0 =	sne.s32 s0, $0x0;
	s0 =	rddreg [dreg:$0x2]  }
0x143: {  	s0 =	sadd.s32 @!p0 $0x100000, s0  }
0x144: {  	[sflag:s0] =	ssyncadd.tile.s32 @!p0 $0x1;
	_ =	shalt  }
.Lfunc_end2:
_tile_overlayer_lowered:
.L_overlay_start_2:
0x145: {  	(tag) =	ssettag $0x2  }
0x146: {  	s0 =	rddreg [dreg:$0x0];
	s2 =	stileid.u32  }
0x147: {  	s1 =	rddreg [dreg:$0x1];
	p0 =	sne.s32 s2, $0x0  }
0x148: {  	s3 =	rddreg [dreg:$0x2];
	[bflag:$0x3] =	sbarrier.arrive $0xFFFF;
	s2 =	simm.s32 @!p0 $0x1C08  }
0x149: {  	[timem:s3], [sflag:s2] =	dma.local @!p0 [hbm:s0], s1  }
0x14a: {  	s0 =	simm.s32 @!p0 $0x8  }
0x14b: {  	_ =	swait.ge @!p0 [sflag:s0], s1  }
0x14c: {  	s1 =	ssub.s32 @!p0 $0x0, s1;
	[sflag:s0] =	ssyncset.done @!p0 $0x0  }
0x14d: {  	[sflag:s0] =	ssyncadd.s32 @!p0 s1  }
0x14e: {  	[bflag:$0x3] =	sbarrier.arrive $0xFFFF  }
0x14f: {  	_ =	shalt  }

// kernel: kernel.9.cloned.1.call-start
scs
__scs_entry_jumppad:
0x0: {  	(pc) =	sbr.rel $0x88, $3  }
0x1: {  	(tag) =	ssettag $0x0;
	lr =	simm.s32 $0x1  }
0x2: {  	[smem:$0x3F92] =	sst lr;
	_ =	strace $0xD0000000  }
0x3: {  	_ = 	snop  }
0x4: {  	_ = 	snop  }
0x5: {  	_ = 	snop  }
0x6: {  	_ = 	snop  }
0x7: {  	_ = 	snop  }
__scs_overlays_trampoline_lowered:
0x8: {  	[smem:$0x3FA1] =	sst s0  }
0x9: {  	[smem:$0x3FA2] =	sst s1  }
0xa: {  	[smem:$0x3FA3] =	sst s2  }
0xb: {  	[smem:$0x3FA4] =	sst s3  }
0xc: {  	[smem:$0x3FA5] =	sst s4  }
0xd: {  	[smem:$0x3FA6] =	sst s5  }
0xe: {  	[smem:$0x3FA7] =	sst s6  }
0xf: {  	[smem:$0x3FA8] =	sst s7  }
0x10: {  	[smem:$0x3FA9] =	sst s8  }
0x11: {  	[smem:$0x3FAA] =	sst s9;
	s0 =	simm.s32 @!p0 $0x0  }
0x12: {  	s1 =	sld [smem:$0x3F90];
	s0 =	simm.s32 @p0 $0x1  }
0x13: {  	[smem:$0x3FAB] =	sst s0;
	s0 =	simm.s32 @!p1 $0x0  }
0x14: {  	s2 =	sld [smem:$0x3F8F];
	s0 =	simm.s32 @p1 $0x1  }
0x15: {  	[smem:$0x3FAC] =	sst s0;
	s0 =	simm.s32 @!p2 $0x0  }
0x16: {  	s3 =	sld [smem:$0x3FDB];
	s0 =	simm.s32 @p2 $0x1  }
0x17: {  	s4 =	simm.s32 $0x1BF5;
	[smem:$0x3FAE] =	sst s0  }
0x18: {  	s0 =	sld [smem:$0x3F91];
	_ =	swait.ge [sflag:s4], $0x0  }
0x19: {  	s7 =	sld [smem:$0x3F92]  }
0x1a: {  	s8 =	sadd.s32 $0xFFFFE003, lr  }
0x1b: {  	s9 =	sadd.s32 $0xFFFFFEF7, lr;
	s5 =	simm.s32 $0xFFFFFFFF;
	p2 =	slt.u32 s8, $0xFFFFF086  }
0x1c: {  	p1 =	slt.u32 s9, $0xF7A;
	s5 =	simm.s32 @!p2 $0x0  }
0x1d: {  	s5 =	simm.s32 @p1 $0x1;
	p0 =	seq.s32 s7, s2  }
0x1e: {  	s7 =	smul.u32 @!p0 $0xF7A, s2;
	p2 =	seq.s32 @!p0 s5, $0x0  }
0x1f: {  	s9 =	smul.u32 $0xF7A, s1;
	s8 =	simm.s32 @!p0 $0x1BF5;
	p2 =	por !p2, p0  }
0x20: {  	[sflag:s8] =	ssyncset.s32 @!p0 $0xFFFFF086;
	s6 =	sadd.s32 @!p0 s3, s7;
	s7 =	simm.s32 @!p0 $0x108  }
0x21: {  	s3 =	sadd.s32 s3, s9;
	s6 =	sadd.s32 @!p0 $0x88, s6;
	s7 =	simm.s32 @p2 $0x1082  }
0x22: {  	[simem:s7], [sflag:s8] =	dma.local @!p0 [hbm:s6], $0xF7A  }
0x23: {  	s9 =	sor.u32 $0xD0000000, s2;
	s6 =	simm.s32 $0x108;
	_ =	swait.ge @!p0 [sflag:s8], $0x0  }
0x24: {  	s3 =	sadd.s32 $0x88, s3;
	s6 =	simm.s32 @!p1 $0x1082;
	[sflag:s4] =	ssyncset.s32 $0xFFFFF086  }
0x25: {  	[simem:s6], [sflag:s4] =	dma.local [hbm:s3], $0xF7A  }
0x26: {  	[smem:$0x3F92] =	sst s1;
	(tag) =	ssettag s2;
	_ =	strace s9  }
0x27: {  	s1 =	sld [smem:$0x3FA2]  }
0x28: {  	s2 =	sld [smem:$0x3FA3]  }
0x29: {  	s4 =	sld [smem:$0x3FA5]  }
0x2a: {  	p0 =	seq.s32 s5, $0x0;
	s5 =	sld [smem:$0x3FA6]  }
0x2b: {  	s6 =	sld [smem:$0x3FA7]  }
0x2c: {  	s7 =	sld [smem:$0x3FA8]  }
0x2d: {  	s3 =	simm.s32 $0x108;
	s8 =	sld [smem:$0x3FA9]  }
0x2e: {  	s3 =	simm.s32 @!p0 $0x1082;
	s9 =	sld [smem:$0x3FAA]  }
0x2f: {  	lr =	sadd.s32 s0, s3;
	s0 =	sld [smem:$0x3FA1]  }
0x30: {  	s3 =	sld [smem:$0x3FA4]  }
0x31: {  	[smem:$0x3FAD] =	sst s10  }
0x32: {  	s10 =	sld [smem:$0x3FAB];
	_ =	sdelay $0x3  }
0x33: {  	p0 =	seq.s32 s10, $0x1;
	s10 =	sld [smem:$0x3FAD];
	_ =	sdelay $0x3  }
0x34: {  	[smem:$0x3FAD] =	sst s10  }
0x35: {  	s10 =	sld [smem:$0x3FAC];
	_ =	sdelay $0x3  }
0x36: {  	p1 =	seq.s32 s10, $0x1;
	s10 =	sld [smem:$0x3FAD];
	_ =	sdelay $0x3  }
0x37: {  	[smem:$0x3FAD] =	sst s10  }
0x38: {  	s10 =	sld [smem:$0x3FAE]  }
0x39: {  	_ = 	snop;
	(pc) =	sbr.ind lr, $3  }
0x3a: {  	_ = 	snop  }
0x3b: {  	_ = 	snop  }
0x3c: {  	p2 =	seq.s32 s10, $0x1;
	s10 =	sld [smem:$0x3FAD]  }
0x3d: {  	_ =	shalt  }
0x3e: {  	_ =	shalt  }
0x3f: {  	_ =	shalt  }
0x40: {  	_ =	shalt  }
0x41: {  	_ =	shalt  }
0x42: {  	_ =	shalt  }
0x43: {  	_ =	shalt  }
0x44: {  	_ =	shalt  }
0x45: {  	_ =	shalt  }
0x46: {  	_ =	shalt  }
0x47: {  	_ =	shalt  }
0x48: {  	_ =	shalt  }
0x49: {  	_ =	shalt  }
0x4a: {  	_ =	shalt  }
0x4b: {  	_ =	shalt  }
0x4c: {  	_ =	shalt  }
0x4d: {  	_ =	shalt  }
0x4e: {  	_ =	shalt  }
0x4f: {  	_ =	shalt  }
0x50: {  	_ =	shalt  }
0x51: {  	_ =	shalt  }
0x52: {  	_ =	shalt  }
0x53: {  	_ =	shalt  }
0x54: {  	_ =	shalt  }
0x55: {  	_ =	shalt  }
0x56: {  	_ =	shalt  }
0x57: {  	_ =	shalt  }
0x58: {  	_ =	shalt  }
0x59: {  	_ =	shalt  }
0x5a: {  	_ =	shalt  }
0x5b: {  	_ =	shalt  }
0x5c: {  	_ =	shalt  }
0x5d: {  	_ =	shalt  }
0x5e: {  	_ =	shalt  }
0x5f: {  	_ =	shalt  }
0x60: {  	_ =	shalt  }
0x61: {  	_ =	shalt  }
0x62: {  	_ =	shalt  }
0x63: {  	_ =	shalt  }
0x64: {  	_ =	shalt  }
0x65: {  	_ =	shalt  }
0x66: {  	_ =	shalt  }
0x67: {  	_ =	shalt  }
0x68: {  	_ =	shalt  }
0x69: {  	_ =	shalt  }
0x6a: {  	_ =	shalt  }
0x6b: {  	_ =	shalt  }
0x6c: {  	_ =	shalt  }
0x6d: {  	_ =	shalt  }
0x6e: {  	_ =	shalt  }
0x6f: {  	_ =	shalt  }
0x70: {  	_ =	shalt  }
0x71: {  	_ =	shalt  }
0x72: {  	_ =	shalt  }
0x73: {  	_ =	shalt  }
0x74: {  	_ =	shalt  }
0x75: {  	_ =	shalt  }
0x76: {  	_ =	shalt  }
0x77: {  	_ =	shalt  }
0x78: {  	_ =	shalt  }
0x79: {  	_ =	shalt  }
0x7a: {  	_ =	shalt  }
0x7b: {  	_ =	shalt  }
0x7c: {  	_ =	shalt  }
0x7d: {  	_ =	shalt  }
0x7e: {  	_ =	shalt  }
0x7f: {  	_ =	shalt  }
0x80: {  	_ =	shalt  }
0x81: {  	_ =	shalt  }
0x82: {  	_ =	shalt  }
0x83: {  	_ =	shalt  }
0x84: {  	_ =	shalt  }
0x85: {  	_ =	shalt  }
0x86: {  	_ =	shalt  }
0x87: {  	_ =	shalt  }
.Lfunc_end0:
.L_simem_size_0:
called_computation_lowered:
.L_overlay_start_0:
0x88: {  	s2 =	sld [smem:$0x3FD9]  }
0x89: {  	s3 =	sld [smem:$0x3FFE];
	_ =	sdelay $0x1  }
0x8a: {  	s1 =	srdreg.scid  }
0x8b: {  	s0 =	sand.u32 $0x1, s1  }
0x8c: {  	s17 =	sshll.u32 s0, $0xA;
	s2 =	sadd.s32 s3, s2  }
0x8d: {  	s2 =	sadd.s32 s2, s17  }
0x8e: {  	[smem:$0x3FB9] =	sst s2  }
0x8f: {  	_ = 	snop  }
0x90: {  	s2 =	sld [smem:$0x3FD0];
	(tm) =	ssettm $0x1  }
0x91: {  	s18 =	sld [smem:$0x3FFB];
	_ =	sdelay $0x3  }
0x92: {  	_ =	strace s18  }
0x93: {  	s3 =	sld [smem:$0x3FFC];
	_ =	sdelay $0x3  }
0x94: {  	_ =	strace s3  }
0x95: {  	s3 =	sld [smem:$0x3FFD];
	_ =	sdelay $0x3  }
0x96: {  	_ =	strace s3  }
0x97: {  	_ =	strace $0x8FFFFFFF  }
0x98: {  	s19 =	sld [smem:$0x3FDB];
	_ =	sdelay $0x1  }
0x99: {  	s4 =	simm.s32 $_scs_section_size  }
0x9a: {  	s5 =	simm.s32 $_size__tile_overlayer_lowered;
	s6 =	simm.s32 $_tile_overlayer_lowered  }
0x9b: {  	s22 =	simm.s32 $0x1BFF;
	s21 =	sshll.u32 s6, $0x1;
	s3 =	sadd.s32 s4, s19  }
0x9c: {  	s7 =	simm.s32 $0x0;
	s20 =	sshll.u32 s5, $0x1;
	s5 =	sadd.s32 s21, s3  }
0x9d: {  	[timem:s7], [sflag:s22] =	dma.local [hbm:s5], s20  }
0x9e: {  	_ =	swait.ge [sflag:s22], s20  }
0x9f: {  	s4 =	ssub.s32 $0x0, s20;
	[sflag:s22] =	ssyncset.done $0x0  }
0xa0: {  	[sflag:s22] =	ssyncadd.s32 s4;
	_ =	sdelay $0x1  }
0xa1: {  	s23 =	simm.s32 $0x1B8B  }
0xa2: {  	_ =	swait.ge [sflag:s23], $0x1  }
0xa3: {  	[sflag:s23] =	ssyncset.done $0x0  }
0xa4: {  	s25 =	simm.s32 $0x1B8E;
	s24 =	sld [smem:$0x3FFE];
	[sflag:s23] =	ssyncadd.s32 $0xFFFFFFFF  }
0xa5: {  	s26 =	simm.s32 $execute0_lowered;
	[smem:$0x3FD2] =	sst s25  }
0xa6: {  	s5 =	sshll.u32 s26, $0x1;
	_ =	strace $0x80000046;
	[dreg:$0x1] =	wrdreg $0xFFFFFFFF  }
0xa7: {  	s28 =	simm.s32 $_size_execute0_lowered;
	s3 =	sadd.s32 s3, s5;
	[dreg:$0x0] =	wrdreg $0x0  }
0xa8: {  	s5 =	sshll.u32 s28, $0x1;
	[dreg:$0x2] =	wrdreg s3  }
0xa9: {  	[dreg:$0x3] =	wrdreg s5  }
0xaa: {  	[dreg:$0x4] =	wrdreg $0xC0  }
0xab: {  	_ =	task [dreg:s7], $0x5FFFF  }
0xac: {  	[dreg:$0x1] =	wrdreg $0xFFFFFFFF  }
0xad: {  	[dreg:$0x0] =	wrdreg $0x60  }
0xae: {  	[dreg:$0x2] =	wrdreg s24  }
0xaf: {  	[dreg:$0x3] =	wrdreg s2  }
0xb0: {  	[dreg:$0x4] =	wrdreg $0xBE800  }
0xb1: {  	[dreg:$0x5] =	wrdreg $0x1FA800  }
0xb2: {  	[dreg:$0x6] =	wrdreg $0x9  }
0xb3: {  	_ =	task.clear_ibuf [dreg:s7], $0x7FFFF;
	_ =	strace $0x90000046  }
0xb4: {  	s29 =	simm.s32 $0x9;
	_ =	strace $0x80000048  }
0xb5: {  	_ =	swait.ge [sflag:s29], $0x1  }
0xb6: {  	[sflag:s29] =	ssyncadd.s32 $0xFFFFFFFF  }
0xb7: {  	_ =	strace $0x90000048  }
0xb8: {  	_ =	sfence  }
0xb9: {  	s30 =	sld [smem:$0x0];
	_ =	sdelay $0x2  }
0xba: {  	s31 =	sshll.u32 s1, $0xD;
	s1 =	sshrl.u32 s1, $0x2  }
0xbb: {  	s3 =	sand.u32 $0x4000, s31;
	s1 =	sadd.s32 s1, s30  }
0xbc: {  	s0 =	sor.u32 s3, s0;
	s1 =	sshll.u32 s1, $0x11  }
0xbd: {  	s0 =	sor.u32 s1, s0  }
0xbe: {  	s0 =	sadd.s32 $0x8F2B, s0  }
0xbf: {  	[sflag:s0] =	ssyncadd.remote.s32 $0x1  }
0xc0: {  	_ =	sfence.sel $0xFFFF  }
0xc1: {  	[dreg:$0x0] =	wrdreg $0xFFFFFFFF;
	(pc) =	sbr.abs _section_cstart, $3  }
0xc2: {  	[dreg:$0x1] =	wrdreg $0xFFFFFFFF  }
0xc3: {  	_ =	task.clear_ibuf [dreg:s7], $0x2FFFF;
	_ =	strace $0x9FFFFFFF  }
0xc4: {  	(tm) =	ssettm $0x7FFFFFFF  }
0xc5: {  	_ =	shalt  }
tec
execute0_lowered:
.L_overlay_start_1:
0x0: {  	(tag) =	ssettag $0x1  }
0x1: {  	s0 =	rddreg [dreg:$0x0];
	s15 =	stileid.u32  }
0x2: {  	s1 =	srdreg.scid;
	s8 =	smul.u32 $0x13C00, s15  }
0x3: {  	s6 =	rddreg [dreg:$0x1];
	s10 =	smul.u32 $0x278, s15  }
0x4: {  	s2 =	rddreg [dreg:$0x2];
	s30 =	simm.s32 $0x30;
	s20 =	smul.u32 $0x4F000, s15  }
0x5: {  	s29 =	simm.s32 $0x16;
	s1 =	sand.u32 $0x1, s1;
	s23 =	smul.u32 $0x5100, s15  }
0x6: {  	s28 =	simm.s32 $0x5B80;
	s31 =	simm.s32 $0x7380;
	s9 =	smul.u32 $0x13C000, s1  }
0x7: {  	s3 =	sshll.u32 s15, $0x1;
	s5 =	sadd.s32 $0x2E00, s0;
	s12 =	smul.u32 $0x2780, s1  }
0x8: {  	s4 =	sor.u32 s1, s3;
	s26 =	ssub.s32 $0x2, s1;
	s1 =	smul.u32 $0x2880, s1  }
0x9: {  	s16 =	sadd.s32 $0x34200, s0;
	s3 =	rddreg [dreg:$0x3];
	s7 =	smul.u32 $0x2880, s4  }
0xa: {  	s4 =	simm.s32 $0x0;
	s11 =	sshrl.u32 s8, $0x3;
	s14 =	sshrl.u32 s26, $0x1  }
0xb: {  	s18 =	sadd.s32 s10, s3;
	[smem:$0x7FF] =	sst s4;
	s11 =	sadd.s32 s11, s0  }
0xc: {  	s8 =	sadd.s32 s8, s9;
	s25 =	sadd.s32 s10, s12;
	s17 =	ssub.s32 s26, s14  }
0xd: {  	s26 =	sshrl.u32 s10, $0x3;
	s1 =	sadd.s32 s1, s23;
	s10 =	simm.s32 $0x12  }
0xe: {  	_ =	strace $0x80000047;
	s7 =	sshrl.u32 s7, $0x3;
	s8 =	sshrl.u32 s8, $0x3  }
0xf: {  	s9 =	sshrl.u32 s25, $0x3;
	s11 =	sadd.s32 $0x3E400, s11;
	[dreg:$0x5] =	wrdreg s16  }
0x10: {  	s6 =	sadd.s32 s6, s26;
	s12 =	sadd.s32 $0x210, s1;
	[dreg:$0xf] =	wrdreg s18  }
0x11: {  	s15 =	sadd.s32 $0x1E0, s1;
	s17 =	smax.u32 s17, $0x1;
	[dreg:$0xd] =	wrdreg s11  }
0x12: {  	s13 =	sadd.s32 s7, s0;
	s8 =	sadd.s32 s8, s0;
	[dreg:$0xe] =	wrdreg s6  }
0x13: {  	s0 =	sadd.s32 s9, s0;
	s14 =	sshrl.u32 s12, $0x3;
	[dreg:$0x12] =	wrdreg s17  }
0x14: {  	s17 =	simm.s32 $0x2980;
	s9 =	simm.s32 $0x8B80;
	s19 =	sadd.s32 $0x2A000, s13  }
0x15: {  	s12 =	simm.s32 $0x18;
	s11 =	sadd.s32 $0x66600, s8;
	[dreg:$0x6] =	wrdreg s19  }
0x16: {  	s13 =	sadd.s32 s16, s7;
	s0 =	sadd.s32 $0x65C00, s0;
	[dreg:$0x10] =	wrdreg s11  }
0x17: {  	s7 =	sshrl.u32 s20, $0x2;
	s20 =	sadd.s32 $0x1B0, s1;
	[dreg:$0x11] =	wrdreg s0  }
0x18: {  	s8 =	simm.s32 $0x2B80;
	s21 =	sadd.s32 $0x6, s13;
	[dreg:$0x7] =	wrdreg s13  }
0x19: {  	s22 =	sadd.s32 $0xC, s13;
	s24 =	sadd.s32 $0x12, s13;
	[dreg:$0x8] =	wrdreg s21  }
0x1a: {  	s25 =	sadd.s32 $0x18, s13;
	s7 =	sadd.s32 s7, s2;
	[dreg:$0x9] =	wrdreg s22  }
0x1b: {  	s0 =	sadd.s32 s14, s16;
	s19 =	sshrl.u32 s15, $0x3;
	[dreg:$0xa] =	wrdreg s24  }
0x1c: {  	s26 =	sadd.s32 $0x1E, s13;
	s11 =	simm.s32 $0x2B00;
	[dreg:$0xb] =	wrdreg s25  }
0x1d: {  	s13 =	simm.s32 $0xA380;
	s15 =	simm.s32 $0x0;
	[dreg:$0xc] =	wrdreg s7  }
0x1e: {  	[dreg:$0x13] =	wrdreg s0;
	s0 =	sadd.s32 s19, s16;
	s21 =	sadd.s32 $0x180, s1  }
0x1f: {  	s22 =	sadd.s32 $0x150, s1;
	s25 =	sadd.s32 $0x120, s1;
	[dreg:$0x19] =	wrdreg s26  }
0x20: {  	s19 =	simm.s32 $0x19;
	s1 =	simm.s32 $0x11;
	s7 =	simm.s32 $0x17  }
0x21: {  	[dreg:$0x14] =	wrdreg s0;
	s0 =	sshrl.u32 s20, $0x3;
	s6 =	sshrl.u32 s21, $0x3  }
0x22: {  	s24 =	sshrl.u32 s22, $0x3;
	[dreg:$0x18] =	wrdreg s25;
	s25 =	simm.s32 $0x2900  }
.Ltmp0:
0x23: {  	s21 =	simm.s32 $0x5B80;
	s0 =	sadd.s32 s0, s16;
	(pc) =	sbr.rel .LBB2_1-.Ltmp0, $4  }
0x24: {  	s22 =	simm.s32 $0x7380;
	s23 =	sadd.s32 s6, s16;
	[dreg:$0x15] =	wrdreg s0  }
0x25: {  	s20 =	simm.s32 $0xBB80;
	s6 =	simm.s32 $0x2A00;
	[dreg:$0x16] =	wrdreg s23  }
0x26: {  	s0 =	sadd.s32 s24, s16;
	s24 =	simm.s32 $0x2880;
	s16 =	simm.s32 $0x4380  }
0x27: {  	v0 =	vimm.f32 $1.000000000e+00;
	s23 =	simm.s32 $0xBC00;
	[dreg:$0x17] =	wrdreg s0;
	s0 =	simm.s32 $0x2A80  }
.LBB2_4:
0x28: {  	s0 =	simm.s32 $0xE  }
0x29: {  	_ =	swait.ge [sflag:s0], $0x1800  }
0x2a: {  	[sflag:s0] =	ssyncset.done $0x0  }
0x2b: {  	s15 =	simm.s32 $0x14;
	[sflag:s0] =	ssyncadd.s32 $0xFFFFE800  }
0x2c: {  	_ =	swait.ge [sflag:s15], $0x30  }
0x2d: {  	[sflag:s15] =	ssyncset.done $0x0  }
0x2e: {  	s17 =	simm.s32 $0xF;
	[sflag:s15] =	ssyncadd.s32 $0xFFFFFFD0  }
0x2f: {  	_ =	swait.ge [sflag:s17], $0x1800  }
0x30: {  	[sflag:s17] =	ssyncset.done $0x0  }
0x31: {  	s18 =	simm.s32 $0x15;
	[sflag:s17] =	ssyncadd.s32 $0xFFFFE800  }
0x32: {  	_ =	swait.ge [sflag:s18], $0x30  }
0x33: {  	[sflag:s18] =	ssyncset.done $0x0  }
0x34: {  	s19 =	simm.s32 $0x10;
	[sflag:s18] =	ssyncadd.s32 $0xFFFFFFD0  }
0x35: {  	_ =	swait.ge [sflag:s19], $0x1800  }
0x36: {  	[sflag:s19] =	ssyncset.done $0x0  }
0x37: {  	[sflag:s19] =	ssyncadd.s32 $0xFFFFE800  }
0x38: {  	_ =	swait.ge [sflag:s29], $0x30  }
0x39: {  	[sflag:s29] =	ssyncset.done $0x0  }
0x3a: {  	[sflag:s29] =	ssyncadd.s32 $0xFFFFFFD0  }
0x3b: {  	_ =	swait.ge [sflag:s1], $0x1800  }
0x3c: {  	[sflag:s1] =	ssyncset.done $0x0  }
0x3d: {  	[sflag:s1] =	ssyncadd.s32 $0xFFFFE800  }
0x3e: {  	_ =	swait.ge [sflag:s7], $0x30  }
0x3f: {  	[sflag:s7] =	ssyncset.done $0x0  }
0x40: {  	[sflag:s7] =	ssyncadd.s32 $0xFFFFFFD0  }
0x41: {  	_ =	swait.ge [sflag:s10], $0x1800  }
0x42: {  	[sflag:s10] =	ssyncset.done $0x0  }
0x43: {  	[sflag:s10] =	ssyncadd.s32 $0xFFFFE800  }
0x44: {  	_ =	swait.ge [sflag:s12], $0x30  }
0x45: {  	[sflag:s12] =	ssyncset.done $0x0  }
0x46: {  	[sflag:s12] =	ssyncadd.s32 $0xFFFFFFD0  }
0x47: {  	[bflag:$0x0] =	sbarrier.arrive $0xFFFF  }
0x48: {  	s14 =	rddreg [dreg:$0x10]  }
0x49: {  	s21 =	rddreg [dreg:$0x1b]  }
0x4a: {  	s19 =	simm.s32 $0x19;
	s6 =	rddreg [dreg:$0x1c]  }
0x4b: {  	[hbm:s14], [sflag:s21] =	dma.local [spmem:s6], $0x2780  }
0x4c: {  	_ =	swait.ge [sflag:s19], $0x2780  }
0x4d: {  	[sflag:s19] =	ssyncset.done $0x0  }
0x4e: {  	s23 =	simm.s32 $0xBC00;
	s18 =	rddreg [dreg:$0xf];
	[sflag:s19] =	ssyncadd.s32 $0xFFFFD880  }
0x4f: {  	[tilespmem:s23], [sflag:$0x19] =	stream.linear.gather [spmem:s18], $0x278, $0x38;
	[tilespmem:$0x1FCF8] =	vst v63  }
0x50: {  	_ =	swait.ge [sflag:s19], $0x278  }
0x51: {  	[sflag:s19] =	ssyncset.done $0x0  }
0x52: {  	s22 =	rddreg [dreg:$0x11];
	[sflag:s19] =	ssyncadd.s32 $0xFFFFFD88  }
0x53: {  	[hbm4b:s22+s4] =	stream.linear.scatter [tilespmem:s23], [sflag:$0x19], $0x278, $0x38;
	[tilespmem:$0x1FCF8] =	vst v63  }
0x54: {  	_ =	swait.ge [sflag:s19], $0x278  }
0x55: {  	s15 =	rddreg [dreg:$0x1a]  }
0x56: {  	s26 =	rddreg [dreg:$0x12];
	s15 =	sadd.s32 $0x1, s15  }
0x57: {  	p0 =	sne.s32 s15, s26  }
.Ltmp1:
0x58: {  	_ = 	snop;
	(pc) =	sbr.rel @!p0 .LBB2_5-.Ltmp1, $4  }
0x59: {  	s9 =	simm.s32 $0x8B80  }
0x5a: {  	s11 =	simm.s32 $0x2B00;
	s13 =	simm.s32 $0xA380;
	s0 =	simm.s32 $0x2A80  }
0x5b: {  	s17 =	simm.s32 $0x2980;
	s21 =	simm.s32 $0x5B80;
	[sflag:s19] =	ssyncset.done $0x0  }
0x5c: {  	s6 =	simm.s32 $0x2A00;
	s22 =	simm.s32 $0x7380;
	[sflag:s19] =	ssyncadd.s32 $0xFFFFFD88  }
.LBB2_1:
0x5d: {  	[dreg:$0x1a] =	wrdreg s15  }
0x5e: {  	s14 =	rddreg [dreg:$0x6]  }
0x5f: {  	[tilespmem:s4], [sflag:$0x19] =	stream.linear.gather [hbm4b:s14+s4], $0x2880, $0x38;
	[tilespmem:$0x1FCF8] =	vst v63  }
0x60: {  	_ =	swait.ge [sflag:s19], $0x2880  }
0x61: {  	[sflag:s19] =	ssyncset.done $0x0  }
0x62: {  	s26 =	rddreg [dreg:$0x7];
	[sflag:s19] =	ssyncadd.s32 $0xFFFFD780  }
0x63: {  	[tilespmem:s24], [sflag:$0x7] =	stream.linear.gather [hbm4b:s26+s4], $0x30, $0x38;
	[tilespmem:$0x1FCF8] =	vst v63  }
0x64: {  	_ = 	snop  }
0x65: {  	[tilespmem:s8], [sflag:$0x1] =	stream.indirect.gather [hbm4b:s5+s30], $0x80, s4, s30, $0xb8;
	[tilespmem:$0x1FCF8] =	vst v63  }
0x66: {  	s15 =	rddreg [dreg:$0x8]  }
0x67: {  	[tilespmem:s25], [sflag:$0x8] =	stream.linear.gather [hbm4b:s15+s4], $0x30, $0x38;
	[tilespmem:$0x1FCF8] =	vst v63  }
0x68: {  	_ = 	snop  }
0x69: {  	[tilespmem:s16], [sflag:$0x2] =	stream.indirect.gather [hbm4b:s5+s30], $0x80, s30, s30, $0xb8;
	[tilespmem:$0x1FCF8] =	vst v63  }
0x6a: {  	s26 =	rddreg [dreg:$0x9]  }
0x6b: {  	[tilespmem:s17], [sflag:$0x9] =	stream.linear.gather [hbm4b:s26+s4], $0x30, $0x38;
	[tilespmem:$0x1FCF8] =	vst v63  }
0x6c: {  	s15 =	simm.s32 $0x60  }
0x6d: {  	[tilespmem:s21], [sflag:$0x3] =	stream.indirect.gather [hbm4b:s5+s30], $0x80, s15, s30, $0xb8;
	[tilespmem:$0x1FCF8] =	vst v63  }
0x6e: {  	s17 =	rddreg [dreg:$0xa]  }
0x6f: {  	[tilespmem:s6], [sflag:$0xA] =	stream.linear.gather [hbm4b:s17+s4], $0x30, $0x38;
	[tilespmem:$0x1FCF8] =	vst v63  }
0x70: {  	s21 =	simm.s32 $0x90  }
0x71: {  	[tilespmem:s22], [sflag:$0x4] =	stream.indirect.gather [hbm4b:s5+s30], $0x80, s21, s30, $0xb8;
	[tilespmem:$0x1FCF8] =	vst v63  }
0x72: {  	s26 =	rddreg [dreg:$0xb]  }
0x73: {  	[tilespmem:s0], [sflag:$0xB] =	stream.linear.gather [hbm4b:s26+s4], $0x30, $0x38;
	[tilespmem:$0x1FCF8] =	vst v63  }
0x74: {  	s6 =	simm.s32 $0xC0  }
0x75: {  	[tilespmem:s9], [sflag:$0x5] =	stream.indirect.gather [hbm4b:s5+s30], $0x80, s6, s30, $0xb8;
	[tilespmem:$0x1FCF8] =	vst v63  }
0x76: {  	s9 =	rddreg [dreg:$0x19]  }
0x77: {  	[tilespmem:s11], [sflag:$0xC] =	stream.linear.gather [hbm4b:s9+s4], $0x30, $0x38;
	[tilespmem:$0x1FCF8] =	vst v63  }
0x78: {  	s11 =	simm.s32 $0xF0  }
0x79: {  	[tilespmem:s13], [sflag:$0x6] =	stream.indirect.gather [hbm4b:s5+s30], $0x80, s11, s30, $0xb8;
	[tilespmem:$0x1FCF8] =	vst v63  }
0x7a: {  	s17 =	rddreg [dreg:$0xc];
	s13 =	stileid.u32  }
0x7b: {  	s21 =	sshrl.u32 s17, $0x3;
	s22 =	rddreg [dreg:$0xd];
	s14 =	sshll.u32 s13, $0x6  }
0x7c: {  	[dreg:$0x1c] =	wrdreg s21;
	s15 =	sor.u32 $0x1C19, s14  }
0x7d: {  	[dreg:$0x1b] =	wrdreg s15  }
0x7e: {  	[spmem:s21], [sflag:s15] =	dma.local [hbm:s22], $0x2780  }
0x7f: {  	_ =	swait.ge [sflag:s19], $0x2780  }
0x80: {  	[sflag:s19] =	ssyncset.done $0x0  }
0x81: {  	s26 =	rddreg [dreg:$0xe];
	[sflag:s19] =	ssyncadd.s32 $0xFFFFD880  }
0x82: {  	[tilespmem:s23], [sflag:$0x19] =	stream.linear.gather [hbm4b:s26+s4], $0x278, $0x38;
	[tilespmem:$0x1FCF8] =	vst v63  }
0x83: {  	_ =	swait.ge [sflag:s19], $0x278  }
0x84: {  	[sflag:s19] =	ssyncset.done $0x0  }
0x85: {  	[sflag:s19] =	ssyncadd.s32 $0xFFFFFD88  }
0x86: {  	[spmem:s18] =	stream.linear.scatter [tilespmem:s23], [sflag:$0x19], $0x278, $0x38;
	[tilespmem:$0x1FCF8] =	vst v63  }
0x87: {  	_ =	swait.ge [sflag:s19], $0x278  }
0x88: {  	[sflag:s19] =	ssyncset.done $0x0  }
0x89: {  	[sflag:s19] =	ssyncadd.s32 $0xFFFFFD88  }
0x8a: {  	[tilespmem:$0xBB80] =	vst v0  }
0x8b: {  	[tilespmem:$0xBB90] =	vst v0  }
0x8c: {  	[tilespmem:$0xBBA0] =	vst v0  }
0x8d: {  	[bflag:$0x0] =	sbarrier.arrive $0xFFFF  }
0x8e: {  	s14 =	rddreg [dreg:$0x18]  }
0x8f: {  	s18 =	rddreg [dreg:$0x17]  }
0x90: {  	s17 =	simm.s32 $0x2980;
	s19 =	rddreg [dreg:$0x16]  }
0x91: {  	s0 =	simm.s32 $0x2A80;
	s6 =	simm.s32 $0x2A00;
	s21 =	rddreg [dreg:$0x15]  }
0x92: {  	s9 =	simm.s32 $0x8B80;
	s11 =	simm.s32 $0x2B00;
	s22 =	rddreg [dreg:$0x14]  }
0x93: {  	s13 =	simm.s32 $0xA380;
	s23 =	simm.s32 $0x0;
	s26 =	rddreg [dreg:$0x13]  }
.LBB2_2:
0x94: {  	s15 =	simm.s32 $0x7  }
0x95: {  	_ =	swait.ge [sflag:s15], $0x30  }
0x96: {  	[sflag:s15] =	ssyncset.done $0x0  }
0x97: {  	[sflag:s15] =	ssyncadd.s32 $0xFFFFFFD0;
	s15 =	simm.s32 $0x1  }
0x98: {  	_ =	swait.ge [sflag:s15], $0x1800  }
0x99: {  	[sflag:s15] =	ssyncset.done $0x0  }
0x9a: {  	[sflag:s15] =	ssyncadd.s32 $0xFFFFE800  }
0x9b: {  	[spmem:s2] =	stream.indirect.scatter.add.f32 [tilespmem:s8], [sflag:$0xD], $0x80, s24, s30, $0xb8;
	[tilespmem:$0x1FCF8] =	vst v63  }
0x9c: {  	s15 =	simm.s32 $0x8  }
0x9d: {  	[spmem:s3] =	stream.indirect.scatter.add.f32 [tilespmem:s20], [sflag:$0x13], $0x1, s24, s30, $0xb8;
	[tilespmem:$0x1FCF8] =	vst v63  }
0x9e: {  	_ =	swait.ge [sflag:s15], $0x30  }
0x9f: {  	[sflag:s15] =	ssyncset.done $0x0  }
0xa0: {  	[sflag:s15] =	ssyncadd.s32 $0xFFFFFFD0;
	s15 =	simm.s32 $0x2  }
0xa1: {  	_ =	swait.ge [sflag:s15], $0x1800  }
0xa2: {  	[sflag:s15] =	ssyncset.done $0x0  }
0xa3: {  	[sflag:s15] =	ssyncadd.s32 $0xFFFFE800  }
0xa4: {  	[spmem:s2] =	stream.indirect.scatter.add.f32 [tilespmem:s16], [sflag:$0xE], $0x80, s25, s30, $0xb8;
	[tilespmem:$0x1FCF8] =	vst v63  }
0xa5: {  	s15 =	simm.s32 $0x9  }
0xa6: {  	[spmem:s3] =	stream.indirect.scatter.add.f32 [tilespmem:s20], [sflag:$0x14], $0x1, s25, s30, $0xb8;
	[tilespmem:$0x1FCF8] =	vst v63  }
0xa7: {  	_ =	swait.ge [sflag:s15], $0x30  }
0xa8: {  	[sflag:s15] =	ssyncset.done $0x0  }
0xa9: {  	[sflag:s15] =	ssyncadd.s32 $0xFFFFFFD0;
	s15 =	simm.s32 $0x3  }
0xaa: {  	_ =	swait.ge [sflag:s15], $0x1800  }
0xab: {  	[sflag:s15] =	ssyncset.done $0x0  }
0xac: {  	[sflag:s15] =	ssyncadd.s32 $0xFFFFE800  }
0xad: {  	[spmem:s2] =	stream.indirect.scatter.add.f32 [tilespmem:s28], [sflag:$0xF], $0x80, s17, s30, $0xb8;
	[tilespmem:$0x1FCF8] =	vst v63  }
0xae: {  	s15 =	simm.s32 $0xA  }
0xaf: {  	[spmem:s3] =	stream.indirect.scatter.add.f32 [tilespmem:s20], [sflag:$0x15], $0x1, s17, s30, $0xb8;
	[tilespmem:$0x1FCF8] =	vst v63  }
0xb0: {  	_ =	swait.ge [sflag:s15], $0x30  }
0xb1: {  	[sflag:s15] =	ssyncset.done $0x0  }
0xb2: {  	[sflag:s15] =	ssyncadd.s32 $0xFFFFFFD0;
	s15 =	simm.s32 $0x4  }
0xb3: {  	_ =	swait.ge [sflag:s15], $0x1800  }
0xb4: {  	[sflag:s15] =	ssyncset.done $0x0  }
0xb5: {  	[sflag:s15] =	ssyncadd.s32 $0xFFFFE800  }
0xb6: {  	[spmem:s2] =	stream.indirect.scatter.add.f32 [tilespmem:s31], [sflag:$0x10], $0x80, s6, s30, $0xb8;
	[tilespmem:$0x1FCF8] =	vst v63  }
0xb7: {  	s15 =	simm.s32 $0xB  }
0xb8: {  	[spmem:s3] =	stream.indirect.scatter.add.f32 [tilespmem:s20], [sflag:$0x16], $0x1, s6, s30, $0xb8;
	[tilespmem:$0x1FCF8] =	vst v63  }
0xb9: {  	_ =	swait.ge [sflag:s15], $0x30  }
0xba: {  	[sflag:s15] =	ssyncset.done $0x0  }
0xbb: {  	[sflag:s15] =	ssyncadd.s32 $0xFFFFFFD0;
	s15 =	simm.s32 $0x5  }
0xbc: {  	_ =	swait.ge [sflag:s15], $0x1800  }
0xbd: {  	[sflag:s15] =	ssyncset.done $0x0  }
0xbe: {  	[sflag:s15] =	ssyncadd.s32 $0xFFFFE800  }
0xbf: {  	[spmem:s2] =	stream.indirect.scatter.add.f32 [tilespmem:s9], [sflag:$0x11], $0x80, s0, s30, $0xb8;
	[tilespmem:$0x1FCF8] =	vst v63  }
0xc0: {  	s15 =	simm.s32 $0xC  }
0xc1: {  	[spmem:s3] =	stream.indirect.scatter.add.f32 [tilespmem:s20], [sflag:$0x17], $0x1, s0, s30, $0xb8;
	[tilespmem:$0x1FCF8] =	vst v63  }
0xc2: {  	_ =	swait.ge [sflag:s15], $0x30  }
0xc3: {  	[sflag:s15] =	ssyncset.done $0x0  }
0xc4: {  	[sflag:s15] =	ssyncadd.s32 $0xFFFFFFD0;
	s15 =	simm.s32 $0x6  }
0xc5: {  	_ =	swait.ge [sflag:s15], $0x1800  }
0xc6: {  	[sflag:s15] =	ssyncset.done $0x0  }
0xc7: {  	[sflag:s15] =	ssyncadd.s32 $0xFFFFE800  }
0xc8: {  	[spmem:s2] =	stream.indirect.scatter.add.f32 [tilespmem:s13], [sflag:$0x12], $0x80, s11, s30, $0xb8;
	[tilespmem:$0x1FCF8] =	vst v63  }
0xc9: {  	s15 =	simm.s32 $0xD  }
0xca: {  	[spmem:s3] =	stream.indirect.scatter.add.f32 [tilespmem:s20], [sflag:$0x18], $0x1, s11, s30, $0xb8;
	[tilespmem:$0x1FCF8] =	vst v63  }
0xcb: {  	p0 =	seq.s32 s23, $0x9D80;
	_ =	swait.ge [sflag:s15], $0x1800  }
.Ltmp2:
0xcc: {  	[sflag:s15] =	ssyncset.done $0x0;
	(pc) =	sbr.rel @p0 .LBB2_4-.Ltmp2, $4  }
0xcd: {  	[sflag:s15] =	ssyncadd.s32 $0xFFFFE800;
	s15 =	simm.s32 $0x13  }
0xce: {  	_ =	swait.ge [sflag:s15], $0x30  }
0xcf: {  	[sflag:s15] =	ssyncset.done $0x0  }
0xd0: {  	[sflag:s15] =	ssyncadd.s32 $0xFFFFFFD0  }
0xd1: {  	s24 =	sshrl.u32 s14, $0x3;
	s25 =	rddreg [dreg:$0x5]  }
0xd2: {  	s8 =	simm.s32 $0x2880;
	s24 =	sadd.s32 s25, s24  }
0xd3: {  	[tilespmem:s8], [sflag:$0x7] =	stream.linear.gather [hbm4b:s24+s4], $0x30, $0x38;
	[tilespmem:$0x1FCF8] =	vst v63  }
0xd4: {  	s24 =	sshra.s32 s23, $0x2  }
0xd5: {  	s8 =	simm.s32 $0x2B80;
	s15 =	sadd.s32 $0x120, s24  }
0xd6: {  	[tilespmem:s8], [sflag:$0x1] =	stream.indirect.gather [hbm4b:s5+s30], $0x80, s15, s30, $0xb8;
	[tilespmem:$0x1FCF8] =	vst v63  }
0xd7: {  	s15 =	simm.s32 $0xE  }
0xd8: {  	_ =	swait.ge [sflag:s15], $0x1800  }
0xd9: {  	[sflag:s15] =	ssyncset.done $0x0  }
0xda: {  	s25 =	simm.s32 $0x14;
	[sflag:s15] =	ssyncadd.s32 $0xFFFFE800  }
0xdb: {  	_ =	swait.ge [sflag:s25], $0x30  }
0xdc: {  	[sflag:s25] =	ssyncset.done $0x0  }
0xdd: {  	s16 =	simm.s32 $0x2900;
	[sflag:s25] =	ssyncadd.s32 $0xFFFFFFD0  }
0xde: {  	[tilespmem:s16], [sflag:$0x8] =	stream.linear.gather [hbm4b:s18+s4], $0x30, $0x38;
	[tilespmem:$0x1FCF8] =	vst v63  }
0xdf: {  	s15 =	sadd.s32 $0x150, s24;
	s25 =	simm.s32 $0xF;
	s16 =	simm.s32 $0x4380  }
0xe0: {  	[tilespmem:s16], [sflag:$0x2] =	stream.indirect.gather [hbm4b:s5+s30], $0x80, s15, s30, $0xb8;
	[tilespmem:$0x1FCF8] =	vst v63  }
0xe1: {  	_ =	swait.ge [sflag:s25], $0x1800  }
0xe2: {  	[sflag:s25] =	ssyncset.done $0x0  }
0xe3: {  	[sflag:s25] =	ssyncadd.s32 $0xFFFFE800;
	s25 =	simm.s32 $0x15  }
0xe4: {  	_ =	swait.ge [sflag:s25], $0x30  }
0xe5: {  	[sflag:s25] =	ssyncset.done $0x0  }
0xe6: {  	[sflag:s25] =	ssyncadd.s32 $0xFFFFFFD0  }
0xe7: {  	[tilespmem:s17], [sflag:$0x9] =	stream.linear.gather [hbm4b:s19+s4], $0x30, $0x38;
	[tilespmem:$0x1FCF8] =	vst v63  }
0xe8: {  	s15 =	sadd.s32 $0x180, s24;
	s25 =	simm.s32 $0x10  }
0xe9: {  	[tilespmem:s28], [sflag:$0x3] =	stream.indirect.gather [hbm4b:s5+s30], $0x80, s15, s30, $0xb8;
	[tilespmem:$0x1FCF8] =	vst v63  }
0xea: {  	_ =	swait.ge [sflag:s25], $0x1800  }
0xeb: {  	[sflag:s25] =	ssyncset.done $0x0  }
0xec: {  	[sflag:s25] =	ssyncadd.s32 $0xFFFFE800  }
0xed: {  	_ =	swait.ge [sflag:s29], $0x30  }
0xee: {  	[sflag:s29] =	ssyncset.done $0x0  }
0xef: {  	[sflag:s29] =	ssyncadd.s32 $0xFFFFFFD0  }
0xf0: {  	[tilespmem:s6], [sflag:$0xA] =	stream.linear.gather [hbm4b:s21+s4], $0x30, $0x38;
	[tilespmem:$0x1FCF8] =	vst v63  }
0xf1: {  	s15 =	sadd.s32 $0x1B0, s24  }
0xf2: {  	[tilespmem:s31], [sflag:$0x4] =	stream.indirect.gather [hbm4b:s5+s30], $0x80, s15, s30, $0xb8;
	[tilespmem:$0x1FCF8] =	vst v63  }
0xf3: {  	_ =	swait.ge [sflag:s1], $0x1800  }
0xf4: {  	[sflag:s1] =	ssyncset.done $0x0  }
0xf5: {  	[sflag:s1] =	ssyncadd.s32 $0xFFFFE800  }
0xf6: {  	_ =	swait.ge [sflag:s7], $0x30  }
0xf7: {  	[sflag:s7] =	ssyncset.done $0x0  }
0xf8: {  	[sflag:s7] =	ssyncadd.s32 $0xFFFFFFD0  }
0xf9: {  	[tilespmem:s0], [sflag:$0xB] =	stream.linear.gather [hbm4b:s22+s4], $0x30, $0x38;
	[tilespmem:$0x1FCF8] =	vst v63  }
0xfa: {  	s15 =	sadd.s32 $0x1E0, s24  }
0xfb: {  	[tilespmem:s9], [sflag:$0x5] =	stream.indirect.gather [hbm4b:s5+s30], $0x80, s15, s30, $0xb8;
	[tilespmem:$0x1FCF8] =	vst v63  }
0xfc: {  	_ =	swait.ge [sflag:s10], $0x1800  }
0xfd: {  	[sflag:s10] =	ssyncset.done $0x0  }
0xfe: {  	[sflag:s10] =	ssyncadd.s32 $0xFFFFE800  }
0xff: {  	s14 =	sadd.s32 $0x120, s14;
	_ =	swait.ge [sflag:s12], $0x30  }
0x100: {  	s23 =	sadd.s32 $0x480, s23;
	s18 =	sadd.s32 $0x24, s18;
	[sflag:s12] =	ssyncset.done $0x0  }
.Ltmp3:
0x101: {  	s19 =	sadd.s32 $0x24, s19;
	[sflag:s12] =	ssyncadd.s32 $0xFFFFFFD0;
	(pc) =	sbr.rel .LBB2_2-.Ltmp3, $4  }
0x102: {  	[tilespmem:s11], [sflag:$0xC] =	stream.linear.gather [hbm4b:s26+s4], $0x30, $0x38;
	[tilespmem:$0x1FCF8] =	vst v63  }
0x103: {  	s25 =	simm.s32 $0x2900;
	s21 =	sadd.s32 $0x24, s21;
	s24 =	sadd.s32 $0x210, s24  }
0x104: {  	[tilespmem:s13], [sflag:$0x6] =	stream.indirect.gather [hbm4b:s5+s30], $0x80, s24, s30, $0xb8;
	[tilespmem:$0x1FCF8] =	vst v63  }
0x105: {  	s22 =	sadd.s32 $0x24, s22;
	s26 =	sadd.s32 $0x24, s26;
	s24 =	simm.s32 $0x2880  }
.LBB2_5:
0x106: {  	_ =	sfence.sel $0x180000  }
0x107: {  	[bflag:$0x0] =	sbarrier.arrive $0xFFFF  }
0x108: {  	_ =	strace $0x90000047  }
0x109: {  	s0 =	stileid.u32;
	[bflag:$0x2] =	sbarrier.arrive $0xFFFF  }
0x10a: {  	p0 =	sne.s32 s0, $0x0;
	s0 =	rddreg [dreg:$0x4]  }
0x10b: {  	s0 =	sadd.s32 @!p0 $0x100000, s0  }
0x10c: {  	[sflag:s0] =	ssyncadd.tile.s32 @!p0 $0x1;
	_ =	shalt  }
.Lfunc_end2:
_tile_overlayer_lowered:
.L_overlay_start_2:
0x10d: {  	(tag) =	ssettag $0x2  }
0x10e: {  	s0 =	rddreg [dreg:$0x0];
	s2 =	stileid.u32  }
0x10f: {  	s1 =	rddreg [dreg:$0x1];
	p0 =	sne.s32 s2, $0x0  }
0x110: {  	s3 =	rddreg [dreg:$0x2];
	[bflag:$0x3] =	sbarrier.arrive $0xFFFF;
	s2 =	simm.s32 @!p0 $0x1C19  }
0x111: {  	[timem:s3], [sflag:s2] =	dma.local @!p0 [hbm:s0], s1  }
0x112: {  	s0 =	simm.s32 @!p0 $0x19  }
0x113: {  	_ =	swait.ge @!p0 [sflag:s0], s1  }
0x114: {  	s1 =	ssub.s32 @!p0 $0x0, s1;
	[sflag:s0] =	ssyncset.done @!p0 $0x0  }
0x115: {  	[sflag:s0] =	ssyncadd.s32 @!p0 s1  }
0x116: {  	[bflag:$0x3] =	sbarrier.arrive $0xFFFF  }
0x117: {  	_ =	shalt  }

</sc_bundles>
